<compile_context>
chip_gen: v7x
topology: tpu7x:2x2x1
jax: 0.10.2.dev20260603
libtpu: 0.0.44.dev20260713+nightly
codegen_flags: <defaults>
</compile_context>

<pallas_src>
import functools

import jax
import jax.numpy as jnp
from jax import lax
from jax.experimental import pallas as pl
from jax.experimental.pallas import tpu as pltpu
from jax.experimental.pallas import tpu_sc as plsc

NUM_EMB = 1_000_000
DIM = 64
BATCH = 16384
FIELDS = 100

NUM_CORES = 2
NUM_SUBCORES = 16
NW = NUM_CORES * NUM_SUBCORES
B_PER_W = BATCH // NW
SG = 8
SB = 2
NS = SG // SB
N_GROUPS = B_PER_W // SG
PR = 104


def _sc_gather(x, table_wide):
    mesh = plsc.VectorSubcoreMesh(core_axis_name="c", subcore_axis_name="s")

    @functools.partial(
        pl.kernel,
        mesh=mesh,
        out_type=jax.ShapeDtypeStruct((BATCH, FIELDS, DIM), jnp.float32),
        scratch_types=[
            pltpu.VMEM((SG, FIELDS), jnp.int32),
            pltpu.VMEM((SG, FIELDS), jnp.int32),
            pltpu.VMEM((SB * PR, 2 * DIM), jnp.float32),
            pltpu.VMEM((SB * PR, 2 * DIM), jnp.float32),
            pltpu.VMEM((SB, FIELDS, DIM), jnp.float32),
            pltpu.VMEM((SB, FIELDS, DIM), jnp.float32),
            pltpu.SemaphoreType.DMA,
            pltpu.SemaphoreType.DMA,
            pltpu.SemaphoreType.DMA,
            pltpu.SemaphoreType.DMA,
            pltpu.SemaphoreType.DMA,
        ],
    )
    def k(x_hbm, table_hbm, out_hbm, idx_a, idx_b, pair_a, pair_b,
          stage_a, stage_b, gsem_a, gsem_b, wsem_a, wsem_b, isem):
        wid = lax.axis_index("s") * NUM_CORES + lax.axis_index("c")
        base = wid * B_PER_W
        bufs = [(pair_a, stage_a, gsem_a, wsem_a),
                (pair_b, stage_b, gsem_b, wsem_b)]
        idx_bufs = [idx_a, idx_b]

        def issue(idx_v, s, pair_v, gsem):
            for j in range(SB):
                pltpu.async_copy(
                    table_hbm.at[idx_v.at[s * SB + j]],
                    pair_v.at[pl.ds(j * PR, FIELDS), :],
                    gsem,
                )

        def wait_gathers(idx_v, s, pair_v, gsem):
            for j in range(SB):
                pltpu.make_async_copy(
                    table_hbm.at[idx_v.at[s * SB + j]],
                    pair_v.at[pl.ds(j * PR, FIELDS), :],
                    gsem,
                ).wait()

        def depad(pair_v, stage_v):
            for j in range(SB):
                def body(fi, carry2):
                    for u in range(4):
                        f = fi * 4 + u
                        for kk in range(DIM // 16):
                            stage_v[j, f, pl.ds(kk * 16, 16)] = pair_v[
                                j * PR + f, pl.ds(kk * 16, 16)
                            ]
                    return carry2

                lax.fori_loop(0, FIELDS // 4, body, 0)

        def start_wb(b0, s, stage_v, wsem):
            pltpu.async_copy(
                stage_v, out_hbm.at[pl.ds(b0 + s * SB, SB)], wsem
            )

        def wait_wb(b0, s, stage_v, wsem):
            pltpu.make_async_copy(
                stage_v, out_hbm.at[pl.ds(b0 + s * SB, SB)], wsem
            ).wait()

        def idx_fetch(g, idx_v):
            b0 = pl.multiple_of(base + g * SG, SG)
            pltpu.async_copy(x_hbm.at[pl.ds(b0, SG)], idx_v, isem)

        def idx_wait(g, idx_v):
            b0 = pl.multiple_of(base + g * SG, SG)
            pltpu.make_async_copy(x_hbm.at[pl.ds(b0, SG)], idx_v, isem).wait()

        def group(g, gi, carry):
            idx_v = idx_bufs[gi]
            b0 = pl.multiple_of(base + g * SG, SG)
            idx_wait(g, idx_v)
            issue(idx_v, 0, pair_a, gsem_a)

            @pl.when(g + 1 < N_GROUPS)
            def _():
                idx_fetch(g + 1, idx_bufs[1 - gi])

            for s in range(NS):
                pair_v, stage_v, gsem, wsem = bufs[s % 2]
                if s + 1 < NS:
                    pn, _, gs2, _ = bufs[(s + 1) % 2]
                    issue(idx_v, s + 1, pn, gs2)
                wait_gathers(idx_v, s, pair_v, gsem)
                if s >= 2:
                    wait_wb(b0, s - 2, stage_v, wsem)
                depad(pair_v, stage_v)
                start_wb(b0, s, stage_v, wsem)
            for s in (NS - 2, NS - 1):
                pair_v, stage_v, gsem, wsem = bufs[s % 2]
                wait_wb(b0, s, stage_v, wsem)
            return carry

        idx_fetch(0, idx_a)

        def group_pair(gp, carry):
            g = 2 * gp
            carry = group(g, 0, carry)
            carry = group(g + 1, 1, carry)
            return carry

        lax.fori_loop(0, N_GROUPS // 2, group_pair, 0)

    return k(x, table_wide)


@jax.jit
def kernel(x, weight):
    table_wide = jnp.pad(weight, ((0, 0), (0, DIM)))
    return _sc_gather(x, table_wide)

# --- scband reference (transcript-rebuilt; emitter-appended) ---
"""Pipeline reference for scband-harmonic-embedding-30571577213594 (READ-ONLY COPY).

The authoritative reference and input builder live on the scoring server;
editing this copy changes nothing except your own understanding.
"""

import math
import jax, jax.numpy as jnp
import numpy as np

NUM_EMBEDDINGS = 1000000
EMBEDDING_DIM = 64
BATCH = 16384
FIELDS = 100


def _build_harmonic_table():
    n_harmonics = EMBEDDING_DIM // 2
    angles = np.arange(NUM_EMBEDDINGS, dtype=np.float32) * np.float32(2 * math.pi / NUM_EMBEDDINGS)
    harmonics = np.arange(1, n_harmonics + 1, dtype=np.float32)
    phase = angles[:, None] * harmonics[None, :]
    emb = np.zeros((NUM_EMBEDDINGS, EMBEDDING_DIM), dtype=np.float32)
    emb[:, 0::2] = np.cos(phase)
    emb[:, 1::2] = np.sin(phase)
    emb *= np.float32(1.0 / math.sqrt(n_harmonics))
    return jnp.asarray(emb)


def setup_inputs(seed: int = 0) -> dict:
    key = jax.random.key(seed)
    x = jax.random.randint(key, (BATCH, FIELDS), 0, NUM_EMBEDDINGS, dtype=jnp.int32)
    weight = _build_harmonic_table()
    return {"x": x, "weight": weight}


def reference(x, weight):
    # F.embedding(x, weight) -> gather rows of weight
    return jnp.take(weight, x, axis=0)

if __name__ == "__main__":
    import jax
    _d = setup_inputs()
    print(jax.jit(kernel)(*tuple(_d.values())))

</pallas_src>

<mosaic_0001>
#map = affine_map<(d0, d1) -> (0, 0)>
#map1 = affine_map<(d0, d1) -> (0, 0, 0)>
module attributes {stable_mosaic.version = 14 : i64} {
  func.func @k(%arg0: i32, %arg1: i32, %arg2: memref<16384x100xi32, #tpu.memory_space<hbm>>, %arg3: memref<1000000x128xf32, #tpu.memory_space<hbm>>, %arg4: memref<16384x100x64xf32, #tpu.memory_space<hbm>>, %arg5: memref<8x100xi32, #tpu.memory_space<vmem>>, %arg6: memref<8x100xi32, #tpu.memory_space<vmem>>, %arg7: memref<208x128xf32, #tpu.memory_space<vmem>>, %arg8: memref<208x128xf32, #tpu.memory_space<vmem>>, %arg9: memref<2x100x64xf32, #tpu.memory_space<vmem>>, %arg10: memref<2x100x64xf32, #tpu.memory_space<vmem>>, %arg11: memref<!tpu.dma_semaphore, #tpu.memory_space<semaphore_mem>>, %arg12: memref<!tpu.dma_semaphore, #tpu.memory_space<semaphore_mem>>, %arg13: memref<!tpu.dma_semaphore, #tpu.memory_space<semaphore_mem>>, %arg14: memref<!tpu.dma_semaphore, #tpu.memory_space<semaphore_mem>>, %arg15: memref<!tpu.dma_semaphore, #tpu.memory_space<semaphore_mem>>) attributes {dimension_semantics = [#tpu.dimension_semantics<core_parallel>, #tpu.dimension_semantics<subcore_parallel>], iteration_bounds = array<i64: 2, 16>, scalar_prefetch = 0 : i64, scratch_operands = 11 : i64, tpu.core_type = #tpu.core_type<sc_vector_subcore>, window_params = [{transform_indices = #map}, {transform_indices = #map}, {transform_indices = #map1}]} {
    %mul3A = arith.constant 2 : i32
    %mul3A_0 = arith.muli %arg1, %mul3A : i32
    %add3A = arith.addi %mul3A_0, %arg0 : i32
    %mul3A_1 = arith.constant 512 : i32
    %mul3A_2 = arith.muli %add3A, %mul3A_1 : i32
    %add3A_3 = arith.constant 0 : i32
    %add3A_4 = arith.addi %mul3A_2, %add3A_3 : i32
    %multiple_of3A = tpu.assume_multiple %add3A_4, 8 : i32
    %dma_start3A = arith.constant 0 : i32
    %dma_start3A_5 = tpu.memref_slice %arg2[%multiple_of3A, %dma_start3A] : memref<16384x100xi32, #tpu.memory_space<hbm>> -> memref<8x100xi32, #tpu.memory_space<hbm>>
    %dma_start3A_6 = arith.constant 0 : i32
    %dma_start3A_7 = tpu.memref_slice %arg2[%multiple_of3A, %dma_start3A_6] : memref<16384x100xi32, #tpu.memory_space<hbm>> -> memref<8x100xi32, #tpu.memory_space<hbm>>
    tpu.enqueue_dma source(%dma_start3A_7 : memref<8x100xi32, #tpu.memory_space<hbm>>) target(%arg5 : memref<8x100xi32, #tpu.memory_space<vmem>>) target_semaphore(%arg15 : memref<!tpu.dma_semaphore, #tpu.memory_space<semaphore_mem>>)
    %scan3A = arith.constant 0 : i32
    %scan3A_8 = arith.constant 0 : i32
    %scan3A_9 = arith.constant 32 : i32
    %scan3A_10 = arith.addi %scan3A_8, %scan3A_9 : i32
    %scan3A_11 = arith.constant 1 : i32
    scf.for %scan3A_13 = %scan3A_8 to %scan3A_10 step %scan3A_11  : i32 {
      %mul3A_14 = arith.constant 2 : i32
      %mul3A_15 = arith.muli %mul3A_14, %scan3A_13 : i32
      %mul3A_16 = arith.constant 8 : i32
      %mul3A_17 = arith.muli %mul3A_15, %mul3A_16 : i32
      %add3A_18 = arith.addi %mul3A_2, %mul3A_17 : i32
      %multiple_of3A_19 = tpu.assume_multiple %add3A_18, 8 : i32
      %mul3A_20 = arith.constant 8 : i32
      %mul3A_21 = arith.muli %mul3A_15, %mul3A_20 : i32
      %add3A_22 = arith.addi %mul3A_2, %mul3A_21 : i32
      %multiple_of3A_23 = tpu.assume_multiple %add3A_22, 8 : i32
      %dma_wait3A = arith.constant 0 : i32
      %dma_wait3A_24 = tpu.memref_slice %arg2[%multiple_of3A_23, %dma_wait3A] : memref<16384x100xi32, #tpu.memory_space<hbm>> -> memref<8x100xi32, #tpu.memory_space<hbm>>
      %dma_wait3A_25 = arith.constant 0 : i32
      %dma_wait3A_26 = tpu.memref_slice %arg2[%multiple_of3A_23, %dma_wait3A_25] : memref<16384x100xi32, #tpu.memory_space<hbm>> -> memref<8x100xi32, #tpu.memory_space<hbm>>
      tpu.wait_dma2 semaphore(%arg15 : memref<!tpu.dma_semaphore, #tpu.memory_space<semaphore_mem>>) src(%dma_wait3A_26 : memref<8x100xi32, #tpu.memory_space<hbm>>) dst(%arg5 : memref<8x100xi32, #tpu.memory_space<vmem>>)
      %dma_start3A_27 = arith.constant 0 : i32
      %dma_start3A_28 = arith.constant 0 : i32
      %dma_start3A_29 = arith.constant 0 : i32
      %dma_start3A_30 = tpu.memref_slice %arg7[%dma_start3A_28, %dma_start3A_29] : memref<208x128xf32, #tpu.memory_space<vmem>> -> memref<100x128xf32, #tpu.memory_space<vmem>>
      %dma_start3A_31 = arith.constant 0 : i32
      %dma_start3A_32 = tpu.memref_slice %arg5[%dma_start3A_27, %dma_start3A_31] : memref<8x100xi32, #tpu.memory_space<vmem>> -> memref<1x100xi32, #tpu.memory_space<vmem>>
      %dma_start3A_33 = tpu.memref_squeeze %dma_start3A_32 : memref<1x100xi32, #tpu.memory_space<vmem>> -> memref<100xi32, #tpu.memory_space<vmem>>
      %dma_start3A_34 = arith.constant 0 : i32
      %dma_start3A_35 = arith.constant 0 : i32
      %dma_start3A_36 = tpu.memref_slice %arg3[%dma_start3A_34, %dma_start3A_35] : memref<1000000x128xf32, #tpu.memory_space<hbm>> -> memref<1000000x128xf32, #tpu.memory_space<hbm>>
      tpu.enqueue_indirect_dma source(%dma_start3A_36 : memref<1000000x128xf32, #tpu.memory_space<hbm>>) target(%dma_start3A_30 : memref<100x128xf32, #tpu.memory_space<vmem>>) offsets(%dma_start3A_33 : memref<100xi32, #tpu.memory_space<vmem>>) semaphore(%arg11 : memref<!tpu.dma_semaphore, #tpu.memory_space<semaphore_mem>>)
      %dma_start3A_37 = arith.constant 1 : i32
      %dma_start3A_38 = arith.constant 104 : i32
      %dma_start3A_39 = arith.constant 0 : i32
      %dma_start3A_40 = tpu.memref_slice %arg7[%dma_start3A_38, %dma_start3A_39] : memref<208x128xf32, #tpu.memory_space<vmem>> -> memref<100x128xf32, #tpu.memory_space<vmem>>
      %dma_start3A_41 = arith.constant 0 : i32
      %dma_start3A_42 = tpu.memref_slice %arg5[%dma_start3A_37, %dma_start3A_41] : memref<8x100xi32, #tpu.memory_space<vmem>> -> memref<1x100xi32, #tpu.memory_space<vmem>>
      %dma_start3A_43 = tpu.memref_squeeze %dma_start3A_42 : memref<1x100xi32, #tpu.memory_space<vmem>> -> memref<100xi32, #tpu.memory_space<vmem>>
      %dma_start3A_44 = arith.constant 0 : i32
      %dma_start3A_45 = arith.constant 0 : i32
      %dma_start3A_46 = tpu.memref_slice %arg3[%dma_start3A_44, %dma_start3A_45] : memref<1000000x128xf32, #tpu.memory_space<hbm>> -> memref<1000000x128xf32, #tpu.memory_space<hbm>>
      tpu.enqueue_indirect_dma source(%dma_start3A_46 : memref<1000000x128xf32, #tpu.memory_space<hbm>>) target(%dma_start3A_40 : memref<100x128xf32, #tpu.memory_space<vmem>>) offsets(%dma_start3A_43 : memref<100xi32, #tpu.memory_space<vmem>>) semaphore(%arg11 : memref<!tpu.dma_semaphore, #tpu.memory_space<semaphore_mem>>)
      %add3A_47 = arith.constant 1 : i32
      %add3A_48 = arith.addi %mul3A_15, %add3A_47 : i32
      %lt3A = arith.constant 64 : i32
      %lt3A_49 = arith.cmpi slt, %add3A_48, %lt3A : i32
      %convert_element_type3A = arith.extui %lt3A_49 : i1 to i32
      %cond3A = arith.constant 0 : i32
      %cond3A_50 = arith.cmpi ne, %convert_element_type3A, %cond3A : i32
      scf.if %cond3A_50 {
        %add3A_596 = arith.constant 1 : i32
        %add3A_597 = arith.addi %mul3A_15, %add3A_596 : i32
        %mul3A_598 = arith.constant 8 : i32
        %mul3A_599 = arith.muli %add3A_597, %mul3A_598 : i32
        %add3A_600 = arith.addi %mul3A_2, %mul3A_599 : i32
        %multiple_of3A_601 = tpu.assume_multiple %add3A_600, 8 : i32
        %dma_start3A_602 = arith.constant 0 : i32
        %dma_start3A_603 = tpu.memref_slice %arg2[%multiple_of3A_601, %dma_start3A_602] : memref<16384x100xi32, #tpu.memory_space<hbm>> -> memref<8x100xi32, #tpu.memory_space<hbm>>
        %dma_start3A_604 = arith.constant 0 : i32
        %dma_start3A_605 = tpu.memref_slice %arg2[%multiple_of3A_601, %dma_start3A_604] : memref<16384x100xi32, #tpu.memory_space<hbm>> -> memref<8x100xi32, #tpu.memory_space<hbm>>
        tpu.enqueue_dma source(%dma_start3A_605 : memref<8x100xi32, #tpu.memory_space<hbm>>) target(%arg6 : memref<8x100xi32, #tpu.memory_space<vmem>>) target_semaphore(%arg15 : memref<!tpu.dma_semaphore, #tpu.memory_space<semaphore_mem>>)
      } else {
      }
      %dma_start3A_51 = arith.constant 2 : i32
      %dma_start3A_52 = arith.constant 0 : i32
      %dma_start3A_53 = arith.constant 0 : i32
      %dma_start3A_54 = tpu.memref_slice %arg8[%dma_start3A_52, %dma_start3A_53] : memref<208x128xf32, #tpu.memory_space<vmem>> -> memref<100x128xf32, #tpu.memory_space<vmem>>
      %dma_start3A_55 = arith.constant 0 : i32
      %dma_start3A_56 = tpu.memref_slice %arg5[%dma_start3A_51, %dma_start3A_55] : memref<8x100xi32, #tpu.memory_space<vmem>> -> memref<1x100xi32, #tpu.memory_space<vmem>>
      %dma_start3A_57 = tpu.memref_squeeze %dma_start3A_56 : memref<1x100xi32, #tpu.memory_space<vmem>> -> memref<100xi32, #tpu.memory_space<vmem>>
      %dma_start3A_58 = arith.constant 0 : i32
      %dma_start3A_59 = arith.constant 0 : i32
      %dma_start3A_60 = tpu.memref_slice %arg3[%dma_start3A_58, %dma_start3A_59] : memref<1000000x128xf32, #tpu.memory_space<hbm>> -> memref<1000000x128xf32, #tpu.memory_space<hbm>>
      tpu.enqueue_indirect_dma source(%dma_start3A_60 : memref<1000000x128xf32, #tpu.memory_space<hbm>>) target(%dma_start3A_54 : memref<100x128xf32, #tpu.memory_space<vmem>>) offsets(%dma_start3A_57 : memref<100xi32, #tpu.memory_space<vmem>>) semaphore(%arg12 : memref<!tpu.dma_semaphore, #tpu.memory_space<semaphore_mem>>)
      %dma_start3A_61 = arith.constant 3 : i32
      %dma_start3A_62 = arith.constant 104 : i32
      %dma_start3A_63 = arith.constant 0 : i32
      %dma_start3A_64 = tpu.memref_slice %arg8[%dma_start3A_62, %dma_start3A_63] : memref<208x128xf32, #tpu.memory_space<vmem>> -> memref<100x128xf32, #tpu.memory_space<vmem>>
      %dma_start3A_65 = arith.constant 0 : i32
      %dma_start3A_66 = tpu.memref_slice %arg5[%dma_start3A_61, %dma_start3A_65] : memref<8x100xi32, #tpu.memory_space<vmem>> -> memref<1x100xi32, #tpu.memory_space<vmem>>
      %dma_start3A_67 = tpu.memref_squeeze %dma_start3A_66 : memref<1x100xi32, #tpu.memory_space<vmem>> -> memref<100xi32, #tpu.memory_space<vmem>>
      %dma_start3A_68 = arith.constant 0 : i32
      %dma_start3A_69 = arith.constant 0 : i32
      %dma_start3A_70 = tpu.memref_slice %arg3[%dma_start3A_68, %dma_start3A_69] : memref<1000000x128xf32, #tpu.memory_space<hbm>> -> memref<1000000x128xf32, #tpu.memory_space<hbm>>
      tpu.enqueue_indirect_dma source(%dma_start3A_70 : memref<1000000x128xf32, #tpu.memory_space<hbm>>) target(%dma_start3A_64 : memref<100x128xf32, #tpu.memory_space<vmem>>) offsets(%dma_start3A_67 : memref<100xi32, #tpu.memory_space<vmem>>) semaphore(%arg12 : memref<!tpu.dma_semaphore, #tpu.memory_space<semaphore_mem>>)
      %dma_wait3A_71 = arith.constant 0 : i32
      %dma_wait3A_72 = arith.constant 0 : i32
      %dma_wait3A_73 = arith.constant 0 : i32
      %dma_wait3A_74 = tpu.memref_slice %arg7[%dma_wait3A_72, %dma_wait3A_73] : memref<208x128xf32, #tpu.memory_space<vmem>> -> memref<100x128xf32, #tpu.memory_space<vmem>>
      %dma_wait3A_75 = arith.constant 0 : i32
      %dma_wait3A_76 = tpu.memref_slice %arg5[%dma_wait3A_71, %dma_wait3A_75] : memref<8x100xi32, #tpu.memory_space<vmem>> -> memref<1x100xi32, #tpu.memory_space<vmem>>
      %dma_wait3A_77 = tpu.memref_squeeze %dma_wait3A_76 : memref<1x100xi32, #tpu.memory_space<vmem>> -> memref<100xi32, #tpu.memory_space<vmem>>
      %dma_wait3A_78 = arith.constant 0 : i32
      %dma_wait3A_79 = arith.constant 0 : i32
      %dma_wait3A_80 = tpu.memref_slice %arg3[%dma_wait3A_78, %dma_wait3A_79] : memref<1000000x128xf32, #tpu.memory_space<hbm>> -> memref<1000000x128xf32, #tpu.memory_space<hbm>>
      tpu.wait_indirect_dma semaphore(%arg11 : memref<!tpu.dma_semaphore, #tpu.memory_space<semaphore_mem>>) src(%dma_wait3A_80 : memref<1000000x128xf32, #tpu.memory_space<hbm>>) dst(%dma_wait3A_74 : memref<100x128xf32, #tpu.memory_space<vmem>>)
      %dma_wait3A_81 = arith.constant 1 : i32
      %dma_wait3A_82 = arith.constant 104 : i32
      %dma_wait3A_83 = arith.constant 0 : i32
      %dma_wait3A_84 = tpu.memref_slice %arg7[%dma_wait3A_82, %dma_wait3A_83] : memref<208x128xf32, #tpu.memory_space<vmem>> -> memref<100x128xf32, #tpu.memory_space<vmem>>
      %dma_wait3A_85 = arith.constant 0 : i32
      %dma_wait3A_86 = tpu.memref_slice %arg5[%dma_wait3A_81, %dma_wait3A_85] : memref<8x100xi32, #tpu.memory_space<vmem>> -> memref<1x100xi32, #tpu.memory_space<vmem>>
      %dma_wait3A_87 = tpu.memref_squeeze %dma_wait3A_86 : memref<1x100xi32, #tpu.memory_space<vmem>> -> memref<100xi32, #tpu.memory_space<vmem>>
      %dma_wait3A_88 = arith.constant 0 : i32
      %dma_wait3A_89 = arith.constant 0 : i32
      %dma_wait3A_90 = tpu.memref_slice %arg3[%dma_wait3A_88, %dma_wait3A_89] : memref<1000000x128xf32, #tpu.memory_space<hbm>> -> memref<1000000x128xf32, #tpu.memory_space<hbm>>
      tpu.wait_indirect_dma semaphore(%arg11 : memref<!tpu.dma_semaphore, #tpu.memory_space<semaphore_mem>>) src(%dma_wait3A_90 : memref<1000000x128xf32, #tpu.memory_space<hbm>>) dst(%dma_wait3A_84 : memref<100x128xf32, #tpu.memory_space<vmem>>)
      %scan3A_91 = arith.constant 0 : i32
      %scan3A_92 = arith.constant 0 : i32
      %scan3A_93 = arith.constant 25 : i32
      %scan3A_94 = arith.addi %scan3A_92, %scan3A_93 : i32
      %scan3A_95 = arith.constant 1 : i32
      scf.for %scan3A_596 = %scan3A_92 to %scan3A_94 step %scan3A_95  : i32 {
        %mul3A_597 = arith.constant 4 : i32
        %mul3A_598 = arith.muli %scan3A_596, %mul3A_597 : i32
        %add3A_599 = arith.constant 0 : i32
        %add3A_600 = arith.addi %mul3A_598, %add3A_599 : i32
        %add3A_601 = arith.constant 0 : i32
        %add3A_602 = arith.addi %add3A_601, %add3A_600 : i32
        %get3A = arith.index_cast %add3A_602 : i32 to index
        %get3A_603 = arith.constant 0 : index
        %get3A_604 = tpu.vector_load %arg7[%get3A, %get3A_603] {strides = array<i32>} : memref<208x128xf32, #tpu.memory_space<vmem>>, vector<1x16xf32>,
        %get3A_605 = vector.shape_cast %get3A_604 : vector<1x16xf32> to vector<16xf32>
        %swap3A = arith.constant 0 : i32
        %swap3A_606 = arith.index_cast %swap3A : i32 to index
        %swap3A_607 = arith.index_cast %add3A_600 : i32 to index
        %swap3A_608 = arith.constant 0 : index
        %swap3A_609 = tpu.vector_load %arg9[%swap3A_606, %swap3A_607, %swap3A_608] {strides = array<i32>} : memref<2x100x64xf32, #tpu.memory_space<vmem>>, vector<1x1x16xf32>,
        %swap3A_610 = vector.shape_cast %swap3A_609 : vector<1x1x16xf32> to vector<16xf32>
        %swap3A_611 = vector.shape_cast %get3A_605 : vector<16xf32> to vector<1x1x16xf32>
        tpu.vector_store %arg9[%swap3A_606, %swap3A_607, %swap3A_608], %swap3A_611 {strides = array<i32>} : memref<2x100x64xf32, #tpu.memory_space<vmem>>, vector<1x1x16xf32>,
        %add3A_612 = arith.constant 0 : i32
        %add3A_613 = arith.addi %add3A_612, %add3A_600 : i32
        %get3A_614 = arith.index_cast %add3A_613 : i32 to index
        %get3A_615 = arith.constant 16 : index
        %get3A_616 = tpu.vector_load %arg7[%get3A_614, %get3A_615] {strides = array<i32>} : memref<208x128xf32, #tpu.memory_space<vmem>>, vector<1x16xf32>,
        %get3A_617 = vector.shape_cast %get3A_616 : vector<1x16xf32> to vector<16xf32>
        %swap3A_618 = arith.constant 0 : i32
        %swap3A_619 = arith.index_cast %swap3A_618 : i32 to index
        %swap3A_620 = arith.index_cast %add3A_600 : i32 to index
        %swap3A_621 = arith.constant 16 : index
        %swap3A_622 = tpu.vector_load %arg9[%swap3A_619, %swap3A_620, %swap3A_621] {strides = array<i32>} : memref<2x100x64xf32, #tpu.memory_space<vmem>>, vector<1x1x16xf32>,
        %swap3A_623 = vector.shape_cast %swap3A_622 : vector<1x1x16xf32> to vector<16xf32>
        %swap3A_624 = vector.shape_cast %get3A_617 : vector<16xf32> to vector<1x1x16xf32>
        tpu.vector_store %arg9[%swap3A_619, %swap3A_620, %swap3A_621], %swap3A_624 {strides = array<i32>} : memref<2x100x64xf32, #tpu.memory_space<vmem>>, vector<1x1x16xf32>,
        %add3A_625 = arith.constant 0 : i32
        %add3A_626 = arith.addi %add3A_625, %add3A_600 : i32
        %get3A_627 = arith.index_cast %add3A_626 : i32 to index
        %get3A_628 = arith.constant 32 : index
        %get3A_629 = tpu.vector_load %arg7[%get3A_627, %get3A_628] {strides = array<i32>} : memref<208x128xf32, #tpu.memory_space<vmem>>, vector<1x16xf32>,
        %get3A_630 = vector.shape_cast %get3A_629 : vector<1x16xf32> to vector<16xf32>
        %swap3A_631 = arith.constant 0 : i32
        %swap3A_632 = arith.index_cast %swap3A_631 : i32 to index
        %swap3A_633 = arith.index_cast %add3A_600 : i32 to index
        %swap3A_634 = arith.constant 32 : index
        %swap3A_635 = tpu.vector_load %arg9[%swap3A_632, %swap3A_633, %swap3A_634] {strides = array<i32>} : memref<2x100x64xf32, #tpu.memory_space<vmem>>, vector<1x1x16xf32>,
        %swap3A_636 = vector.shape_cast %swap3A_635 : vector<1x1x16xf32> to vector<16xf32>
        %swap3A_637 = vector.shape_cast %get3A_630 : vector<16xf32> to vector<1x1x16xf32>
        tpu.vector_store %arg9[%swap3A_632, %swap3A_633, %swap3A_634], %swap3A_637 {strides = array<i32>} : memref<2x100x64xf32, #tpu.memory_space<vmem>>, vector<1x1x16xf32>,
        %add3A_638 = arith.constant 0 : i32
        %add3A_639 = arith.addi %add3A_638, %add3A_600 : i32
        %get3A_640 = arith.index_cast %add3A_639 : i32 to index
        %get3A_641 = arith.constant 48 : index
        %get3A_642 = tpu.vector_load %arg7[%get3A_640, %get3A_641] {strides = array<i32>} : memref<208x128xf32, #tpu.memory_space<vmem>>, vector<1x16xf32>,
        %get3A_643 = vector.shape_cast %get3A_642 : vector<1x16xf32> to vector<16xf32>
        %swap3A_644 = arith.constant 0 : i32
        %swap3A_645 = arith.index_cast %swap3A_644 : i32 to index
        %swap3A_646 = arith.index_cast %add3A_600 : i32 to index
        %swap3A_647 = arith.constant 48 : index
        %swap3A_648 = tpu.vector_load %arg9[%swap3A_645, %swap3A_646, %swap3A_647] {strides = array<i32>} : memref<2x100x64xf32, #tpu.memory_space<vmem>>, vector<1x1x16xf32>,
        %swap3A_649 = vector.shape_cast %swap3A_648 : vector<1x1x16xf32> to vector<16xf32>
        %swap3A_650 = vector.shape_cast %get3A_643 : vector<16xf32> to vector<1x1x16xf32>
        tpu.vector_store %arg9[%swap3A_645, %swap3A_646, %swap3A_647], %swap3A_650 {strides = array<i32>} : memref<2x100x64xf32, #tpu.memory_space<vmem>>, vector<1x1x16xf32>,
        %mul3A_651 = arith.constant 4 : i32
        %mul3A_652 = arith.muli %scan3A_596, %mul3A_651 : i32
        %add3A_653 = arith.constant 1 : i32
        %add3A_654 = arith.addi %mul3A_652, %add3A_653 : i32
        %add3A_655 = arith.constant 0 : i32
        %add3A_656 = arith.addi %add3A_655, %add3A_654 : i32
        %get3A_657 = arith.index_cast %add3A_656 : i32 to index
        %get3A_658 = arith.constant 0 : index
        %get3A_659 = tpu.vector_load %arg7[%get3A_657, %get3A_658] {strides = array<i32>} : memref<208x128xf32, #tpu.memory_space<vmem>>, vector<1x16xf32>,
        %get3A_660 = vector.shape_cast %get3A_659 : vector<1x16xf32> to vector<16xf32>
        %swap3A_661 = arith.constant 0 : i32
        %swap3A_662 = arith.index_cast %swap3A_661 : i32 to index
        %swap3A_663 = arith.index_cast %add3A_654 : i32 to index
        %swap3A_664 = arith.constant 0 : index
        %swap3A_665 = tpu.vector_load %arg9[%swap3A_662, %swap3A_663, %swap3A_664] {strides = array<i32>} : memref<2x100x64xf32, #tpu.memory_space<vmem>>, vector<1x1x16xf32>,
        %swap3A_666 = vector.shape_cast %swap3A_665 : vector<1x1x16xf32> to vector<16xf32>
        %swap3A_667 = vector.shape_cast %get3A_660 : vector<16xf32> to vector<1x1x16xf32>
        tpu.vector_store %arg9[%swap3A_662, %swap3A_663, %swap3A_664], %swap3A_667 {strides = array<i32>} : memref<2x100x64xf32, #tpu.memory_space<vmem>>, vector<1x1x16xf32>,
        %add3A_668 = arith.constant 0 : i32
        %add3A_669 = arith.addi %add3A_668, %add3A_654 : i32
        %get3A_670 = arith.index_cast %add3A_669 : i32 to index
        %get3A_671 = arith.constant 16 : index
        %get3A_672 = tpu.vector_load %arg7[%get3A_670, %get3A_671] {strides = array<i32>} : memref<208x128xf32, #tpu.memory_space<vmem>>, vector<1x16xf32>,
        %get3A_673 = vector.shape_cast %get3A_672 : vector<1x16xf32> to vector<16xf32>
        %swap3A_674 = arith.constant 0 : i32
        %swap3A_675 = arith.index_cast %swap3A_674 : i32 to index
        %swap3A_676 = arith.index_cast %add3A_654 : i32 to index
        %swap3A_677 = arith.constant 16 : index
        %swap3A_678 = tpu.vector_load %arg9[%swap3A_675, %swap3A_676, %swap3A_677] {strides = array<i32>} : memref<2x100x64xf32, #tpu.memory_space<vmem>>, vector<1x1x16xf32>,
        %swap3A_679 = vector.shape_cast %swap3A_678 : vector<1x1x16xf32> to vector<16xf32>
        %swap3A_680 = vector.shape_cast %get3A_673 : vector<16xf32> to vector<1x1x16xf32>
        tpu.vector_store %arg9[%swap3A_675, %swap3A_676, %swap3A_677], %swap3A_680 {strides = array<i32>} : memref<2x100x64xf32, #tpu.memory_space<vmem>>, vector<1x1x16xf32>,
        %add3A_681 = arith.constant 0 : i32
        %add3A_682 = arith.addi %add3A_681, %add3A_654 : i32
        %get3A_683 = arith.index_cast %add3A_682 : i32 to index
        %get3A_684 = arith.constant 32 : index
        %get3A_685 = tpu.vector_load %arg7[%get3A_683, %get3A_684] {strides = array<i32>} : memref<208x128xf32, #tpu.memory_space<vmem>>, vector<1x16xf32>,
        %get3A_686 = vector.shape_cast %get3A_685 : vector<1x16xf32> to vector<16xf32>
        %swap3A_687 = arith.constant 0 : i32
        %swap3A_688 = arith.index_cast %swap3A_687 : i32 to index
        %swap3A_689 = arith.index_cast %add3A_654 : i32 to index
        %swap3A_690 = arith.constant 32 : index
        %swap3A_691 = tpu.vector_load %arg9[%swap3A_688, %swap3A_689, %swap3A_690] {strides = array<i32>} : memref<2x100x64xf32, #tpu.memory_space<vmem>>, vector<1x1x16xf32>,
        %swap3A_692 = vector.shape_cast %swap3A_691 : vector<1x1x16xf32> to vector<16xf32>
        %swap3A_693 = vector.shape_cast %get3A_686 : vector<16xf32> to vector<1x1x16xf32>
        tpu.vector_store %arg9[%swap3A_688, %swap3A_689, %swap3A_690], %swap3A_693 {strides = array<i32>} : memref<2x100x64xf32, #tpu.memory_space<vmem>>, vector<1x1x16xf32>,
        %add3A_694 = arith.constant 0 : i32
        %add3A_695 = arith.addi %add3A_694, %add3A_654 : i32
        %get3A_696 = arith.index_cast %add3A_695 : i32 to index
        %get3A_697 = arith.constant 48 : index
        %get3A_698 = tpu.vector_load %arg7[%get3A_696, %get3A_697] {strides = array<i32>} : memref<208x128xf32, #tpu.memory_space<vmem>>, vector<1x16xf32>,
        %get3A_699 = vector.shape_cast %get3A_698 : vector<1x16xf32> to vector<16xf32>
        %swap3A_700 = arith.constant 0 : i32
        %swap3A_701 = arith.index_cast %swap3A_700 : i32 to index
        %swap3A_702 = arith.index_cast %add3A_654 : i32 to index
        %swap3A_703 = arith.constant 48 : index
        %swap3A_704 = tpu.vector_load %arg9[%swap3A_701, %swap3A_702, %swap3A_703] {strides = array<i32>} : memref<2x100x64xf32, #tpu.memory_space<vmem>>, vector<1x1x16xf32>,
        %swap3A_705 = vector.shape_cast %swap3A_704 : vector<1x1x16xf32> to vector<16xf32>
        %swap3A_706 = vector.shape_cast %get3A_699 : vector<16xf32> to vector<1x1x16xf32>
        tpu.vector_store %arg9[%swap3A_701, %swap3A_702, %swap3A_703], %swap3A_706 {strides = array<i32>} : memref<2x100x64xf32, #tpu.memory_space<vmem>>, vector<1x1x16xf32>,
        %mul3A_707 = arith.constant 4 : i32
        %mul3A_708 = arith.muli %scan3A_596, %mul3A_707 : i32
        %add3A_709 = arith.constant 2 : i32
        %add3A_710 = arith.addi %mul3A_708, %add3A_709 : i32
        %add3A_711 = arith.constant 0 : i32
        %add3A_712 = arith.addi %add3A_711, %add3A_710 : i32
        %get3A_713 = arith.index_cast %add3A_712 : i32 to index
        %get3A_714 = arith.constant 0 : index
        %get3A_715 = tpu.vector_load %arg7[%get3A_713, %get3A_714] {strides = array<i32>} : memref<208x128xf32, #tpu.memory_space<vmem>>, vector<1x16xf32>,
        %get3A_716 = vector.shape_cast %get3A_715 : vector<1x16xf32> to vector<16xf32>
        %swap3A_717 = arith.constant 0 : i32
        %swap3A_718 = arith.index_cast %swap3A_717 : i32 to index
        %swap3A_719 = arith.index_cast %add3A_710 : i32 to index
        %swap3A_720 = arith.constant 0 : index
        %swap3A_721 = tpu.vector_load %arg9[%swap3A_718, %swap3A_719, %swap3A_720] {strides = array<i32>} : memref<2x100x64xf32, #tpu.memory_space<vmem>>, vector<1x1x16xf32>,
        %swap3A_722 = vector.shape_cast %swap3A_721 : vector<1x1x16xf32> to vector<16xf32>
        %swap3A_723 = vector.shape_cast %get3A_716 : vector<16xf32> to vector<1x1x16xf32>
        tpu.vector_store %arg9[%swap3A_718, %swap3A_719, %swap3A_720], %swap3A_723 {strides = array<i32>} : memref<2x100x64xf32, #tpu.memory_space<vmem>>, vector<1x1x16xf32>,
        %add3A_724 = arith.constant 0 : i32
        %add3A_725 = arith.addi %add3A_724, %add3A_710 : i32
        %get3A_726 = arith.index_cast %add3A_725 : i32 to index
        %get3A_727 = arith.constant 16 : index
        %get3A_728 = tpu.vector_load %arg7[%get3A_726, %get3A_727] {strides = array<i32>} : memref<208x128xf32, #tpu.memory_space<vmem>>, vector<1x16xf32>,
        %get3A_729 = vector.shape_cast %get3A_728 : vector<1x16xf32> to vector<16xf32>
        %swap3A_730 = arith.constant 0 : i32
        %swap3A_731 = arith.index_cast %swap3A_730 : i32 to index
        %swap3A_732 = arith.index_cast %add3A_710 : i32 to index
        %swap3A_733 = arith.constant 16 : index
        %swap3A_734 = tpu.vector_load %arg9[%swap3A_731, %swap3A_732, %swap3A_733] {strides = array<i32>} : memref<2x100x64xf32, #tpu.memory_space<vmem>>, vector<1x1x16xf32>,
        %swap3A_735 = vector.shape_cast %swap3A_734 : vector<1x1x16xf32> to vector<16xf32>
        %swap3A_736 = vector.shape_cast %get3A_729 : vector<16xf32> to vector<1x1x16xf32>
        tpu.vector_store %arg9[%swap3A_731, %swap3A_732, %swap3A_733], %swap3A_736 {strides = array<i32>} : memref<2x100x64xf32, #tpu.memory_space<vmem>>, vector<1x1x16xf32>,
        %add3A_737 = arith.constant 0 : i32
        %add3A_738 = arith.addi %add3A_737, %add3A_710 : i32
        %get3A_739 = arith.index_cast %add3A_738 : i32 to index
        %get3A_740 = arith.constant 32 : index
        %get3A_741 = tpu.vector_load %arg7[%get3A_739, %get3A_740] {strides = array<i32>} : memref<208x128xf32, #tpu.memory_space<vmem>>, vector<1x16xf32>,
        %get3A_742 = vector.shape_cast %get3A_741 : vector<1x16xf32> to vector<16xf32>
        %swap3A_743 = arith.constant 0 : i32
        %swap3A_744 = arith.index_cast %swap3A_743 : i32 to index
        %swap3A_745 = arith.index_cast %add3A_710 : i32 to index
        %swap3A_746 = arith.constant 32 : index
        %swap3A_747 = tpu.vector_load %arg9[%swap3A_744, %swap3A_745, %swap3A_746] {strides = array<i32>} : memref<2x100x64xf32, #tpu.memory_space<vmem>>, vector<1x1x16xf32>,
        %swap3A_748 = vector.shape_cast %swap3A_747 : vector<1x1x16xf32> to vector<16xf32>
        %swap3A_749 = vector.shape_cast %get3A_742 : vector<16xf32> to vector<1x1x16xf32>
        tpu.vector_store %arg9[%swap3A_744, %swap3A_745, %swap3A_746], %swap3A_749 {strides = array<i32>} : memref<2x100x64xf32, #tpu.memory_space<vmem>>, vector<1x1x16xf32>,
        %add3A_750 = arith.constant 0 : i32
        %add3A_751 = arith.addi %add3A_750, %add3A_710 : i32
        %get3A_752 = arith.index_cast %add3A_751 : i32 to index
        %get3A_753 = arith.constant 48 : index
        %get3A_754 = tpu.vector_load %arg7[%get3A_752, %get3A_753] {strides = array<i32>} : memref<208x128xf32, #tpu.memory_space<vmem>>, vector<1x16xf32>,
        %get3A_755 = vector.shape_cast %get3A_754 : vector<1x16xf32> to vector<16xf32>
        %swap3A_756 = arith.constant 0 : i32
        %swap3A_757 = arith.index_cast %swap3A_756 : i32 to index
        %swap3A_758 = arith.index_cast %add3A_710 : i32 to index
        %swap3A_759 = arith.constant 48 : index
        %swap3A_760 = tpu.vector_load %arg9[%swap3A_757, %swap3A_758, %swap3A_759] {strides = array<i32>} : memref<2x100x64xf32, #tpu.memory_space<vmem>>, vector<1x1x16xf32>,
        %swap3A_761 = vector.shape_cast %swap3A_760 : vector<1x1x16xf32> to vector<16xf32>
        %swap3A_762 = vector.shape_cast %get3A_755 : vector<16xf32> to vector<1x1x16xf32>
        tpu.vector_store %arg9[%swap3A_757, %swap3A_758, %swap3A_759], %swap3A_762 {strides = array<i32>} : memref<2x100x64xf32, #tpu.memory_space<vmem>>, vector<1x1x16xf32>,
        %mul3A_763 = arith.constant 4 : i32
        %mul3A_764 = arith.muli %scan3A_596, %mul3A_763 : i32
        %add3A_765 = arith.constant 3 : i32
        %add3A_766 = arith.addi %mul3A_764, %add3A_765 : i32
        %add3A_767 = arith.constant 0 : i32
        %add3A_768 = arith.addi %add3A_767, %add3A_766 : i32
        %get3A_769 = arith.index_cast %add3A_768 : i32 to index
        %get3A_770 = arith.constant 0 : index
        %get3A_771 = tpu.vector_load %arg7[%get3A_769, %get3A_770] {strides = array<i32>} : memref<208x128xf32, #tpu.memory_space<vmem>>, vector<1x16xf32>,
        %get3A_772 = vector.shape_cast %get3A_771 : vector<1x16xf32> to vector<16xf32>
        %swap3A_773 = arith.constant 0 : i32
        %swap3A_774 = arith.index_cast %swap3A_773 : i32 to index
        %swap3A_775 = arith.index_cast %add3A_766 : i32 to index
        %swap3A_776 = arith.constant 0 : index
        %swap3A_777 = tpu.vector_load %arg9[%swap3A_774, %swap3A_775, %swap3A_776] {strides = array<i32>} : memref<2x100x64xf32, #tpu.memory_space<vmem>>, vector<1x1x16xf32>,
        %swap3A_778 = vector.shape_cast %swap3A_777 : vector<1x1x16xf32> to vector<16xf32>
        %swap3A_779 = vector.shape_cast %get3A_772 : vector<16xf32> to vector<1x1x16xf32>
        tpu.vector_store %arg9[%swap3A_774, %swap3A_775, %swap3A_776], %swap3A_779 {strides = array<i32>} : memref<2x100x64xf32, #tpu.memory_space<vmem>>, vector<1x1x16xf32>,
        %add3A_780 = arith.constant 0 : i32
        %add3A_781 = arith.addi %add3A_780, %add3A_766 : i32
        %get3A_782 = arith.index_cast %add3A_781 : i32 to index
        %get3A_783 = arith.constant 16 : index
        %get3A_784 = tpu.vector_load %arg7[%get3A_782, %get3A_783] {strides = array<i32>} : memref<208x128xf32, #tpu.memory_space<vmem>>, vector<1x16xf32>,
        %get3A_785 = vector.shape_cast %get3A_784 : vector<1x16xf32> to vector<16xf32>
        %swap3A_786 = arith.constant 0 : i32
        %swap3A_787 = arith.index_cast %swap3A_786 : i32 to index
        %swap3A_788 = arith.index_cast %add3A_766 : i32 to index
        %swap3A_789 = arith.constant 16 : index
        %swap3A_790 = tpu.vector_load %arg9[%swap3A_787, %swap3A_788, %swap3A_789] {strides = array<i32>} : memref<2x100x64xf32, #tpu.memory_space<vmem>>, vector<1x1x16xf32>,
        %swap3A_791 = vector.shape_cast %swap3A_790 : vector<1x1x16xf32> to vector<16xf32>
        %swap3A_792 = vector.shape_cast %get3A_785 : vector<16xf32> to vector<1x1x16xf32>
        tpu.vector_store %arg9[%swap3A_787, %swap3A_788, %swap3A_789], %swap3A_792 {strides = array<i32>} : memref<2x100x64xf32, #tpu.memory_space<vmem>>, vector<1x1x16xf32>,
        %add3A_793 = arith.constant 0 : i32
        %add3A_794 = arith.addi %add3A_793, %add3A_766 : i32
        %get3A_795 = arith.index_cast %add3A_794 : i32 to index
        %get3A_796 = arith.constant 32 : index
        %get3A_797 = tpu.vector_load %arg7[%get3A_795, %get3A_796] {strides = array<i32>} : memref<208x128xf32, #tpu.memory_space<vmem>>, vector<1x16xf32>,
        %get3A_798 = vector.shape_cast %get3A_797 : vector<1x16xf32> to vector<16xf32>
        %swap3A_799 = arith.constant 0 : i32
        %swap3A_800 = arith.index_cast %swap3A_799 : i32 to index
        %swap3A_801 = arith.index_cast %add3A_766 : i32 to index
        %swap3A_802 = arith.constant 32 : index
        %swap3A_803 = tpu.vector_load %arg9[%swap3A_800, %swap3A_801, %swap3A_802] {strides = array<i32>} : memref<2x100x64xf32, #tpu.memory_space<vmem>>, vector<1x1x16xf32>,
        %swap3A_804 = vector.shape_cast %swap3A_803 : vector<1x1x16xf32> to vector<16xf32>
        %swap3A_805 = vector.shape_cast %get3A_798 : vector<16xf32> to vector<1x1x16xf32>
        tpu.vector_store %arg9[%swap3A_800, %swap3A_801, %swap3A_802], %swap3A_805 {strides = array<i32>} : memref<2x100x64xf32, #tpu.memory_space<vmem>>, vector<1x1x16xf32>,
        %add3A_806 = arith.constant 0 : i32
        %add3A_807 = arith.addi %add3A_806, %add3A_766 : i32
        %get3A_808 = arith.index_cast %add3A_807 : i32 to index
        %get3A_809 = arith.constant 48 : index
        %get3A_810 = tpu.vector_load %arg7[%get3A_808, %get3A_809] {strides = array<i32>} : memref<208x128xf32, #tpu.memory_space<vmem>>, vector<1x16xf32>,
        %get3A_811 = vector.shape_cast %get3A_810 : vector<1x16xf32> to vector<16xf32>
        %swap3A_812 = arith.constant 0 : i32
        %swap3A_813 = arith.index_cast %swap3A_812 : i32 to index
        %swap3A_814 = arith.index_cast %add3A_766 : i32 to index
        %swap3A_815 = arith.constant 48 : index
        %swap3A_816 = tpu.vector_load %arg9[%swap3A_813, %swap3A_814, %swap3A_815] {strides = array<i32>} : memref<2x100x64xf32, #tpu.memory_space<vmem>>, vector<1x1x16xf32>,
        %swap3A_817 = vector.shape_cast %swap3A_816 : vector<1x1x16xf32> to vector<16xf32>
        %swap3A_818 = vector.shape_cast %get3A_811 : vector<16xf32> to vector<1x1x16xf32>
        tpu.vector_store %arg9[%swap3A_813, %swap3A_814, %swap3A_815], %swap3A_818 {strides = array<i32>} : memref<2x100x64xf32, #tpu.memory_space<vmem>>, vector<1x1x16xf32>,
      }
      %scan3A_96 = arith.constant 25 : i32
      %scan3A_97 = arith.constant 0 : i32
      %scan3A_98 = arith.constant 0 : i32
      %scan3A_99 = arith.constant 25 : i32
      %scan3A_100 = arith.addi %scan3A_98, %scan3A_99 : i32
      %scan3A_101 = arith.constant 1 : i32
      scf.for %scan3A_596 = %scan3A_98 to %scan3A_100 step %scan3A_101  : i32 {
        %mul3A_597 = arith.constant 4 : i32
        %mul3A_598 = arith.muli %scan3A_596, %mul3A_597 : i32
        %add3A_599 = arith.constant 0 : i32
        %add3A_600 = arith.addi %mul3A_598, %add3A_599 : i32
        %add3A_601 = arith.constant 104 : i32
        %add3A_602 = arith.addi %add3A_601, %add3A_600 : i32
        %get3A = arith.index_cast %add3A_602 : i32 to index
        %get3A_603 = arith.constant 0 : index
        %get3A_604 = tpu.vector_load %arg7[%get3A, %get3A_603] {strides = array<i32>} : memref<208x128xf32, #tpu.memory_space<vmem>>, vector<1x16xf32>,
        %get3A_605 = vector.shape_cast %get3A_604 : vector<1x16xf32> to vector<16xf32>
        %swap3A = arith.constant 1 : i32
        %swap3A_606 = arith.index_cast %swap3A : i32 to index
        %swap3A_607 = arith.index_cast %add3A_600 : i32 to index
        %swap3A_608 = arith.constant 0 : index
        %swap3A_609 = tpu.vector_load %arg9[%swap3A_606, %swap3A_607, %swap3A_608] {strides = array<i32>} : memref<2x100x64xf32, #tpu.memory_space<vmem>>, vector<1x1x16xf32>,
        %swap3A_610 = vector.shape_cast %swap3A_609 : vector<1x1x16xf32> to vector<16xf32>
        %swap3A_611 = vector.shape_cast %get3A_605 : vector<16xf32> to vector<1x1x16xf32>
        tpu.vector_store %arg9[%swap3A_606, %swap3A_607, %swap3A_608], %swap3A_611 {strides = array<i32>} : memref<2x100x64xf32, #tpu.memory_space<vmem>>, vector<1x1x16xf32>,
        %add3A_612 = arith.constant 104 : i32
        %add3A_613 = arith.addi %add3A_612, %add3A_600 : i32
        %get3A_614 = arith.index_cast %add3A_613 : i32 to index
        %get3A_615 = arith.constant 16 : index
        %get3A_616 = tpu.vector_load %arg7[%get3A_614, %get3A_615] {strides = array<i32>} : memref<208x128xf32, #tpu.memory_space<vmem>>, vector<1x16xf32>,
        %get3A_617 = vector.shape_cast %get3A_616 : vector<1x16xf32> to vector<16xf32>
        %swap3A_618 = arith.constant 1 : i32
        %swap3A_619 = arith.index_cast %swap3A_618 : i32 to index
        %swap3A_620 = arith.index_cast %add3A_600 : i32 to index
        %swap3A_621 = arith.constant 16 : index
        %swap3A_622 = tpu.vector_load %arg9[%swap3A_619, %swap3A_620, %swap3A_621] {strides = array<i32>} : memref<2x100x64xf32, #tpu.memory_space<vmem>>, vector<1x1x16xf32>,
        %swap3A_623 = vector.shape_cast %swap3A_622 : vector<1x1x16xf32> to vector<16xf32>
        %swap3A_624 = vector.shape_cast %get3A_617 : vector<16xf32> to vector<1x1x16xf32>
        tpu.vector_store %arg9[%swap3A_619, %swap3A_620, %swap3A_621], %swap3A_624 {strides = array<i32>} : memref<2x100x64xf32, #tpu.memory_space<vmem>>, vector<1x1x16xf32>,
        %add3A_625 = arith.constant 104 : i32
        %add3A_626 = arith.addi %add3A_625, %add3A_600 : i32
        %get3A_627 = arith.index_cast %add3A_626 : i32 to index
        %get3A_628 = arith.constant 32 : index
        %get3A_629 = tpu.vector_load %arg7[%get3A_627, %get3A_628] {strides = array<i32>} : memref<208x128xf32, #tpu.memory_space<vmem>>, vector<1x16xf32>,
        %get3A_630 = vector.shape_cast %get3A_629 : vector<1x16xf32> to vector<16xf32>
        %swap3A_631 = arith.constant 1 : i32
        %swap3A_632 = arith.index_cast %swap3A_631 : i32 to index
        %swap3A_633 = arith.index_cast %add3A_600 : i32 to index
        %swap3A_634 = arith.constant 32 : index
        %swap3A_635 = tpu.vector_load %arg9[%swap3A_632, %swap3A_633, %swap3A_634] {strides = array<i32>} : memref<2x100x64xf32, #tpu.memory_space<vmem>>, vector<1x1x16xf32>,
        %swap3A_636 = vector.shape_cast %swap3A_635 : vector<1x1x16xf32> to vector<16xf32>
        %swap3A_637 = vector.shape_cast %get3A_630 : vector<16xf32> to vector<1x1x16xf32>
        tpu.vector_store %arg9[%swap3A_632, %swap3A_633, %swap3A_634], %swap3A_637 {strides = array<i32>} : memref<2x100x64xf32, #tpu.memory_space<vmem>>, vector<1x1x16xf32>,
        %add3A_638 = arith.constant 104 : i32
        %add3A_639 = arith.addi %add3A_638, %add3A_600 : i32
        %get3A_640 = arith.index_cast %add3A_639 : i32 to index
        %get3A_641 = arith.constant 48 : index
        %get3A_642 = tpu.vector_load %arg7[%get3A_640, %get3A_641] {strides = array<i32>} : memref<208x128xf32, #tpu.memory_space<vmem>>, vector<1x16xf32>,
        %get3A_643 = vector.shape_cast %get3A_642 : vector<1x16xf32> to vector<16xf32>
        %swap3A_644 = arith.constant 1 : i32
        %swap3A_645 = arith.index_cast %swap3A_644 : i32 to index
        %swap3A_646 = arith.index_cast %add3A_600 : i32 to index
        %swap3A_647 = arith.constant 48 : index
        %swap3A_648 = tpu.vector_load %arg9[%swap3A_645, %swap3A_646, %swap3A_647] {strides = array<i32>} : memref<2x100x64xf32, #tpu.memory_space<vmem>>, vector<1x1x16xf32>,
        %swap3A_649 = vector.shape_cast %swap3A_648 : vector<1x1x16xf32> to vector<16xf32>
        %swap3A_650 = vector.shape_cast %get3A_643 : vector<16xf32> to vector<1x1x16xf32>
        tpu.vector_store %arg9[%swap3A_645, %swap3A_646, %swap3A_647], %swap3A_650 {strides = array<i32>} : memref<2x100x64xf32, #tpu.memory_space<vmem>>, vector<1x1x16xf32>,
        %mul3A_651 = arith.constant 4 : i32
        %mul3A_652 = arith.muli %scan3A_596, %mul3A_651 : i32
        %add3A_653 = arith.constant 1 : i32
        %add3A_654 = arith.addi %mul3A_652, %add3A_653 : i32
        %add3A_655 = arith.constant 104 : i32
        %add3A_656 = arith.addi %add3A_655, %add3A_654 : i32
        %get3A_657 = arith.index_cast %add3A_656 : i32 to index
        %get3A_658 = arith.constant 0 : index
        %get3A_659 = tpu.vector_load %arg7[%get3A_657, %get3A_658] {strides = array<i32>} : memref<208x128xf32, #tpu.memory_space<vmem>>, vector<1x16xf32>,
        %get3A_660 = vector.shape_cast %get3A_659 : vector<1x16xf32> to vector<16xf32>
        %swap3A_661 = arith.constant 1 : i32
        %swap3A_662 = arith.index_cast %swap3A_661 : i32 to index
        %swap3A_663 = arith.index_cast %add3A_654 : i32 to index
        %swap3A_664 = arith.constant 0 : index
        %swap3A_665 = tpu.vector_load %arg9[%swap3A_662, %swap3A_663, %swap3A_664] {strides = array<i32>} : memref<2x100x64xf32, #tpu.memory_space<vmem>>, vector<1x1x16xf32>,
        %swap3A_666 = vector.shape_cast %swap3A_665 : vector<1x1x16xf32> to vector<16xf32>
        %swap3A_667 = vector.shape_cast %get3A_660 : vector<16xf32> to vector<1x1x16xf32>
        tpu.vector_store %arg9[%swap3A_662, %swap3A_663, %swap3A_664], %swap3A_667 {strides = array<i32>} : memref<2x100x64xf32, #tpu.memory_space<vmem>>, vector<1x1x16xf32>,
        %add3A_668 = arith.constant 104 : i32
        %add3A_669 = arith.addi %add3A_668, %add3A_654 : i32
        %get3A_670 = arith.index_cast %add3A_669 : i32 to index
        %get3A_671 = arith.constant 16 : index
        %get3A_672 = tpu.vector_load %arg7[%get3A_670, %get3A_671] {strides = array<i32>} : memref<208x128xf32, #tpu.memory_space<vmem>>, vector<1x16xf32>,
        %get3A_673 = vector.shape_cast %get3A_672 : vector<1x16xf32> to vector<16xf32>
        %swap3A_674 = arith.constant 1 : i32
        %swap3A_675 = arith.index_cast %swap3A_674 : i32 to index
        %swap3A_676 = arith.index_cast %add3A_654 : i32 to index
        %swap3A_677 = arith.constant 16 : index
        %swap3A_678 = tpu.vector_load %arg9[%swap3A_675, %swap3A_676, %swap3A_677] {strides = array<i32>} : memref<2x100x64xf32, #tpu.memory_space<vmem>>, vector<1x1x16xf32>,
        %swap3A_679 = vector.shape_cast %swap3A_678 : vector<1x1x16xf32> to vector<16xf32>
        %swap3A_680 = vector.shape_cast %get3A_673 : vector<16xf32> to vector<1x1x16xf32>
        tpu.vector_store %arg9[%swap3A_675, %swap3A_676, %swap3A_677], %swap3A_680 {strides = array<i32>} : memref<2x100x64xf32, #tpu.memory_space<vmem>>, vector<1x1x16xf32>,
        %add3A_681 = arith.constant 104 : i32
        %add3A_682 = arith.addi %add3A_681, %add3A_654 : i32
        %get3A_683 = arith.index_cast %add3A_682 : i32 to index
        %get3A_684 = arith.constant 32 : index
        %get3A_685 = tpu.vector_load %arg7[%get3A_683, %get3A_684] {strides = array<i32>} : memref<208x128xf32, #tpu.memory_space<vmem>>, vector<1x16xf32>,
        %get3A_686 = vector.shape_cast %get3A_685 : vector<1x16xf32> to vector<16xf32>
        %swap3A_687 = arith.constant 1 : i32
        %swap3A_688 = arith.index_cast %swap3A_687 : i32 to index
        %swap3A_689 = arith.index_cast %add3A_654 : i32 to index
        %swap3A_690 = arith.constant 32 : index
        %swap3A_691 = tpu.vector_load %arg9[%swap3A_688, %swap3A_689, %swap3A_690] {strides = array<i32>} : memref<2x100x64xf32, #tpu.memory_space<vmem>>, vector<1x1x16xf32>,
        %swap3A_692 = vector.shape_cast %swap3A_691 : vector<1x1x16xf32> to vector<16xf32>
        %swap3A_693 = vector.shape_cast %get3A_686 : vector<16xf32> to vector<1x1x16xf32>
        tpu.vector_store %arg9[%swap3A_688, %swap3A_689, %swap3A_690], %swap3A_693 {strides = array<i32>} : memref<2x100x64xf32, #tpu.memory_space<vmem>>, vector<1x1x16xf32>,
        %add3A_694 = arith.constant 104 : i32
        %add3A_695 = arith.addi %add3A_694, %add3A_654 : i32
        %get3A_696 = arith.index_cast %add3A_695 : i32 to index
        %get3A_697 = arith.constant 48 : index
        %get3A_698 = tpu.vector_load %arg7[%get3A_696, %get3A_697] {strides = array<i32>} : memref<208x128xf32, #tpu.memory_space<vmem>>, vector<1x16xf32>,
        %get3A_699 = vector.shape_cast %get3A_698 : vector<1x16xf32> to vector<16xf32>
        %swap3A_700 = arith.constant 1 : i32
        %swap3A_701 = arith.index_cast %swap3A_700 : i32 to index
        %swap3A_702 = arith.index_cast %add3A_654 : i32 to index
        %swap3A_703 = arith.constant 48 : index
        %swap3A_704 = tpu.vector_load %arg9[%swap3A_701, %swap3A_702, %swap3A_703] {strides = array<i32>} : memref<2x100x64xf32, #tpu.memory_space<vmem>>, vector<1x1x16xf32>,
        %swap3A_705 = vector.shape_cast %swap3A_704 : vector<1x1x16xf32> to vector<16xf32>
        %swap3A_706 = vector.shape_cast %get3A_699 : vector<16xf32> to vector<1x1x16xf32>
        tpu.vector_store %arg9[%swap3A_701, %swap3A_702, %swap3A_703], %swap3A_706 {strides = array<i32>} : memref<2x100x64xf32, #tpu.memory_space<vmem>>, vector<1x1x16xf32>,
        %mul3A_707 = arith.constant 4 : i32
        %mul3A_708 = arith.muli %scan3A_596, %mul3A_707 : i32
        %add3A_709 = arith.constant 2 : i32
        %add3A_710 = arith.addi %mul3A_708, %add3A_709 : i32
        %add3A_711 = arith.constant 104 : i32
        %add3A_712 = arith.addi %add3A_711, %add3A_710 : i32
        %get3A_713 = arith.index_cast %add3A_712 : i32 to index
        %get3A_714 = arith.constant 0 : index
        %get3A_715 = tpu.vector_load %arg7[%get3A_713, %get3A_714] {strides = array<i32>} : memref<208x128xf32, #tpu.memory_space<vmem>>, vector<1x16xf32>,
        %get3A_716 = vector.shape_cast %get3A_715 : vector<1x16xf32> to vector<16xf32>
        %swap3A_717 = arith.constant 1 : i32
        %swap3A_718 = arith.index_cast %swap3A_717 : i32 to index
        %swap3A_719 = arith.index_cast %add3A_710 : i32 to index
        %swap3A_720 = arith.constant 0 : index
        %swap3A_721 = tpu.vector_load %arg9[%swap3A_718, %swap3A_719, %swap3A_720] {strides = array<i32>} : memref<2x100x64xf32, #tpu.memory_space<vmem>>, vector<1x1x16xf32>,
        %swap3A_722 = vector.shape_cast %swap3A_721 : vector<1x1x16xf32> to vector<16xf32>
        %swap3A_723 = vector.shape_cast %get3A_716 : vector<16xf32> to vector<1x1x16xf32>
        tpu.vector_store %arg9[%swap3A_718, %swap3A_719, %swap3A_720], %swap3A_723 {strides = array<i32>} : memref<2x100x64xf32, #tpu.memory_space<vmem>>, vector<1x1x16xf32>,
        %add3A_724 = arith.constant 104 : i32
        %add3A_725 = arith.addi %add3A_724, %add3A_710 : i32
        %get3A_726 = arith.index_cast %add3A_725 : i32 to index
        %get3A_727 = arith.constant 16 : index
        %get3A_728 = tpu.vector_load %arg7[%get3A_726, %get3A_727] {strides = array<i32>} : memref<208x128xf32, #tpu.memory_space<vmem>>, vector<1x16xf32>,
        %get3A_729 = vector.shape_cast %get3A_728 : vector<1x16xf32> to vector<16xf32>
        %swap3A_730 = arith.constant 1 : i32
        %swap3A_731 = arith.index_cast %swap3A_730 : i32 to index
        %swap3A_732 = arith.index_cast %add3A_710 : i32 to index
        %swap3A_733 = arith.constant 16 : index
        %swap3A_734 = tpu.vector_load %arg9[%swap3A_731, %swap3A_732, %swap3A_733] {strides = array<i32>} : memref<2x100x64xf32, #tpu.memory_space<vmem>>, vector<1x1x16xf32>,
        %swap3A_735 = vector.shape_cast %swap3A_734 : vector<1x1x16xf32> to vector<16xf32>
        %swap3A_736 = vector.shape_cast %get3A_729 : vector<16xf32> to vector<1x1x16xf32>
        tpu.vector_store %arg9[%swap3A_731, %swap3A_732, %swap3A_733], %swap3A_736 {strides = array<i32>} : memref<2x100x64xf32, #tpu.memory_space<vmem>>, vector<1x1x16xf32>,
        %add3A_737 = arith.constant 104 : i32
        %add3A_738 = arith.addi %add3A_737, %add3A_710 : i32
        %get3A_739 = arith.index_cast %add3A_738 : i32 to index
        %get3A_740 = arith.constant 32 : index
        %get3A_741 = tpu.vector_load %arg7[%get3A_739, %get3A_740] {strides = array<i32>} : memref<208x128xf32, #tpu.memory_space<vmem>>, vector<1x16xf32>,
        %get3A_742 = vector.shape_cast %get3A_741 : vector<1x16xf32> to vector<16xf32>
        %swap3A_743 = arith.constant 1 : i32
        %swap3A_744 = arith.index_cast %swap3A_743 : i32 to index
        %swap3A_745 = arith.index_cast %add3A_710 : i32 to index
        %swap3A_746 = arith.constant 32 : index
        %swap3A_747 = tpu.vector_load %arg9[%swap3A_744, %swap3A_745, %swap3A_746] {strides = array<i32>} : memref<2x100x64xf32, #tpu.memory_space<vmem>>, vector<1x1x16xf32>,
        %swap3A_748 = vector.shape_cast %swap3A_747 : vector<1x1x16xf32> to vector<16xf32>
        %swap3A_749 = vector.shape_cast %get3A_742 : vector<16xf32> to vector<1x1x16xf32>
        tpu.vector_store %arg9[%swap3A_744, %swap3A_745, %swap3A_746], %swap3A_749 {strides = array<i32>} : memref<2x100x64xf32, #tpu.memory_space<vmem>>, vector<1x1x16xf32>,
        %add3A_750 = arith.constant 104 : i32
        %add3A_751 = arith.addi %add3A_750, %add3A_710 : i32
        %get3A_752 = arith.index_cast %add3A_751 : i32 to index
        %get3A_753 = arith.constant 48 : index
        %get3A_754 = tpu.vector_load %arg7[%get3A_752, %get3A_753] {strides = array<i32>} : memref<208x128xf32, #tpu.memory_space<vmem>>, vector<1x16xf32>,
        %get3A_755 = vector.shape_cast %get3A_754 : vector<1x16xf32> to vector<16xf32>
        %swap3A_756 = arith.constant 1 : i32
        %swap3A_757 = arith.index_cast %swap3A_756 : i32 to index
        %swap3A_758 = arith.index_cast %add3A_710 : i32 to index
        %swap3A_759 = arith.constant 48 : index
        %swap3A_760 = tpu.vector_load %arg9[%swap3A_757, %swap3A_758, %swap3A_759] {strides = array<i32>} : memref<2x100x64xf32, #tpu.memory_space<vmem>>, vector<1x1x16xf32>,
        %swap3A_761 = vector.shape_cast %swap3A_760 : vector<1x1x16xf32> to vector<16xf32>
        %swap3A_762 = vector.shape_cast %get3A_755 : vector<16xf32> to vector<1x1x16xf32>
        tpu.vector_store %arg9[%swap3A_757, %swap3A_758, %swap3A_759], %swap3A_762 {strides = array<i32>} : memref<2x100x64xf32, #tpu.memory_space<vmem>>, vector<1x1x16xf32>,
        %mul3A_763 = arith.constant 4 : i32
        %mul3A_764 = arith.muli %scan3A_596, %mul3A_763 : i32
        %add3A_765 = arith.constant 3 : i32
        %add3A_766 = arith.addi %mul3A_764, %add3A_765 : i32
        %add3A_767 = arith.constant 104 : i32
        %add3A_768 = arith.addi %add3A_767, %add3A_766 : i32
        %get3A_769 = arith.index_cast %add3A_768 : i32 to index
        %get3A_770 = arith.constant 0 : index
        %get3A_771 = tpu.vector_load %arg7[%get3A_769, %get3A_770] {strides = array<i32>} : memref<208x128xf32, #tpu.memory_space<vmem>>, vector<1x16xf32>,
        %get3A_772 = vector.shape_cast %get3A_771 : vector<1x16xf32> to vector<16xf32>
        %swap3A_773 = arith.constant 1 : i32
        %swap3A_774 = arith.index_cast %swap3A_773 : i32 to index
        %swap3A_775 = arith.index_cast %add3A_766 : i32 to index
        %swap3A_776 = arith.constant 0 : index
        %swap3A_777 = tpu.vector_load %arg9[%swap3A_774, %swap3A_775, %swap3A_776] {strides = array<i32>} : memref<2x100x64xf32, #tpu.memory_space<vmem>>, vector<1x1x16xf32>,
        %swap3A_778 = vector.shape_cast %swap3A_777 : vector<1x1x16xf32> to vector<16xf32>
        %swap3A_779 = vector.shape_cast %get3A_772 : vector<16xf32> to vector<1x1x16xf32>
        tpu.vector_store %arg9[%swap3A_774, %swap3A_775, %swap3A_776], %swap3A_779 {strides = array<i32>} : memref<2x100x64xf32, #tpu.memory_space<vmem>>, vector<1x1x16xf32>,
        %add3A_780 = arith.constant 104 : i32
        %add3A_781 = arith.addi %add3A_780, %add3A_766 : i32
        %get3A_782 = arith.index_cast %add3A_781 : i32 to index
        %get3A_783 = arith.constant 16 : index
        %get3A_784 = tpu.vector_load %arg7[%get3A_782, %get3A_783] {strides = array<i32>} : memref<208x128xf32, #tpu.memory_space<vmem>>, vector<1x16xf32>,
        %get3A_785 = vector.shape_cast %get3A_784 : vector<1x16xf32> to vector<16xf32>
        %swap3A_786 = arith.constant 1 : i32
        %swap3A_787 = arith.index_cast %swap3A_786 : i32 to index
        %swap3A_788 = arith.index_cast %add3A_766 : i32 to index
        %swap3A_789 = arith.constant 16 : index
        %swap3A_790 = tpu.vector_load %arg9[%swap3A_787, %swap3A_788, %swap3A_789] {strides = array<i32>} : memref<2x100x64xf32, #tpu.memory_space<vmem>>, vector<1x1x16xf32>,
        %swap3A_791 = vector.shape_cast %swap3A_790 : vector<1x1x16xf32> to vector<16xf32>
        %swap3A_792 = vector.shape_cast %get3A_785 : vector<16xf32> to vector<1x1x16xf32>
        tpu.vector_store %arg9[%swap3A_787, %swap3A_788, %swap3A_789], %swap3A_792 {strides = array<i32>} : memref<2x100x64xf32, #tpu.memory_space<vmem>>, vector<1x1x16xf32>,
        %add3A_793 = arith.constant 104 : i32
        %add3A_794 = arith.addi %add3A_793, %add3A_766 : i32
        %get3A_795 = arith.index_cast %add3A_794 : i32 to index
        %get3A_796 = arith.constant 32 : index
        %get3A_797 = tpu.vector_load %arg7[%get3A_795, %get3A_796] {strides = array<i32>} : memref<208x128xf32, #tpu.memory_space<vmem>>, vector<1x16xf32>,
        %get3A_798 = vector.shape_cast %get3A_797 : vector<1x16xf32> to vector<16xf32>
        %swap3A_799 = arith.constant 1 : i32
        %swap3A_800 = arith.index_cast %swap3A_799 : i32 to index
        %swap3A_801 = arith.index_cast %add3A_766 : i32 to index
        %swap3A_802 = arith.constant 32 : index
        %swap3A_803 = tpu.vector_load %arg9[%swap3A_800, %swap3A_801, %swap3A_802] {strides = array<i32>} : memref<2x100x64xf32, #tpu.memory_space<vmem>>, vector<1x1x16xf32>,
        %swap3A_804 = vector.shape_cast %swap3A_803 : vector<1x1x16xf32> to vector<16xf32>
        %swap3A_805 = vector.shape_cast %get3A_798 : vector<16xf32> to vector<1x1x16xf32>
        tpu.vector_store %arg9[%swap3A_800, %swap3A_801, %swap3A_802], %swap3A_805 {strides = array<i32>} : memref<2x100x64xf32, #tpu.memory_space<vmem>>, vector<1x1x16xf32>,
        %add3A_806 = arith.constant 104 : i32
        %add3A_807 = arith.addi %add3A_806, %add3A_766 : i32
        %get3A_808 = arith.index_cast %add3A_807 : i32 to index
        %get3A_809 = arith.constant 48 : index
        %get3A_810 = tpu.vector_load %arg7[%get3A_808, %get3A_809] {strides = array<i32>} : memref<208x128xf32, #tpu.memory_space<vmem>>, vector<1x16xf32>,
        %get3A_811 = vector.shape_cast %get3A_810 : vector<1x16xf32> to vector<16xf32>
        %swap3A_812 = arith.constant 1 : i32
        %swap3A_813 = arith.index_cast %swap3A_812 : i32 to index
        %swap3A_814 = arith.index_cast %add3A_766 : i32 to index
        %swap3A_815 = arith.constant 48 : index
        %swap3A_816 = tpu.vector_load %arg9[%swap3A_813, %swap3A_814, %swap3A_815] {strides = array<i32>} : memref<2x100x64xf32, #tpu.memory_space<vmem>>, vector<1x1x16xf32>,
        %swap3A_817 = vector.shape_cast %swap3A_816 : vector<1x1x16xf32> to vector<16xf32>
        %swap3A_818 = vector.shape_cast %get3A_811 : vector<16xf32> to vector<1x1x16xf32>
        tpu.vector_store %arg9[%swap3A_813, %swap3A_814, %swap3A_815], %swap3A_818 {strides = array<i32>} : memref<2x100x64xf32, #tpu.memory_space<vmem>>, vector<1x1x16xf32>,
      }
      %scan3A_102 = arith.constant 25 : i32
      %add3A_103 = arith.constant 0 : i32
      %add3A_104 = arith.addi %multiple_of3A_19, %add3A_103 : i32
      %dma_start3A_105 = arith.constant 0 : i32
      %dma_start3A_106 = arith.constant 0 : i32
      %dma_start3A_107 = tpu.memref_slice %arg4[%add3A_104, %dma_start3A_105, %dma_start3A_106] : memref<16384x100x64xf32, #tpu.memory_space<hbm>> -> memref<2x100x64xf32, #tpu.memory_space<hbm>>
      %dma_start3A_108 = arith.constant 0 : i32
      %dma_start3A_109 = arith.constant 0 : i32
      %dma_start3A_110 = tpu.memref_slice %arg4[%add3A_104, %dma_start3A_108, %dma_start3A_109] : memref<16384x100x64xf32, #tpu.memory_space<hbm>> -> memref<2x100x64xf32, #tpu.memory_space<hbm>>
      tpu.enqueue_dma source(%arg9 : memref<2x100x64xf32, #tpu.memory_space<vmem>>) target(%dma_start3A_110 : memref<2x100x64xf32, #tpu.memory_space<hbm>>) target_semaphore(%arg13 : memref<!tpu.dma_semaphore, #tpu.memory_space<semaphore_mem>>)
      %dma_start3A_111 = arith.constant 4 : i32
      %dma_start3A_112 = arith.constant 0 : i32
      %dma_start3A_113 = arith.constant 0 : i32
      %dma_start3A_114 = tpu.memref_slice %arg7[%dma_start3A_112, %dma_start3A_113] : memref<208x128xf32, #tpu.memory_space<vmem>> -> memref<100x128xf32, #tpu.memory_space<vmem>>
      %dma_start3A_115 = arith.constant 0 : i32
      %dma_start3A_116 = tpu.memref_slice %arg5[%dma_start3A_111, %dma_start3A_115] : memref<8x100xi32, #tpu.memory_space<vmem>> -> memref<1x100xi32, #tpu.memory_space<vmem>>
      %dma_start3A_117 = tpu.memref_squeeze %dma_start3A_116 : memref<1x100xi32, #tpu.memory_space<vmem>> -> memref<100xi32, #tpu.memory_space<vmem>>
      %dma_start3A_118 = arith.constant 0 : i32
      %dma_start3A_119 = arith.constant 0 : i32
      %dma_start3A_120 = tpu.memref_slice %arg3[%dma_start3A_118, %dma_start3A_119] : memref<1000000x128xf32, #tpu.memory_space<hbm>> -> memref<1000000x128xf32, #tpu.memory_space<hbm>>
      tpu.enqueue_indirect_dma source(%dma_start3A_120 : memref<1000000x128xf32, #tpu.memory_space<hbm>>) target(%dma_start3A_114 : memref<100x128xf32, #tpu.memory_space<vmem>>) offsets(%dma_start3A_117 : memref<100xi32, #tpu.memory_space<vmem>>) semaphore(%arg11 : memref<!tpu.dma_semaphore, #tpu.memory_space<semaphore_mem>>)
      %dma_start3A_121 = arith.constant 5 : i32
      %dma_start3A_122 = arith.constant 104 : i32
      %dma_start3A_123 = arith.constant 0 : i32
      %dma_start3A_124 = tpu.memref_slice %arg7[%dma_start3A_122, %dma_start3A_123] : memref<208x128xf32, #tpu.memory_space<vmem>> -> memref<100x128xf32, #tpu.memory_space<vmem>>
      %dma_start3A_125 = arith.constant 0 : i32
      %dma_start3A_126 = tpu.memref_slice %arg5[%dma_start3A_121, %dma_start3A_125] : memref<8x100xi32, #tpu.memory_space<vmem>> -> memref<1x100xi32, #tpu.memory_space<vmem>>
      %dma_start3A_127 = tpu.memref_squeeze %dma_start3A_126 : memref<1x100xi32, #tpu.memory_space<vmem>> -> memref<100xi32, #tpu.memory_space<vmem>>
      %dma_start3A_128 = arith.constant 0 : i32
      %dma_start3A_129 = arith.constant 0 : i32
      %dma_start3A_130 = tpu.memref_slice %arg3[%dma_start3A_128, %dma_start3A_129] : memref<1000000x128xf32, #tpu.memory_space<hbm>> -> memref<1000000x128xf32, #tpu.memory_space<hbm>>
      tpu.enqueue_indirect_dma source(%dma_start3A_130 : memref<1000000x128xf32, #tpu.memory_space<hbm>>) target(%dma_start3A_124 : memref<100x128xf32, #tpu.memory_space<vmem>>) offsets(%dma_start3A_127 : memref<100xi32, #tpu.memory_space<vmem>>) semaphore(%arg11 : memref<!tpu.dma_semaphore, #tpu.memory_space<semaphore_mem>>)
      %dma_wait3A_131 = arith.constant 2 : i32
      %dma_wait3A_132 = arith.constant 0 : i32
      %dma_wait3A_133 = arith.constant 0 : i32
      %dma_wait3A_134 = tpu.memref_slice %arg8[%dma_wait3A_132, %dma_wait3A_133] : memref<208x128xf32, #tpu.memory_space<vmem>> -> memref<100x128xf32, #tpu.memory_space<vmem>>
      %dma_wait3A_135 = arith.constant 0 : i32
      %dma_wait3A_136 = tpu.memref_slice %arg5[%dma_wait3A_131, %dma_wait3A_135] : memref<8x100xi32, #tpu.memory_space<vmem>> -> memref<1x100xi32, #tpu.memory_space<vmem>>
      %dma_wait3A_137 = tpu.memref_squeeze %dma_wait3A_136 : memref<1x100xi32, #tpu.memory_space<vmem>> -> memref<100xi32, #tpu.memory_space<vmem>>
      %dma_wait3A_138 = arith.constant 0 : i32
      %dma_wait3A_139 = arith.constant 0 : i32
      %dma_wait3A_140 = tpu.memref_slice %arg3[%dma_wait3A_138, %dma_wait3A_139] : memref<1000000x128xf32, #tpu.memory_space<hbm>> -> memref<1000000x128xf32, #tpu.memory_space<hbm>>
      tpu.wait_indirect_dma semaphore(%arg12 : memref<!tpu.dma_semaphore, #tpu.memory_space<semaphore_mem>>) src(%dma_wait3A_140 : memref<1000000x128xf32, #tpu.memory_space<hbm>>) dst(%dma_wait3A_134 : memref<100x128xf32, #tpu.memory_space<vmem>>)
      %dma_wait3A_141 = arith.constant 3 : i32
      %dma_wait3A_142 = arith.constant 104 : i32
      %dma_wait3A_143 = arith.constant 0 : i32
      %dma_wait3A_144 = tpu.memref_slice %arg8[%dma_wait3A_142, %dma_wait3A_143] : memref<208x128xf32, #tpu.memory_space<vmem>> -> memref<100x128xf32, #tpu.memory_space<vmem>>
      %dma_wait3A_145 = arith.constant 0 : i32
      %dma_wait3A_146 = tpu.memref_slice %arg5[%dma_wait3A_141, %dma_wait3A_145] : memref<8x100xi32, #tpu.memory_space<vmem>> -> memref<1x100xi32, #tpu.memory_space<vmem>>
      %dma_wait3A_147 = tpu.memref_squeeze %dma_wait3A_146 : memref<1x100xi32, #tpu.memory_space<vmem>> -> memref<100xi32, #tpu.memory_space<vmem>>
      %dma_wait3A_148 = arith.constant 0 : i32
      %dma_wait3A_149 = arith.constant 0 : i32
      %dma_wait3A_150 = tpu.memref_slice %arg3[%dma_wait3A_148, %dma_wait3A_149] : memref<1000000x128xf32, #tpu.memory_space<hbm>> -> memref<1000000x128xf32, #tpu.memory_space<hbm>>
      tpu.wait_indirect_dma semaphore(%arg12 : memref<!tpu.dma_semaphore, #tpu.memory_space<semaphore_mem>>) src(%dma_wait3A_150 : memref<1000000x128xf32, #tpu.memory_space<hbm>>) dst(%dma_wait3A_144 : memref<100x128xf32, #tpu.memory_space<vmem>>)
      %scan3A_151 = arith.constant 0 : i32
      %scan3A_152 = arith.constant 0 : i32
      %scan3A_153 = arith.constant 25 : i32
      %scan3A_154 = arith.addi %scan3A_152, %scan3A_153 : i32
      %scan3A_155 = arith.constant 1 : i32
      scf.for %scan3A_596 = %scan3A_152 to %scan3A_154 step %scan3A_155  : i32 {
        %mul3A_597 = arith.constant 4 : i32
        %mul3A_598 = arith.muli %scan3A_596, %mul3A_597 : i32
        %add3A_599 = arith.constant 0 : i32
        %add3A_600 = arith.addi %mul3A_598, %add3A_599 : i32
        %add3A_601 = arith.constant 0 : i32
        %add3A_602 = arith.addi %add3A_601, %add3A_600 : i32
        %get3A = arith.index_cast %add3A_602 : i32 to index
        %get3A_603 = arith.constant 0 : index
        %get3A_604 = tpu.vector_load %arg8[%get3A, %get3A_603] {strides = array<i32>} : memref<208x128xf32, #tpu.memory_space<vmem>>, vector<1x16xf32>,
        %get3A_605 = vector.shape_cast %get3A_604 : vector<1x16xf32> to vector<16xf32>
        %swap3A = arith.constant 0 : i32
        %swap3A_606 = arith.index_cast %swap3A : i32 to index
        %swap3A_607 = arith.index_cast %add3A_600 : i32 to index
        %swap3A_608 = arith.constant 0 : index
        %swap3A_609 = tpu.vector_load %arg10[%swap3A_606, %swap3A_607, %swap3A_608] {strides = array<i32>} : memref<2x100x64xf32, #tpu.memory_space<vmem>>, vector<1x1x16xf32>,
        %swap3A_610 = vector.shape_cast %swap3A_609 : vector<1x1x16xf32> to vector<16xf32>
        %swap3A_611 = vector.shape_cast %get3A_605 : vector<16xf32> to vector<1x1x16xf32>
        tpu.vector_store %arg10[%swap3A_606, %swap3A_607, %swap3A_608], %swap3A_611 {strides = array<i32>} : memref<2x100x64xf32, #tpu.memory_space<vmem>>, vector<1x1x16xf32>,
        %add3A_612 = arith.constant 0 : i32
        %add3A_613 = arith.addi %add3A_612, %add3A_600 : i32
        %get3A_614 = arith.index_cast %add3A_613 : i32 to index
        %get3A_615 = arith.constant 16 : index
        %get3A_616 = tpu.vector_load %arg8[%get3A_614, %get3A_615] {strides = array<i32>} : memref<208x128xf32, #tpu.memory_space<vmem>>, vector<1x16xf32>,
        %get3A_617 = vector.shape_cast %get3A_616 : vector<1x16xf32> to vector<16xf32>
        %swap3A_618 = arith.constant 0 : i32
        %swap3A_619 = arith.index_cast %swap3A_618 : i32 to index
        %swap3A_620 = arith.index_cast %add3A_600 : i32 to index
        %swap3A_621 = arith.constant 16 : index
        %swap3A_622 = tpu.vector_load %arg10[%swap3A_619, %swap3A_620, %swap3A_621] {strides = array<i32>} : memref<2x100x64xf32, #tpu.memory_space<vmem>>, vector<1x1x16xf32>,
        %swap3A_623 = vector.shape_cast %swap3A_622 : vector<1x1x16xf32> to vector<16xf32>
        %swap3A_624 = vector.shape_cast %get3A_617 : vector<16xf32> to vector<1x1x16xf32>
        tpu.vector_store %arg10[%swap3A_619, %swap3A_620, %swap3A_621], %swap3A_624 {strides = array<i32>} : memref<2x100x64xf32, #tpu.memory_space<vmem>>, vector<1x1x16xf32>,
        %add3A_625 = arith.constant 0 : i32
        %add3A_626 = arith.addi %add3A_625, %add3A_600 : i32
        %get3A_627 = arith.index_cast %add3A_626 : i32 to index
        %get3A_628 = arith.constant 32 : index
        %get3A_629 = tpu.vector_load %arg8[%get3A_627, %get3A_628] {strides = array<i32>} : memref<208x128xf32, #tpu.memory_space<vmem>>, vector<1x16xf32>,
        %get3A_630 = vector.shape_cast %get3A_629 : vector<1x16xf32> to vector<16xf32>
        %swap3A_631 = arith.constant 0 : i32
        %swap3A_632 = arith.index_cast %swap3A_631 : i32 to index
        %swap3A_633 = arith.index_cast %add3A_600 : i32 to index
        %swap3A_634 = arith.constant 32 : index
        %swap3A_635 = tpu.vector_load %arg10[%swap3A_632, %swap3A_633, %swap3A_634] {strides = array<i32>} : memref<2x100x64xf32, #tpu.memory_space<vmem>>, vector<1x1x16xf32>,
        %swap3A_636 = vector.shape_cast %swap3A_635 : vector<1x1x16xf32> to vector<16xf32>
        %swap3A_637 = vector.shape_cast %get3A_630 : vector<16xf32> to vector<1x1x16xf32>
        tpu.vector_store %arg10[%swap3A_632, %swap3A_633, %swap3A_634], %swap3A_637 {strides = array<i32>} : memref<2x100x64xf32, #tpu.memory_space<vmem>>, vector<1x1x16xf32>,
        %add3A_638 = arith.constant 0 : i32
        %add3A_639 = arith.addi %add3A_638, %add3A_600 : i32
        %get3A_640 = arith.index_cast %add3A_639 : i32 to index
        %get3A_641 = arith.constant 48 : index
        %get3A_642 = tpu.vector_load %arg8[%get3A_640, %get3A_641] {strides = array<i32>} : memref<208x128xf32, #tpu.memory_space<vmem>>, vector<1x16xf32>,
        %get3A_643 = vector.shape_cast %get3A_642 : vector<1x16xf32> to vector<16xf32>
        %swap3A_644 = arith.constant 0 : i32
        %swap3A_645 = arith.index_cast %swap3A_644 : i32 to index
        %swap3A_646 = arith.index_cast %add3A_600 : i32 to index
        %swap3A_647 = arith.constant 48 : index
        %swap3A_648 = tpu.vector_load %arg10[%swap3A_645, %swap3A_646, %swap3A_647] {strides = array<i32>} : memref<2x100x64xf32, #tpu.memory_space<vmem>>, vector<1x1x16xf32>,
        %swap3A_649 = vector.shape_cast %swap3A_648 : vector<1x1x16xf32> to vector<16xf32>
        %swap3A_650 = vector.shape_cast %get3A_643 : vector<16xf32> to vector<1x1x16xf32>
        tpu.vector_store %arg10[%swap3A_645, %swap3A_646, %swap3A_647], %swap3A_650 {strides = array<i32>} : memref<2x100x64xf32, #tpu.memory_space<vmem>>, vector<1x1x16xf32>,
        %mul3A_651 = arith.constant 4 : i32
        %mul3A_652 = arith.muli %scan3A_596, %mul3A_651 : i32
        %add3A_653 = arith.constant 1 : i32
        %add3A_654 = arith.addi %mul3A_652, %add3A_653 : i32
        %add3A_655 = arith.constant 0 : i32
        %add3A_656 = arith.addi %add3A_655, %add3A_654 : i32
        %get3A_657 = arith.index_cast %add3A_656 : i32 to index
        %get3A_658 = arith.constant 0 : index
        %get3A_659 = tpu.vector_load %arg8[%get3A_657, %get3A_658] {strides = array<i32>} : memref<208x128xf32, #tpu.memory_space<vmem>>, vector<1x16xf32>,
        %get3A_660 = vector.shape_cast %get3A_659 : vector<1x16xf32> to vector<16xf32>
        %swap3A_661 = arith.constant 0 : i32
        %swap3A_662 = arith.index_cast %swap3A_661 : i32 to index
        %swap3A_663 = arith.index_cast %add3A_654 : i32 to index
        %swap3A_664 = arith.constant 0 : index
        %swap3A_665 = tpu.vector_load %arg10[%swap3A_662, %swap3A_663, %swap3A_664] {strides = array<i32>} : memref<2x100x64xf32, #tpu.memory_space<vmem>>, vector<1x1x16xf32>,
        %swap3A_666 = vector.shape_cast %swap3A_665 : vector<1x1x16xf32> to vector<16xf32>
        %swap3A_667 = vector.shape_cast %get3A_660 : vector<16xf32> to vector<1x1x16xf32>
        tpu.vector_store %arg10[%swap3A_662, %swap3A_663, %swap3A_664], %swap3A_667 {strides = array<i32>} : memref<2x100x64xf32, #tpu.memory_space<vmem>>, vector<1x1x16xf32>,
        %add3A_668 = arith.constant 0 : i32
        %add3A_669 = arith.addi %add3A_668, %add3A_654 : i32
        %get3A_670 = arith.index_cast %add3A_669 : i32 to index
        %get3A_671 = arith.constant 16 : index
        %get3A_672 = tpu.vector_load %arg8[%get3A_670, %get3A_671] {strides = array<i32>} : memref<208x128xf32, #tpu.memory_space<vmem>>, vector<1x16xf32>,
        %get3A_673 = vector.shape_cast %get3A_672 : vector<1x16xf32> to vector<16xf32>
        %swap3A_674 = arith.constant 0 : i32
        %swap3A_675 = arith.index_cast %swap3A_674 : i32 to index
        %swap3A_676 = arith.index_cast %add3A_654 : i32 to index
        %swap3A_677 = arith.constant 16 : index
        %swap3A_678 = tpu.vector_load %arg10[%swap3A_675, %swap3A_676, %swap3A_677] {strides = array<i32>} : memref<2x100x64xf32, #tpu.memory_space<vmem>>, vector<1x1x16xf32>,
        %swap3A_679 = vector.shape_cast %swap3A_678 : vector<1x1x16xf32> to vector<16xf32>
        %swap3A_680 = vector.shape_cast %get3A_673 : vector<16xf32> to vector<1x1x16xf32>
        tpu.vector_store %arg10[%swap3A_675, %swap3A_676, %swap3A_677], %swap3A_680 {strides = array<i32>} : memref<2x100x64xf32, #tpu.memory_space<vmem>>, vector<1x1x16xf32>,
        %add3A_681 = arith.constant 0 : i32
        %add3A_682 = arith.addi %add3A_681, %add3A_654 : i32
        %get3A_683 = arith.index_cast %add3A_682 : i32 to index
        %get3A_684 = arith.constant 32 : index
        %get3A_685 = tpu.vector_load %arg8[%get3A_683, %get3A_684] {strides = array<i32>} : memref<208x128xf32, #tpu.memory_space<vmem>>, vector<1x16xf32>,
        %get3A_686 = vector.shape_cast %get3A_685 : vector<1x16xf32> to vector<16xf32>
        %swap3A_687 = arith.constant 0 : i32
        %swap3A_688 = arith.index_cast %swap3A_687 : i32 to index
        %swap3A_689 = arith.index_cast %add3A_654 : i32 to index
        %swap3A_690 = arith.constant 32 : index
        %swap3A_691 = tpu.vector_load %arg10[%swap3A_688, %swap3A_689, %swap3A_690] {strides = array<i32>} : memref<2x100x64xf32, #tpu.memory_space<vmem>>, vector<1x1x16xf32>,
        %swap3A_692 = vector.shape_cast %swap3A_691 : vector<1x1x16xf32> to vector<16xf32>
        %swap3A_693 = vector.shape_cast %get3A_686 : vector<16xf32> to vector<1x1x16xf32>
        tpu.vector_store %arg10[%swap3A_688, %swap3A_689, %swap3A_690], %swap3A_693 {strides = array<i32>} : memref<2x100x64xf32, #tpu.memory_space<vmem>>, vector<1x1x16xf32>,
        %add3A_694 = arith.constant 0 : i32
        %add3A_695 = arith.addi %add3A_694, %add3A_654 : i32
        %get3A_696 = arith.index_cast %add3A_695 : i32 to index
        %get3A_697 = arith.constant 48 : index
        %get3A_698 = tpu.vector_load %arg8[%get3A_696, %get3A_697] {strides = array<i32>} : memref<208x128xf32, #tpu.memory_space<vmem>>, vector<1x16xf32>,
        %get3A_699 = vector.shape_cast %get3A_698 : vector<1x16xf32> to vector<16xf32>
        %swap3A_700 = arith.constant 0 : i32
        %swap3A_701 = arith.index_cast %swap3A_700 : i32 to index
        %swap3A_702 = arith.index_cast %add3A_654 : i32 to index
        %swap3A_703 = arith.constant 48 : index
        %swap3A_704 = tpu.vector_load %arg10[%swap3A_701, %swap3A_702, %swap3A_703] {strides = array<i32>} : memref<2x100x64xf32, #tpu.memory_space<vmem>>, vector<1x1x16xf32>,
        %swap3A_705 = vector.shape_cast %swap3A_704 : vector<1x1x16xf32> to vector<16xf32>
        %swap3A_706 = vector.shape_cast %get3A_699 : vector<16xf32> to vector<1x1x16xf32>
        tpu.vector_store %arg10[%swap3A_701, %swap3A_702, %swap3A_703], %swap3A_706 {strides = array<i32>} : memref<2x100x64xf32, #tpu.memory_space<vmem>>, vector<1x1x16xf32>,
        %mul3A_707 = arith.constant 4 : i32
        %mul3A_708 = arith.muli %scan3A_596, %mul3A_707 : i32
        %add3A_709 = arith.constant 2 : i32
        %add3A_710 = arith.addi %mul3A_708, %add3A_709 : i32
        %add3A_711 = arith.constant 0 : i32
        %add3A_712 = arith.addi %add3A_711, %add3A_710 : i32
        %get3A_713 = arith.index_cast %add3A_712 : i32 to index
        %get3A_714 = arith.constant 0 : index
        %get3A_715 = tpu.vector_load %arg8[%get3A_713, %get3A_714] {strides = array<i32>} : memref<208x128xf32, #tpu.memory_space<vmem>>, vector<1x16xf32>,
        %get3A_716 = vector.shape_cast %get3A_715 : vector<1x16xf32> to vector<16xf32>
        %swap3A_717 = arith.constant 0 : i32
        %swap3A_718 = arith.index_cast %swap3A_717 : i32 to index
        %swap3A_719 = arith.index_cast %add3A_710 : i32 to index
        %swap3A_720 = arith.constant 0 : index
        %swap3A_721 = tpu.vector_load %arg10[%swap3A_718, %swap3A_719, %swap3A_720] {strides = array<i32>} : memref<2x100x64xf32, #tpu.memory_space<vmem>>, vector<1x1x16xf32>,
        %swap3A_722 = vector.shape_cast %swap3A_721 : vector<1x1x16xf32> to vector<16xf32>
        %swap3A_723 = vector.shape_cast %get3A_716 : vector<16xf32> to vector<1x1x16xf32>
        tpu.vector_store %arg10[%swap3A_718, %swap3A_719, %swap3A_720], %swap3A_723 {strides = array<i32>} : memref<2x100x64xf32, #tpu.memory_space<vmem>>, vector<1x1x16xf32>,
        %add3A_724 = arith.constant 0 : i32
        %add3A_725 = arith.addi %add3A_724, %add3A_710 : i32
        %get3A_726 = arith.index_cast %add3A_725 : i32 to index
        %get3A_727 = arith.constant 16 : index
        %get3A_728 = tpu.vector_load %arg8[%get3A_726, %get3A_727] {strides = array<i32>} : memref<208x128xf32, #tpu.memory_space<vmem>>, vector<1x16xf32>,
        %get3A_729 = vector.shape_cast %get3A_728 : vector<1x16xf32> to vector<16xf32>
        %swap3A_730 = arith.constant 0 : i32
        %swap3A_731 = arith.index_cast %swap3A_730 : i32 to index
        %swap3A_732 = arith.index_cast %add3A_710 : i32 to index
        %swap3A_733 = arith.constant 16 : index
        %swap3A_734 = tpu.vector_load %arg10[%swap3A_731, %swap3A_732, %swap3A_733] {strides = array<i32>} : memref<2x100x64xf32, #tpu.memory_space<vmem>>, vector<1x1x16xf32>,
        %swap3A_735 = vector.shape_cast %swap3A_734 : vector<1x1x16xf32> to vector<16xf32>
        %swap3A_736 = vector.shape_cast %get3A_729 : vector<16xf32> to vector<1x1x16xf32>
        tpu.vector_store %arg10[%swap3A_731, %swap3A_732, %swap3A_733], %swap3A_736 {strides = array<i32>} : memref<2x100x64xf32, #tpu.memory_space<vmem>>, vector<1x1x16xf32>,
        %add3A_737 = arith.constant 0 : i32
        %add3A_738 = arith.addi %add3A_737, %add3A_710 : i32
        %get3A_739 = arith.index_cast %add3A_738 : i32 to index
        %get3A_740 = arith.constant 32 : index
        %get3A_741 = tpu.vector_load %arg8[%get3A_739, %get3A_740] {strides = array<i32>} : memref<208x128xf32, #tpu.memory_space<vmem>>, vector<1x16xf32>,
        %get3A_742 = vector.shape_cast %get3A_741 : vector<1x16xf32> to vector<16xf32>
        %swap3A_743 = arith.constant 0 : i32
        %swap3A_744 = arith.index_cast %swap3A_743 : i32 to index
        %swap3A_745 = arith.index_cast %add3A_710 : i32 to index
        %swap3A_746 = arith.constant 32 : index
        %swap3A_747 = tpu.vector_load %arg10[%swap3A_744, %swap3A_745, %swap3A_746] {strides = array<i32>} : memref<2x100x64xf32, #tpu.memory_space<vmem>>, vector<1x1x16xf32>,
        %swap3A_748 = vector.shape_cast %swap3A_747 : vector<1x1x16xf32> to vector<16xf32>
        %swap3A_749 = vector.shape_cast %get3A_742 : vector<16xf32> to vector<1x1x16xf32>
        tpu.vector_store %arg10[%swap3A_744, %swap3A_745, %swap3A_746], %swap3A_749 {strides = array<i32>} : memref<2x100x64xf32, #tpu.memory_space<vmem>>, vector<1x1x16xf32>,
        %add3A_750 = arith.constant 0 : i32
        %add3A_751 = arith.addi %add3A_750, %add3A_710 : i32
        %get3A_752 = arith.index_cast %add3A_751 : i32 to index
        %get3A_753 = arith.constant 48 : index
        %get3A_754 = tpu.vector_load %arg8[%get3A_752, %get3A_753] {strides = array<i32>} : memref<208x128xf32, #tpu.memory_space<vmem>>, vector<1x16xf32>,
        %get3A_755 = vector.shape_cast %get3A_754 : vector<1x16xf32> to vector<16xf32>
        %swap3A_756 = arith.constant 0 : i32
        %swap3A_757 = arith.index_cast %swap3A_756 : i32 to index
        %swap3A_758 = arith.index_cast %add3A_710 : i32 to index
        %swap3A_759 = arith.constant 48 : index
        %swap3A_760 = tpu.vector_load %arg10[%swap3A_757, %swap3A_758, %swap3A_759] {strides = array<i32>} : memref<2x100x64xf32, #tpu.memory_space<vmem>>, vector<1x1x16xf32>,
        %swap3A_761 = vector.shape_cast %swap3A_760 : vector<1x1x16xf32> to vector<16xf32>
        %swap3A_762 = vector.shape_cast %get3A_755 : vector<16xf32> to vector<1x1x16xf32>
        tpu.vector_store %arg10[%swap3A_757, %swap3A_758, %swap3A_759], %swap3A_762 {strides = array<i32>} : memref<2x100x64xf32, #tpu.memory_space<vmem>>, vector<1x1x16xf32>,
        %mul3A_763 = arith.constant 4 : i32
        %mul3A_764 = arith.muli %scan3A_596, %mul3A_763 : i32
        %add3A_765 = arith.constant 3 : i32
        %add3A_766 = arith.addi %mul3A_764, %add3A_765 : i32
        %add3A_767 = arith.constant 0 : i32
        %add3A_768 = arith.addi %add3A_767, %add3A_766 : i32
        %get3A_769 = arith.index_cast %add3A_768 : i32 to index
        %get3A_770 = arith.constant 0 : index
        %get3A_771 = tpu.vector_load %arg8[%get3A_769, %get3A_770] {strides = array<i32>} : memref<208x128xf32, #tpu.memory_space<vmem>>, vector<1x16xf32>,
        %get3A_772 = vector.shape_cast %get3A_771 : vector<1x16xf32> to vector<16xf32>
        %swap3A_773 = arith.constant 0 : i32
        %swap3A_774 = arith.index_cast %swap3A_773 : i32 to index
        %swap3A_775 = arith.index_cast %add3A_766 : i32 to index
        %swap3A_776 = arith.constant 0 : index
        %swap3A_777 = tpu.vector_load %arg10[%swap3A_774, %swap3A_775, %swap3A_776] {strides = array<i32>} : memref<2x100x64xf32, #tpu.memory_space<vmem>>, vector<1x1x16xf32>,
        %swap3A_778 = vector.shape_cast %swap3A_777 : vector<1x1x16xf32> to vector<16xf32>
        %swap3A_779 = vector.shape_cast %get3A_772 : vector<16xf32> to vector<1x1x16xf32>
        tpu.vector_store %arg10[%swap3A_774, %swap3A_775, %swap3A_776], %swap3A_779 {strides = array<i32>} : memref<2x100x64xf32, #tpu.memory_space<vmem>>, vector<1x1x16xf32>,
        %add3A_780 = arith.constant 0 : i32
        %add3A_781 = arith.addi %add3A_780, %add3A_766 : i32
        %get3A_782 = arith.index_cast %add3A_781 : i32 to index
        %get3A_783 = arith.constant 16 : index
        %get3A_784 = tpu.vector_load %arg8[%get3A_782, %get3A_783] {strides = array<i32>} : memref<208x128xf32, #tpu.memory_space<vmem>>, vector<1x16xf32>,
        %get3A_785 = vector.shape_cast %get3A_784 : vector<1x16xf32> to vector<16xf32>
        %swap3A_786 = arith.constant 0 : i32
        %swap3A_787 = arith.index_cast %swap3A_786 : i32 to index
        %swap3A_788 = arith.index_cast %add3A_766 : i32 to index
        %swap3A_789 = arith.constant 16 : index
        %swap3A_790 = tpu.vector_load %arg10[%swap3A_787, %swap3A_788, %swap3A_789] {strides = array<i32>} : memref<2x100x64xf32, #tpu.memory_space<vmem>>, vector<1x1x16xf32>,
        %swap3A_791 = vector.shape_cast %swap3A_790 : vector<1x1x16xf32> to vector<16xf32>
        %swap3A_792 = vector.shape_cast %get3A_785 : vector<16xf32> to vector<1x1x16xf32>
        tpu.vector_store %arg10[%swap3A_787, %swap3A_788, %swap3A_789], %swap3A_792 {strides = array<i32>} : memref<2x100x64xf32, #tpu.memory_space<vmem>>, vector<1x1x16xf32>,
        %add3A_793 = arith.constant 0 : i32
        %add3A_794 = arith.addi %add3A_793, %add3A_766 : i32
        %get3A_795 = arith.index_cast %add3A_794 : i32 to index
        %get3A_796 = arith.constant 32 : index
        %get3A_797 = tpu.vector_load %arg8[%get3A_795, %get3A_796] {strides = array<i32>} : memref<208x128xf32, #tpu.memory_space<vmem>>, vector<1x16xf32>,
        %get3A_798 = vector.shape_cast %get3A_797 : vector<1x16xf32> to vector<16xf32>
        %swap3A_799 = arith.constant 0 : i32
        %swap3A_800 = arith.index_cast %swap3A_799 : i32 to index
        %swap3A_801 = arith.index_cast %add3A_766 : i32 to index
        %swap3A_802 = arith.constant 32 : index
        %swap3A_803 = tpu.vector_load %arg10[%swap3A_800, %swap3A_801, %swap3A_802] {strides = array<i32>} : memref<2x100x64xf32, #tpu.memory_space<vmem>>, vector<1x1x16xf32>,
        %swap3A_804 = vector.shape_cast %swap3A_803 : vector<1x1x16xf32> to vector<16xf32>
        %swap3A_805 = vector.shape_cast %get3A_798 : vector<16xf32> to vector<1x1x16xf32>
        tpu.vector_store %arg10[%swap3A_800, %swap3A_801, %swap3A_802], %swap3A_805 {strides = array<i32>} : memref<2x100x64xf32, #tpu.memory_space<vmem>>, vector<1x1x16xf32>,
        %add3A_806 = arith.constant 0 : i32
        %add3A_807 = arith.addi %add3A_806, %add3A_766 : i32
        %get3A_808 = arith.index_cast %add3A_807 : i32 to index
        %get3A_809 = arith.constant 48 : index
        %get3A_810 = tpu.vector_load %arg8[%get3A_808, %get3A_809] {strides = array<i32>} : memref<208x128xf32, #tpu.memory_space<vmem>>, vector<1x16xf32>,
        %get3A_811 = vector.shape_cast %get3A_810 : vector<1x16xf32> to vector<16xf32>
        %swap3A_812 = arith.constant 0 : i32
        %swap3A_813 = arith.index_cast %swap3A_812 : i32 to index
        %swap3A_814 = arith.index_cast %add3A_766 : i32 to index
        %swap3A_815 = arith.constant 48 : index
        %swap3A_816 = tpu.vector_load %arg10[%swap3A_813, %swap3A_814, %swap3A_815] {strides = array<i32>} : memref<2x100x64xf32, #tpu.memory_space<vmem>>, vector<1x1x16xf32>,
        %swap3A_817 = vector.shape_cast %swap3A_816 : vector<1x1x16xf32> to vector<16xf32>
        %swap3A_818 = vector.shape_cast %get3A_811 : vector<16xf32> to vector<1x1x16xf32>
        tpu.vector_store %arg10[%swap3A_813, %swap3A_814, %swap3A_815], %swap3A_818 {strides = array<i32>} : memref<2x100x64xf32, #tpu.memory_space<vmem>>, vector<1x1x16xf32>,
      }
      %scan3A_156 = arith.constant 25 : i32
      %scan3A_157 = arith.constant 0 : i32
      %scan3A_158 = arith.constant 0 : i32
      %scan3A_159 = arith.constant 25 : i32
      %scan3A_160 = arith.addi %scan3A_158, %scan3A_159 : i32
      %scan3A_161 = arith.constant 1 : i32
      scf.for %scan3A_596 = %scan3A_158 to %scan3A_160 step %scan3A_161  : i32 {
        %mul3A_597 = arith.constant 4 : i32
        %mul3A_598 = arith.muli %scan3A_596, %mul3A_597 : i32
        %add3A_599 = arith.constant 0 : i32
        %add3A_600 = arith.addi %mul3A_598, %add3A_599 : i32
        %add3A_601 = arith.constant 104 : i32
        %add3A_602 = arith.addi %add3A_601, %add3A_600 : i32
        %get3A = arith.index_cast %add3A_602 : i32 to index
        %get3A_603 = arith.constant 0 : index
        %get3A_604 = tpu.vector_load %arg8[%get3A, %get3A_603] {strides = array<i32>} : memref<208x128xf32, #tpu.memory_space<vmem>>, vector<1x16xf32>,
        %get3A_605 = vector.shape_cast %get3A_604 : vector<1x16xf32> to vector<16xf32>
        %swap3A = arith.constant 1 : i32
        %swap3A_606 = arith.index_cast %swap3A : i32 to index
        %swap3A_607 = arith.index_cast %add3A_600 : i32 to index
        %swap3A_608 = arith.constant 0 : index
        %swap3A_609 = tpu.vector_load %arg10[%swap3A_606, %swap3A_607, %swap3A_608] {strides = array<i32>} : memref<2x100x64xf32, #tpu.memory_space<vmem>>, vector<1x1x16xf32>,
        %swap3A_610 = vector.shape_cast %swap3A_609 : vector<1x1x16xf32> to vector<16xf32>
        %swap3A_611 = vector.shape_cast %get3A_605 : vector<16xf32> to vector<1x1x16xf32>
        tpu.vector_store %arg10[%swap3A_606, %swap3A_607, %swap3A_608], %swap3A_611 {strides = array<i32>} : memref<2x100x64xf32, #tpu.memory_space<vmem>>, vector<1x1x16xf32>,
        %add3A_612 = arith.constant 104 : i32
        %add3A_613 = arith.addi %add3A_612, %add3A_600 : i32
        %get3A_614 = arith.index_cast %add3A_613 : i32 to index
        %get3A_615 = arith.constant 16 : index
        %get3A_616 = tpu.vector_load %arg8[%get3A_614, %get3A_615] {strides = array<i32>} : memref<208x128xf32, #tpu.memory_space<vmem>>, vector<1x16xf32>,
        %get3A_617 = vector.shape_cast %get3A_616 : vector<1x16xf32> to vector<16xf32>
        %swap3A_618 = arith.constant 1 : i32
        %swap3A_619 = arith.index_cast %swap3A_618 : i32 to index
        %swap3A_620 = arith.index_cast %add3A_600 : i32 to index
        %swap3A_621 = arith.constant 16 : index
        %swap3A_622 = tpu.vector_load %arg10[%swap3A_619, %swap3A_620, %swap3A_621] {strides = array<i32>} : memref<2x100x64xf32, #tpu.memory_space<vmem>>, vector<1x1x16xf32>,
        %swap3A_623 = vector.shape_cast %swap3A_622 : vector<1x1x16xf32> to vector<16xf32>
        %swap3A_624 = vector.shape_cast %get3A_617 : vector<16xf32> to vector<1x1x16xf32>
        tpu.vector_store %arg10[%swap3A_619, %swap3A_620, %swap3A_621], %swap3A_624 {strides = array<i32>} : memref<2x100x64xf32, #tpu.memory_space<vmem>>, vector<1x1x16xf32>,
        %add3A_625 = arith.constant 104 : i32
        %add3A_626 = arith.addi %add3A_625, %add3A_600 : i32
        %get3A_627 = arith.index_cast %add3A_626 : i32 to index
        %get3A_628 = arith.constant 32 : index
        %get3A_629 = tpu.vector_load %arg8[%get3A_627, %get3A_628] {strides = array<i32>} : memref<208x128xf32, #tpu.memory_space<vmem>>, vector<1x16xf32>,
        %get3A_630 = vector.shape_cast %get3A_629 : vector<1x16xf32> to vector<16xf32>
        %swap3A_631 = arith.constant 1 : i32
        %swap3A_632 = arith.index_cast %swap3A_631 : i32 to index
        %swap3A_633 = arith.index_cast %add3A_600 : i32 to index
        %swap3A_634 = arith.constant 32 : index
        %swap3A_635 = tpu.vector_load %arg10[%swap3A_632, %swap3A_633, %swap3A_634] {strides = array<i32>} : memref<2x100x64xf32, #tpu.memory_space<vmem>>, vector<1x1x16xf32>,
        %swap3A_636 = vector.shape_cast %swap3A_635 : vector<1x1x16xf32> to vector<16xf32>
        %swap3A_637 = vector.shape_cast %get3A_630 : vector<16xf32> to vector<1x1x16xf32>
        tpu.vector_store %arg10[%swap3A_632, %swap3A_633, %swap3A_634], %swap3A_637 {strides = array<i32>} : memref<2x100x64xf32, #tpu.memory_space<vmem>>, vector<1x1x16xf32>,
        %add3A_638 = arith.constant 104 : i32
        %add3A_639 = arith.addi %add3A_638, %add3A_600 : i32
        %get3A_640 = arith.index_cast %add3A_639 : i32 to index
        %get3A_641 = arith.constant 48 : index
        %get3A_642 = tpu.vector_load %arg8[%get3A_640, %get3A_641] {strides = array<i32>} : memref<208x128xf32, #tpu.memory_space<vmem>>, vector<1x16xf32>,
        %get3A_643 = vector.shape_cast %get3A_642 : vector<1x16xf32> to vector<16xf32>
        %swap3A_644 = arith.constant 1 : i32
        %swap3A_645 = arith.index_cast %swap3A_644 : i32 to index
        %swap3A_646 = arith.index_cast %add3A_600 : i32 to index
        %swap3A_647 = arith.constant 48 : index
        %swap3A_648 = tpu.vector_load %arg10[%swap3A_645, %swap3A_646, %swap3A_647] {strides = array<i32>} : memref<2x100x64xf32, #tpu.memory_space<vmem>>, vector<1x1x16xf32>,
        %swap3A_649 = vector.shape_cast %swap3A_648 : vector<1x1x16xf32> to vector<16xf32>
        %swap3A_650 = vector.shape_cast %get3A_643 : vector<16xf32> to vector<1x1x16xf32>
        tpu.vector_store %arg10[%swap3A_645, %swap3A_646, %swap3A_647], %swap3A_650 {strides = array<i32>} : memref<2x100x64xf32, #tpu.memory_space<vmem>>, vector<1x1x16xf32>,
        %mul3A_651 = arith.constant 4 : i32
        %mul3A_652 = arith.muli %scan3A_596, %mul3A_651 : i32
        %add3A_653 = arith.constant 1 : i32
        %add3A_654 = arith.addi %mul3A_652, %add3A_653 : i32
        %add3A_655 = arith.constant 104 : i32
        %add3A_656 = arith.addi %add3A_655, %add3A_654 : i32
        %get3A_657 = arith.index_cast %add3A_656 : i32 to index
        %get3A_658 = arith.constant 0 : index
        %get3A_659 = tpu.vector_load %arg8[%get3A_657, %get3A_658] {strides = array<i32>} : memref<208x128xf32, #tpu.memory_space<vmem>>, vector<1x16xf32>,
        %get3A_660 = vector.shape_cast %get3A_659 : vector<1x16xf32> to vector<16xf32>
        %swap3A_661 = arith.constant 1 : i32
        %swap3A_662 = arith.index_cast %swap3A_661 : i32 to index
        %swap3A_663 = arith.index_cast %add3A_654 : i32 to index
        %swap3A_664 = arith.constant 0 : index
        %swap3A_665 = tpu.vector_load %arg10[%swap3A_662, %swap3A_663, %swap3A_664] {strides = array<i32>} : memref<2x100x64xf32, #tpu.memory_space<vmem>>, vector<1x1x16xf32>,
        %swap3A_666 = vector.shape_cast %swap3A_665 : vector<1x1x16xf32> to vector<16xf32>
        %swap3A_667 = vector.shape_cast %get3A_660 : vector<16xf32> to vector<1x1x16xf32>
        tpu.vector_store %arg10[%swap3A_662, %swap3A_663, %swap3A_664], %swap3A_667 {strides = array<i32>} : memref<2x100x64xf32, #tpu.memory_space<vmem>>, vector<1x1x16xf32>,
        %add3A_668 = arith.constant 104 : i32
        %add3A_669 = arith.addi %add3A_668, %add3A_654 : i32
        %get3A_670 = arith.index_cast %add3A_669 : i32 to index
        %get3A_671 = arith.constant 16 : index
        %get3A_672 = tpu.vector_load %arg8[%get3A_670, %get3A_671] {strides = array<i32>} : memref<208x128xf32, #tpu.memory_space<vmem>>, vector<1x16xf32>,
        %get3A_673 = vector.shape_cast %get3A_672 : vector<1x16xf32> to vector<16xf32>
        %swap3A_674 = arith.constant 1 : i32
        %swap3A_675 = arith.index_cast %swap3A_674 : i32 to index
        %swap3A_676 = arith.index_cast %add3A_654 : i32 to index
        %swap3A_677 = arith.constant 16 : index
        %swap3A_678 = tpu.vector_load %arg10[%swap3A_675, %swap3A_676, %swap3A_677] {strides = array<i32>} : memref<2x100x64xf32, #tpu.memory_space<vmem>>, vector<1x1x16xf32>,
        %swap3A_679 = vector.shape_cast %swap3A_678 : vector<1x1x16xf32> to vector<16xf32>
        %swap3A_680 = vector.shape_cast %get3A_673 : vector<16xf32> to vector<1x1x16xf32>
        tpu.vector_store %arg10[%swap3A_675, %swap3A_676, %swap3A_677], %swap3A_680 {strides = array<i32>} : memref<2x100x64xf32, #tpu.memory_space<vmem>>, vector<1x1x16xf32>,
        %add3A_681 = arith.constant 104 : i32
        %add3A_682 = arith.addi %add3A_681, %add3A_654 : i32
        %get3A_683 = arith.index_cast %add3A_682 : i32 to index
        %get3A_684 = arith.constant 32 : index
        %get3A_685 = tpu.vector_load %arg8[%get3A_683, %get3A_684] {strides = array<i32>} : memref<208x128xf32, #tpu.memory_space<vmem>>, vector<1x16xf32>,
        %get3A_686 = vector.shape_cast %get3A_685 : vector<1x16xf32> to vector<16xf32>
        %swap3A_687 = arith.constant 1 : i32
        %swap3A_688 = arith.index_cast %swap3A_687 : i32 to index
        %swap3A_689 = arith.index_cast %add3A_654 : i32 to index
        %swap3A_690 = arith.constant 32 : index
        %swap3A_691 = tpu.vector_load %arg10[%swap3A_688, %swap3A_689, %swap3A_690] {strides = array<i32>} : memref<2x100x64xf32, #tpu.memory_space<vmem>>, vector<1x1x16xf32>,
        %swap3A_692 = vector.shape_cast %swap3A_691 : vector<1x1x16xf32> to vector<16xf32>
        %swap3A_693 = vector.shape_cast %get3A_686 : vector<16xf32> to vector<1x1x16xf32>
        tpu.vector_store %arg10[%swap3A_688, %swap3A_689, %swap3A_690], %swap3A_693 {strides = array<i32>} : memref<2x100x64xf32, #tpu.memory_space<vmem>>, vector<1x1x16xf32>,
        %add3A_694 = arith.constant 104 : i32
        %add3A_695 = arith.addi %add3A_694, %add3A_654 : i32
        %get3A_696 = arith.index_cast %add3A_695 : i32 to index
        %get3A_697 = arith.constant 48 : index
        %get3A_698 = tpu.vector_load %arg8[%get3A_696, %get3A_697] {strides = array<i32>} : memref<208x128xf32, #tpu.memory_space<vmem>>, vector<1x16xf32>,
        %get3A_699 = vector.shape_cast %get3A_698 : vector<1x16xf32> to vector<16xf32>
        %swap3A_700 = arith.constant 1 : i32
        %swap3A_701 = arith.index_cast %swap3A_700 : i32 to index
        %swap3A_702 = arith.index_cast %add3A_654 : i32 to index
        %swap3A_703 = arith.constant 48 : index
        %swap3A_704 = tpu.vector_load %arg10[%swap3A_701, %swap3A_702, %swap3A_703] {strides = array<i32>} : memref<2x100x64xf32, #tpu.memory_space<vmem>>, vector<1x1x16xf32>,
        %swap3A_705 = vector.shape_cast %swap3A_704 : vector<1x1x16xf32> to vector<16xf32>
        %swap3A_706 = vector.shape_cast %get3A_699 : vector<16xf32> to vector<1x1x16xf32>
        tpu.vector_store %arg10[%swap3A_701, %swap3A_702, %swap3A_703], %swap3A_706 {strides = array<i32>} : memref<2x100x64xf32, #tpu.memory_space<vmem>>, vector<1x1x16xf32>,
        %mul3A_707 = arith.constant 4 : i32
        %mul3A_708 = arith.muli %scan3A_596, %mul3A_707 : i32
        %add3A_709 = arith.constant 2 : i32
        %add3A_710 = arith.addi %mul3A_708, %add3A_709 : i32
        %add3A_711 = arith.constant 104 : i32
        %add3A_712 = arith.addi %add3A_711, %add3A_710 : i32
        %get3A_713 = arith.index_cast %add3A_712 : i32 to index
        %get3A_714 = arith.constant 0 : index
        %get3A_715 = tpu.vector_load %arg8[%get3A_713, %get3A_714] {strides = array<i32>} : memref<208x128xf32, #tpu.memory_space<vmem>>, vector<1x16xf32>,
        %get3A_716 = vector.shape_cast %get3A_715 : vector<1x16xf32> to vector<16xf32>
        %swap3A_717 = arith.constant 1 : i32
        %swap3A_718 = arith.index_cast %swap3A_717 : i32 to index
        %swap3A_719 = arith.index_cast %add3A_710 : i32 to index
        %swap3A_720 = arith.constant 0 : index
        %swap3A_721 = tpu.vector_load %arg10[%swap3A_718, %swap3A_719, %swap3A_720] {strides = array<i32>} : memref<2x100x64xf32, #tpu.memory_space<vmem>>, vector<1x1x16xf32>,
        %swap3A_722 = vector.shape_cast %swap3A_721 : vector<1x1x16xf32> to vector<16xf32>
        %swap3A_723 = vector.shape_cast %get3A_716 : vector<16xf32> to vector<1x1x16xf32>
        tpu.vector_store %arg10[%swap3A_718, %swap3A_719, %swap3A_720], %swap3A_723 {strides = array<i32>} : memref<2x100x64xf32, #tpu.memory_space<vmem>>, vector<1x1x16xf32>,
        %add3A_724 = arith.constant 104 : i32
        %add3A_725 = arith.addi %add3A_724, %add3A_710 : i32
        %get3A_726 = arith.index_cast %add3A_725 : i32 to index
        %get3A_727 = arith.constant 16 : index
        %get3A_728 = tpu.vector_load %arg8[%get3A_726, %get3A_727] {strides = array<i32>} : memref<208x128xf32, #tpu.memory_space<vmem>>, vector<1x16xf32>,
        %get3A_729 = vector.shape_cast %get3A_728 : vector<1x16xf32> to vector<16xf32>
        %swap3A_730 = arith.constant 1 : i32
        %swap3A_731 = arith.index_cast %swap3A_730 : i32 to index
        %swap3A_732 = arith.index_cast %add3A_710 : i32 to index
        %swap3A_733 = arith.constant 16 : index
        %swap3A_734 = tpu.vector_load %arg10[%swap3A_731, %swap3A_732, %swap3A_733] {strides = array<i32>} : memref<2x100x64xf32, #tpu.memory_space<vmem>>, vector<1x1x16xf32>,
        %swap3A_735 = vector.shape_cast %swap3A_734 : vector<1x1x16xf32> to vector<16xf32>
        %swap3A_736 = vector.shape_cast %get3A_729 : vector<16xf32> to vector<1x1x16xf32>
        tpu.vector_store %arg10[%swap3A_731, %swap3A_732, %swap3A_733], %swap3A_736 {strides = array<i32>} : memref<2x100x64xf32, #tpu.memory_space<vmem>>, vector<1x1x16xf32>,
        %add3A_737 = arith.constant 104 : i32
        %add3A_738 = arith.addi %add3A_737, %add3A_710 : i32
        %get3A_739 = arith.index_cast %add3A_738 : i32 to index
        %get3A_740 = arith.constant 32 : index
        %get3A_741 = tpu.vector_load %arg8[%get3A_739, %get3A_740] {strides = array<i32>} : memref<208x128xf32, #tpu.memory_space<vmem>>, vector<1x16xf32>,
        %get3A_742 = vector.shape_cast %get3A_741 : vector<1x16xf32> to vector<16xf32>
        %swap3A_743 = arith.constant 1 : i32
        %swap3A_744 = arith.index_cast %swap3A_743 : i32 to index
        %swap3A_745 = arith.index_cast %add3A_710 : i32 to index
        %swap3A_746 = arith.constant 32 : index
        %swap3A_747 = tpu.vector_load %arg10[%swap3A_744, %swap3A_745, %swap3A_746] {strides = array<i32>} : memref<2x100x64xf32, #tpu.memory_space<vmem>>, vector<1x1x16xf32>,
        %swap3A_748 = vector.shape_cast %swap3A_747 : vector<1x1x16xf32> to vector<16xf32>
        %swap3A_749 = vector.shape_cast %get3A_742 : vector<16xf32> to vector<1x1x16xf32>
        tpu.vector_store %arg10[%swap3A_744, %swap3A_745, %swap3A_746], %swap3A_749 {strides = array<i32>} : memref<2x100x64xf32, #tpu.memory_space<vmem>>, vector<1x1x16xf32>,
        %add3A_750 = arith.constant 104 : i32
        %add3A_751 = arith.addi %add3A_750, %add3A_710 : i32
        %get3A_752 = arith.index_cast %add3A_751 : i32 to index
        %get3A_753 = arith.constant 48 : index
        %get3A_754 = tpu.vector_load %arg8[%get3A_752, %get3A_753] {strides = array<i32>} : memref<208x128xf32, #tpu.memory_space<vmem>>, vector<1x16xf32>,
        %get3A_755 = vector.shape_cast %get3A_754 : vector<1x16xf32> to vector<16xf32>
        %swap3A_756 = arith.constant 1 : i32
        %swap3A_757 = arith.index_cast %swap3A_756 : i32 to index
        %swap3A_758 = arith.index_cast %add3A_710 : i32 to index
        %swap3A_759 = arith.constant 48 : index
        %swap3A_760 = tpu.vector_load %arg10[%swap3A_757, %swap3A_758, %swap3A_759] {strides = array<i32>} : memref<2x100x64xf32, #tpu.memory_space<vmem>>, vector<1x1x16xf32>,
        %swap3A_761 = vector.shape_cast %swap3A_760 : vector<1x1x16xf32> to vector<16xf32>
        %swap3A_762 = vector.shape_cast %get3A_755 : vector<16xf32> to vector<1x1x16xf32>
        tpu.vector_store %arg10[%swap3A_757, %swap3A_758, %swap3A_759], %swap3A_762 {strides = array<i32>} : memref<2x100x64xf32, #tpu.memory_space<vmem>>, vector<1x1x16xf32>,
        %mul3A_763 = arith.constant 4 : i32
        %mul3A_764 = arith.muli %scan3A_596, %mul3A_763 : i32
        %add3A_765 = arith.constant 3 : i32
        %add3A_766 = arith.addi %mul3A_764, %add3A_765 : i32
        %add3A_767 = arith.constant 104 : i32
        %add3A_768 = arith.addi %add3A_767, %add3A_766 : i32
        %get3A_769 = arith.index_cast %add3A_768 : i32 to index
        %get3A_770 = arith.constant 0 : index
        %get3A_771 = tpu.vector_load %arg8[%get3A_769, %get3A_770] {strides = array<i32>} : memref<208x128xf32, #tpu.memory_space<vmem>>, vector<1x16xf32>,
        %get3A_772 = vector.shape_cast %get3A_771 : vector<1x16xf32> to vector<16xf32>
        %swap3A_773 = arith.constant 1 : i32
        %swap3A_774 = arith.index_cast %swap3A_773 : i32 to index
        %swap3A_775 = arith.index_cast %add3A_766 : i32 to index
        %swap3A_776 = arith.constant 0 : index
        %swap3A_777 = tpu.vector_load %arg10[%swap3A_774, %swap3A_775, %swap3A_776] {strides = array<i32>} : memref<2x100x64xf32, #tpu.memory_space<vmem>>, vector<1x1x16xf32>,
        %swap3A_778 = vector.shape_cast %swap3A_777 : vector<1x1x16xf32> to vector<16xf32>
        %swap3A_779 = vector.shape_cast %get3A_772 : vector<16xf32> to vector<1x1x16xf32>
        tpu.vector_store %arg10[%swap3A_774, %swap3A_775, %swap3A_776], %swap3A_779 {strides = array<i32>} : memref<2x100x64xf32, #tpu.memory_space<vmem>>, vector<1x1x16xf32>,
        %add3A_780 = arith.constant 104 : i32
        %add3A_781 = arith.addi %add3A_780, %add3A_766 : i32
        %get3A_782 = arith.index_cast %add3A_781 : i32 to index
        %get3A_783 = arith.constant 16 : index
        %get3A_784 = tpu.vector_load %arg8[%get3A_782, %get3A_783] {strides = array<i32>} : memref<208x128xf32, #tpu.memory_space<vmem>>, vector<1x16xf32>,
        %get3A_785 = vector.shape_cast %get3A_784 : vector<1x16xf32> to vector<16xf32>
        %swap3A_786 = arith.constant 1 : i32
        %swap3A_787 = arith.index_cast %swap3A_786 : i32 to index
        %swap3A_788 = arith.index_cast %add3A_766 : i32 to index
        %swap3A_789 = arith.constant 16 : index
        %swap3A_790 = tpu.vector_load %arg10[%swap3A_787, %swap3A_788, %swap3A_789] {strides = array<i32>} : memref<2x100x64xf32, #tpu.memory_space<vmem>>, vector<1x1x16xf32>,
        %swap3A_791 = vector.shape_cast %swap3A_790 : vector<1x1x16xf32> to vector<16xf32>
        %swap3A_792 = vector.shape_cast %get3A_785 : vector<16xf32> to vector<1x1x16xf32>
        tpu.vector_store %arg10[%swap3A_787, %swap3A_788, %swap3A_789], %swap3A_792 {strides = array<i32>} : memref<2x100x64xf32, #tpu.memory_space<vmem>>, vector<1x1x16xf32>,
        %add3A_793 = arith.constant 104 : i32
        %add3A_794 = arith.addi %add3A_793, %add3A_766 : i32
        %get3A_795 = arith.index_cast %add3A_794 : i32 to index
        %get3A_796 = arith.constant 32 : index
        %get3A_797 = tpu.vector_load %arg8[%get3A_795, %get3A_796] {strides = array<i32>} : memref<208x128xf32, #tpu.memory_space<vmem>>, vector<1x16xf32>,
        %get3A_798 = vector.shape_cast %get3A_797 : vector<1x16xf32> to vector<16xf32>
        %swap3A_799 = arith.constant 1 : i32
        %swap3A_800 = arith.index_cast %swap3A_799 : i32 to index
        %swap3A_801 = arith.index_cast %add3A_766 : i32 to index
        %swap3A_802 = arith.constant 32 : index
        %swap3A_803 = tpu.vector_load %arg10[%swap3A_800, %swap3A_801, %swap3A_802] {strides = array<i32>} : memref<2x100x64xf32, #tpu.memory_space<vmem>>, vector<1x1x16xf32>,
        %swap3A_804 = vector.shape_cast %swap3A_803 : vector<1x1x16xf32> to vector<16xf32>
        %swap3A_805 = vector.shape_cast %get3A_798 : vector<16xf32> to vector<1x1x16xf32>
        tpu.vector_store %arg10[%swap3A_800, %swap3A_801, %swap3A_802], %swap3A_805 {strides = array<i32>} : memref<2x100x64xf32, #tpu.memory_space<vmem>>, vector<1x1x16xf32>,
        %add3A_806 = arith.constant 104 : i32
        %add3A_807 = arith.addi %add3A_806, %add3A_766 : i32
        %get3A_808 = arith.index_cast %add3A_807 : i32 to index
        %get3A_809 = arith.constant 48 : index
        %get3A_810 = tpu.vector_load %arg8[%get3A_808, %get3A_809] {strides = array<i32>} : memref<208x128xf32, #tpu.memory_space<vmem>>, vector<1x16xf32>,
        %get3A_811 = vector.shape_cast %get3A_810 : vector<1x16xf32> to vector<16xf32>
        %swap3A_812 = arith.constant 1 : i32
        %swap3A_813 = arith.index_cast %swap3A_812 : i32 to index
        %swap3A_814 = arith.index_cast %add3A_766 : i32 to index
        %swap3A_815 = arith.constant 48 : index
        %swap3A_816 = tpu.vector_load %arg10[%swap3A_813, %swap3A_814, %swap3A_815] {strides = array<i32>} : memref<2x100x64xf32, #tpu.memory_space<vmem>>, vector<1x1x16xf32>,
        %swap3A_817 = vector.shape_cast %swap3A_816 : vector<1x1x16xf32> to vector<16xf32>
        %swap3A_818 = vector.shape_cast %get3A_811 : vector<16xf32> to vector<1x1x16xf32>
        tpu.vector_store %arg10[%swap3A_813, %swap3A_814, %swap3A_815], %swap3A_818 {strides = array<i32>} : memref<2x100x64xf32, #tpu.memory_space<vmem>>, vector<1x1x16xf32>,
      }
      %scan3A_162 = arith.constant 25 : i32
      %add3A_163 = arith.constant 2 : i32
      %add3A_164 = arith.addi %multiple_of3A_19, %add3A_163 : i32
      %dma_start3A_165 = arith.constant 0 : i32
      %dma_start3A_166 = arith.constant 0 : i32
      %dma_start3A_167 = tpu.memref_slice %arg4[%add3A_164, %dma_start3A_165, %dma_start3A_166] : memref<16384x100x64xf32, #tpu.memory_space<hbm>> -> memref<2x100x64xf32, #tpu.memory_space<hbm>>
      %dma_start3A_168 = arith.constant 0 : i32
      %dma_start3A_169 = arith.constant 0 : i32
      %dma_start3A_170 = tpu.memref_slice %arg4[%add3A_164, %dma_start3A_168, %dma_start3A_169] : memref<16384x100x64xf32, #tpu.memory_space<hbm>> -> memref<2x100x64xf32, #tpu.memory_space<hbm>>
      tpu.enqueue_dma source(%arg10 : memref<2x100x64xf32, #tpu.memory_space<vmem>>) target(%dma_start3A_170 : memref<2x100x64xf32, #tpu.memory_space<hbm>>) target_semaphore(%arg14 : memref<!tpu.dma_semaphore, #tpu.memory_space<semaphore_mem>>)
      %dma_start3A_171 = arith.constant 6 : i32
      %dma_start3A_172 = arith.constant 0 : i32
      %dma_start3A_173 = arith.constant 0 : i32
      %dma_start3A_174 = tpu.memref_slice %arg8[%dma_start3A_172, %dma_start3A_173] : memref<208x128xf32, #tpu.memory_space<vmem>> -> memref<100x128xf32, #tpu.memory_space<vmem>>
      %dma_start3A_175 = arith.constant 0 : i32
      %dma_start3A_176 = tpu.memref_slice %arg5[%dma_start3A_171, %dma_start3A_175] : memref<8x100xi32, #tpu.memory_space<vmem>> -> memref<1x100xi32, #tpu.memory_space<vmem>>
      %dma_start3A_177 = tpu.memref_squeeze %dma_start3A_176 : memref<1x100xi32, #tpu.memory_space<vmem>> -> memref<100xi32, #tpu.memory_space<vmem>>
      %dma_start3A_178 = arith.constant 0 : i32
      %dma_start3A_179 = arith.constant 0 : i32
      %dma_start3A_180 = tpu.memref_slice %arg3[%dma_start3A_178, %dma_start3A_179] : memref<1000000x128xf32, #tpu.memory_space<hbm>> -> memref<1000000x128xf32, #tpu.memory_space<hbm>>
      tpu.enqueue_indirect_dma source(%dma_start3A_180 : memref<1000000x128xf32, #tpu.memory_space<hbm>>) target(%dma_start3A_174 : memref<100x128xf32, #tpu.memory_space<vmem>>) offsets(%dma_start3A_177 : memref<100xi32, #tpu.memory_space<vmem>>) semaphore(%arg12 : memref<!tpu.dma_semaphore, #tpu.memory_space<semaphore_mem>>)
      %dma_start3A_181 = arith.constant 7 : i32
      %dma_start3A_182 = arith.constant 104 : i32
      %dma_start3A_183 = arith.constant 0 : i32
      %dma_start3A_184 = tpu.memref_slice %arg8[%dma_start3A_182, %dma_start3A_183] : memref<208x128xf32, #tpu.memory_space<vmem>> -> memref<100x128xf32, #tpu.memory_space<vmem>>
      %dma_start3A_185 = arith.constant 0 : i32
      %dma_start3A_186 = tpu.memref_slice %arg5[%dma_start3A_181, %dma_start3A_185] : memref<8x100xi32, #tpu.memory_space<vmem>> -> memref<1x100xi32, #tpu.memory_space<vmem>>
      %dma_start3A_187 = tpu.memref_squeeze %dma_start3A_186 : memref<1x100xi32, #tpu.memory_space<vmem>> -> memref<100xi32, #tpu.memory_space<vmem>>
      %dma_start3A_188 = arith.constant 0 : i32
      %dma_start3A_189 = arith.constant 0 : i32
      %dma_start3A_190 = tpu.memref_slice %arg3[%dma_start3A_188, %dma_start3A_189] : memref<1000000x128xf32, #tpu.memory_space<hbm>> -> memref<1000000x128xf32, #tpu.memory_space<hbm>>
      tpu.enqueue_indirect_dma source(%dma_start3A_190 : memref<1000000x128xf32, #tpu.memory_space<hbm>>) target(%dma_start3A_184 : memref<100x128xf32, #tpu.memory_space<vmem>>) offsets(%dma_start3A_187 : memref<100xi32, #tpu.memory_space<vmem>>) semaphore(%arg12 : memref<!tpu.dma_semaphore, #tpu.memory_space<semaphore_mem>>)
      %dma_wait3A_191 = arith.constant 4 : i32
      %dma_wait3A_192 = arith.constant 0 : i32
      %dma_wait3A_193 = arith.constant 0 : i32
      %dma_wait3A_194 = tpu.memref_slice %arg7[%dma_wait3A_192, %dma_wait3A_193] : memref<208x128xf32, #tpu.memory_space<vmem>> -> memref<100x128xf32, #tpu.memory_space<vmem>>
      %dma_wait3A_195 = arith.constant 0 : i32
      %dma_wait3A_196 = tpu.memref_slice %arg5[%dma_wait3A_191, %dma_wait3A_195] : memref<8x100xi32, #tpu.memory_space<vmem>> -> memref<1x100xi32, #tpu.memory_space<vmem>>
      %dma_wait3A_197 = tpu.memref_squeeze %dma_wait3A_196 : memref<1x100xi32, #tpu.memory_space<vmem>> -> memref<100xi32, #tpu.memory_space<vmem>>
      %dma_wait3A_198 = arith.constant 0 : i32
      %dma_wait3A_199 = arith.constant 0 : i32
      %dma_wait3A_200 = tpu.memref_slice %arg3[%dma_wait3A_198, %dma_wait3A_199] : memref<1000000x128xf32, #tpu.memory_space<hbm>> -> memref<1000000x128xf32, #tpu.memory_space<hbm>>
      tpu.wait_indirect_dma semaphore(%arg11 : memref<!tpu.dma_semaphore, #tpu.memory_space<semaphore_mem>>) src(%dma_wait3A_200 : memref<1000000x128xf32, #tpu.memory_space<hbm>>) dst(%dma_wait3A_194 : memref<100x128xf32, #tpu.memory_space<vmem>>)
      %dma_wait3A_201 = arith.constant 5 : i32
      %dma_wait3A_202 = arith.constant 104 : i32
      %dma_wait3A_203 = arith.constant 0 : i32
      %dma_wait3A_204 = tpu.memref_slice %arg7[%dma_wait3A_202, %dma_wait3A_203] : memref<208x128xf32, #tpu.memory_space<vmem>> -> memref<100x128xf32, #tpu.memory_space<vmem>>
      %dma_wait3A_205 = arith.constant 0 : i32
      %dma_wait3A_206 = tpu.memref_slice %arg5[%dma_wait3A_201, %dma_wait3A_205] : memref<8x100xi32, #tpu.memory_space<vmem>> -> memref<1x100xi32, #tpu.memory_space<vmem>>
      %dma_wait3A_207 = tpu.memref_squeeze %dma_wait3A_206 : memref<1x100xi32, #tpu.memory_space<vmem>> -> memref<100xi32, #tpu.memory_space<vmem>>
      %dma_wait3A_208 = arith.constant 0 : i32
      %dma_wait3A_209 = arith.constant 0 : i32
      %dma_wait3A_210 = tpu.memref_slice %arg3[%dma_wait3A_208, %dma_wait3A_209] : memref<1000000x128xf32, #tpu.memory_space<hbm>> -> memref<1000000x128xf32, #tpu.memory_space<hbm>>
      tpu.wait_indirect_dma semaphore(%arg11 : memref<!tpu.dma_semaphore, #tpu.memory_space<semaphore_mem>>) src(%dma_wait3A_210 : memref<1000000x128xf32, #tpu.memory_space<hbm>>) dst(%dma_wait3A_204 : memref<100x128xf32, #tpu.memory_space<vmem>>)
      %add3A_211 = arith.constant 0 : i32
      %add3A_212 = arith.addi %multiple_of3A_19, %add3A_211 : i32
      %dma_wait3A_213 = arith.constant 0 : i32
      %dma_wait3A_214 = arith.constant 0 : i32
      %dma_wait3A_215 = tpu.memref_slice %arg4[%add3A_212, %dma_wait3A_213, %dma_wait3A_214] : memref<16384x100x64xf32, #tpu.memory_space<hbm>> -> memref<2x100x64xf32, #tpu.memory_space<hbm>>
      %dma_wait3A_216 = arith.constant 0 : i32
      %dma_wait3A_217 = arith.constant 0 : i32
      %dma_wait3A_218 = tpu.memref_slice %arg4[%add3A_212, %dma_wait3A_216, %dma_wait3A_217] : memref<16384x100x64xf32, #tpu.memory_space<hbm>> -> memref<2x100x64xf32, #tpu.memory_space<hbm>>
      tpu.wait_dma2 semaphore(%arg13 : memref<!tpu.dma_semaphore, #tpu.memory_space<semaphore_mem>>) src(%arg9 : memref<2x100x64xf32, #tpu.memory_space<vmem>>) dst(%dma_wait3A_218 : memref<2x100x64xf32, #tpu.memory_space<hbm>>)
      %scan3A_219 = arith.constant 0 : i32
      %scan3A_220 = arith.constant 0 : i32
      %scan3A_221 = arith.constant 25 : i32
      %scan3A_222 = arith.addi %scan3A_220, %scan3A_221 : i32
      %scan3A_223 = arith.constant 1 : i32
      scf.for %scan3A_596 = %scan3A_220 to %scan3A_222 step %scan3A_223  : i32 {
        %mul3A_597 = arith.constant 4 : i32
        %mul3A_598 = arith.muli %scan3A_596, %mul3A_597 : i32
        %add3A_599 = arith.constant 0 : i32
        %add3A_600 = arith.addi %mul3A_598, %add3A_599 : i32
        %add3A_601 = arith.constant 0 : i32
        %add3A_602 = arith.addi %add3A_601, %add3A_600 : i32
        %get3A = arith.index_cast %add3A_602 : i32 to index
        %get3A_603 = arith.constant 0 : index
        %get3A_604 = tpu.vector_load %arg7[%get3A, %get3A_603] {strides = array<i32>} : memref<208x128xf32, #tpu.memory_space<vmem>>, vector<1x16xf32>,
        %get3A_605 = vector.shape_cast %get3A_604 : vector<1x16xf32> to vector<16xf32>
        %swap3A = arith.constant 0 : i32
        %swap3A_606 = arith.index_cast %swap3A : i32 to index
        %swap3A_607 = arith.index_cast %add3A_600 : i32 to index
        %swap3A_608 = arith.constant 0 : index
        %swap3A_609 = tpu.vector_load %arg9[%swap3A_606, %swap3A_607, %swap3A_608] {strides = array<i32>} : memref<2x100x64xf32, #tpu.memory_space<vmem>>, vector<1x1x16xf32>,
        %swap3A_610 = vector.shape_cast %swap3A_609 : vector<1x1x16xf32> to vector<16xf32>
        %swap3A_611 = vector.shape_cast %get3A_605 : vector<16xf32> to vector<1x1x16xf32>
        tpu.vector_store %arg9[%swap3A_606, %swap3A_607, %swap3A_608], %swap3A_611 {strides = array<i32>} : memref<2x100x64xf32, #tpu.memory_space<vmem>>, vector<1x1x16xf32>,
        %add3A_612 = arith.constant 0 : i32
        %add3A_613 = arith.addi %add3A_612, %add3A_600 : i32
        %get3A_614 = arith.index_cast %add3A_613 : i32 to index
        %get3A_615 = arith.constant 16 : index
        %get3A_616 = tpu.vector_load %arg7[%get3A_614, %get3A_615] {strides = array<i32>} : memref<208x128xf32, #tpu.memory_space<vmem>>, vector<1x16xf32>,
        %get3A_617 = vector.shape_cast %get3A_616 : vector<1x16xf32> to vector<16xf32>
        %swap3A_618 = arith.constant 0 : i32
        %swap3A_619 = arith.index_cast %swap3A_618 : i32 to index
        %swap3A_620 = arith.index_cast %add3A_600 : i32 to index
        %swap3A_621 = arith.constant 16 : index
        %swap3A_622 = tpu.vector_load %arg9[%swap3A_619, %swap3A_620, %swap3A_621] {strides = array<i32>} : memref<2x100x64xf32, #tpu.memory_space<vmem>>, vector<1x1x16xf32>,
        %swap3A_623 = vector.shape_cast %swap3A_622 : vector<1x1x16xf32> to vector<16xf32>
        %swap3A_624 = vector.shape_cast %get3A_617 : vector<16xf32> to vector<1x1x16xf32>
        tpu.vector_store %arg9[%swap3A_619, %swap3A_620, %swap3A_621], %swap3A_624 {strides = array<i32>} : memref<2x100x64xf32, #tpu.memory_space<vmem>>, vector<1x1x16xf32>,
        %add3A_625 = arith.constant 0 : i32
        %add3A_626 = arith.addi %add3A_625, %add3A_600 : i32
        %get3A_627 = arith.index_cast %add3A_626 : i32 to index
        %get3A_628 = arith.constant 32 : index
        %get3A_629 = tpu.vector_load %arg7[%get3A_627, %get3A_628] {strides = array<i32>} : memref<208x128xf32, #tpu.memory_space<vmem>>, vector<1x16xf32>,
        %get3A_630 = vector.shape_cast %get3A_629 : vector<1x16xf32> to vector<16xf32>
        %swap3A_631 = arith.constant 0 : i32
        %swap3A_632 = arith.index_cast %swap3A_631 : i32 to index
        %swap3A_633 = arith.index_cast %add3A_600 : i32 to index
        %swap3A_634 = arith.constant 32 : index
        %swap3A_635 = tpu.vector_load %arg9[%swap3A_632, %swap3A_633, %swap3A_634] {strides = array<i32>} : memref<2x100x64xf32, #tpu.memory_space<vmem>>, vector<1x1x16xf32>,
        %swap3A_636 = vector.shape_cast %swap3A_635 : vector<1x1x16xf32> to vector<16xf32>
        %swap3A_637 = vector.shape_cast %get3A_630 : vector<16xf32> to vector<1x1x16xf32>
        tpu.vector_store %arg9[%swap3A_632, %swap3A_633, %swap3A_634], %swap3A_637 {strides = array<i32>} : memref<2x100x64xf32, #tpu.memory_space<vmem>>, vector<1x1x16xf32>,
        %add3A_638 = arith.constant 0 : i32
        %add3A_639 = arith.addi %add3A_638, %add3A_600 : i32
        %get3A_640 = arith.index_cast %add3A_639 : i32 to index
        %get3A_641 = arith.constant 48 : index
        %get3A_642 = tpu.vector_load %arg7[%get3A_640, %get3A_641] {strides = array<i32>} : memref<208x128xf32, #tpu.memory_space<vmem>>, vector<1x16xf32>,
        %get3A_643 = vector.shape_cast %get3A_642 : vector<1x16xf32> to vector<16xf32>
        %swap3A_644 = arith.constant 0 : i32
        %swap3A_645 = arith.index_cast %swap3A_644 : i32 to index
        %swap3A_646 = arith.index_cast %add3A_600 : i32 to index
        %swap3A_647 = arith.constant 48 : index
        %swap3A_648 = tpu.vector_load %arg9[%swap3A_645, %swap3A_646, %swap3A_647] {strides = array<i32>} : memref<2x100x64xf32, #tpu.memory_space<vmem>>, vector<1x1x16xf32>,
        %swap3A_649 = vector.shape_cast %swap3A_648 : vector<1x1x16xf32> to vector<16xf32>
        %swap3A_650 = vector.shape_cast %get3A_643 : vector<16xf32> to vector<1x1x16xf32>
        tpu.vector_store %arg9[%swap3A_645, %swap3A_646, %swap3A_647], %swap3A_650 {strides = array<i32>} : memref<2x100x64xf32, #tpu.memory_space<vmem>>, vector<1x1x16xf32>,
        %mul3A_651 = arith.constant 4 : i32
        %mul3A_652 = arith.muli %scan3A_596, %mul3A_651 : i32
        %add3A_653 = arith.constant 1 : i32
        %add3A_654 = arith.addi %mul3A_652, %add3A_653 : i32
        %add3A_655 = arith.constant 0 : i32
        %add3A_656 = arith.addi %add3A_655, %add3A_654 : i32
        %get3A_657 = arith.index_cast %add3A_656 : i32 to index
        %get3A_658 = arith.constant 0 : index
        %get3A_659 = tpu.vector_load %arg7[%get3A_657, %get3A_658] {strides = array<i32>} : memref<208x128xf32, #tpu.memory_space<vmem>>, vector<1x16xf32>,
        %get3A_660 = vector.shape_cast %get3A_659 : vector<1x16xf32> to vector<16xf32>
        %swap3A_661 = arith.constant 0 : i32
        %swap3A_662 = arith.index_cast %swap3A_661 : i32 to index
        %swap3A_663 = arith.index_cast %add3A_654 : i32 to index
        %swap3A_664 = arith.constant 0 : index
        %swap3A_665 = tpu.vector_load %arg9[%swap3A_662, %swap3A_663, %swap3A_664] {strides = array<i32>} : memref<2x100x64xf32, #tpu.memory_space<vmem>>, vector<1x1x16xf32>,
        %swap3A_666 = vector.shape_cast %swap3A_665 : vector<1x1x16xf32> to vector<16xf32>
        %swap3A_667 = vector.shape_cast %get3A_660 : vector<16xf32> to vector<1x1x16xf32>
        tpu.vector_store %arg9[%swap3A_662, %swap3A_663, %swap3A_664], %swap3A_667 {strides = array<i32>} : memref<2x100x64xf32, #tpu.memory_space<vmem>>, vector<1x1x16xf32>,
        %add3A_668 = arith.constant 0 : i32
        %add3A_669 = arith.addi %add3A_668, %add3A_654 : i32
        %get3A_670 = arith.index_cast %add3A_669 : i32 to index
        %get3A_671 = arith.constant 16 : index
        %get3A_672 = tpu.vector_load %arg7[%get3A_670, %get3A_671] {strides = array<i32>} : memref<208x128xf32, #tpu.memory_space<vmem>>, vector<1x16xf32>,
        %get3A_673 = vector.shape_cast %get3A_672 : vector<1x16xf32> to vector<16xf32>
        %swap3A_674 = arith.constant 0 : i32
        %swap3A_675 = arith.index_cast %swap3A_674 : i32 to index
        %swap3A_676 = arith.index_cast %add3A_654 : i32 to index
        %swap3A_677 = arith.constant 16 : index
        %swap3A_678 = tpu.vector_load %arg9[%swap3A_675, %swap3A_676, %swap3A_677] {strides = array<i32>} : memref<2x100x64xf32, #tpu.memory_space<vmem>>, vector<1x1x16xf32>,
        %swap3A_679 = vector.shape_cast %swap3A_678 : vector<1x1x16xf32> to vector<16xf32>
        %swap3A_680 = vector.shape_cast %get3A_673 : vector<16xf32> to vector<1x1x16xf32>
        tpu.vector_store %arg9[%swap3A_675, %swap3A_676, %swap3A_677], %swap3A_680 {strides = array<i32>} : memref<2x100x64xf32, #tpu.memory_space<vmem>>, vector<1x1x16xf32>,
        %add3A_681 = arith.constant 0 : i32
        %add3A_682 = arith.addi %add3A_681, %add3A_654 : i32
        %get3A_683 = arith.index_cast %add3A_682 : i32 to index
        %get3A_684 = arith.constant 32 : index
        %get3A_685 = tpu.vector_load %arg7[%get3A_683, %get3A_684] {strides = array<i32>} : memref<208x128xf32, #tpu.memory_space<vmem>>, vector<1x16xf32>,
        %get3A_686 = vector.shape_cast %get3A_685 : vector<1x16xf32> to vector<16xf32>
        %swap3A_687 = arith.constant 0 : i32
        %swap3A_688 = arith.index_cast %swap3A_687 : i32 to index
        %swap3A_689 = arith.index_cast %add3A_654 : i32 to index
        %swap3A_690 = arith.constant 32 : index
        %swap3A_691 = tpu.vector_load %arg9[%swap3A_688, %swap3A_689, %swap3A_690] {strides = array<i32>} : memref<2x100x64xf32, #tpu.memory_space<vmem>>, vector<1x1x16xf32>,
        %swap3A_692 = vector.shape_cast %swap3A_691 : vector<1x1x16xf32> to vector<16xf32>
        %swap3A_693 = vector.shape_cast %get3A_686 : vector<16xf32> to vector<1x1x16xf32>
        tpu.vector_store %arg9[%swap3A_688, %swap3A_689, %swap3A_690], %swap3A_693 {strides = array<i32>} : memref<2x100x64xf32, #tpu.memory_space<vmem>>, vector<1x1x16xf32>,
        %add3A_694 = arith.constant 0 : i32
        %add3A_695 = arith.addi %add3A_694, %add3A_654 : i32
        %get3A_696 = arith.index_cast %add3A_695 : i32 to index
        %get3A_697 = arith.constant 48 : index
        %get3A_698 = tpu.vector_load %arg7[%get3A_696, %get3A_697] {strides = array<i32>} : memref<208x128xf32, #tpu.memory_space<vmem>>, vector<1x16xf32>,
        %get3A_699 = vector.shape_cast %get3A_698 : vector<1x16xf32> to vector<16xf32>
        %swap3A_700 = arith.constant 0 : i32
        %swap3A_701 = arith.index_cast %swap3A_700 : i32 to index
        %swap3A_702 = arith.index_cast %add3A_654 : i32 to index
        %swap3A_703 = arith.constant 48 : index
        %swap3A_704 = tpu.vector_load %arg9[%swap3A_701, %swap3A_702, %swap3A_703] {strides = array<i32>} : memref<2x100x64xf32, #tpu.memory_space<vmem>>, vector<1x1x16xf32>,
        %swap3A_705 = vector.shape_cast %swap3A_704 : vector<1x1x16xf32> to vector<16xf32>
        %swap3A_706 = vector.shape_cast %get3A_699 : vector<16xf32> to vector<1x1x16xf32>
        tpu.vector_store %arg9[%swap3A_701, %swap3A_702, %swap3A_703], %swap3A_706 {strides = array<i32>} : memref<2x100x64xf32, #tpu.memory_space<vmem>>, vector<1x1x16xf32>,
        %mul3A_707 = arith.constant 4 : i32
        %mul3A_708 = arith.muli %scan3A_596, %mul3A_707 : i32
        %add3A_709 = arith.constant 2 : i32
        %add3A_710 = arith.addi %mul3A_708, %add3A_709 : i32
        %add3A_711 = arith.constant 0 : i32
        %add3A_712 = arith.addi %add3A_711, %add3A_710 : i32
        %get3A_713 = arith.index_cast %add3A_712 : i32 to index
        %get3A_714 = arith.constant 0 : index
        %get3A_715 = tpu.vector_load %arg7[%get3A_713, %get3A_714] {strides = array<i32>} : memref<208x128xf32, #tpu.memory_space<vmem>>, vector<1x16xf32>,
        %get3A_716 = vector.shape_cast %get3A_715 : vector<1x16xf32> to vector<16xf32>
        %swap3A_717 = arith.constant 0 : i32
        %swap3A_718 = arith.index_cast %swap3A_717 : i32 to index
        %swap3A_719 = arith.index_cast %add3A_710 : i32 to index
        %swap3A_720 = arith.constant 0 : index
        %swap3A_721 = tpu.vector_load %arg9[%swap3A_718, %swap3A_719, %swap3A_720] {strides = array<i32>} : memref<2x100x64xf32, #tpu.memory_space<vmem>>, vector<1x1x16xf32>,
        %swap3A_722 = vector.shape_cast %swap3A_721 : vector<1x1x16xf32> to vector<16xf32>
        %swap3A_723 = vector.shape_cast %get3A_716 : vector<16xf32> to vector<1x1x16xf32>
        tpu.vector_store %arg9[%swap3A_718, %swap3A_719, %swap3A_720], %swap3A_723 {strides = array<i32>} : memref<2x100x64xf32, #tpu.memory_space<vmem>>, vector<1x1x16xf32>,
        %add3A_724 = arith.constant 0 : i32
        %add3A_725 = arith.addi %add3A_724, %add3A_710 : i32
        %get3A_726 = arith.index_cast %add3A_725 : i32 to index
        %get3A_727 = arith.constant 16 : index
        %get3A_728 = tpu.vector_load %arg7[%get3A_726, %get3A_727] {strides = array<i32>} : memref<208x128xf32, #tpu.memory_space<vmem>>, vector<1x16xf32>,
        %get3A_729 = vector.shape_cast %get3A_728 : vector<1x16xf32> to vector<16xf32>
        %swap3A_730 = arith.constant 0 : i32
        %swap3A_731 = arith.index_cast %swap3A_730 : i32 to index
        %swap3A_732 = arith.index_cast %add3A_710 : i32 to index
        %swap3A_733 = arith.constant 16 : index
        %swap3A_734 = tpu.vector_load %arg9[%swap3A_731, %swap3A_732, %swap3A_733] {strides = array<i32>} : memref<2x100x64xf32, #tpu.memory_space<vmem>>, vector<1x1x16xf32>,
        %swap3A_735 = vector.shape_cast %swap3A_734 : vector<1x1x16xf32> to vector<16xf32>
        %swap3A_736 = vector.shape_cast %get3A_729 : vector<16xf32> to vector<1x1x16xf32>
        tpu.vector_store %arg9[%swap3A_731, %swap3A_732, %swap3A_733], %swap3A_736 {strides = array<i32>} : memref<2x100x64xf32, #tpu.memory_space<vmem>>, vector<1x1x16xf32>,
        %add3A_737 = arith.constant 0 : i32
        %add3A_738 = arith.addi %add3A_737, %add3A_710 : i32
        %get3A_739 = arith.index_cast %add3A_738 : i32 to index
        %get3A_740 = arith.constant 32 : index
        %get3A_741 = tpu.vector_load %arg7[%get3A_739, %get3A_740] {strides = array<i32>} : memref<208x128xf32, #tpu.memory_space<vmem>>, vector<1x16xf32>,
        %get3A_742 = vector.shape_cast %get3A_741 : vector<1x16xf32> to vector<16xf32>
        %swap3A_743 = arith.constant 0 : i32
        %swap3A_744 = arith.index_cast %swap3A_743 : i32 to index
        %swap3A_745 = arith.index_cast %add3A_710 : i32 to index
        %swap3A_746 = arith.constant 32 : index
        %swap3A_747 = tpu.vector_load %arg9[%swap3A_744, %swap3A_745, %swap3A_746] {strides = array<i32>} : memref<2x100x64xf32, #tpu.memory_space<vmem>>, vector<1x1x16xf32>,
        %swap3A_748 = vector.shape_cast %swap3A_747 : vector<1x1x16xf32> to vector<16xf32>
        %swap3A_749 = vector.shape_cast %get3A_742 : vector<16xf32> to vector<1x1x16xf32>
        tpu.vector_store %arg9[%swap3A_744, %swap3A_745, %swap3A_746], %swap3A_749 {strides = array<i32>} : memref<2x100x64xf32, #tpu.memory_space<vmem>>, vector<1x1x16xf32>,
        %add3A_750 = arith.constant 0 : i32
        %add3A_751 = arith.addi %add3A_750, %add3A_710 : i32
        %get3A_752 = arith.index_cast %add3A_751 : i32 to index
        %get3A_753 = arith.constant 48 : index
        %get3A_754 = tpu.vector_load %arg7[%get3A_752, %get3A_753] {strides = array<i32>} : memref<208x128xf32, #tpu.memory_space<vmem>>, vector<1x16xf32>,
        %get3A_755 = vector.shape_cast %get3A_754 : vector<1x16xf32> to vector<16xf32>
        %swap3A_756 = arith.constant 0 : i32
        %swap3A_757 = arith.index_cast %swap3A_756 : i32 to index
        %swap3A_758 = arith.index_cast %add3A_710 : i32 to index
        %swap3A_759 = arith.constant 48 : index
        %swap3A_760 = tpu.vector_load %arg9[%swap3A_757, %swap3A_758, %swap3A_759] {strides = array<i32>} : memref<2x100x64xf32, #tpu.memory_space<vmem>>, vector<1x1x16xf32>,
        %swap3A_761 = vector.shape_cast %swap3A_760 : vector<1x1x16xf32> to vector<16xf32>
        %swap3A_762 = vector.shape_cast %get3A_755 : vector<16xf32> to vector<1x1x16xf32>
        tpu.vector_store %arg9[%swap3A_757, %swap3A_758, %swap3A_759], %swap3A_762 {strides = array<i32>} : memref<2x100x64xf32, #tpu.memory_space<vmem>>, vector<1x1x16xf32>,
        %mul3A_763 = arith.constant 4 : i32
        %mul3A_764 = arith.muli %scan3A_596, %mul3A_763 : i32
        %add3A_765 = arith.constant 3 : i32
        %add3A_766 = arith.addi %mul3A_764, %add3A_765 : i32
        %add3A_767 = arith.constant 0 : i32
        %add3A_768 = arith.addi %add3A_767, %add3A_766 : i32
        %get3A_769 = arith.index_cast %add3A_768 : i32 to index
        %get3A_770 = arith.constant 0 : index
        %get3A_771 = tpu.vector_load %arg7[%get3A_769, %get3A_770] {strides = array<i32>} : memref<208x128xf32, #tpu.memory_space<vmem>>, vector<1x16xf32>,
        %get3A_772 = vector.shape_cast %get3A_771 : vector<1x16xf32> to vector<16xf32>
        %swap3A_773 = arith.constant 0 : i32
        %swap3A_774 = arith.index_cast %swap3A_773 : i32 to index
        %swap3A_775 = arith.index_cast %add3A_766 : i32 to index
        %swap3A_776 = arith.constant 0 : index
        %swap3A_777 = tpu.vector_load %arg9[%swap3A_774, %swap3A_775, %swap3A_776] {strides = array<i32>} : memref<2x100x64xf32, #tpu.memory_space<vmem>>, vector<1x1x16xf32>,
        %swap3A_778 = vector.shape_cast %swap3A_777 : vector<1x1x16xf32> to vector<16xf32>
        %swap3A_779 = vector.shape_cast %get3A_772 : vector<16xf32> to vector<1x1x16xf32>
        tpu.vector_store %arg9[%swap3A_774, %swap3A_775, %swap3A_776], %swap3A_779 {strides = array<i32>} : memref<2x100x64xf32, #tpu.memory_space<vmem>>, vector<1x1x16xf32>,
        %add3A_780 = arith.constant 0 : i32
        %add3A_781 = arith.addi %add3A_780, %add3A_766 : i32
        %get3A_782 = arith.index_cast %add3A_781 : i32 to index
        %get3A_783 = arith.constant 16 : index
        %get3A_784 = tpu.vector_load %arg7[%get3A_782, %get3A_783] {strides = array<i32>} : memref<208x128xf32, #tpu.memory_space<vmem>>, vector<1x16xf32>,
        %get3A_785 = vector.shape_cast %get3A_784 : vector<1x16xf32> to vector<16xf32>
        %swap3A_786 = arith.constant 0 : i32
        %swap3A_787 = arith.index_cast %swap3A_786 : i32 to index
        %swap3A_788 = arith.index_cast %add3A_766 : i32 to index
        %swap3A_789 = arith.constant 16 : index
        %swap3A_790 = tpu.vector_load %arg9[%swap3A_787, %swap3A_788, %swap3A_789] {strides = array<i32>} : memref<2x100x64xf32, #tpu.memory_space<vmem>>, vector<1x1x16xf32>,
        %swap3A_791 = vector.shape_cast %swap3A_790 : vector<1x1x16xf32> to vector<16xf32>
        %swap3A_792 = vector.shape_cast %get3A_785 : vector<16xf32> to vector<1x1x16xf32>
        tpu.vector_store %arg9[%swap3A_787, %swap3A_788, %swap3A_789], %swap3A_792 {strides = array<i32>} : memref<2x100x64xf32, #tpu.memory_space<vmem>>, vector<1x1x16xf32>,
        %add3A_793 = arith.constant 0 : i32
        %add3A_794 = arith.addi %add3A_793, %add3A_766 : i32
        %get3A_795 = arith.index_cast %add3A_794 : i32 to index
        %get3A_796 = arith.constant 32 : index
        %get3A_797 = tpu.vector_load %arg7[%get3A_795, %get3A_796] {strides = array<i32>} : memref<208x128xf32, #tpu.memory_space<vmem>>, vector<1x16xf32>,
        %get3A_798 = vector.shape_cast %get3A_797 : vector<1x16xf32> to vector<16xf32>
        %swap3A_799 = arith.constant 0 : i32
        %swap3A_800 = arith.index_cast %swap3A_799 : i32 to index
        %swap3A_801 = arith.index_cast %add3A_766 : i32 to index
        %swap3A_802 = arith.constant 32 : index
        %swap3A_803 = tpu.vector_load %arg9[%swap3A_800, %swap3A_801, %swap3A_802] {strides = array<i32>} : memref<2x100x64xf32, #tpu.memory_space<vmem>>, vector<1x1x16xf32>,
        %swap3A_804 = vector.shape_cast %swap3A_803 : vector<1x1x16xf32> to vector<16xf32>
        %swap3A_805 = vector.shape_cast %get3A_798 : vector<16xf32> to vector<1x1x16xf32>
        tpu.vector_store %arg9[%swap3A_800, %swap3A_801, %swap3A_802], %swap3A_805 {strides = array<i32>} : memref<2x100x64xf32, #tpu.memory_space<vmem>>, vector<1x1x16xf32>,
        %add3A_806 = arith.constant 0 : i32
        %add3A_807 = arith.addi %add3A_806, %add3A_766 : i32
        %get3A_808 = arith.index_cast %add3A_807 : i32 to index
        %get3A_809 = arith.constant 48 : index
        %get3A_810 = tpu.vector_load %arg7[%get3A_808, %get3A_809] {strides = array<i32>} : memref<208x128xf32, #tpu.memory_space<vmem>>, vector<1x16xf32>,
        %get3A_811 = vector.shape_cast %get3A_810 : vector<1x16xf32> to vector<16xf32>
        %swap3A_812 = arith.constant 0 : i32
        %swap3A_813 = arith.index_cast %swap3A_812 : i32 to index
        %swap3A_814 = arith.index_cast %add3A_766 : i32 to index
        %swap3A_815 = arith.constant 48 : index
        %swap3A_816 = tpu.vector_load %arg9[%swap3A_813, %swap3A_814, %swap3A_815] {strides = array<i32>} : memref<2x100x64xf32, #tpu.memory_space<vmem>>, vector<1x1x16xf32>,
        %swap3A_817 = vector.shape_cast %swap3A_816 : vector<1x1x16xf32> to vector<16xf32>
        %swap3A_818 = vector.shape_cast %get3A_811 : vector<16xf32> to vector<1x1x16xf32>
        tpu.vector_store %arg9[%swap3A_813, %swap3A_814, %swap3A_815], %swap3A_818 {strides = array<i32>} : memref<2x100x64xf32, #tpu.memory_space<vmem>>, vector<1x1x16xf32>,
      }
      %scan3A_224 = arith.constant 25 : i32
      %scan3A_225 = arith.constant 0 : i32
      %scan3A_226 = arith.constant 0 : i32
      %scan3A_227 = arith.constant 25 : i32
      %scan3A_228 = arith.addi %scan3A_226, %scan3A_227 : i32
      %scan3A_229 = arith.constant 1 : i32
      scf.for %scan3A_596 = %scan3A_226 to %scan3A_228 step %scan3A_229  : i32 {
        %mul3A_597 = arith.constant 4 : i32
        %mul3A_598 = arith.muli %scan3A_596, %mul3A_597 : i32
        %add3A_599 = arith.constant 0 : i32
        %add3A_600 = arith.addi %mul3A_598, %add3A_599 : i32
        %add3A_601 = arith.constant 104 : i32
        %add3A_602 = arith.addi %add3A_601, %add3A_600 : i32
        %get3A = arith.index_cast %add3A_602 : i32 to index
        %get3A_603 = arith.constant 0 : index
        %get3A_604 = tpu.vector_load %arg7[%get3A, %get3A_603] {strides = array<i32>} : memref<208x128xf32, #tpu.memory_space<vmem>>, vector<1x16xf32>,
        %get3A_605 = vector.shape_cast %get3A_604 : vector<1x16xf32> to vector<16xf32>
        %swap3A = arith.constant 1 : i32
        %swap3A_606 = arith.index_cast %swap3A : i32 to index
        %swap3A_607 = arith.index_cast %add3A_600 : i32 to index
        %swap3A_608 = arith.constant 0 : index
        %swap3A_609 = tpu.vector_load %arg9[%swap3A_606, %swap3A_607, %swap3A_608] {strides = array<i32>} : memref<2x100x64xf32, #tpu.memory_space<vmem>>, vector<1x1x16xf32>,
        %swap3A_610 = vector.shape_cast %swap3A_609 : vector<1x1x16xf32> to vector<16xf32>
        %swap3A_611 = vector.shape_cast %get3A_605 : vector<16xf32> to vector<1x1x16xf32>
        tpu.vector_store %arg9[%swap3A_606, %swap3A_607, %swap3A_608], %swap3A_611 {strides = array<i32>} : memref<2x100x64xf32, #tpu.memory_space<vmem>>, vector<1x1x16xf32>,
        %add3A_612 = arith.constant 104 : i32
        %add3A_613 = arith.addi %add3A_612, %add3A_600 : i32
        %get3A_614 = arith.index_cast %add3A_613 : i32 to index
        %get3A_615 = arith.constant 16 : index
        %get3A_616 = tpu.vector_load %arg7[%get3A_614, %get3A_615] {strides = array<i32>} : memref<208x128xf32, #tpu.memory_space<vmem>>, vector<1x16xf32>,
        %get3A_617 = vector.shape_cast %get3A_616 : vector<1x16xf32> to vector<16xf32>
        %swap3A_618 = arith.constant 1 : i32
        %swap3A_619 = arith.index_cast %swap3A_618 : i32 to index
        %swap3A_620 = arith.index_cast %add3A_600 : i32 to index
        %swap3A_621 = arith.constant 16 : index
        %swap3A_622 = tpu.vector_load %arg9[%swap3A_619, %swap3A_620, %swap3A_621] {strides = array<i32>} : memref<2x100x64xf32, #tpu.memory_space<vmem>>, vector<1x1x16xf32>,
        %swap3A_623 = vector.shape_cast %swap3A_622 : vector<1x1x16xf32> to vector<16xf32>
        %swap3A_624 = vector.shape_cast %get3A_617 : vector<16xf32> to vector<1x1x16xf32>
        tpu.vector_store %arg9[%swap3A_619, %swap3A_620, %swap3A_621], %swap3A_624 {strides = array<i32>} : memref<2x100x64xf32, #tpu.memory_space<vmem>>, vector<1x1x16xf32>,
        %add3A_625 = arith.constant 104 : i32
        %add3A_626 = arith.addi %add3A_625, %add3A_600 : i32
        %get3A_627 = arith.index_cast %add3A_626 : i32 to index
        %get3A_628 = arith.constant 32 : index
        %get3A_629 = tpu.vector_load %arg7[%get3A_627, %get3A_628] {strides = array<i32>} : memref<208x128xf32, #tpu.memory_space<vmem>>, vector<1x16xf32>,
        %get3A_630 = vector.shape_cast %get3A_629 : vector<1x16xf32> to vector<16xf32>
        %swap3A_631 = arith.constant 1 : i32
        %swap3A_632 = arith.index_cast %swap3A_631 : i32 to index
        %swap3A_633 = arith.index_cast %add3A_600 : i32 to index
        %swap3A_634 = arith.constant 32 : index
        %swap3A_635 = tpu.vector_load %arg9[%swap3A_632, %swap3A_633, %swap3A_634] {strides = array<i32>} : memref<2x100x64xf32, #tpu.memory_space<vmem>>, vector<1x1x16xf32>,
        %swap3A_636 = vector.shape_cast %swap3A_635 : vector<1x1x16xf32> to vector<16xf32>
        %swap3A_637 = vector.shape_cast %get3A_630 : vector<16xf32> to vector<1x1x16xf32>
        tpu.vector_store %arg9[%swap3A_632, %swap3A_633, %swap3A_634], %swap3A_637 {strides = array<i32>} : memref<2x100x64xf32, #tpu.memory_space<vmem>>, vector<1x1x16xf32>,
        %add3A_638 = arith.constant 104 : i32
        %add3A_639 = arith.addi %add3A_638, %add3A_600 : i32
        %get3A_640 = arith.index_cast %add3A_639 : i32 to index
        %get3A_641 = arith.constant 48 : index
        %get3A_642 = tpu.vector_load %arg7[%get3A_640, %get3A_641] {strides = array<i32>} : memref<208x128xf32, #tpu.memory_space<vmem>>, vector<1x16xf32>,
        %get3A_643 = vector.shape_cast %get3A_642 : vector<1x16xf32> to vector<16xf32>
        %swap3A_644 = arith.constant 1 : i32
        %swap3A_645 = arith.index_cast %swap3A_644 : i32 to index
        %swap3A_646 = arith.index_cast %add3A_600 : i32 to index
        %swap3A_647 = arith.constant 48 : index
        %swap3A_648 = tpu.vector_load %arg9[%swap3A_645, %swap3A_646, %swap3A_647] {strides = array<i32>} : memref<2x100x64xf32, #tpu.memory_space<vmem>>, vector<1x1x16xf32>,
        %swap3A_649 = vector.shape_cast %swap3A_648 : vector<1x1x16xf32> to vector<16xf32>
        %swap3A_650 = vector.shape_cast %get3A_643 : vector<16xf32> to vector<1x1x16xf32>
        tpu.vector_store %arg9[%swap3A_645, %swap3A_646, %swap3A_647], %swap3A_650 {strides = array<i32>} : memref<2x100x64xf32, #tpu.memory_space<vmem>>, vector<1x1x16xf32>,
        %mul3A_651 = arith.constant 4 : i32
        %mul3A_652 = arith.muli %scan3A_596, %mul3A_651 : i32
        %add3A_653 = arith.constant 1 : i32
        %add3A_654 = arith.addi %mul3A_652, %add3A_653 : i32
        %add3A_655 = arith.constant 104 : i32
        %add3A_656 = arith.addi %add3A_655, %add3A_654 : i32
        %get3A_657 = arith.index_cast %add3A_656 : i32 to index
        %get3A_658 = arith.constant 0 : index
        %get3A_659 = tpu.vector_load %arg7[%get3A_657, %get3A_658] {strides = array<i32>} : memref<208x128xf32, #tpu.memory_space<vmem>>, vector<1x16xf32>,
        %get3A_660 = vector.shape_cast %get3A_659 : vector<1x16xf32> to vector<16xf32>
        %swap3A_661 = arith.constant 1 : i32
        %swap3A_662 = arith.index_cast %swap3A_661 : i32 to index
        %swap3A_663 = arith.index_cast %add3A_654 : i32 to index
        %swap3A_664 = arith.constant 0 : index
        %swap3A_665 = tpu.vector_load %arg9[%swap3A_662, %swap3A_663, %swap3A_664] {strides = array<i32>} : memref<2x100x64xf32, #tpu.memory_space<vmem>>, vector<1x1x16xf32>,
        %swap3A_666 = vector.shape_cast %swap3A_665 : vector<1x1x16xf32> to vector<16xf32>
        %swap3A_667 = vector.shape_cast %get3A_660 : vector<16xf32> to vector<1x1x16xf32>
        tpu.vector_store %arg9[%swap3A_662, %swap3A_663, %swap3A_664], %swap3A_667 {strides = array<i32>} : memref<2x100x64xf32, #tpu.memory_space<vmem>>, vector<1x1x16xf32>,
        %add3A_668 = arith.constant 104 : i32
        %add3A_669 = arith.addi %add3A_668, %add3A_654 : i32
        %get3A_670 = arith.index_cast %add3A_669 : i32 to index
        %get3A_671 = arith.constant 16 : index
        %get3A_672 = tpu.vector_load %arg7[%get3A_670, %get3A_671] {strides = array<i32>} : memref<208x128xf32, #tpu.memory_space<vmem>>, vector<1x16xf32>,
        %get3A_673 = vector.shape_cast %get3A_672 : vector<1x16xf32> to vector<16xf32>
        %swap3A_674 = arith.constant 1 : i32
        %swap3A_675 = arith.index_cast %swap3A_674 : i32 to index
        %swap3A_676 = arith.index_cast %add3A_654 : i32 to index
        %swap3A_677 = arith.constant 16 : index
        %swap3A_678 = tpu.vector_load %arg9[%swap3A_675, %swap3A_676, %swap3A_677] {strides = array<i32>} : memref<2x100x64xf32, #tpu.memory_space<vmem>>, vector<1x1x16xf32>,
        %swap3A_679 = vector.shape_cast %swap3A_678 : vector<1x1x16xf32> to vector<16xf32>
        %swap3A_680 = vector.shape_cast %get3A_673 : vector<16xf32> to vector<1x1x16xf32>
        tpu.vector_store %arg9[%swap3A_675, %swap3A_676, %swap3A_677], %swap3A_680 {strides = array<i32>} : memref<2x100x64xf32, #tpu.memory_space<vmem>>, vector<1x1x16xf32>,
        %add3A_681 = arith.constant 104 : i32
        %add3A_682 = arith.addi %add3A_681, %add3A_654 : i32
        %get3A_683 = arith.index_cast %add3A_682 : i32 to index
        %get3A_684 = arith.constant 32 : index
        %get3A_685 = tpu.vector_load %arg7[%get3A_683, %get3A_684] {strides = array<i32>} : memref<208x128xf32, #tpu.memory_space<vmem>>, vector<1x16xf32>,
        %get3A_686 = vector.shape_cast %get3A_685 : vector<1x16xf32> to vector<16xf32>
        %swap3A_687 = arith.constant 1 : i32
        %swap3A_688 = arith.index_cast %swap3A_687 : i32 to index
        %swap3A_689 = arith.index_cast %add3A_654 : i32 to index
        %swap3A_690 = arith.constant 32 : index
        %swap3A_691 = tpu.vector_load %arg9[%swap3A_688, %swap3A_689, %swap3A_690] {strides = array<i32>} : memref<2x100x64xf32, #tpu.memory_space<vmem>>, vector<1x1x16xf32>,
        %swap3A_692 = vector.shape_cast %swap3A_691 : vector<1x1x16xf32> to vector<16xf32>
        %swap3A_693 = vector.shape_cast %get3A_686 : vector<16xf32> to vector<1x1x16xf32>
        tpu.vector_store %arg9[%swap3A_688, %swap3A_689, %swap3A_690], %swap3A_693 {strides = array<i32>} : memref<2x100x64xf32, #tpu.memory_space<vmem>>, vector<1x1x16xf32>,
        %add3A_694 = arith.constant 104 : i32
        %add3A_695 = arith.addi %add3A_694, %add3A_654 : i32
        %get3A_696 = arith.index_cast %add3A_695 : i32 to index
        %get3A_697 = arith.constant 48 : index
        %get3A_698 = tpu.vector_load %arg7[%get3A_696, %get3A_697] {strides = array<i32>} : memref<208x128xf32, #tpu.memory_space<vmem>>, vector<1x16xf32>,
        %get3A_699 = vector.shape_cast %get3A_698 : vector<1x16xf32> to vector<16xf32>
        %swap3A_700 = arith.constant 1 : i32
        %swap3A_701 = arith.index_cast %swap3A_700 : i32 to index
        %swap3A_702 = arith.index_cast %add3A_654 : i32 to index
        %swap3A_703 = arith.constant 48 : index
        %swap3A_704 = tpu.vector_load %arg9[%swap3A_701, %swap3A_702, %swap3A_703] {strides = array<i32>} : memref<2x100x64xf32, #tpu.memory_space<vmem>>, vector<1x1x16xf32>,
        %swap3A_705 = vector.shape_cast %swap3A_704 : vector<1x1x16xf32> to vector<16xf32>
        %swap3A_706 = vector.shape_cast %get3A_699 : vector<16xf32> to vector<1x1x16xf32>
        tpu.vector_store %arg9[%swap3A_701, %swap3A_702, %swap3A_703], %swap3A_706 {strides = array<i32>} : memref<2x100x64xf32, #tpu.memory_space<vmem>>, vector<1x1x16xf32>,
        %mul3A_707 = arith.constant 4 : i32
        %mul3A_708 = arith.muli %scan3A_596, %mul3A_707 : i32
        %add3A_709 = arith.constant 2 : i32
        %add3A_710 = arith.addi %mul3A_708, %add3A_709 : i32
        %add3A_711 = arith.constant 104 : i32
        %add3A_712 = arith.addi %add3A_711, %add3A_710 : i32
        %get3A_713 = arith.index_cast %add3A_712 : i32 to index
        %get3A_714 = arith.constant 0 : index
        %get3A_715 = tpu.vector_load %arg7[%get3A_713, %get3A_714] {strides = array<i32>} : memref<208x128xf32, #tpu.memory_space<vmem>>, vector<1x16xf32>,
        %get3A_716 = vector.shape_cast %get3A_715 : vector<1x16xf32> to vector<16xf32>
        %swap3A_717 = arith.constant 1 : i32
        %swap3A_718 = arith.index_cast %swap3A_717 : i32 to index
        %swap3A_719 = arith.index_cast %add3A_710 : i32 to index
        %swap3A_720 = arith.constant 0 : index
        %swap3A_721 = tpu.vector_load %arg9[%swap3A_718, %swap3A_719, %swap3A_720] {strides = array<i32>} : memref<2x100x64xf32, #tpu.memory_space<vmem>>, vector<1x1x16xf32>,
        %swap3A_722 = vector.shape_cast %swap3A_721 : vector<1x1x16xf32> to vector<16xf32>
        %swap3A_723 = vector.shape_cast %get3A_716 : vector<16xf32> to vector<1x1x16xf32>
        tpu.vector_store %arg9[%swap3A_718, %swap3A_719, %swap3A_720], %swap3A_723 {strides = array<i32>} : memref<2x100x64xf32, #tpu.memory_space<vmem>>, vector<1x1x16xf32>,
        %add3A_724 = arith.constant 104 : i32
        %add3A_725 = arith.addi %add3A_724, %add3A_710 : i32
        %get3A_726 = arith.index_cast %add3A_725 : i32 to index
        %get3A_727 = arith.constant 16 : index
        %get3A_728 = tpu.vector_load %arg7[%get3A_726, %get3A_727] {strides = array<i32>} : memref<208x128xf32, #tpu.memory_space<vmem>>, vector<1x16xf32>,
        %get3A_729 = vector.shape_cast %get3A_728 : vector<1x16xf32> to vector<16xf32>
        %swap3A_730 = arith.constant 1 : i32
        %swap3A_731 = arith.index_cast %swap3A_730 : i32 to index
        %swap3A_732 = arith.index_cast %add3A_710 : i32 to index
        %swap3A_733 = arith.constant 16 : index
        %swap3A_734 = tpu.vector_load %arg9[%swap3A_731, %swap3A_732, %swap3A_733] {strides = array<i32>} : memref<2x100x64xf32, #tpu.memory_space<vmem>>, vector<1x1x16xf32>,
        %swap3A_735 = vector.shape_cast %swap3A_734 : vector<1x1x16xf32> to vector<16xf32>
        %swap3A_736 = vector.shape_cast %get3A_729 : vector<16xf32> to vector<1x1x16xf32>
        tpu.vector_store %arg9[%swap3A_731, %swap3A_732, %swap3A_733], %swap3A_736 {strides = array<i32>} : memref<2x100x64xf32, #tpu.memory_space<vmem>>, vector<1x1x16xf32>,
        %add3A_737 = arith.constant 104 : i32
        %add3A_738 = arith.addi %add3A_737, %add3A_710 : i32
        %get3A_739 = arith.index_cast %add3A_738 : i32 to index
        %get3A_740 = arith.constant 32 : index
        %get3A_741 = tpu.vector_load %arg7[%get3A_739, %get3A_740] {strides = array<i32>} : memref<208x128xf32, #tpu.memory_space<vmem>>, vector<1x16xf32>,
        %get3A_742 = vector.shape_cast %get3A_741 : vector<1x16xf32> to vector<16xf32>
        %swap3A_743 = arith.constant 1 : i32
        %swap3A_744 = arith.index_cast %swap3A_743 : i32 to index
        %swap3A_745 = arith.index_cast %add3A_710 : i32 to index
        %swap3A_746 = arith.constant 32 : index
        %swap3A_747 = tpu.vector_load %arg9[%swap3A_744, %swap3A_745, %swap3A_746] {strides = array<i32>} : memref<2x100x64xf32, #tpu.memory_space<vmem>>, vector<1x1x16xf32>,
        %swap3A_748 = vector.shape_cast %swap3A_747 : vector<1x1x16xf32> to vector<16xf32>
        %swap3A_749 = vector.shape_cast %get3A_742 : vector<16xf32> to vector<1x1x16xf32>
        tpu.vector_store %arg9[%swap3A_744, %swap3A_745, %swap3A_746], %swap3A_749 {strides = array<i32>} : memref<2x100x64xf32, #tpu.memory_space<vmem>>, vector<1x1x16xf32>,
        %add3A_750 = arith.constant 104 : i32
        %add3A_751 = arith.addi %add3A_750, %add3A_710 : i32
        %get3A_752 = arith.index_cast %add3A_751 : i32 to index
        %get3A_753 = arith.constant 48 : index
        %get3A_754 = tpu.vector_load %arg7[%get3A_752, %get3A_753] {strides = array<i32>} : memref<208x128xf32, #tpu.memory_space<vmem>>, vector<1x16xf32>,
        %get3A_755 = vector.shape_cast %get3A_754 : vector<1x16xf32> to vector<16xf32>
        %swap3A_756 = arith.constant 1 : i32
        %swap3A_757 = arith.index_cast %swap3A_756 : i32 to index
        %swap3A_758 = arith.index_cast %add3A_710 : i32 to index
        %swap3A_759 = arith.constant 48 : index
        %swap3A_760 = tpu.vector_load %arg9[%swap3A_757, %swap3A_758, %swap3A_759] {strides = array<i32>} : memref<2x100x64xf32, #tpu.memory_space<vmem>>, vector<1x1x16xf32>,
        %swap3A_761 = vector.shape_cast %swap3A_760 : vector<1x1x16xf32> to vector<16xf32>
        %swap3A_762 = vector.shape_cast %get3A_755 : vector<16xf32> to vector<1x1x16xf32>
        tpu.vector_store %arg9[%swap3A_757, %swap3A_758, %swap3A_759], %swap3A_762 {strides = array<i32>} : memref<2x100x64xf32, #tpu.memory_space<vmem>>, vector<1x1x16xf32>,
        %mul3A_763 = arith.constant 4 : i32
        %mul3A_764 = arith.muli %scan3A_596, %mul3A_763 : i32
        %add3A_765 = arith.constant 3 : i32
        %add3A_766 = arith.addi %mul3A_764, %add3A_765 : i32
        %add3A_767 = arith.constant 104 : i32
        %add3A_768 = arith.addi %add3A_767, %add3A_766 : i32
        %get3A_769 = arith.index_cast %add3A_768 : i32 to index
        %get3A_770 = arith.constant 0 : index
        %get3A_771 = tpu.vector_load %arg7[%get3A_769, %get3A_770] {strides = array<i32>} : memref<208x128xf32, #tpu.memory_space<vmem>>, vector<1x16xf32>,
        %get3A_772 = vector.shape_cast %get3A_771 : vector<1x16xf32> to vector<16xf32>
        %swap3A_773 = arith.constant 1 : i32
        %swap3A_774 = arith.index_cast %swap3A_773 : i32 to index
        %swap3A_775 = arith.index_cast %add3A_766 : i32 to index
        %swap3A_776 = arith.constant 0 : index
        %swap3A_777 = tpu.vector_load %arg9[%swap3A_774, %swap3A_775, %swap3A_776] {strides = array<i32>} : memref<2x100x64xf32, #tpu.memory_space<vmem>>, vector<1x1x16xf32>,
        %swap3A_778 = vector.shape_cast %swap3A_777 : vector<1x1x16xf32> to vector<16xf32>
        %swap3A_779 = vector.shape_cast %get3A_772 : vector<16xf32> to vector<1x1x16xf32>
        tpu.vector_store %arg9[%swap3A_774, %swap3A_775, %swap3A_776], %swap3A_779 {strides = array<i32>} : memref<2x100x64xf32, #tpu.memory_space<vmem>>, vector<1x1x16xf32>,
        %add3A_780 = arith.constant 104 : i32
        %add3A_781 = arith.addi %add3A_780, %add3A_766 : i32
        %get3A_782 = arith.index_cast %add3A_781 : i32 to index
        %get3A_783 = arith.constant 16 : index
        %get3A_784 = tpu.vector_load %arg7[%get3A_782, %get3A_783] {strides = array<i32>} : memref<208x128xf32, #tpu.memory_space<vmem>>, vector<1x16xf32>,
        %get3A_785 = vector.shape_cast %get3A_784 : vector<1x16xf32> to vector<16xf32>
        %swap3A_786 = arith.constant 1 : i32
        %swap3A_787 = arith.index_cast %swap3A_786 : i32 to index
        %swap3A_788 = arith.index_cast %add3A_766 : i32 to index
        %swap3A_789 = arith.constant 16 : index
        %swap3A_790 = tpu.vector_load %arg9[%swap3A_787, %swap3A_788, %swap3A_789] {strides = array<i32>} : memref<2x100x64xf32, #tpu.memory_space<vmem>>, vector<1x1x16xf32>,
        %swap3A_791 = vector.shape_cast %swap3A_790 : vector<1x1x16xf32> to vector<16xf32>
        %swap3A_792 = vector.shape_cast %get3A_785 : vector<16xf32> to vector<1x1x16xf32>
        tpu.vector_store %arg9[%swap3A_787, %swap3A_788, %swap3A_789], %swap3A_792 {strides = array<i32>} : memref<2x100x64xf32, #tpu.memory_space<vmem>>, vector<1x1x16xf32>,
        %add3A_793 = arith.constant 104 : i32
        %add3A_794 = arith.addi %add3A_793, %add3A_766 : i32
        %get3A_795 = arith.index_cast %add3A_794 : i32 to index
        %get3A_796 = arith.constant 32 : index
        %get3A_797 = tpu.vector_load %arg7[%get3A_795, %get3A_796] {strides = array<i32>} : memref<208x128xf32, #tpu.memory_space<vmem>>, vector<1x16xf32>,
        %get3A_798 = vector.shape_cast %get3A_797 : vector<1x16xf32> to vector<16xf32>
        %swap3A_799 = arith.constant 1 : i32
        %swap3A_800 = arith.index_cast %swap3A_799 : i32 to index
        %swap3A_801 = arith.index_cast %add3A_766 : i32 to index
        %swap3A_802 = arith.constant 32 : index
        %swap3A_803 = tpu.vector_load %arg9[%swap3A_800, %swap3A_801, %swap3A_802] {strides = array<i32>} : memref<2x100x64xf32, #tpu.memory_space<vmem>>, vector<1x1x16xf32>,
        %swap3A_804 = vector.shape_cast %swap3A_803 : vector<1x1x16xf32> to vector<16xf32>
        %swap3A_805 = vector.shape_cast %get3A_798 : vector<16xf32> to vector<1x1x16xf32>
        tpu.vector_store %arg9[%swap3A_800, %swap3A_801, %swap3A_802], %swap3A_805 {strides = array<i32>} : memref<2x100x64xf32, #tpu.memory_space<vmem>>, vector<1x1x16xf32>,
        %add3A_806 = arith.constant 104 : i32
        %add3A_807 = arith.addi %add3A_806, %add3A_766 : i32
        %get3A_808 = arith.index_cast %add3A_807 : i32 to index
        %get3A_809 = arith.constant 48 : index
        %get3A_810 = tpu.vector_load %arg7[%get3A_808, %get3A_809] {strides = array<i32>} : memref<208x128xf32, #tpu.memory_space<vmem>>, vector<1x16xf32>,
        %get3A_811 = vector.shape_cast %get3A_810 : vector<1x16xf32> to vector<16xf32>
        %swap3A_812 = arith.constant 1 : i32
        %swap3A_813 = arith.index_cast %swap3A_812 : i32 to index
        %swap3A_814 = arith.index_cast %add3A_766 : i32 to index
        %swap3A_815 = arith.constant 48 : index
        %swap3A_816 = tpu.vector_load %arg9[%swap3A_813, %swap3A_814, %swap3A_815] {strides = array<i32>} : memref<2x100x64xf32, #tpu.memory_space<vmem>>, vector<1x1x16xf32>,
        %swap3A_817 = vector.shape_cast %swap3A_816 : vector<1x1x16xf32> to vector<16xf32>
        %swap3A_818 = vector.shape_cast %get3A_811 : vector<16xf32> to vector<1x1x16xf32>
        tpu.vector_store %arg9[%swap3A_813, %swap3A_814, %swap3A_815], %swap3A_818 {strides = array<i32>} : memref<2x100x64xf32, #tpu.memory_space<vmem>>, vector<1x1x16xf32>,
      }
      %scan3A_230 = arith.constant 25 : i32
      %add3A_231 = arith.constant 4 : i32
      %add3A_232 = arith.addi %multiple_of3A_19, %add3A_231 : i32
      %dma_start3A_233 = arith.constant 0 : i32
      %dma_start3A_234 = arith.constant 0 : i32
      %dma_start3A_235 = tpu.memref_slice %arg4[%add3A_232, %dma_start3A_233, %dma_start3A_234] : memref<16384x100x64xf32, #tpu.memory_space<hbm>> -> memref<2x100x64xf32, #tpu.memory_space<hbm>>
      %dma_start3A_236 = arith.constant 0 : i32
      %dma_start3A_237 = arith.constant 0 : i32
      %dma_start3A_238 = tpu.memref_slice %arg4[%add3A_232, %dma_start3A_236, %dma_start3A_237] : memref<16384x100x64xf32, #tpu.memory_space<hbm>> -> memref<2x100x64xf32, #tpu.memory_space<hbm>>
      tpu.enqueue_dma source(%arg9 : memref<2x100x64xf32, #tpu.memory_space<vmem>>) target(%dma_start3A_238 : memref<2x100x64xf32, #tpu.memory_space<hbm>>) target_semaphore(%arg13 : memref<!tpu.dma_semaphore, #tpu.memory_space<semaphore_mem>>)
      %dma_wait3A_239 = arith.constant 6 : i32
      %dma_wait3A_240 = arith.constant 0 : i32
      %dma_wait3A_241 = arith.constant 0 : i32
      %dma_wait3A_242 = tpu.memref_slice %arg8[%dma_wait3A_240, %dma_wait3A_241] : memref<208x128xf32, #tpu.memory_space<vmem>> -> memref<100x128xf32, #tpu.memory_space<vmem>>
      %dma_wait3A_243 = arith.constant 0 : i32
      %dma_wait3A_244 = tpu.memref_slice %arg5[%dma_wait3A_239, %dma_wait3A_243] : memref<8x100xi32, #tpu.memory_space<vmem>> -> memref<1x100xi32, #tpu.memory_space<vmem>>
      %dma_wait3A_245 = tpu.memref_squeeze %dma_wait3A_244 : memref<1x100xi32, #tpu.memory_space<vmem>> -> memref<100xi32, #tpu.memory_space<vmem>>
      %dma_wait3A_246 = arith.constant 0 : i32
      %dma_wait3A_247 = arith.constant 0 : i32
      %dma_wait3A_248 = tpu.memref_slice %arg3[%dma_wait3A_246, %dma_wait3A_247] : memref<1000000x128xf32, #tpu.memory_space<hbm>> -> memref<1000000x128xf32, #tpu.memory_space<hbm>>
      tpu.wait_indirect_dma semaphore(%arg12 : memref<!tpu.dma_semaphore, #tpu.memory_space<semaphore_mem>>) src(%dma_wait3A_248 : memref<1000000x128xf32, #tpu.memory_space<hbm>>) dst(%dma_wait3A_242 : memref<100x128xf32, #tpu.memory_space<vmem>>)
      %dma_wait3A_249 = arith.constant 7 : i32
      %dma_wait3A_250 = arith.constant 104 : i32
      %dma_wait3A_251 = arith.constant 0 : i32
      %dma_wait3A_252 = tpu.memref_slice %arg8[%dma_wait3A_250, %dma_wait3A_251] : memref<208x128xf32, #tpu.memory_space<vmem>> -> memref<100x128xf32, #tpu.memory_space<vmem>>
      %dma_wait3A_253 = arith.constant 0 : i32
      %dma_wait3A_254 = tpu.memref_slice %arg5[%dma_wait3A_249, %dma_wait3A_253] : memref<8x100xi32, #tpu.memory_space<vmem>> -> memref<1x100xi32, #tpu.memory_space<vmem>>
      %dma_wait3A_255 = tpu.memref_squeeze %dma_wait3A_254 : memref<1x100xi32, #tpu.memory_space<vmem>> -> memref<100xi32, #tpu.memory_space<vmem>>
      %dma_wait3A_256 = arith.constant 0 : i32
      %dma_wait3A_257 = arith.constant 0 : i32
      %dma_wait3A_258 = tpu.memref_slice %arg3[%dma_wait3A_256, %dma_wait3A_257] : memref<1000000x128xf32, #tpu.memory_space<hbm>> -> memref<1000000x128xf32, #tpu.memory_space<hbm>>
      tpu.wait_indirect_dma semaphore(%arg12 : memref<!tpu.dma_semaphore, #tpu.memory_space<semaphore_mem>>) src(%dma_wait3A_258 : memref<1000000x128xf32, #tpu.memory_space<hbm>>) dst(%dma_wait3A_252 : memref<100x128xf32, #tpu.memory_space<vmem>>)
      %add3A_259 = arith.constant 2 : i32
      %add3A_260 = arith.addi %multiple_of3A_19, %add3A_259 : i32
      %dma_wait3A_261 = arith.constant 0 : i32
      %dma_wait3A_262 = arith.constant 0 : i32
      %dma_wait3A_263 = tpu.memref_slice %arg4[%add3A_260, %dma_wait3A_261, %dma_wait3A_262] : memref<16384x100x64xf32, #tpu.memory_space<hbm>> -> memref<2x100x64xf32, #tpu.memory_space<hbm>>
      %dma_wait3A_264 = arith.constant 0 : i32
      %dma_wait3A_265 = arith.constant 0 : i32
      %dma_wait3A_266 = tpu.memref_slice %arg4[%add3A_260, %dma_wait3A_264, %dma_wait3A_265] : memref<16384x100x64xf32, #tpu.memory_space<hbm>> -> memref<2x100x64xf32, #tpu.memory_space<hbm>>
      tpu.wait_dma2 semaphore(%arg14 : memref<!tpu.dma_semaphore, #tpu.memory_space<semaphore_mem>>) src(%arg10 : memref<2x100x64xf32, #tpu.memory_space<vmem>>) dst(%dma_wait3A_266 : memref<2x100x64xf32, #tpu.memory_space<hbm>>)
      %scan3A_267 = arith.constant 0 : i32
      %scan3A_268 = arith.constant 0 : i32
      %scan3A_269 = arith.constant 25 : i32
      %scan3A_270 = arith.addi %scan3A_268, %scan3A_269 : i32
      %scan3A_271 = arith.constant 1 : i32
      scf.for %scan3A_596 = %scan3A_268 to %scan3A_270 step %scan3A_271  : i32 {
        %mul3A_597 = arith.constant 4 : i32
        %mul3A_598 = arith.muli %scan3A_596, %mul3A_597 : i32
        %add3A_599 = arith.constant 0 : i32
        %add3A_600 = arith.addi %mul3A_598, %add3A_599 : i32
        %add3A_601 = arith.constant 0 : i32
        %add3A_602 = arith.addi %add3A_601, %add3A_600 : i32
        %get3A = arith.index_cast %add3A_602 : i32 to index
        %get3A_603 = arith.constant 0 : index
        %get3A_604 = tpu.vector_load %arg8[%get3A, %get3A_603] {strides = array<i32>} : memref<208x128xf32, #tpu.memory_space<vmem>>, vector<1x16xf32>,
        %get3A_605 = vector.shape_cast %get3A_604 : vector<1x16xf32> to vector<16xf32>
        %swap3A = arith.constant 0 : i32
        %swap3A_606 = arith.index_cast %swap3A : i32 to index
        %swap3A_607 = arith.index_cast %add3A_600 : i32 to index
        %swap3A_608 = arith.constant 0 : index
        %swap3A_609 = tpu.vector_load %arg10[%swap3A_606, %swap3A_607, %swap3A_608] {strides = array<i32>} : memref<2x100x64xf32, #tpu.memory_space<vmem>>, vector<1x1x16xf32>,
        %swap3A_610 = vector.shape_cast %swap3A_609 : vector<1x1x16xf32> to vector<16xf32>
        %swap3A_611 = vector.shape_cast %get3A_605 : vector<16xf32> to vector<1x1x16xf32>
        tpu.vector_store %arg10[%swap3A_606, %swap3A_607, %swap3A_608], %swap3A_611 {strides = array<i32>} : memref<2x100x64xf32, #tpu.memory_space<vmem>>, vector<1x1x16xf32>,
        %add3A_612 = arith.constant 0 : i32
        %add3A_613 = arith.addi %add3A_612, %add3A_600 : i32
        %get3A_614 = arith.index_cast %add3A_613 : i32 to index
        %get3A_615 = arith.constant 16 : index
        %get3A_616 = tpu.vector_load %arg8[%get3A_614, %get3A_615] {strides = array<i32>} : memref<208x128xf32, #tpu.memory_space<vmem>>, vector<1x16xf32>,
        %get3A_617 = vector.shape_cast %get3A_616 : vector<1x16xf32> to vector<16xf32>
        %swap3A_618 = arith.constant 0 : i32
        %swap3A_619 = arith.index_cast %swap3A_618 : i32 to index
        %swap3A_620 = arith.index_cast %add3A_600 : i32 to index
        %swap3A_621 = arith.constant 16 : index
        %swap3A_622 = tpu.vector_load %arg10[%swap3A_619, %swap3A_620, %swap3A_621] {strides = array<i32>} : memref<2x100x64xf32, #tpu.memory_space<vmem>>, vector<1x1x16xf32>,
        %swap3A_623 = vector.shape_cast %swap3A_622 : vector<1x1x16xf32> to vector<16xf32>
        %swap3A_624 = vector.shape_cast %get3A_617 : vector<16xf32> to vector<1x1x16xf32>
        tpu.vector_store %arg10[%swap3A_619, %swap3A_620, %swap3A_621], %swap3A_624 {strides = array<i32>} : memref<2x100x64xf32, #tpu.memory_space<vmem>>, vector<1x1x16xf32>,
        %add3A_625 = arith.constant 0 : i32
        %add3A_626 = arith.addi %add3A_625, %add3A_600 : i32
        %get3A_627 = arith.index_cast %add3A_626 : i32 to index
        %get3A_628 = arith.constant 32 : index
        %get3A_629 = tpu.vector_load %arg8[%get3A_627, %get3A_628] {strides = array<i32>} : memref<208x128xf32, #tpu.memory_space<vmem>>, vector<1x16xf32>,
        %get3A_630 = vector.shape_cast %get3A_629 : vector<1x16xf32> to vector<16xf32>
        %swap3A_631 = arith.constant 0 : i32
        %swap3A_632 = arith.index_cast %swap3A_631 : i32 to index
        %swap3A_633 = arith.index_cast %add3A_600 : i32 to index
        %swap3A_634 = arith.constant 32 : index
        %swap3A_635 = tpu.vector_load %arg10[%swap3A_632, %swap3A_633, %swap3A_634] {strides = array<i32>} : memref<2x100x64xf32, #tpu.memory_space<vmem>>, vector<1x1x16xf32>,
        %swap3A_636 = vector.shape_cast %swap3A_635 : vector<1x1x16xf32> to vector<16xf32>
        %swap3A_637 = vector.shape_cast %get3A_630 : vector<16xf32> to vector<1x1x16xf32>
        tpu.vector_store %arg10[%swap3A_632, %swap3A_633, %swap3A_634], %swap3A_637 {strides = array<i32>} : memref<2x100x64xf32, #tpu.memory_space<vmem>>, vector<1x1x16xf32>,
        %add3A_638 = arith.constant 0 : i32
        %add3A_639 = arith.addi %add3A_638, %add3A_600 : i32
        %get3A_640 = arith.index_cast %add3A_639 : i32 to index
        %get3A_641 = arith.constant 48 : index
        %get3A_642 = tpu.vector_load %arg8[%get3A_640, %get3A_641] {strides = array<i32>} : memref<208x128xf32, #tpu.memory_space<vmem>>, vector<1x16xf32>,
        %get3A_643 = vector.shape_cast %get3A_642 : vector<1x16xf32> to vector<16xf32>
        %swap3A_644 = arith.constant 0 : i32
        %swap3A_645 = arith.index_cast %swap3A_644 : i32 to index
        %swap3A_646 = arith.index_cast %add3A_600 : i32 to index
        %swap3A_647 = arith.constant 48 : index
        %swap3A_648 = tpu.vector_load %arg10[%swap3A_645, %swap3A_646, %swap3A_647] {strides = array<i32>} : memref<2x100x64xf32, #tpu.memory_space<vmem>>, vector<1x1x16xf32>,
        %swap3A_649 = vector.shape_cast %swap3A_648 : vector<1x1x16xf32> to vector<16xf32>
        %swap3A_650 = vector.shape_cast %get3A_643 : vector<16xf32> to vector<1x1x16xf32>
        tpu.vector_store %arg10[%swap3A_645, %swap3A_646, %swap3A_647], %swap3A_650 {strides = array<i32>} : memref<2x100x64xf32, #tpu.memory_space<vmem>>, vector<1x1x16xf32>,
        %mul3A_651 = arith.constant 4 : i32
        %mul3A_652 = arith.muli %scan3A_596, %mul3A_651 : i32
        %add3A_653 = arith.constant 1 : i32
        %add3A_654 = arith.addi %mul3A_652, %add3A_653 : i32
        %add3A_655 = arith.constant 0 : i32
        %add3A_656 = arith.addi %add3A_655, %add3A_654 : i32
        %get3A_657 = arith.index_cast %add3A_656 : i32 to index
        %get3A_658 = arith.constant 0 : index
        %get3A_659 = tpu.vector_load %arg8[%get3A_657, %get3A_658] {strides = array<i32>} : memref<208x128xf32, #tpu.memory_space<vmem>>, vector<1x16xf32>,
        %get3A_660 = vector.shape_cast %get3A_659 : vector<1x16xf32> to vector<16xf32>
        %swap3A_661 = arith.constant 0 : i32
        %swap3A_662 = arith.index_cast %swap3A_661 : i32 to index
        %swap3A_663 = arith.index_cast %add3A_654 : i32 to index
        %swap3A_664 = arith.constant 0 : index
        %swap3A_665 = tpu.vector_load %arg10[%swap3A_662, %swap3A_663, %swap3A_664] {strides = array<i32>} : memref<2x100x64xf32, #tpu.memory_space<vmem>>, vector<1x1x16xf32>,
        %swap3A_666 = vector.shape_cast %swap3A_665 : vector<1x1x16xf32> to vector<16xf32>
        %swap3A_667 = vector.shape_cast %get3A_660 : vector<16xf32> to vector<1x1x16xf32>
        tpu.vector_store %arg10[%swap3A_662, %swap3A_663, %swap3A_664], %swap3A_667 {strides = array<i32>} : memref<2x100x64xf32, #tpu.memory_space<vmem>>, vector<1x1x16xf32>,
        %add3A_668 = arith.constant 0 : i32
        %add3A_669 = arith.addi %add3A_668, %add3A_654 : i32
        %get3A_670 = arith.index_cast %add3A_669 : i32 to index
        %get3A_671 = arith.constant 16 : index
        %get3A_672 = tpu.vector_load %arg8[%get3A_670, %get3A_671] {strides = array<i32>} : memref<208x128xf32, #tpu.memory_space<vmem>>, vector<1x16xf32>,
        %get3A_673 = vector.shape_cast %get3A_672 : vector<1x16xf32> to vector<16xf32>
        %swap3A_674 = arith.constant 0 : i32
        %swap3A_675 = arith.index_cast %swap3A_674 : i32 to index
        %swap3A_676 = arith.index_cast %add3A_654 : i32 to index
        %swap3A_677 = arith.constant 16 : index
        %swap3A_678 = tpu.vector_load %arg10[%swap3A_675, %swap3A_676, %swap3A_677] {strides = array<i32>} : memref<2x100x64xf32, #tpu.memory_space<vmem>>, vector<1x1x16xf32>,
        %swap3A_679 = vector.shape_cast %swap3A_678 : vector<1x1x16xf32> to vector<16xf32>
        %swap3A_680 = vector.shape_cast %get3A_673 : vector<16xf32> to vector<1x1x16xf32>
        tpu.vector_store %arg10[%swap3A_675, %swap3A_676, %swap3A_677], %swap3A_680 {strides = array<i32>} : memref<2x100x64xf32, #tpu.memory_space<vmem>>, vector<1x1x16xf32>,
        %add3A_681 = arith.constant 0 : i32
        %add3A_682 = arith.addi %add3A_681, %add3A_654 : i32
        %get3A_683 = arith.index_cast %add3A_682 : i32 to index
        %get3A_684 = arith.constant 32 : index
        %get3A_685 = tpu.vector_load %arg8[%get3A_683, %get3A_684] {strides = array<i32>} : memref<208x128xf32, #tpu.memory_space<vmem>>, vector<1x16xf32>,
        %get3A_686 = vector.shape_cast %get3A_685 : vector<1x16xf32> to vector<16xf32>
        %swap3A_687 = arith.constant 0 : i32
        %swap3A_688 = arith.index_cast %swap3A_687 : i32 to index
        %swap3A_689 = arith.index_cast %add3A_654 : i32 to index
        %swap3A_690 = arith.constant 32 : index
        %swap3A_691 = tpu.vector_load %arg10[%swap3A_688, %swap3A_689, %swap3A_690] {strides = array<i32>} : memref<2x100x64xf32, #tpu.memory_space<vmem>>, vector<1x1x16xf32>,
        %swap3A_692 = vector.shape_cast %swap3A_691 : vector<1x1x16xf32> to vector<16xf32>
        %swap3A_693 = vector.shape_cast %get3A_686 : vector<16xf32> to vector<1x1x16xf32>
        tpu.vector_store %arg10[%swap3A_688, %swap3A_689, %swap3A_690], %swap3A_693 {strides = array<i32>} : memref<2x100x64xf32, #tpu.memory_space<vmem>>, vector<1x1x16xf32>,
        %add3A_694 = arith.constant 0 : i32
        %add3A_695 = arith.addi %add3A_694, %add3A_654 : i32
        %get3A_696 = arith.index_cast %add3A_695 : i32 to index
        %get3A_697 = arith.constant 48 : index
        %get3A_698 = tpu.vector_load %arg8[%get3A_696, %get3A_697] {strides = array<i32>} : memref<208x128xf32, #tpu.memory_space<vmem>>, vector<1x16xf32>,
        %get3A_699 = vector.shape_cast %get3A_698 : vector<1x16xf32> to vector<16xf32>
        %swap3A_700 = arith.constant 0 : i32
        %swap3A_701 = arith.index_cast %swap3A_700 : i32 to index
        %swap3A_702 = arith.index_cast %add3A_654 : i32 to index
        %swap3A_703 = arith.constant 48 : index
        %swap3A_704 = tpu.vector_load %arg10[%swap3A_701, %swap3A_702, %swap3A_703] {strides = array<i32>} : memref<2x100x64xf32, #tpu.memory_space<vmem>>, vector<1x1x16xf32>,
        %swap3A_705 = vector.shape_cast %swap3A_704 : vector<1x1x16xf32> to vector<16xf32>
        %swap3A_706 = vector.shape_cast %get3A_699 : vector<16xf32> to vector<1x1x16xf32>
        tpu.vector_store %arg10[%swap3A_701, %swap3A_702, %swap3A_703], %swap3A_706 {strides = array<i32>} : memref<2x100x64xf32, #tpu.memory_space<vmem>>, vector<1x1x16xf32>,
        %mul3A_707 = arith.constant 4 : i32
        %mul3A_708 = arith.muli %scan3A_596, %mul3A_707 : i32
        %add3A_709 = arith.constant 2 : i32
        %add3A_710 = arith.addi %mul3A_708, %add3A_709 : i32
        %add3A_711 = arith.constant 0 : i32
        %add3A_712 = arith.addi %add3A_711, %add3A_710 : i32
        %get3A_713 = arith.index_cast %add3A_712 : i32 to index
        %get3A_714 = arith.constant 0 : index
        %get3A_715 = tpu.vector_load %arg8[%get3A_713, %get3A_714] {strides = array<i32>} : memref<208x128xf32, #tpu.memory_space<vmem>>, vector<1x16xf32>,
        %get3A_716 = vector.shape_cast %get3A_715 : vector<1x16xf32> to vector<16xf32>
        %swap3A_717 = arith.constant 0 : i32
        %swap3A_718 = arith.index_cast %swap3A_717 : i32 to index
        %swap3A_719 = arith.index_cast %add3A_710 : i32 to index
        %swap3A_720 = arith.constant 0 : index
        %swap3A_721 = tpu.vector_load %arg10[%swap3A_718, %swap3A_719, %swap3A_720] {strides = array<i32>} : memref<2x100x64xf32, #tpu.memory_space<vmem>>, vector<1x1x16xf32>,
        %swap3A_722 = vector.shape_cast %swap3A_721 : vector<1x1x16xf32> to vector<16xf32>
        %swap3A_723 = vector.shape_cast %get3A_716 : vector<16xf32> to vector<1x1x16xf32>
        tpu.vector_store %arg10[%swap3A_718, %swap3A_719, %swap3A_720], %swap3A_723 {strides = array<i32>} : memref<2x100x64xf32, #tpu.memory_space<vmem>>, vector<1x1x16xf32>,
        %add3A_724 = arith.constant 0 : i32
        %add3A_725 = arith.addi %add3A_724, %add3A_710 : i32
        %get3A_726 = arith.index_cast %add3A_725 : i32 to index
        %get3A_727 = arith.constant 16 : index
        %get3A_728 = tpu.vector_load %arg8[%get3A_726, %get3A_727] {strides = array<i32>} : memref<208x128xf32, #tpu.memory_space<vmem>>, vector<1x16xf32>,
        %get3A_729 = vector.shape_cast %get3A_728 : vector<1x16xf32> to vector<16xf32>
        %swap3A_730 = arith.constant 0 : i32
        %swap3A_731 = arith.index_cast %swap3A_730 : i32 to index
        %swap3A_732 = arith.index_cast %add3A_710 : i32 to index
        %swap3A_733 = arith.constant 16 : index
        %swap3A_734 = tpu.vector_load %arg10[%swap3A_731, %swap3A_732, %swap3A_733] {strides = array<i32>} : memref<2x100x64xf32, #tpu.memory_space<vmem>>, vector<1x1x16xf32>,
        %swap3A_735 = vector.shape_cast %swap3A_734 : vector<1x1x16xf32> to vector<16xf32>
        %swap3A_736 = vector.shape_cast %get3A_729 : vector<16xf32> to vector<1x1x16xf32>
        tpu.vector_store %arg10[%swap3A_731, %swap3A_732, %swap3A_733], %swap3A_736 {strides = array<i32>} : memref<2x100x64xf32, #tpu.memory_space<vmem>>, vector<1x1x16xf32>,
        %add3A_737 = arith.constant 0 : i32
        %add3A_738 = arith.addi %add3A_737, %add3A_710 : i32
        %get3A_739 = arith.index_cast %add3A_738 : i32 to index
        %get3A_740 = arith.constant 32 : index
        %get3A_741 = tpu.vector_load %arg8[%get3A_739, %get3A_740] {strides = array<i32>} : memref<208x128xf32, #tpu.memory_space<vmem>>, vector<1x16xf32>,
        %get3A_742 = vector.shape_cast %get3A_741 : vector<1x16xf32> to vector<16xf32>
        %swap3A_743 = arith.constant 0 : i32
        %swap3A_744 = arith.index_cast %swap3A_743 : i32 to index
        %swap3A_745 = arith.index_cast %add3A_710 : i32 to index
        %swap3A_746 = arith.constant 32 : index
        %swap3A_747 = tpu.vector_load %arg10[%swap3A_744, %swap3A_745, %swap3A_746] {strides = array<i32>} : memref<2x100x64xf32, #tpu.memory_space<vmem>>, vector<1x1x16xf32>,
        %swap3A_748 = vector.shape_cast %swap3A_747 : vector<1x1x16xf32> to vector<16xf32>
        %swap3A_749 = vector.shape_cast %get3A_742 : vector<16xf32> to vector<1x1x16xf32>
        tpu.vector_store %arg10[%swap3A_744, %swap3A_745, %swap3A_746], %swap3A_749 {strides = array<i32>} : memref<2x100x64xf32, #tpu.memory_space<vmem>>, vector<1x1x16xf32>,
        %add3A_750 = arith.constant 0 : i32
        %add3A_751 = arith.addi %add3A_750, %add3A_710 : i32
        %get3A_752 = arith.index_cast %add3A_751 : i32 to index
        %get3A_753 = arith.constant 48 : index
        %get3A_754 = tpu.vector_load %arg8[%get3A_752, %get3A_753] {strides = array<i32>} : memref<208x128xf32, #tpu.memory_space<vmem>>, vector<1x16xf32>,
        %get3A_755 = vector.shape_cast %get3A_754 : vector<1x16xf32> to vector<16xf32>
        %swap3A_756 = arith.constant 0 : i32
        %swap3A_757 = arith.index_cast %swap3A_756 : i32 to index
        %swap3A_758 = arith.index_cast %add3A_710 : i32 to index
        %swap3A_759 = arith.constant 48 : index
        %swap3A_760 = tpu.vector_load %arg10[%swap3A_757, %swap3A_758, %swap3A_759] {strides = array<i32>} : memref<2x100x64xf32, #tpu.memory_space<vmem>>, vector<1x1x16xf32>,
        %swap3A_761 = vector.shape_cast %swap3A_760 : vector<1x1x16xf32> to vector<16xf32>
        %swap3A_762 = vector.shape_cast %get3A_755 : vector<16xf32> to vector<1x1x16xf32>
        tpu.vector_store %arg10[%swap3A_757, %swap3A_758, %swap3A_759], %swap3A_762 {strides = array<i32>} : memref<2x100x64xf32, #tpu.memory_space<vmem>>, vector<1x1x16xf32>,
        %mul3A_763 = arith.constant 4 : i32
        %mul3A_764 = arith.muli %scan3A_596, %mul3A_763 : i32
        %add3A_765 = arith.constant 3 : i32
        %add3A_766 = arith.addi %mul3A_764, %add3A_765 : i32
        %add3A_767 = arith.constant 0 : i32
        %add3A_768 = arith.addi %add3A_767, %add3A_766 : i32
        %get3A_769 = arith.index_cast %add3A_768 : i32 to index
        %get3A_770 = arith.constant 0 : index
        %get3A_771 = tpu.vector_load %arg8[%get3A_769, %get3A_770] {strides = array<i32>} : memref<208x128xf32, #tpu.memory_space<vmem>>, vector<1x16xf32>,
        %get3A_772 = vector.shape_cast %get3A_771 : vector<1x16xf32> to vector<16xf32>
        %swap3A_773 = arith.constant 0 : i32
        %swap3A_774 = arith.index_cast %swap3A_773 : i32 to index
        %swap3A_775 = arith.index_cast %add3A_766 : i32 to index
        %swap3A_776 = arith.constant 0 : index
        %swap3A_777 = tpu.vector_load %arg10[%swap3A_774, %swap3A_775, %swap3A_776] {strides = array<i32>} : memref<2x100x64xf32, #tpu.memory_space<vmem>>, vector<1x1x16xf32>,
        %swap3A_778 = vector.shape_cast %swap3A_777 : vector<1x1x16xf32> to vector<16xf32>
        %swap3A_779 = vector.shape_cast %get3A_772 : vector<16xf32> to vector<1x1x16xf32>
        tpu.vector_store %arg10[%swap3A_774, %swap3A_775, %swap3A_776], %swap3A_779 {strides = array<i32>} : memref<2x100x64xf32, #tpu.memory_space<vmem>>, vector<1x1x16xf32>,
        %add3A_780 = arith.constant 0 : i32
        %add3A_781 = arith.addi %add3A_780, %add3A_766 : i32
        %get3A_782 = arith.index_cast %add3A_781 : i32 to index
        %get3A_783 = arith.constant 16 : index
        %get3A_784 = tpu.vector_load %arg8[%get3A_782, %get3A_783] {strides = array<i32>} : memref<208x128xf32, #tpu.memory_space<vmem>>, vector<1x16xf32>,
        %get3A_785 = vector.shape_cast %get3A_784 : vector<1x16xf32> to vector<16xf32>
        %swap3A_786 = arith.constant 0 : i32
        %swap3A_787 = arith.index_cast %swap3A_786 : i32 to index
        %swap3A_788 = arith.index_cast %add3A_766 : i32 to index
        %swap3A_789 = arith.constant 16 : index
        %swap3A_790 = tpu.vector_load %arg10[%swap3A_787, %swap3A_788, %swap3A_789] {strides = array<i32>} : memref<2x100x64xf32, #tpu.memory_space<vmem>>, vector<1x1x16xf32>,
        %swap3A_791 = vector.shape_cast %swap3A_790 : vector<1x1x16xf32> to vector<16xf32>
        %swap3A_792 = vector.shape_cast %get3A_785 : vector<16xf32> to vector<1x1x16xf32>
        tpu.vector_store %arg10[%swap3A_787, %swap3A_788, %swap3A_789], %swap3A_792 {strides = array<i32>} : memref<2x100x64xf32, #tpu.memory_space<vmem>>, vector<1x1x16xf32>,
        %add3A_793 = arith.constant 0 : i32
        %add3A_794 = arith.addi %add3A_793, %add3A_766 : i32
        %get3A_795 = arith.index_cast %add3A_794 : i32 to index
        %get3A_796 = arith.constant 32 : index
        %get3A_797 = tpu.vector_load %arg8[%get3A_795, %get3A_796] {strides = array<i32>} : memref<208x128xf32, #tpu.memory_space<vmem>>, vector<1x16xf32>,
        %get3A_798 = vector.shape_cast %get3A_797 : vector<1x16xf32> to vector<16xf32>
        %swap3A_799 = arith.constant 0 : i32
        %swap3A_800 = arith.index_cast %swap3A_799 : i32 to index
        %swap3A_801 = arith.index_cast %add3A_766 : i32 to index
        %swap3A_802 = arith.constant 32 : index
        %swap3A_803 = tpu.vector_load %arg10[%swap3A_800, %swap3A_801, %swap3A_802] {strides = array<i32>} : memref<2x100x64xf32, #tpu.memory_space<vmem>>, vector<1x1x16xf32>,
        %swap3A_804 = vector.shape_cast %swap3A_803 : vector<1x1x16xf32> to vector<16xf32>
        %swap3A_805 = vector.shape_cast %get3A_798 : vector<16xf32> to vector<1x1x16xf32>
        tpu.vector_store %arg10[%swap3A_800, %swap3A_801, %swap3A_802], %swap3A_805 {strides = array<i32>} : memref<2x100x64xf32, #tpu.memory_space<vmem>>, vector<1x1x16xf32>,
        %add3A_806 = arith.constant 0 : i32
        %add3A_807 = arith.addi %add3A_806, %add3A_766 : i32
        %get3A_808 = arith.index_cast %add3A_807 : i32 to index
        %get3A_809 = arith.constant 48 : index
        %get3A_810 = tpu.vector_load %arg8[%get3A_808, %get3A_809] {strides = array<i32>} : memref<208x128xf32, #tpu.memory_space<vmem>>, vector<1x16xf32>,
        %get3A_811 = vector.shape_cast %get3A_810 : vector<1x16xf32> to vector<16xf32>
        %swap3A_812 = arith.constant 0 : i32
        %swap3A_813 = arith.index_cast %swap3A_812 : i32 to index
        %swap3A_814 = arith.index_cast %add3A_766 : i32 to index
        %swap3A_815 = arith.constant 48 : index
        %swap3A_816 = tpu.vector_load %arg10[%swap3A_813, %swap3A_814, %swap3A_815] {strides = array<i32>} : memref<2x100x64xf32, #tpu.memory_space<vmem>>, vector<1x1x16xf32>,
        %swap3A_817 = vector.shape_cast %swap3A_816 : vector<1x1x16xf32> to vector<16xf32>
        %swap3A_818 = vector.shape_cast %get3A_811 : vector<16xf32> to vector<1x1x16xf32>
        tpu.vector_store %arg10[%swap3A_813, %swap3A_814, %swap3A_815], %swap3A_818 {strides = array<i32>} : memref<2x100x64xf32, #tpu.memory_space<vmem>>, vector<1x1x16xf32>,
      }
      %scan3A_272 = arith.constant 25 : i32
      %scan3A_273 = arith.constant 0 : i32
      %scan3A_274 = arith.constant 0 : i32
      %scan3A_275 = arith.constant 25 : i32
      %scan3A_276 = arith.addi %scan3A_274, %scan3A_275 : i32
      %scan3A_277 = arith.constant 1 : i32
      scf.for %scan3A_596 = %scan3A_274 to %scan3A_276 step %scan3A_277  : i32 {
        %mul3A_597 = arith.constant 4 : i32
        %mul3A_598 = arith.muli %scan3A_596, %mul3A_597 : i32
        %add3A_599 = arith.constant 0 : i32
        %add3A_600 = arith.addi %mul3A_598, %add3A_599 : i32
        %add3A_601 = arith.constant 104 : i32
        %add3A_602 = arith.addi %add3A_601, %add3A_600 : i32
        %get3A = arith.index_cast %add3A_602 : i32 to index
        %get3A_603 = arith.constant 0 : index
        %get3A_604 = tpu.vector_load %arg8[%get3A, %get3A_603] {strides = array<i32>} : memref<208x128xf32, #tpu.memory_space<vmem>>, vector<1x16xf32>,
        %get3A_605 = vector.shape_cast %get3A_604 : vector<1x16xf32> to vector<16xf32>
        %swap3A = arith.constant 1 : i32
        %swap3A_606 = arith.index_cast %swap3A : i32 to index
        %swap3A_607 = arith.index_cast %add3A_600 : i32 to index
        %swap3A_608 = arith.constant 0 : index
        %swap3A_609 = tpu.vector_load %arg10[%swap3A_606, %swap3A_607, %swap3A_608] {strides = array<i32>} : memref<2x100x64xf32, #tpu.memory_space<vmem>>, vector<1x1x16xf32>,
        %swap3A_610 = vector.shape_cast %swap3A_609 : vector<1x1x16xf32> to vector<16xf32>
        %swap3A_611 = vector.shape_cast %get3A_605 : vector<16xf32> to vector<1x1x16xf32>
        tpu.vector_store %arg10[%swap3A_606, %swap3A_607, %swap3A_608], %swap3A_611 {strides = array<i32>} : memref<2x100x64xf32, #tpu.memory_space<vmem>>, vector<1x1x16xf32>,
        %add3A_612 = arith.constant 104 : i32
        %add3A_613 = arith.addi %add3A_612, %add3A_600 : i32
        %get3A_614 = arith.index_cast %add3A_613 : i32 to index
        %get3A_615 = arith.constant 16 : index
        %get3A_616 = tpu.vector_load %arg8[%get3A_614, %get3A_615] {strides = array<i32>} : memref<208x128xf32, #tpu.memory_space<vmem>>, vector<1x16xf32>,
        %get3A_617 = vector.shape_cast %get3A_616 : vector<1x16xf32> to vector<16xf32>
        %swap3A_618 = arith.constant 1 : i32
        %swap3A_619 = arith.index_cast %swap3A_618 : i32 to index
        %swap3A_620 = arith.index_cast %add3A_600 : i32 to index
        %swap3A_621 = arith.constant 16 : index
        %swap3A_622 = tpu.vector_load %arg10[%swap3A_619, %swap3A_620, %swap3A_621] {strides = array<i32>} : memref<2x100x64xf32, #tpu.memory_space<vmem>>, vector<1x1x16xf32>,
        %swap3A_623 = vector.shape_cast %swap3A_622 : vector<1x1x16xf32> to vector<16xf32>
        %swap3A_624 = vector.shape_cast %get3A_617 : vector<16xf32> to vector<1x1x16xf32>
        tpu.vector_store %arg10[%swap3A_619, %swap3A_620, %swap3A_621], %swap3A_624 {strides = array<i32>} : memref<2x100x64xf32, #tpu.memory_space<vmem>>, vector<1x1x16xf32>,
        %add3A_625 = arith.constant 104 : i32
        %add3A_626 = arith.addi %add3A_625, %add3A_600 : i32
        %get3A_627 = arith.index_cast %add3A_626 : i32 to index
        %get3A_628 = arith.constant 32 : index
        %get3A_629 = tpu.vector_load %arg8[%get3A_627, %get3A_628] {strides = array<i32>} : memref<208x128xf32, #tpu.memory_space<vmem>>, vector<1x16xf32>,
        %get3A_630 = vector.shape_cast %get3A_629 : vector<1x16xf32> to vector<16xf32>
        %swap3A_631 = arith.constant 1 : i32
        %swap3A_632 = arith.index_cast %swap3A_631 : i32 to index
        %swap3A_633 = arith.index_cast %add3A_600 : i32 to index
        %swap3A_634 = arith.constant 32 : index
        %swap3A_635 = tpu.vector_load %arg10[%swap3A_632, %swap3A_633, %swap3A_634] {strides = array<i32>} : memref<2x100x64xf32, #tpu.memory_space<vmem>>, vector<1x1x16xf32>,
        %swap3A_636 = vector.shape_cast %swap3A_635 : vector<1x1x16xf32> to vector<16xf32>
        %swap3A_637 = vector.shape_cast %get3A_630 : vector<16xf32> to vector<1x1x16xf32>
        tpu.vector_store %arg10[%swap3A_632, %swap3A_633, %swap3A_634], %swap3A_637 {strides = array<i32>} : memref<2x100x64xf32, #tpu.memory_space<vmem>>, vector<1x1x16xf32>,
        %add3A_638 = arith.constant 104 : i32
        %add3A_639 = arith.addi %add3A_638, %add3A_600 : i32
        %get3A_640 = arith.index_cast %add3A_639 : i32 to index
        %get3A_641 = arith.constant 48 : index
        %get3A_642 = tpu.vector_load %arg8[%get3A_640, %get3A_641] {strides = array<i32>} : memref<208x128xf32, #tpu.memory_space<vmem>>, vector<1x16xf32>,
        %get3A_643 = vector.shape_cast %get3A_642 : vector<1x16xf32> to vector<16xf32>
        %swap3A_644 = arith.constant 1 : i32
        %swap3A_645 = arith.index_cast %swap3A_644 : i32 to index
        %swap3A_646 = arith.index_cast %add3A_600 : i32 to index
        %swap3A_647 = arith.constant 48 : index
        %swap3A_648 = tpu.vector_load %arg10[%swap3A_645, %swap3A_646, %swap3A_647] {strides = array<i32>} : memref<2x100x64xf32, #tpu.memory_space<vmem>>, vector<1x1x16xf32>,
        %swap3A_649 = vector.shape_cast %swap3A_648 : vector<1x1x16xf32> to vector<16xf32>
        %swap3A_650 = vector.shape_cast %get3A_643 : vector<16xf32> to vector<1x1x16xf32>
        tpu.vector_store %arg10[%swap3A_645, %swap3A_646, %swap3A_647], %swap3A_650 {strides = array<i32>} : memref<2x100x64xf32, #tpu.memory_space<vmem>>, vector<1x1x16xf32>,
        %mul3A_651 = arith.constant 4 : i32
        %mul3A_652 = arith.muli %scan3A_596, %mul3A_651 : i32
        %add3A_653 = arith.constant 1 : i32
        %add3A_654 = arith.addi %mul3A_652, %add3A_653 : i32
        %add3A_655 = arith.constant 104 : i32
        %add3A_656 = arith.addi %add3A_655, %add3A_654 : i32
        %get3A_657 = arith.index_cast %add3A_656 : i32 to index
        %get3A_658 = arith.constant 0 : index
        %get3A_659 = tpu.vector_load %arg8[%get3A_657, %get3A_658] {strides = array<i32>} : memref<208x128xf32, #tpu.memory_space<vmem>>, vector<1x16xf32>,
        %get3A_660 = vector.shape_cast %get3A_659 : vector<1x16xf32> to vector<16xf32>
        %swap3A_661 = arith.constant 1 : i32
        %swap3A_662 = arith.index_cast %swap3A_661 : i32 to index
        %swap3A_663 = arith.index_cast %add3A_654 : i32 to index
        %swap3A_664 = arith.constant 0 : index
        %swap3A_665 = tpu.vector_load %arg10[%swap3A_662, %swap3A_663, %swap3A_664] {strides = array<i32>} : memref<2x100x64xf32, #tpu.memory_space<vmem>>, vector<1x1x16xf32>,
        %swap3A_666 = vector.shape_cast %swap3A_665 : vector<1x1x16xf32> to vector<16xf32>
        %swap3A_667 = vector.shape_cast %get3A_660 : vector<16xf32> to vector<1x1x16xf32>
        tpu.vector_store %arg10[%swap3A_662, %swap3A_663, %swap3A_664], %swap3A_667 {strides = array<i32>} : memref<2x100x64xf32, #tpu.memory_space<vmem>>, vector<1x1x16xf32>,
        %add3A_668 = arith.constant 104 : i32
        %add3A_669 = arith.addi %add3A_668, %add3A_654 : i32
        %get3A_670 = arith.index_cast %add3A_669 : i32 to index
        %get3A_671 = arith.constant 16 : index
        %get3A_672 = tpu.vector_load %arg8[%get3A_670, %get3A_671] {strides = array<i32>} : memref<208x128xf32, #tpu.memory_space<vmem>>, vector<1x16xf32>,
        %get3A_673 = vector.shape_cast %get3A_672 : vector<1x16xf32> to vector<16xf32>
        %swap3A_674 = arith.constant 1 : i32
        %swap3A_675 = arith.index_cast %swap3A_674 : i32 to index
        %swap3A_676 = arith.index_cast %add3A_654 : i32 to index
        %swap3A_677 = arith.constant 16 : index
        %swap3A_678 = tpu.vector_load %arg10[%swap3A_675, %swap3A_676, %swap3A_677] {strides = array<i32>} : memref<2x100x64xf32, #tpu.memory_space<vmem>>, vector<1x1x16xf32>,
        %swap3A_679 = vector.shape_cast %swap3A_678 : vector<1x1x16xf32> to vector<16xf32>
        %swap3A_680 = vector.shape_cast %get3A_673 : vector<16xf32> to vector<1x1x16xf32>
        tpu.vector_store %arg10[%swap3A_675, %swap3A_676, %swap3A_677], %swap3A_680 {strides = array<i32>} : memref<2x100x64xf32, #tpu.memory_space<vmem>>, vector<1x1x16xf32>,
        %add3A_681 = arith.constant 104 : i32
        %add3A_682 = arith.addi %add3A_681, %add3A_654 : i32
        %get3A_683 = arith.index_cast %add3A_682 : i32 to index
        %get3A_684 = arith.constant 32 : index
        %get3A_685 = tpu.vector_load %arg8[%get3A_683, %get3A_684] {strides = array<i32>} : memref<208x128xf32, #tpu.memory_space<vmem>>, vector<1x16xf32>,
        %get3A_686 = vector.shape_cast %get3A_685 : vector<1x16xf32> to vector<16xf32>
        %swap3A_687 = arith.constant 1 : i32
        %swap3A_688 = arith.index_cast %swap3A_687 : i32 to index
        %swap3A_689 = arith.index_cast %add3A_654 : i32 to index
        %swap3A_690 = arith.constant 32 : index
        %swap3A_691 = tpu.vector_load %arg10[%swap3A_688, %swap3A_689, %swap3A_690] {strides = array<i32>} : memref<2x100x64xf32, #tpu.memory_space<vmem>>, vector<1x1x16xf32>,
        %swap3A_692 = vector.shape_cast %swap3A_691 : vector<1x1x16xf32> to vector<16xf32>
        %swap3A_693 = vector.shape_cast %get3A_686 : vector<16xf32> to vector<1x1x16xf32>
        tpu.vector_store %arg10[%swap3A_688, %swap3A_689, %swap3A_690], %swap3A_693 {strides = array<i32>} : memref<2x100x64xf32, #tpu.memory_space<vmem>>, vector<1x1x16xf32>,
        %add3A_694 = arith.constant 104 : i32
        %add3A_695 = arith.addi %add3A_694, %add3A_654 : i32
        %get3A_696 = arith.index_cast %add3A_695 : i32 to index
        %get3A_697 = arith.constant 48 : index
        %get3A_698 = tpu.vector_load %arg8[%get3A_696, %get3A_697] {strides = array<i32>} : memref<208x128xf32, #tpu.memory_space<vmem>>, vector<1x16xf32>,
        %get3A_699 = vector.shape_cast %get3A_698 : vector<1x16xf32> to vector<16xf32>
        %swap3A_700 = arith.constant 1 : i32
        %swap3A_701 = arith.index_cast %swap3A_700 : i32 to index
        %swap3A_702 = arith.index_cast %add3A_654 : i32 to index
        %swap3A_703 = arith.constant 48 : index
        %swap3A_704 = tpu.vector_load %arg10[%swap3A_701, %swap3A_702, %swap3A_703] {strides = array<i32>} : memref<2x100x64xf32, #tpu.memory_space<vmem>>, vector<1x1x16xf32>,
        %swap3A_705 = vector.shape_cast %swap3A_704 : vector<1x1x16xf32> to vector<16xf32>
        %swap3A_706 = vector.shape_cast %get3A_699 : vector<16xf32> to vector<1x1x16xf32>
        tpu.vector_store %arg10[%swap3A_701, %swap3A_702, %swap3A_703], %swap3A_706 {strides = array<i32>} : memref<2x100x64xf32, #tpu.memory_space<vmem>>, vector<1x1x16xf32>,
        %mul3A_707 = arith.constant 4 : i32
        %mul3A_708 = arith.muli %scan3A_596, %mul3A_707 : i32
        %add3A_709 = arith.constant 2 : i32
        %add3A_710 = arith.addi %mul3A_708, %add3A_709 : i32
        %add3A_711 = arith.constant 104 : i32
        %add3A_712 = arith.addi %add3A_711, %add3A_710 : i32
        %get3A_713 = arith.index_cast %add3A_712 : i32 to index
        %get3A_714 = arith.constant 0 : index
        %get3A_715 = tpu.vector_load %arg8[%get3A_713, %get3A_714] {strides = array<i32>} : memref<208x128xf32, #tpu.memory_space<vmem>>, vector<1x16xf32>,
        %get3A_716 = vector.shape_cast %get3A_715 : vector<1x16xf32> to vector<16xf32>
        %swap3A_717 = arith.constant 1 : i32
        %swap3A_718 = arith.index_cast %swap3A_717 : i32 to index
        %swap3A_719 = arith.index_cast %add3A_710 : i32 to index
        %swap3A_720 = arith.constant 0 : index
        %swap3A_721 = tpu.vector_load %arg10[%swap3A_718, %swap3A_719, %swap3A_720] {strides = array<i32>} : memref<2x100x64xf32, #tpu.memory_space<vmem>>, vector<1x1x16xf32>,
        %swap3A_722 = vector.shape_cast %swap3A_721 : vector<1x1x16xf32> to vector<16xf32>
        %swap3A_723 = vector.shape_cast %get3A_716 : vector<16xf32> to vector<1x1x16xf32>
        tpu.vector_store %arg10[%swap3A_718, %swap3A_719, %swap3A_720], %swap3A_723 {strides = array<i32>} : memref<2x100x64xf32, #tpu.memory_space<vmem>>, vector<1x1x16xf32>,
        %add3A_724 = arith.constant 104 : i32
        %add3A_725 = arith.addi %add3A_724, %add3A_710 : i32
        %get3A_726 = arith.index_cast %add3A_725 : i32 to index
        %get3A_727 = arith.constant 16 : index
        %get3A_728 = tpu.vector_load %arg8[%get3A_726, %get3A_727] {strides = array<i32>} : memref<208x128xf32, #tpu.memory_space<vmem>>, vector<1x16xf32>,
        %get3A_729 = vector.shape_cast %get3A_728 : vector<1x16xf32> to vector<16xf32>
        %swap3A_730 = arith.constant 1 : i32
        %swap3A_731 = arith.index_cast %swap3A_730 : i32 to index
        %swap3A_732 = arith.index_cast %add3A_710 : i32 to index
        %swap3A_733 = arith.constant 16 : index
        %swap3A_734 = tpu.vector_load %arg10[%swap3A_731, %swap3A_732, %swap3A_733] {strides = array<i32>} : memref<2x100x64xf32, #tpu.memory_space<vmem>>, vector<1x1x16xf32>,
        %swap3A_735 = vector.shape_cast %swap3A_734 : vector<1x1x16xf32> to vector<16xf32>
        %swap3A_736 = vector.shape_cast %get3A_729 : vector<16xf32> to vector<1x1x16xf32>
        tpu.vector_store %arg10[%swap3A_731, %swap3A_732, %swap3A_733], %swap3A_736 {strides = array<i32>} : memref<2x100x64xf32, #tpu.memory_space<vmem>>, vector<1x1x16xf32>,
        %add3A_737 = arith.constant 104 : i32
        %add3A_738 = arith.addi %add3A_737, %add3A_710 : i32
        %get3A_739 = arith.index_cast %add3A_738 : i32 to index
        %get3A_740 = arith.constant 32 : index
        %get3A_741 = tpu.vector_load %arg8[%get3A_739, %get3A_740] {strides = array<i32>} : memref<208x128xf32, #tpu.memory_space<vmem>>, vector<1x16xf32>,
        %get3A_742 = vector.shape_cast %get3A_741 : vector<1x16xf32> to vector<16xf32>
        %swap3A_743 = arith.constant 1 : i32
        %swap3A_744 = arith.index_cast %swap3A_743 : i32 to index
        %swap3A_745 = arith.index_cast %add3A_710 : i32 to index
        %swap3A_746 = arith.constant 32 : index
        %swap3A_747 = tpu.vector_load %arg10[%swap3A_744, %swap3A_745, %swap3A_746] {strides = array<i32>} : memref<2x100x64xf32, #tpu.memory_space<vmem>>, vector<1x1x16xf32>,
        %swap3A_748 = vector.shape_cast %swap3A_747 : vector<1x1x16xf32> to vector<16xf32>
        %swap3A_749 = vector.shape_cast %get3A_742 : vector<16xf32> to vector<1x1x16xf32>
        tpu.vector_store %arg10[%swap3A_744, %swap3A_745, %swap3A_746], %swap3A_749 {strides = array<i32>} : memref<2x100x64xf32, #tpu.memory_space<vmem>>, vector<1x1x16xf32>,
        %add3A_750 = arith.constant 104 : i32
        %add3A_751 = arith.addi %add3A_750, %add3A_710 : i32
        %get3A_752 = arith.index_cast %add3A_751 : i32 to index
        %get3A_753 = arith.constant 48 : index
        %get3A_754 = tpu.vector_load %arg8[%get3A_752, %get3A_753] {strides = array<i32>} : memref<208x128xf32, #tpu.memory_space<vmem>>, vector<1x16xf32>,
        %get3A_755 = vector.shape_cast %get3A_754 : vector<1x16xf32> to vector<16xf32>
        %swap3A_756 = arith.constant 1 : i32
        %swap3A_757 = arith.index_cast %swap3A_756 : i32 to index
        %swap3A_758 = arith.index_cast %add3A_710 : i32 to index
        %swap3A_759 = arith.constant 48 : index
        %swap3A_760 = tpu.vector_load %arg10[%swap3A_757, %swap3A_758, %swap3A_759] {strides = array<i32>} : memref<2x100x64xf32, #tpu.memory_space<vmem>>, vector<1x1x16xf32>,
        %swap3A_761 = vector.shape_cast %swap3A_760 : vector<1x1x16xf32> to vector<16xf32>
        %swap3A_762 = vector.shape_cast %get3A_755 : vector<16xf32> to vector<1x1x16xf32>
        tpu.vector_store %arg10[%swap3A_757, %swap3A_758, %swap3A_759], %swap3A_762 {strides = array<i32>} : memref<2x100x64xf32, #tpu.memory_space<vmem>>, vector<1x1x16xf32>,
        %mul3A_763 = arith.constant 4 : i32
        %mul3A_764 = arith.muli %scan3A_596, %mul3A_763 : i32
        %add3A_765 = arith.constant 3 : i32
        %add3A_766 = arith.addi %mul3A_764, %add3A_765 : i32
        %add3A_767 = arith.constant 104 : i32
        %add3A_768 = arith.addi %add3A_767, %add3A_766 : i32
        %get3A_769 = arith.index_cast %add3A_768 : i32 to index
        %get3A_770 = arith.constant 0 : index
        %get3A_771 = tpu.vector_load %arg8[%get3A_769, %get3A_770] {strides = array<i32>} : memref<208x128xf32, #tpu.memory_space<vmem>>, vector<1x16xf32>,
        %get3A_772 = vector.shape_cast %get3A_771 : vector<1x16xf32> to vector<16xf32>
        %swap3A_773 = arith.constant 1 : i32
        %swap3A_774 = arith.index_cast %swap3A_773 : i32 to index
        %swap3A_775 = arith.index_cast %add3A_766 : i32 to index
        %swap3A_776 = arith.constant 0 : index
        %swap3A_777 = tpu.vector_load %arg10[%swap3A_774, %swap3A_775, %swap3A_776] {strides = array<i32>} : memref<2x100x64xf32, #tpu.memory_space<vmem>>, vector<1x1x16xf32>,
        %swap3A_778 = vector.shape_cast %swap3A_777 : vector<1x1x16xf32> to vector<16xf32>
        %swap3A_779 = vector.shape_cast %get3A_772 : vector<16xf32> to vector<1x1x16xf32>
        tpu.vector_store %arg10[%swap3A_774, %swap3A_775, %swap3A_776], %swap3A_779 {strides = array<i32>} : memref<2x100x64xf32, #tpu.memory_space<vmem>>, vector<1x1x16xf32>,
        %add3A_780 = arith.constant 104 : i32
        %add3A_781 = arith.addi %add3A_780, %add3A_766 : i32
        %get3A_782 = arith.index_cast %add3A_781 : i32 to index
        %get3A_783 = arith.constant 16 : index
        %get3A_784 = tpu.vector_load %arg8[%get3A_782, %get3A_783] {strides = array<i32>} : memref<208x128xf32, #tpu.memory_space<vmem>>, vector<1x16xf32>,
        %get3A_785 = vector.shape_cast %get3A_784 : vector<1x16xf32> to vector<16xf32>
        %swap3A_786 = arith.constant 1 : i32
        %swap3A_787 = arith.index_cast %swap3A_786 : i32 to index
        %swap3A_788 = arith.index_cast %add3A_766 : i32 to index
        %swap3A_789 = arith.constant 16 : index
        %swap3A_790 = tpu.vector_load %arg10[%swap3A_787, %swap3A_788, %swap3A_789] {strides = array<i32>} : memref<2x100x64xf32, #tpu.memory_space<vmem>>, vector<1x1x16xf32>,
        %swap3A_791 = vector.shape_cast %swap3A_790 : vector<1x1x16xf32> to vector<16xf32>
        %swap3A_792 = vector.shape_cast %get3A_785 : vector<16xf32> to vector<1x1x16xf32>
        tpu.vector_store %arg10[%swap3A_787, %swap3A_788, %swap3A_789], %swap3A_792 {strides = array<i32>} : memref<2x100x64xf32, #tpu.memory_space<vmem>>, vector<1x1x16xf32>,
        %add3A_793 = arith.constant 104 : i32
        %add3A_794 = arith.addi %add3A_793, %add3A_766 : i32
        %get3A_795 = arith.index_cast %add3A_794 : i32 to index
        %get3A_796 = arith.constant 32 : index
        %get3A_797 = tpu.vector_load %arg8[%get3A_795, %get3A_796] {strides = array<i32>} : memref<208x128xf32, #tpu.memory_space<vmem>>, vector<1x16xf32>,
        %get3A_798 = vector.shape_cast %get3A_797 : vector<1x16xf32> to vector<16xf32>
        %swap3A_799 = arith.constant 1 : i32
        %swap3A_800 = arith.index_cast %swap3A_799 : i32 to index
        %swap3A_801 = arith.index_cast %add3A_766 : i32 to index
        %swap3A_802 = arith.constant 32 : index
        %swap3A_803 = tpu.vector_load %arg10[%swap3A_800, %swap3A_801, %swap3A_802] {strides = array<i32>} : memref<2x100x64xf32, #tpu.memory_space<vmem>>, vector<1x1x16xf32>,
        %swap3A_804 = vector.shape_cast %swap3A_803 : vector<1x1x16xf32> to vector<16xf32>
        %swap3A_805 = vector.shape_cast %get3A_798 : vector<16xf32> to vector<1x1x16xf32>
        tpu.vector_store %arg10[%swap3A_800, %swap3A_801, %swap3A_802], %swap3A_805 {strides = array<i32>} : memref<2x100x64xf32, #tpu.memory_space<vmem>>, vector<1x1x16xf32>,
        %add3A_806 = arith.constant 104 : i32
        %add3A_807 = arith.addi %add3A_806, %add3A_766 : i32
        %get3A_808 = arith.index_cast %add3A_807 : i32 to index
        %get3A_809 = arith.constant 48 : index
        %get3A_810 = tpu.vector_load %arg8[%get3A_808, %get3A_809] {strides = array<i32>} : memref<208x128xf32, #tpu.memory_space<vmem>>, vector<1x16xf32>,
        %get3A_811 = vector.shape_cast %get3A_810 : vector<1x16xf32> to vector<16xf32>
        %swap3A_812 = arith.constant 1 : i32
        %swap3A_813 = arith.index_cast %swap3A_812 : i32 to index
        %swap3A_814 = arith.index_cast %add3A_766 : i32 to index
        %swap3A_815 = arith.constant 48 : index
        %swap3A_816 = tpu.vector_load %arg10[%swap3A_813, %swap3A_814, %swap3A_815] {strides = array<i32>} : memref<2x100x64xf32, #tpu.memory_space<vmem>>, vector<1x1x16xf32>,
        %swap3A_817 = vector.shape_cast %swap3A_816 : vector<1x1x16xf32> to vector<16xf32>
        %swap3A_818 = vector.shape_cast %get3A_811 : vector<16xf32> to vector<1x1x16xf32>
        tpu.vector_store %arg10[%swap3A_813, %swap3A_814, %swap3A_815], %swap3A_818 {strides = array<i32>} : memref<2x100x64xf32, #tpu.memory_space<vmem>>, vector<1x1x16xf32>,
      }
      %scan3A_278 = arith.constant 25 : i32
      %add3A_279 = arith.constant 6 : i32
      %add3A_280 = arith.addi %multiple_of3A_19, %add3A_279 : i32
      %dma_start3A_281 = arith.constant 0 : i32
      %dma_start3A_282 = arith.constant 0 : i32
      %dma_start3A_283 = tpu.memref_slice %arg4[%add3A_280, %dma_start3A_281, %dma_start3A_282] : memref<16384x100x64xf32, #tpu.memory_space<hbm>> -> memref<2x100x64xf32, #tpu.memory_space<hbm>>
      %dma_start3A_284 = arith.constant 0 : i32
      %dma_start3A_285 = arith.constant 0 : i32
      %dma_start3A_286 = tpu.memref_slice %arg4[%add3A_280, %dma_start3A_284, %dma_start3A_285] : memref<16384x100x64xf32, #tpu.memory_space<hbm>> -> memref<2x100x64xf32, #tpu.memory_space<hbm>>
      tpu.enqueue_dma source(%arg10 : memref<2x100x64xf32, #tpu.memory_space<vmem>>) target(%dma_start3A_286 : memref<2x100x64xf32, #tpu.memory_space<hbm>>) target_semaphore(%arg14 : memref<!tpu.dma_semaphore, #tpu.memory_space<semaphore_mem>>)
      %add3A_287 = arith.constant 4 : i32
      %add3A_288 = arith.addi %multiple_of3A_19, %add3A_287 : i32
      %dma_wait3A_289 = arith.constant 0 : i32
      %dma_wait3A_290 = arith.constant 0 : i32
      %dma_wait3A_291 = tpu.memref_slice %arg4[%add3A_288, %dma_wait3A_289, %dma_wait3A_290] : memref<16384x100x64xf32, #tpu.memory_space<hbm>> -> memref<2x100x64xf32, #tpu.memory_space<hbm>>
      %dma_wait3A_292 = arith.constant 0 : i32
      %dma_wait3A_293 = arith.constant 0 : i32
      %dma_wait3A_294 = tpu.memref_slice %arg4[%add3A_288, %dma_wait3A_292, %dma_wait3A_293] : memref<16384x100x64xf32, #tpu.memory_space<hbm>> -> memref<2x100x64xf32, #tpu.memory_space<hbm>>
      tpu.wait_dma2 semaphore(%arg13 : memref<!tpu.dma_semaphore, #tpu.memory_space<semaphore_mem>>) src(%arg9 : memref<2x100x64xf32, #tpu.memory_space<vmem>>) dst(%dma_wait3A_294 : memref<2x100x64xf32, #tpu.memory_space<hbm>>)
      %add3A_295 = arith.constant 6 : i32
      %add3A_296 = arith.addi %multiple_of3A_19, %add3A_295 : i32
      %dma_wait3A_297 = arith.constant 0 : i32
      %dma_wait3A_298 = arith.constant 0 : i32
      %dma_wait3A_299 = tpu.memref_slice %arg4[%add3A_296, %dma_wait3A_297, %dma_wait3A_298] : memref<16384x100x64xf32, #tpu.memory_space<hbm>> -> memref<2x100x64xf32, #tpu.memory_space<hbm>>
      %dma_wait3A_300 = arith.constant 0 : i32
      %dma_wait3A_301 = arith.constant 0 : i32
      %dma_wait3A_302 = tpu.memref_slice %arg4[%add3A_296, %dma_wait3A_300, %dma_wait3A_301] : memref<16384x100x64xf32, #tpu.memory_space<hbm>> -> memref<2x100x64xf32, #tpu.memory_space<hbm>>
      tpu.wait_dma2 semaphore(%arg14 : memref<!tpu.dma_semaphore, #tpu.memory_space<semaphore_mem>>) src(%arg10 : memref<2x100x64xf32, #tpu.memory_space<vmem>>) dst(%dma_wait3A_302 : memref<2x100x64xf32, #tpu.memory_space<hbm>>)
      %add3A_303 = arith.constant 1 : i32
      %add3A_304 = arith.addi %mul3A_15, %add3A_303 : i32
      %mul3A_305 = arith.constant 8 : i32
      %mul3A_306 = arith.muli %add3A_304, %mul3A_305 : i32
      %add3A_307 = arith.addi %mul3A_2, %mul3A_306 : i32
      %multiple_of3A_308 = tpu.assume_multiple %add3A_307, 8 : i32
      %mul3A_309 = arith.constant 8 : i32
      %mul3A_310 = arith.muli %add3A_304, %mul3A_309 : i32
      %add3A_311 = arith.addi %mul3A_2, %mul3A_310 : i32
      %multiple_of3A_312 = tpu.assume_multiple %add3A_311, 8 : i32
      %dma_wait3A_313 = arith.constant 0 : i32
      %dma_wait3A_314 = tpu.memref_slice %arg2[%multiple_of3A_312, %dma_wait3A_313] : memref<16384x100xi32, #tpu.memory_space<hbm>> -> memref<8x100xi32, #tpu.memory_space<hbm>>
      %dma_wait3A_315 = arith.constant 0 : i32
      %dma_wait3A_316 = tpu.memref_slice %arg2[%multiple_of3A_312, %dma_wait3A_315] : memref<16384x100xi32, #tpu.memory_space<hbm>> -> memref<8x100xi32, #tpu.memory_space<hbm>>
      tpu.wait_dma2 semaphore(%arg15 : memref<!tpu.dma_semaphore, #tpu.memory_space<semaphore_mem>>) src(%dma_wait3A_316 : memref<8x100xi32, #tpu.memory_space<hbm>>) dst(%arg6 : memref<8x100xi32, #tpu.memory_space<vmem>>)
      %dma_start3A_317 = arith.constant 0 : i32
      %dma_start3A_318 = arith.constant 0 : i32
      %dma_start3A_319 = arith.constant 0 : i32
      %dma_start3A_320 = tpu.memref_slice %arg7[%dma_start3A_318, %dma_start3A_319] : memref<208x128xf32, #tpu.memory_space<vmem>> -> memref<100x128xf32, #tpu.memory_space<vmem>>
      %dma_start3A_321 = arith.constant 0 : i32
      %dma_start3A_322 = tpu.memref_slice %arg6[%dma_start3A_317, %dma_start3A_321] : memref<8x100xi32, #tpu.memory_space<vmem>> -> memref<1x100xi32, #tpu.memory_space<vmem>>
      %dma_start3A_323 = tpu.memref_squeeze %dma_start3A_322 : memref<1x100xi32, #tpu.memory_space<vmem>> -> memref<100xi32, #tpu.memory_space<vmem>>
      %dma_start3A_324 = arith.constant 0 : i32
      %dma_start3A_325 = arith.constant 0 : i32
      %dma_start3A_326 = tpu.memref_slice %arg3[%dma_start3A_324, %dma_start3A_325] : memref<1000000x128xf32, #tpu.memory_space<hbm>> -> memref<1000000x128xf32, #tpu.memory_space<hbm>>
      tpu.enqueue_indirect_dma source(%dma_start3A_326 : memref<1000000x128xf32, #tpu.memory_space<hbm>>) target(%dma_start3A_320 : memref<100x128xf32, #tpu.memory_space<vmem>>) offsets(%dma_start3A_323 : memref<100xi32, #tpu.memory_space<vmem>>) semaphore(%arg11 : memref<!tpu.dma_semaphore, #tpu.memory_space<semaphore_mem>>)
      %dma_start3A_327 = arith.constant 1 : i32
      %dma_start3A_328 = arith.constant 104 : i32
      %dma_start3A_329 = arith.constant 0 : i32
      %dma_start3A_330 = tpu.memref_slice %arg7[%dma_start3A_328, %dma_start3A_329] : memref<208x128xf32, #tpu.memory_space<vmem>> -> memref<100x128xf32, #tpu.memory_space<vmem>>
      %dma_start3A_331 = arith.constant 0 : i32
      %dma_start3A_332 = tpu.memref_slice %arg6[%dma_start3A_327, %dma_start3A_331] : memref<8x100xi32, #tpu.memory_space<vmem>> -> memref<1x100xi32, #tpu.memory_space<vmem>>
      %dma_start3A_333 = tpu.memref_squeeze %dma_start3A_332 : memref<1x100xi32, #tpu.memory_space<vmem>> -> memref<100xi32, #tpu.memory_space<vmem>>
      %dma_start3A_334 = arith.constant 0 : i32
      %dma_start3A_335 = arith.constant 0 : i32
      %dma_start3A_336 = tpu.memref_slice %arg3[%dma_start3A_334, %dma_start3A_335] : memref<1000000x128xf32, #tpu.memory_space<hbm>> -> memref<1000000x128xf32, #tpu.memory_space<hbm>>
      tpu.enqueue_indirect_dma source(%dma_start3A_336 : memref<1000000x128xf32, #tpu.memory_space<hbm>>) target(%dma_start3A_330 : memref<100x128xf32, #tpu.memory_space<vmem>>) offsets(%dma_start3A_333 : memref<100xi32, #tpu.memory_space<vmem>>) semaphore(%arg11 : memref<!tpu.dma_semaphore, #tpu.memory_space<semaphore_mem>>)
      %add3A_337 = arith.constant 1 : i32
      %add3A_338 = arith.addi %add3A_304, %add3A_337 : i32
      %lt3A_339 = arith.constant 64 : i32
      %lt3A_340 = arith.cmpi slt, %add3A_338, %lt3A_339 : i32
      %convert_element_type3A_341 = arith.extui %lt3A_340 : i1 to i32
      %cond3A_342 = arith.constant 0 : i32
      %cond3A_343 = arith.cmpi ne, %convert_element_type3A_341, %cond3A_342 : i32
      scf.if %cond3A_343 {
        %add3A_596 = arith.constant 1 : i32
        %add3A_597 = arith.addi %add3A_304, %add3A_596 : i32
        %mul3A_598 = arith.constant 8 : i32
        %mul3A_599 = arith.muli %add3A_597, %mul3A_598 : i32
        %add3A_600 = arith.addi %mul3A_2, %mul3A_599 : i32
        %multiple_of3A_601 = tpu.assume_multiple %add3A_600, 8 : i32
        %dma_start3A_602 = arith.constant 0 : i32
        %dma_start3A_603 = tpu.memref_slice %arg2[%multiple_of3A_601, %dma_start3A_602] : memref<16384x100xi32, #tpu.memory_space<hbm>> -> memref<8x100xi32, #tpu.memory_space<hbm>>
        %dma_start3A_604 = arith.constant 0 : i32
        %dma_start3A_605 = tpu.memref_slice %arg2[%multiple_of3A_601, %dma_start3A_604] : memref<16384x100xi32, #tpu.memory_space<hbm>> -> memref<8x100xi32, #tpu.memory_space<hbm>>
        tpu.enqueue_dma source(%dma_start3A_605 : memref<8x100xi32, #tpu.memory_space<hbm>>) target(%arg5 : memref<8x100xi32, #tpu.memory_space<vmem>>) target_semaphore(%arg15 : memref<!tpu.dma_semaphore, #tpu.memory_space<semaphore_mem>>)
      } else {
      }
      %dma_start3A_344 = arith.constant 2 : i32
      %dma_start3A_345 = arith.constant 0 : i32
      %dma_start3A_346 = arith.constant 0 : i32
      %dma_start3A_347 = tpu.memref_slice %arg8[%dma_start3A_345, %dma_start3A_346] : memref<208x128xf32, #tpu.memory_space<vmem>> -> memref<100x128xf32, #tpu.memory_space<vmem>>
      %dma_start3A_348 = arith.constant 0 : i32
      %dma_start3A_349 = tpu.memref_slice %arg6[%dma_start3A_344, %dma_start3A_348] : memref<8x100xi32, #tpu.memory_space<vmem>> -> memref<1x100xi32, #tpu.memory_space<vmem>>
      %dma_start3A_350 = tpu.memref_squeeze %dma_start3A_349 : memref<1x100xi32, #tpu.memory_space<vmem>> -> memref<100xi32, #tpu.memory_space<vmem>>
      %dma_start3A_351 = arith.constant 0 : i32
      %dma_start3A_352 = arith.constant 0 : i32
      %dma_start3A_353 = tpu.memref_slice %arg3[%dma_start3A_351, %dma_start3A_352] : memref<1000000x128xf32, #tpu.memory_space<hbm>> -> memref<1000000x128xf32, #tpu.memory_space<hbm>>
      tpu.enqueue_indirect_dma source(%dma_start3A_353 : memref<1000000x128xf32, #tpu.memory_space<hbm>>) target(%dma_start3A_347 : memref<100x128xf32, #tpu.memory_space<vmem>>) offsets(%dma_start3A_350 : memref<100xi32, #tpu.memory_space<vmem>>) semaphore(%arg12 : memref<!tpu.dma_semaphore, #tpu.memory_space<semaphore_mem>>)
      %dma_start3A_354 = arith.constant 3 : i32
      %dma_start3A_355 = arith.constant 104 : i32
      %dma_start3A_356 = arith.constant 0 : i32
      %dma_start3A_357 = tpu.memref_slice %arg8[%dma_start3A_355, %dma_start3A_356] : memref<208x128xf32, #tpu.memory_space<vmem>> -> memref<100x128xf32, #tpu.memory_space<vmem>>
      %dma_start3A_358 = arith.constant 0 : i32
      %dma_start3A_359 = tpu.memref_slice %arg6[%dma_start3A_354, %dma_start3A_358] : memref<8x100xi32, #tpu.memory_space<vmem>> -> memref<1x100xi32, #tpu.memory_space<vmem>>
      %dma_start3A_360 = tpu.memref_squeeze %dma_start3A_359 : memref<1x100xi32, #tpu.memory_space<vmem>> -> memref<100xi32, #tpu.memory_space<vmem>>
      %dma_start3A_361 = arith.constant 0 : i32
      %dma_start3A_362 = arith.constant 0 : i32
      %dma_start3A_363 = tpu.memref_slice %arg3[%dma_start3A_361, %dma_start3A_362] : memref<1000000x128xf32, #tpu.memory_space<hbm>> -> memref<1000000x128xf32, #tpu.memory_space<hbm>>
      tpu.enqueue_indirect_dma source(%dma_start3A_363 : memref<1000000x128xf32, #tpu.memory_space<hbm>>) target(%dma_start3A_357 : memref<100x128xf32, #tpu.memory_space<vmem>>) offsets(%dma_start3A_360 : memref<100xi32, #tpu.memory_space<vmem>>) semaphore(%arg12 : memref<!tpu.dma_semaphore, #tpu.memory_space<semaphore_mem>>)
      %dma_wait3A_364 = arith.constant 0 : i32
      %dma_wait3A_365 = arith.constant 0 : i32
      %dma_wait3A_366 = arith.constant 0 : i32
      %dma_wait3A_367 = tpu.memref_slice %arg7[%dma_wait3A_365, %dma_wait3A_366] : memref<208x128xf32, #tpu.memory_space<vmem>> -> memref<100x128xf32, #tpu.memory_space<vmem>>
      %dma_wait3A_368 = arith.constant 0 : i32
      %dma_wait3A_369 = tpu.memref_slice %arg6[%dma_wait3A_364, %dma_wait3A_368] : memref<8x100xi32, #tpu.memory_space<vmem>> -> memref<1x100xi32, #tpu.memory_space<vmem>>
      %dma_wait3A_370 = tpu.memref_squeeze %dma_wait3A_369 : memref<1x100xi32, #tpu.memory_space<vmem>> -> memref<100xi32, #tpu.memory_space<vmem>>
      %dma_wait3A_371 = arith.constant 0 : i32
      %dma_wait3A_372 = arith.constant 0 : i32
      %dma_wait3A_373 = tpu.memref_slice %arg3[%dma_wait3A_371, %dma_wait3A_372] : memref<1000000x128xf32, #tpu.memory_space<hbm>> -> memref<1000000x128xf32, #tpu.memory_space<hbm>>
      tpu.wait_indirect_dma semaphore(%arg11 : memref<!tpu.dma_semaphore, #tpu.memory_space<semaphore_mem>>) src(%dma_wait3A_373 : memref<1000000x128xf32, #tpu.memory_space<hbm>>) dst(%dma_wait3A_367 : memref<100x128xf32, #tpu.memory_space<vmem>>)
      %dma_wait3A_374 = arith.constant 1 : i32
      %dma_wait3A_375 = arith.constant 104 : i32
      %dma_wait3A_376 = arith.constant 0 : i32
      %dma_wait3A_377 = tpu.memref_slice %arg7[%dma_wait3A_375, %dma_wait3A_376] : memref<208x128xf32, #tpu.memory_space<vmem>> -> memref<100x128xf32, #tpu.memory_space<vmem>>
      %dma_wait3A_378 = arith.constant 0 : i32
      %dma_wait3A_379 = tpu.memref_slice %arg6[%dma_wait3A_374, %dma_wait3A_378] : memref<8x100xi32, #tpu.memory_space<vmem>> -> memref<1x100xi32, #tpu.memory_space<vmem>>
      %dma_wait3A_380 = tpu.memref_squeeze %dma_wait3A_379 : memref<1x100xi32, #tpu.memory_space<vmem>> -> memref<100xi32, #tpu.memory_space<vmem>>
      %dma_wait3A_381 = arith.constant 0 : i32
      %dma_wait3A_382 = arith.constant 0 : i32
      %dma_wait3A_383 = tpu.memref_slice %arg3[%dma_wait3A_381, %dma_wait3A_382] : memref<1000000x128xf32, #tpu.memory_space<hbm>> -> memref<1000000x128xf32, #tpu.memory_space<hbm>>
      tpu.wait_indirect_dma semaphore(%arg11 : memref<!tpu.dma_semaphore, #tpu.memory_space<semaphore_mem>>) src(%dma_wait3A_383 : memref<1000000x128xf32, #tpu.memory_space<hbm>>) dst(%dma_wait3A_377 : memref<100x128xf32, #tpu.memory_space<vmem>>)
      %scan3A_384 = arith.constant 0 : i32
      %scan3A_385 = arith.constant 0 : i32
      %scan3A_386 = arith.constant 25 : i32
      %scan3A_387 = arith.addi %scan3A_385, %scan3A_386 : i32
      %scan3A_388 = arith.constant 1 : i32
      scf.for %scan3A_596 = %scan3A_385 to %scan3A_387 step %scan3A_388  : i32 {
        %mul3A_597 = arith.constant 4 : i32
        %mul3A_598 = arith.muli %scan3A_596, %mul3A_597 : i32
        %add3A_599 = arith.constant 0 : i32
        %add3A_600 = arith.addi %mul3A_598, %add3A_599 : i32
        %add3A_601 = arith.constant 0 : i32
        %add3A_602 = arith.addi %add3A_601, %add3A_600 : i32
        %get3A = arith.index_cast %add3A_602 : i32 to index
        %get3A_603 = arith.constant 0 : index
        %get3A_604 = tpu.vector_load %arg7[%get3A, %get3A_603] {strides = array<i32>} : memref<208x128xf32, #tpu.memory_space<vmem>>, vector<1x16xf32>,
        %get3A_605 = vector.shape_cast %get3A_604 : vector<1x16xf32> to vector<16xf32>
        %swap3A = arith.constant 0 : i32
        %swap3A_606 = arith.index_cast %swap3A : i32 to index
        %swap3A_607 = arith.index_cast %add3A_600 : i32 to index
        %swap3A_608 = arith.constant 0 : index
        %swap3A_609 = tpu.vector_load %arg9[%swap3A_606, %swap3A_607, %swap3A_608] {strides = array<i32>} : memref<2x100x64xf32, #tpu.memory_space<vmem>>, vector<1x1x16xf32>,
        %swap3A_610 = vector.shape_cast %swap3A_609 : vector<1x1x16xf32> to vector<16xf32>
        %swap3A_611 = vector.shape_cast %get3A_605 : vector<16xf32> to vector<1x1x16xf32>
        tpu.vector_store %arg9[%swap3A_606, %swap3A_607, %swap3A_608], %swap3A_611 {strides = array<i32>} : memref<2x100x64xf32, #tpu.memory_space<vmem>>, vector<1x1x16xf32>,
        %add3A_612 = arith.constant 0 : i32
        %add3A_613 = arith.addi %add3A_612, %add3A_600 : i32
        %get3A_614 = arith.index_cast %add3A_613 : i32 to index
        %get3A_615 = arith.constant 16 : index
        %get3A_616 = tpu.vector_load %arg7[%get3A_614, %get3A_615] {strides = array<i32>} : memref<208x128xf32, #tpu.memory_space<vmem>>, vector<1x16xf32>,
        %get3A_617 = vector.shape_cast %get3A_616 : vector<1x16xf32> to vector<16xf32>
        %swap3A_618 = arith.constant 0 : i32
        %swap3A_619 = arith.index_cast %swap3A_618 : i32 to index
        %swap3A_620 = arith.index_cast %add3A_600 : i32 to index
        %swap3A_621 = arith.constant 16 : index
        %swap3A_622 = tpu.vector_load %arg9[%swap3A_619, %swap3A_620, %swap3A_621] {strides = array<i32>} : memref<2x100x64xf32, #tpu.memory_space<vmem>>, vector<1x1x16xf32>,
        %swap3A_623 = vector.shape_cast %swap3A_622 : vector<1x1x16xf32> to vector<16xf32>
        %swap3A_624 = vector.shape_cast %get3A_617 : vector<16xf32> to vector<1x1x16xf32>
        tpu.vector_store %arg9[%swap3A_619, %swap3A_620, %swap3A_621], %swap3A_624 {strides = array<i32>} : memref<2x100x64xf32, #tpu.memory_space<vmem>>, vector<1x1x16xf32>,
        %add3A_625 = arith.constant 0 : i32
        %add3A_626 = arith.addi %add3A_625, %add3A_600 : i32
        %get3A_627 = arith.index_cast %add3A_626 : i32 to index
        %get3A_628 = arith.constant 32 : index
        %get3A_629 = tpu.vector_load %arg7[%get3A_627, %get3A_628] {strides = array<i32>} : memref<208x128xf32, #tpu.memory_space<vmem>>, vector<1x16xf32>,
        %get3A_630 = vector.shape_cast %get3A_629 : vector<1x16xf32> to vector<16xf32>
        %swap3A_631 = arith.constant 0 : i32
        %swap3A_632 = arith.index_cast %swap3A_631 : i32 to index
        %swap3A_633 = arith.index_cast %add3A_600 : i32 to index
        %swap3A_634 = arith.constant 32 : index
        %swap3A_635 = tpu.vector_load %arg9[%swap3A_632, %swap3A_633, %swap3A_634] {strides = array<i32>} : memref<2x100x64xf32, #tpu.memory_space<vmem>>, vector<1x1x16xf32>,
        %swap3A_636 = vector.shape_cast %swap3A_635 : vector<1x1x16xf32> to vector<16xf32>
        %swap3A_637 = vector.shape_cast %get3A_630 : vector<16xf32> to vector<1x1x16xf32>
        tpu.vector_store %arg9[%swap3A_632, %swap3A_633, %swap3A_634], %swap3A_637 {strides = array<i32>} : memref<2x100x64xf32, #tpu.memory_space<vmem>>, vector<1x1x16xf32>,
        %add3A_638 = arith.constant 0 : i32
        %add3A_639 = arith.addi %add3A_638, %add3A_600 : i32
        %get3A_640 = arith.index_cast %add3A_639 : i32 to index
        %get3A_641 = arith.constant 48 : index
        %get3A_642 = tpu.vector_load %arg7[%get3A_640, %get3A_641] {strides = array<i32>} : memref<208x128xf32, #tpu.memory_space<vmem>>, vector<1x16xf32>,
        %get3A_643 = vector.shape_cast %get3A_642 : vector<1x16xf32> to vector<16xf32>
        %swap3A_644 = arith.constant 0 : i32
        %swap3A_645 = arith.index_cast %swap3A_644 : i32 to index
        %swap3A_646 = arith.index_cast %add3A_600 : i32 to index
        %swap3A_647 = arith.constant 48 : index
        %swap3A_648 = tpu.vector_load %arg9[%swap3A_645, %swap3A_646, %swap3A_647] {strides = array<i32>} : memref<2x100x64xf32, #tpu.memory_space<vmem>>, vector<1x1x16xf32>,
        %swap3A_649 = vector.shape_cast %swap3A_648 : vector<1x1x16xf32> to vector<16xf32>
        %swap3A_650 = vector.shape_cast %get3A_643 : vector<16xf32> to vector<1x1x16xf32>
        tpu.vector_store %arg9[%swap3A_645, %swap3A_646, %swap3A_647], %swap3A_650 {strides = array<i32>} : memref<2x100x64xf32, #tpu.memory_space<vmem>>, vector<1x1x16xf32>,
        %mul3A_651 = arith.constant 4 : i32
        %mul3A_652 = arith.muli %scan3A_596, %mul3A_651 : i32
        %add3A_653 = arith.constant 1 : i32
        %add3A_654 = arith.addi %mul3A_652, %add3A_653 : i32
        %add3A_655 = arith.constant 0 : i32
        %add3A_656 = arith.addi %add3A_655, %add3A_654 : i32
        %get3A_657 = arith.index_cast %add3A_656 : i32 to index
        %get3A_658 = arith.constant 0 : index
        %get3A_659 = tpu.vector_load %arg7[%get3A_657, %get3A_658] {strides = array<i32>} : memref<208x128xf32, #tpu.memory_space<vmem>>, vector<1x16xf32>,
        %get3A_660 = vector.shape_cast %get3A_659 : vector<1x16xf32> to vector<16xf32>
        %swap3A_661 = arith.constant 0 : i32
        %swap3A_662 = arith.index_cast %swap3A_661 : i32 to index
        %swap3A_663 = arith.index_cast %add3A_654 : i32 to index
        %swap3A_664 = arith.constant 0 : index
        %swap3A_665 = tpu.vector_load %arg9[%swap3A_662, %swap3A_663, %swap3A_664] {strides = array<i32>} : memref<2x100x64xf32, #tpu.memory_space<vmem>>, vector<1x1x16xf32>,
        %swap3A_666 = vector.shape_cast %swap3A_665 : vector<1x1x16xf32> to vector<16xf32>
        %swap3A_667 = vector.shape_cast %get3A_660 : vector<16xf32> to vector<1x1x16xf32>
        tpu.vector_store %arg9[%swap3A_662, %swap3A_663, %swap3A_664], %swap3A_667 {strides = array<i32>} : memref<2x100x64xf32, #tpu.memory_space<vmem>>, vector<1x1x16xf32>,
        %add3A_668 = arith.constant 0 : i32
        %add3A_669 = arith.addi %add3A_668, %add3A_654 : i32
        %get3A_670 = arith.index_cast %add3A_669 : i32 to index
        %get3A_671 = arith.constant 16 : index
        %get3A_672 = tpu.vector_load %arg7[%get3A_670, %get3A_671] {strides = array<i32>} : memref<208x128xf32, #tpu.memory_space<vmem>>, vector<1x16xf32>,
        %get3A_673 = vector.shape_cast %get3A_672 : vector<1x16xf32> to vector<16xf32>
        %swap3A_674 = arith.constant 0 : i32
        %swap3A_675 = arith.index_cast %swap3A_674 : i32 to index
        %swap3A_676 = arith.index_cast %add3A_654 : i32 to index
        %swap3A_677 = arith.constant 16 : index
        %swap3A_678 = tpu.vector_load %arg9[%swap3A_675, %swap3A_676, %swap3A_677] {strides = array<i32>} : memref<2x100x64xf32, #tpu.memory_space<vmem>>, vector<1x1x16xf32>,
        %swap3A_679 = vector.shape_cast %swap3A_678 : vector<1x1x16xf32> to vector<16xf32>
        %swap3A_680 = vector.shape_cast %get3A_673 : vector<16xf32> to vector<1x1x16xf32>
        tpu.vector_store %arg9[%swap3A_675, %swap3A_676, %swap3A_677], %swap3A_680 {strides = array<i32>} : memref<2x100x64xf32, #tpu.memory_space<vmem>>, vector<1x1x16xf32>,
        %add3A_681 = arith.constant 0 : i32
        %add3A_682 = arith.addi %add3A_681, %add3A_654 : i32
        %get3A_683 = arith.index_cast %add3A_682 : i32 to index
        %get3A_684 = arith.constant 32 : index
        %get3A_685 = tpu.vector_load %arg7[%get3A_683, %get3A_684] {strides = array<i32>} : memref<208x128xf32, #tpu.memory_space<vmem>>, vector<1x16xf32>,
        %get3A_686 = vector.shape_cast %get3A_685 : vector<1x16xf32> to vector<16xf32>
        %swap3A_687 = arith.constant 0 : i32
        %swap3A_688 = arith.index_cast %swap3A_687 : i32 to index
        %swap3A_689 = arith.index_cast %add3A_654 : i32 to index
        %swap3A_690 = arith.constant 32 : index
        %swap3A_691 = tpu.vector_load %arg9[%swap3A_688, %swap3A_689, %swap3A_690] {strides = array<i32>} : memref<2x100x64xf32, #tpu.memory_space<vmem>>, vector<1x1x16xf32>,
        %swap3A_692 = vector.shape_cast %swap3A_691 : vector<1x1x16xf32> to vector<16xf32>
        %swap3A_693 = vector.shape_cast %get3A_686 : vector<16xf32> to vector<1x1x16xf32>
        tpu.vector_store %arg9[%swap3A_688, %swap3A_689, %swap3A_690], %swap3A_693 {strides = array<i32>} : memref<2x100x64xf32, #tpu.memory_space<vmem>>, vector<1x1x16xf32>,
        %add3A_694 = arith.constant 0 : i32
        %add3A_695 = arith.addi %add3A_694, %add3A_654 : i32
        %get3A_696 = arith.index_cast %add3A_695 : i32 to index
        %get3A_697 = arith.constant 48 : index
        %get3A_698 = tpu.vector_load %arg7[%get3A_696, %get3A_697] {strides = array<i32>} : memref<208x128xf32, #tpu.memory_space<vmem>>, vector<1x16xf32>,
        %get3A_699 = vector.shape_cast %get3A_698 : vector<1x16xf32> to vector<16xf32>
        %swap3A_700 = arith.constant 0 : i32
        %swap3A_701 = arith.index_cast %swap3A_700 : i32 to index
        %swap3A_702 = arith.index_cast %add3A_654 : i32 to index
        %swap3A_703 = arith.constant 48 : index
        %swap3A_704 = tpu.vector_load %arg9[%swap3A_701, %swap3A_702, %swap3A_703] {strides = array<i32>} : memref<2x100x64xf32, #tpu.memory_space<vmem>>, vector<1x1x16xf32>,
        %swap3A_705 = vector.shape_cast %swap3A_704 : vector<1x1x16xf32> to vector<16xf32>
        %swap3A_706 = vector.shape_cast %get3A_699 : vector<16xf32> to vector<1x1x16xf32>
        tpu.vector_store %arg9[%swap3A_701, %swap3A_702, %swap3A_703], %swap3A_706 {strides = array<i32>} : memref<2x100x64xf32, #tpu.memory_space<vmem>>, vector<1x1x16xf32>,
        %mul3A_707 = arith.constant 4 : i32
        %mul3A_708 = arith.muli %scan3A_596, %mul3A_707 : i32
        %add3A_709 = arith.constant 2 : i32
        %add3A_710 = arith.addi %mul3A_708, %add3A_709 : i32
        %add3A_711 = arith.constant 0 : i32
        %add3A_712 = arith.addi %add3A_711, %add3A_710 : i32
        %get3A_713 = arith.index_cast %add3A_712 : i32 to index
        %get3A_714 = arith.constant 0 : index
        %get3A_715 = tpu.vector_load %arg7[%get3A_713, %get3A_714] {strides = array<i32>} : memref<208x128xf32, #tpu.memory_space<vmem>>, vector<1x16xf32>,
        %get3A_716 = vector.shape_cast %get3A_715 : vector<1x16xf32> to vector<16xf32>
        %swap3A_717 = arith.constant 0 : i32
        %swap3A_718 = arith.index_cast %swap3A_717 : i32 to index
        %swap3A_719 = arith.index_cast %add3A_710 : i32 to index
        %swap3A_720 = arith.constant 0 : index
        %swap3A_721 = tpu.vector_load %arg9[%swap3A_718, %swap3A_719, %swap3A_720] {strides = array<i32>} : memref<2x100x64xf32, #tpu.memory_space<vmem>>, vector<1x1x16xf32>,
        %swap3A_722 = vector.shape_cast %swap3A_721 : vector<1x1x16xf32> to vector<16xf32>
        %swap3A_723 = vector.shape_cast %get3A_716 : vector<16xf32> to vector<1x1x16xf32>
        tpu.vector_store %arg9[%swap3A_718, %swap3A_719, %swap3A_720], %swap3A_723 {strides = array<i32>} : memref<2x100x64xf32, #tpu.memory_space<vmem>>, vector<1x1x16xf32>,
        %add3A_724 = arith.constant 0 : i32
        %add3A_725 = arith.addi %add3A_724, %add3A_710 : i32
        %get3A_726 = arith.index_cast %add3A_725 : i32 to index
        %get3A_727 = arith.constant 16 : index
        %get3A_728 = tpu.vector_load %arg7[%get3A_726, %get3A_727] {strides = array<i32>} : memref<208x128xf32, #tpu.memory_space<vmem>>, vector<1x16xf32>,
        %get3A_729 = vector.shape_cast %get3A_728 : vector<1x16xf32> to vector<16xf32>
        %swap3A_730 = arith.constant 0 : i32
        %swap3A_731 = arith.index_cast %swap3A_730 : i32 to index
        %swap3A_732 = arith.index_cast %add3A_710 : i32 to index
        %swap3A_733 = arith.constant 16 : index
        %swap3A_734 = tpu.vector_load %arg9[%swap3A_731, %swap3A_732, %swap3A_733] {strides = array<i32>} : memref<2x100x64xf32, #tpu.memory_space<vmem>>, vector<1x1x16xf32>,
        %swap3A_735 = vector.shape_cast %swap3A_734 : vector<1x1x16xf32> to vector<16xf32>
        %swap3A_736 = vector.shape_cast %get3A_729 : vector<16xf32> to vector<1x1x16xf32>
        tpu.vector_store %arg9[%swap3A_731, %swap3A_732, %swap3A_733], %swap3A_736 {strides = array<i32>} : memref<2x100x64xf32, #tpu.memory_space<vmem>>, vector<1x1x16xf32>,
        %add3A_737 = arith.constant 0 : i32
        %add3A_738 = arith.addi %add3A_737, %add3A_710 : i32
        %get3A_739 = arith.index_cast %add3A_738 : i32 to index
        %get3A_740 = arith.constant 32 : index
        %get3A_741 = tpu.vector_load %arg7[%get3A_739, %get3A_740] {strides = array<i32>} : memref<208x128xf32, #tpu.memory_space<vmem>>, vector<1x16xf32>,
        %get3A_742 = vector.shape_cast %get3A_741 : vector<1x16xf32> to vector<16xf32>
        %swap3A_743 = arith.constant 0 : i32
        %swap3A_744 = arith.index_cast %swap3A_743 : i32 to index
        %swap3A_745 = arith.index_cast %add3A_710 : i32 to index
        %swap3A_746 = arith.constant 32 : index
        %swap3A_747 = tpu.vector_load %arg9[%swap3A_744, %swap3A_745, %swap3A_746] {strides = array<i32>} : memref<2x100x64xf32, #tpu.memory_space<vmem>>, vector<1x1x16xf32>,
        %swap3A_748 = vector.shape_cast %swap3A_747 : vector<1x1x16xf32> to vector<16xf32>
        %swap3A_749 = vector.shape_cast %get3A_742 : vector<16xf32> to vector<1x1x16xf32>
        tpu.vector_store %arg9[%swap3A_744, %swap3A_745, %swap3A_746], %swap3A_749 {strides = array<i32>} : memref<2x100x64xf32, #tpu.memory_space<vmem>>, vector<1x1x16xf32>,
        %add3A_750 = arith.constant 0 : i32
        %add3A_751 = arith.addi %add3A_750, %add3A_710 : i32
        %get3A_752 = arith.index_cast %add3A_751 : i32 to index
        %get3A_753 = arith.constant 48 : index
        %get3A_754 = tpu.vector_load %arg7[%get3A_752, %get3A_753] {strides = array<i32>} : memref<208x128xf32, #tpu.memory_space<vmem>>, vector<1x16xf32>,
        %get3A_755 = vector.shape_cast %get3A_754 : vector<1x16xf32> to vector<16xf32>
        %swap3A_756 = arith.constant 0 : i32
        %swap3A_757 = arith.index_cast %swap3A_756 : i32 to index
        %swap3A_758 = arith.index_cast %add3A_710 : i32 to index
        %swap3A_759 = arith.constant 48 : index
        %swap3A_760 = tpu.vector_load %arg9[%swap3A_757, %swap3A_758, %swap3A_759] {strides = array<i32>} : memref<2x100x64xf32, #tpu.memory_space<vmem>>, vector<1x1x16xf32>,
        %swap3A_761 = vector.shape_cast %swap3A_760 : vector<1x1x16xf32> to vector<16xf32>
        %swap3A_762 = vector.shape_cast %get3A_755 : vector<16xf32> to vector<1x1x16xf32>
        tpu.vector_store %arg9[%swap3A_757, %swap3A_758, %swap3A_759], %swap3A_762 {strides = array<i32>} : memref<2x100x64xf32, #tpu.memory_space<vmem>>, vector<1x1x16xf32>,
        %mul3A_763 = arith.constant 4 : i32
        %mul3A_764 = arith.muli %scan3A_596, %mul3A_763 : i32
        %add3A_765 = arith.constant 3 : i32
        %add3A_766 = arith.addi %mul3A_764, %add3A_765 : i32
        %add3A_767 = arith.constant 0 : i32
        %add3A_768 = arith.addi %add3A_767, %add3A_766 : i32
        %get3A_769 = arith.index_cast %add3A_768 : i32 to index
        %get3A_770 = arith.constant 0 : index
        %get3A_771 = tpu.vector_load %arg7[%get3A_769, %get3A_770] {strides = array<i32>} : memref<208x128xf32, #tpu.memory_space<vmem>>, vector<1x16xf32>,
        %get3A_772 = vector.shape_cast %get3A_771 : vector<1x16xf32> to vector<16xf32>
        %swap3A_773 = arith.constant 0 : i32
        %swap3A_774 = arith.index_cast %swap3A_773 : i32 to index
        %swap3A_775 = arith.index_cast %add3A_766 : i32 to index
        %swap3A_776 = arith.constant 0 : index
        %swap3A_777 = tpu.vector_load %arg9[%swap3A_774, %swap3A_775, %swap3A_776] {strides = array<i32>} : memref<2x100x64xf32, #tpu.memory_space<vmem>>, vector<1x1x16xf32>,
        %swap3A_778 = vector.shape_cast %swap3A_777 : vector<1x1x16xf32> to vector<16xf32>
        %swap3A_779 = vector.shape_cast %get3A_772 : vector<16xf32> to vector<1x1x16xf32>
        tpu.vector_store %arg9[%swap3A_774, %swap3A_775, %swap3A_776], %swap3A_779 {strides = array<i32>} : memref<2x100x64xf32, #tpu.memory_space<vmem>>, vector<1x1x16xf32>,
        %add3A_780 = arith.constant 0 : i32
        %add3A_781 = arith.addi %add3A_780, %add3A_766 : i32
        %get3A_782 = arith.index_cast %add3A_781 : i32 to index
        %get3A_783 = arith.constant 16 : index
        %get3A_784 = tpu.vector_load %arg7[%get3A_782, %get3A_783] {strides = array<i32>} : memref<208x128xf32, #tpu.memory_space<vmem>>, vector<1x16xf32>,
        %get3A_785 = vector.shape_cast %get3A_784 : vector<1x16xf32> to vector<16xf32>
        %swap3A_786 = arith.constant 0 : i32
        %swap3A_787 = arith.index_cast %swap3A_786 : i32 to index
        %swap3A_788 = arith.index_cast %add3A_766 : i32 to index
        %swap3A_789 = arith.constant 16 : index
        %swap3A_790 = tpu.vector_load %arg9[%swap3A_787, %swap3A_788, %swap3A_789] {strides = array<i32>} : memref<2x100x64xf32, #tpu.memory_space<vmem>>, vector<1x1x16xf32>,
        %swap3A_791 = vector.shape_cast %swap3A_790 : vector<1x1x16xf32> to vector<16xf32>
        %swap3A_792 = vector.shape_cast %get3A_785 : vector<16xf32> to vector<1x1x16xf32>
        tpu.vector_store %arg9[%swap3A_787, %swap3A_788, %swap3A_789], %swap3A_792 {strides = array<i32>} : memref<2x100x64xf32, #tpu.memory_space<vmem>>, vector<1x1x16xf32>,
        %add3A_793 = arith.constant 0 : i32
        %add3A_794 = arith.addi %add3A_793, %add3A_766 : i32
        %get3A_795 = arith.index_cast %add3A_794 : i32 to index
        %get3A_796 = arith.constant 32 : index
        %get3A_797 = tpu.vector_load %arg7[%get3A_795, %get3A_796] {strides = array<i32>} : memref<208x128xf32, #tpu.memory_space<vmem>>, vector<1x16xf32>,
        %get3A_798 = vector.shape_cast %get3A_797 : vector<1x16xf32> to vector<16xf32>
        %swap3A_799 = arith.constant 0 : i32
        %swap3A_800 = arith.index_cast %swap3A_799 : i32 to index
        %swap3A_801 = arith.index_cast %add3A_766 : i32 to index
        %swap3A_802 = arith.constant 32 : index
        %swap3A_803 = tpu.vector_load %arg9[%swap3A_800, %swap3A_801, %swap3A_802] {strides = array<i32>} : memref<2x100x64xf32, #tpu.memory_space<vmem>>, vector<1x1x16xf32>,
        %swap3A_804 = vector.shape_cast %swap3A_803 : vector<1x1x16xf32> to vector<16xf32>
        %swap3A_805 = vector.shape_cast %get3A_798 : vector<16xf32> to vector<1x1x16xf32>
        tpu.vector_store %arg9[%swap3A_800, %swap3A_801, %swap3A_802], %swap3A_805 {strides = array<i32>} : memref<2x100x64xf32, #tpu.memory_space<vmem>>, vector<1x1x16xf32>,
        %add3A_806 = arith.constant 0 : i32
        %add3A_807 = arith.addi %add3A_806, %add3A_766 : i32
        %get3A_808 = arith.index_cast %add3A_807 : i32 to index
        %get3A_809 = arith.constant 48 : index
        %get3A_810 = tpu.vector_load %arg7[%get3A_808, %get3A_809] {strides = array<i32>} : memref<208x128xf32, #tpu.memory_space<vmem>>, vector<1x16xf32>,
        %get3A_811 = vector.shape_cast %get3A_810 : vector<1x16xf32> to vector<16xf32>
        %swap3A_812 = arith.constant 0 : i32
        %swap3A_813 = arith.index_cast %swap3A_812 : i32 to index
        %swap3A_814 = arith.index_cast %add3A_766 : i32 to index
        %swap3A_815 = arith.constant 48 : index
        %swap3A_816 = tpu.vector_load %arg9[%swap3A_813, %swap3A_814, %swap3A_815] {strides = array<i32>} : memref<2x100x64xf32, #tpu.memory_space<vmem>>, vector<1x1x16xf32>,
        %swap3A_817 = vector.shape_cast %swap3A_816 : vector<1x1x16xf32> to vector<16xf32>
        %swap3A_818 = vector.shape_cast %get3A_811 : vector<16xf32> to vector<1x1x16xf32>
        tpu.vector_store %arg9[%swap3A_813, %swap3A_814, %swap3A_815], %swap3A_818 {strides = array<i32>} : memref<2x100x64xf32, #tpu.memory_space<vmem>>, vector<1x1x16xf32>,
      }
      %scan3A_389 = arith.constant 25 : i32
      %scan3A_390 = arith.constant 0 : i32
      %scan3A_391 = arith.constant 0 : i32
      %scan3A_392 = arith.constant 25 : i32
      %scan3A_393 = arith.addi %scan3A_391, %scan3A_392 : i32
      %scan3A_394 = arith.constant 1 : i32
      scf.for %scan3A_596 = %scan3A_391 to %scan3A_393 step %scan3A_394  : i32 {
        %mul3A_597 = arith.constant 4 : i32
        %mul3A_598 = arith.muli %scan3A_596, %mul3A_597 : i32
        %add3A_599 = arith.constant 0 : i32
        %add3A_600 = arith.addi %mul3A_598, %add3A_599 : i32
        %add3A_601 = arith.constant 104 : i32
        %add3A_602 = arith.addi %add3A_601, %add3A_600 : i32
        %get3A = arith.index_cast %add3A_602 : i32 to index
        %get3A_603 = arith.constant 0 : index
        %get3A_604 = tpu.vector_load %arg7[%get3A, %get3A_603] {strides = array<i32>} : memref<208x128xf32, #tpu.memory_space<vmem>>, vector<1x16xf32>,
        %get3A_605 = vector.shape_cast %get3A_604 : vector<1x16xf32> to vector<16xf32>
        %swap3A = arith.constant 1 : i32
        %swap3A_606 = arith.index_cast %swap3A : i32 to index
        %swap3A_607 = arith.index_cast %add3A_600 : i32 to index
        %swap3A_608 = arith.constant 0 : index
        %swap3A_609 = tpu.vector_load %arg9[%swap3A_606, %swap3A_607, %swap3A_608] {strides = array<i32>} : memref<2x100x64xf32, #tpu.memory_space<vmem>>, vector<1x1x16xf32>,
        %swap3A_610 = vector.shape_cast %swap3A_609 : vector<1x1x16xf32> to vector<16xf32>
        %swap3A_611 = vector.shape_cast %get3A_605 : vector<16xf32> to vector<1x1x16xf32>
        tpu.vector_store %arg9[%swap3A_606, %swap3A_607, %swap3A_608], %swap3A_611 {strides = array<i32>} : memref<2x100x64xf32, #tpu.memory_space<vmem>>, vector<1x1x16xf32>,
        %add3A_612 = arith.constant 104 : i32
        %add3A_613 = arith.addi %add3A_612, %add3A_600 : i32
        %get3A_614 = arith.index_cast %add3A_613 : i32 to index
        %get3A_615 = arith.constant 16 : index
        %get3A_616 = tpu.vector_load %arg7[%get3A_614, %get3A_615] {strides = array<i32>} : memref<208x128xf32, #tpu.memory_space<vmem>>, vector<1x16xf32>,
        %get3A_617 = vector.shape_cast %get3A_616 : vector<1x16xf32> to vector<16xf32>
        %swap3A_618 = arith.constant 1 : i32
        %swap3A_619 = arith.index_cast %swap3A_618 : i32 to index
        %swap3A_620 = arith.index_cast %add3A_600 : i32 to index
        %swap3A_621 = arith.constant 16 : index
        %swap3A_622 = tpu.vector_load %arg9[%swap3A_619, %swap3A_620, %swap3A_621] {strides = array<i32>} : memref<2x100x64xf32, #tpu.memory_space<vmem>>, vector<1x1x16xf32>,
        %swap3A_623 = vector.shape_cast %swap3A_622 : vector<1x1x16xf32> to vector<16xf32>
        %swap3A_624 = vector.shape_cast %get3A_617 : vector<16xf32> to vector<1x1x16xf32>
        tpu.vector_store %arg9[%swap3A_619, %swap3A_620, %swap3A_621], %swap3A_624 {strides = array<i32>} : memref<2x100x64xf32, #tpu.memory_space<vmem>>, vector<1x1x16xf32>,
        %add3A_625 = arith.constant 104 : i32
        %add3A_626 = arith.addi %add3A_625, %add3A_600 : i32
        %get3A_627 = arith.index_cast %add3A_626 : i32 to index
        %get3A_628 = arith.constant 32 : index
        %get3A_629 = tpu.vector_load %arg7[%get3A_627, %get3A_628] {strides = array<i32>} : memref<208x128xf32, #tpu.memory_space<vmem>>, vector<1x16xf32>,
        %get3A_630 = vector.shape_cast %get3A_629 : vector<1x16xf32> to vector<16xf32>
        %swap3A_631 = arith.constant 1 : i32
        %swap3A_632 = arith.index_cast %swap3A_631 : i32 to index
        %swap3A_633 = arith.index_cast %add3A_600 : i32 to index
        %swap3A_634 = arith.constant 32 : index
        %swap3A_635 = tpu.vector_load %arg9[%swap3A_632, %swap3A_633, %swap3A_634] {strides = array<i32>} : memref<2x100x64xf32, #tpu.memory_space<vmem>>, vector<1x1x16xf32>,
        %swap3A_636 = vector.shape_cast %swap3A_635 : vector<1x1x16xf32> to vector<16xf32>
        %swap3A_637 = vector.shape_cast %get3A_630 : vector<16xf32> to vector<1x1x16xf32>
        tpu.vector_store %arg9[%swap3A_632, %swap3A_633, %swap3A_634], %swap3A_637 {strides = array<i32>} : memref<2x100x64xf32, #tpu.memory_space<vmem>>, vector<1x1x16xf32>,
        %add3A_638 = arith.constant 104 : i32
        %add3A_639 = arith.addi %add3A_638, %add3A_600 : i32
        %get3A_640 = arith.index_cast %add3A_639 : i32 to index
        %get3A_641 = arith.constant 48 : index
        %get3A_642 = tpu.vector_load %arg7[%get3A_640, %get3A_641] {strides = array<i32>} : memref<208x128xf32, #tpu.memory_space<vmem>>, vector<1x16xf32>,
        %get3A_643 = vector.shape_cast %get3A_642 : vector<1x16xf32> to vector<16xf32>
        %swap3A_644 = arith.constant 1 : i32
        %swap3A_645 = arith.index_cast %swap3A_644 : i32 to index
        %swap3A_646 = arith.index_cast %add3A_600 : i32 to index
        %swap3A_647 = arith.constant 48 : index
        %swap3A_648 = tpu.vector_load %arg9[%swap3A_645, %swap3A_646, %swap3A_647] {strides = array<i32>} : memref<2x100x64xf32, #tpu.memory_space<vmem>>, vector<1x1x16xf32>,
        %swap3A_649 = vector.shape_cast %swap3A_648 : vector<1x1x16xf32> to vector<16xf32>
        %swap3A_650 = vector.shape_cast %get3A_643 : vector<16xf32> to vector<1x1x16xf32>
        tpu.vector_store %arg9[%swap3A_645, %swap3A_646, %swap3A_647], %swap3A_650 {strides = array<i32>} : memref<2x100x64xf32, #tpu.memory_space<vmem>>, vector<1x1x16xf32>,
        %mul3A_651 = arith.constant 4 : i32
        %mul3A_652 = arith.muli %scan3A_596, %mul3A_651 : i32
        %add3A_653 = arith.constant 1 : i32
        %add3A_654 = arith.addi %mul3A_652, %add3A_653 : i32
        %add3A_655 = arith.constant 104 : i32
        %add3A_656 = arith.addi %add3A_655, %add3A_654 : i32
        %get3A_657 = arith.index_cast %add3A_656 : i32 to index
        %get3A_658 = arith.constant 0 : index
        %get3A_659 = tpu.vector_load %arg7[%get3A_657, %get3A_658] {strides = array<i32>} : memref<208x128xf32, #tpu.memory_space<vmem>>, vector<1x16xf32>,
        %get3A_660 = vector.shape_cast %get3A_659 : vector<1x16xf32> to vector<16xf32>
        %swap3A_661 = arith.constant 1 : i32
        %swap3A_662 = arith.index_cast %swap3A_661 : i32 to index
        %swap3A_663 = arith.index_cast %add3A_654 : i32 to index
        %swap3A_664 = arith.constant 0 : index
        %swap3A_665 = tpu.vector_load %arg9[%swap3A_662, %swap3A_663, %swap3A_664] {strides = array<i32>} : memref<2x100x64xf32, #tpu.memory_space<vmem>>, vector<1x1x16xf32>,
        %swap3A_666 = vector.shape_cast %swap3A_665 : vector<1x1x16xf32> to vector<16xf32>
        %swap3A_667 = vector.shape_cast %get3A_660 : vector<16xf32> to vector<1x1x16xf32>
        tpu.vector_store %arg9[%swap3A_662, %swap3A_663, %swap3A_664], %swap3A_667 {strides = array<i32>} : memref<2x100x64xf32, #tpu.memory_space<vmem>>, vector<1x1x16xf32>,
        %add3A_668 = arith.constant 104 : i32
        %add3A_669 = arith.addi %add3A_668, %add3A_654 : i32
        %get3A_670 = arith.index_cast %add3A_669 : i32 to index
        %get3A_671 = arith.constant 16 : index
        %get3A_672 = tpu.vector_load %arg7[%get3A_670, %get3A_671] {strides = array<i32>} : memref<208x128xf32, #tpu.memory_space<vmem>>, vector<1x16xf32>,
        %get3A_673 = vector.shape_cast %get3A_672 : vector<1x16xf32> to vector<16xf32>
        %swap3A_674 = arith.constant 1 : i32
        %swap3A_675 = arith.index_cast %swap3A_674 : i32 to index
        %swap3A_676 = arith.index_cast %add3A_654 : i32 to index
        %swap3A_677 = arith.constant 16 : index
        %swap3A_678 = tpu.vector_load %arg9[%swap3A_675, %swap3A_676, %swap3A_677] {strides = array<i32>} : memref<2x100x64xf32, #tpu.memory_space<vmem>>, vector<1x1x16xf32>,
        %swap3A_679 = vector.shape_cast %swap3A_678 : vector<1x1x16xf32> to vector<16xf32>
        %swap3A_680 = vector.shape_cast %get3A_673 : vector<16xf32> to vector<1x1x16xf32>
        tpu.vector_store %arg9[%swap3A_675, %swap3A_676, %swap3A_677], %swap3A_680 {strides = array<i32>} : memref<2x100x64xf32, #tpu.memory_space<vmem>>, vector<1x1x16xf32>,
        %add3A_681 = arith.constant 104 : i32
        %add3A_682 = arith.addi %add3A_681, %add3A_654 : i32
        %get3A_683 = arith.index_cast %add3A_682 : i32 to index
        %get3A_684 = arith.constant 32 : index
        %get3A_685 = tpu.vector_load %arg7[%get3A_683, %get3A_684] {strides = array<i32>} : memref<208x128xf32, #tpu.memory_space<vmem>>, vector<1x16xf32>,
        %get3A_686 = vector.shape_cast %get3A_685 : vector<1x16xf32> to vector<16xf32>
        %swap3A_687 = arith.constant 1 : i32
        %swap3A_688 = arith.index_cast %swap3A_687 : i32 to index
        %swap3A_689 = arith.index_cast %add3A_654 : i32 to index
        %swap3A_690 = arith.constant 32 : index
        %swap3A_691 = tpu.vector_load %arg9[%swap3A_688, %swap3A_689, %swap3A_690] {strides = array<i32>} : memref<2x100x64xf32, #tpu.memory_space<vmem>>, vector<1x1x16xf32>,
        %swap3A_692 = vector.shape_cast %swap3A_691 : vector<1x1x16xf32> to vector<16xf32>
        %swap3A_693 = vector.shape_cast %get3A_686 : vector<16xf32> to vector<1x1x16xf32>
        tpu.vector_store %arg9[%swap3A_688, %swap3A_689, %swap3A_690], %swap3A_693 {strides = array<i32>} : memref<2x100x64xf32, #tpu.memory_space<vmem>>, vector<1x1x16xf32>,
        %add3A_694 = arith.constant 104 : i32
        %add3A_695 = arith.addi %add3A_694, %add3A_654 : i32
        %get3A_696 = arith.index_cast %add3A_695 : i32 to index
        %get3A_697 = arith.constant 48 : index
        %get3A_698 = tpu.vector_load %arg7[%get3A_696, %get3A_697] {strides = array<i32>} : memref<208x128xf32, #tpu.memory_space<vmem>>, vector<1x16xf32>,
        %get3A_699 = vector.shape_cast %get3A_698 : vector<1x16xf32> to vector<16xf32>
        %swap3A_700 = arith.constant 1 : i32
        %swap3A_701 = arith.index_cast %swap3A_700 : i32 to index
        %swap3A_702 = arith.index_cast %add3A_654 : i32 to index
        %swap3A_703 = arith.constant 48 : index
        %swap3A_704 = tpu.vector_load %arg9[%swap3A_701, %swap3A_702, %swap3A_703] {strides = array<i32>} : memref<2x100x64xf32, #tpu.memory_space<vmem>>, vector<1x1x16xf32>,
        %swap3A_705 = vector.shape_cast %swap3A_704 : vector<1x1x16xf32> to vector<16xf32>
        %swap3A_706 = vector.shape_cast %get3A_699 : vector<16xf32> to vector<1x1x16xf32>
        tpu.vector_store %arg9[%swap3A_701, %swap3A_702, %swap3A_703], %swap3A_706 {strides = array<i32>} : memref<2x100x64xf32, #tpu.memory_space<vmem>>, vector<1x1x16xf32>,
        %mul3A_707 = arith.constant 4 : i32
        %mul3A_708 = arith.muli %scan3A_596, %mul3A_707 : i32
        %add3A_709 = arith.constant 2 : i32
        %add3A_710 = arith.addi %mul3A_708, %add3A_709 : i32
        %add3A_711 = arith.constant 104 : i32
        %add3A_712 = arith.addi %add3A_711, %add3A_710 : i32
        %get3A_713 = arith.index_cast %add3A_712 : i32 to index
        %get3A_714 = arith.constant 0 : index
        %get3A_715 = tpu.vector_load %arg7[%get3A_713, %get3A_714] {strides = array<i32>} : memref<208x128xf32, #tpu.memory_space<vmem>>, vector<1x16xf32>,
        %get3A_716 = vector.shape_cast %get3A_715 : vector<1x16xf32> to vector<16xf32>
        %swap3A_717 = arith.constant 1 : i32
        %swap3A_718 = arith.index_cast %swap3A_717 : i32 to index
        %swap3A_719 = arith.index_cast %add3A_710 : i32 to index
        %swap3A_720 = arith.constant 0 : index
        %swap3A_721 = tpu.vector_load %arg9[%swap3A_718, %swap3A_719, %swap3A_720] {strides = array<i32>} : memref<2x100x64xf32, #tpu.memory_space<vmem>>, vector<1x1x16xf32>,
        %swap3A_722 = vector.shape_cast %swap3A_721 : vector<1x1x16xf32> to vector<16xf32>
        %swap3A_723 = vector.shape_cast %get3A_716 : vector<16xf32> to vector<1x1x16xf32>
        tpu.vector_store %arg9[%swap3A_718, %swap3A_719, %swap3A_720], %swap3A_723 {strides = array<i32>} : memref<2x100x64xf32, #tpu.memory_space<vmem>>, vector<1x1x16xf32>,
        %add3A_724 = arith.constant 104 : i32
        %add3A_725 = arith.addi %add3A_724, %add3A_710 : i32
        %get3A_726 = arith.index_cast %add3A_725 : i32 to index
        %get3A_727 = arith.constant 16 : index
        %get3A_728 = tpu.vector_load %arg7[%get3A_726, %get3A_727] {strides = array<i32>} : memref<208x128xf32, #tpu.memory_space<vmem>>, vector<1x16xf32>,
        %get3A_729 = vector.shape_cast %get3A_728 : vector<1x16xf32> to vector<16xf32>
        %swap3A_730 = arith.constant 1 : i32
        %swap3A_731 = arith.index_cast %swap3A_730 : i32 to index
        %swap3A_732 = arith.index_cast %add3A_710 : i32 to index
        %swap3A_733 = arith.constant 16 : index
        %swap3A_734 = tpu.vector_load %arg9[%swap3A_731, %swap3A_732, %swap3A_733] {strides = array<i32>} : memref<2x100x64xf32, #tpu.memory_space<vmem>>, vector<1x1x16xf32>,
        %swap3A_735 = vector.shape_cast %swap3A_734 : vector<1x1x16xf32> to vector<16xf32>
        %swap3A_736 = vector.shape_cast %get3A_729 : vector<16xf32> to vector<1x1x16xf32>
        tpu.vector_store %arg9[%swap3A_731, %swap3A_732, %swap3A_733], %swap3A_736 {strides = array<i32>} : memref<2x100x64xf32, #tpu.memory_space<vmem>>, vector<1x1x16xf32>,
        %add3A_737 = arith.constant 104 : i32
        %add3A_738 = arith.addi %add3A_737, %add3A_710 : i32
        %get3A_739 = arith.index_cast %add3A_738 : i32 to index
        %get3A_740 = arith.constant 32 : index
        %get3A_741 = tpu.vector_load %arg7[%get3A_739, %get3A_740] {strides = array<i32>} : memref<208x128xf32, #tpu.memory_space<vmem>>, vector<1x16xf32>,
        %get3A_742 = vector.shape_cast %get3A_741 : vector<1x16xf32> to vector<16xf32>
        %swap3A_743 = arith.constant 1 : i32
        %swap3A_744 = arith.index_cast %swap3A_743 : i32 to index
        %swap3A_745 = arith.index_cast %add3A_710 : i32 to index
        %swap3A_746 = arith.constant 32 : index
        %swap3A_747 = tpu.vector_load %arg9[%swap3A_744, %swap3A_745, %swap3A_746] {strides = array<i32>} : memref<2x100x64xf32, #tpu.memory_space<vmem>>, vector<1x1x16xf32>,
        %swap3A_748 = vector.shape_cast %swap3A_747 : vector<1x1x16xf32> to vector<16xf32>
        %swap3A_749 = vector.shape_cast %get3A_742 : vector<16xf32> to vector<1x1x16xf32>
        tpu.vector_store %arg9[%swap3A_744, %swap3A_745, %swap3A_746], %swap3A_749 {strides = array<i32>} : memref<2x100x64xf32, #tpu.memory_space<vmem>>, vector<1x1x16xf32>,
        %add3A_750 = arith.constant 104 : i32
        %add3A_751 = arith.addi %add3A_750, %add3A_710 : i32
        %get3A_752 = arith.index_cast %add3A_751 : i32 to index
        %get3A_753 = arith.constant 48 : index
        %get3A_754 = tpu.vector_load %arg7[%get3A_752, %get3A_753] {strides = array<i32>} : memref<208x128xf32, #tpu.memory_space<vmem>>, vector<1x16xf32>,
        %get3A_755 = vector.shape_cast %get3A_754 : vector<1x16xf32> to vector<16xf32>
        %swap3A_756 = arith.constant 1 : i32
        %swap3A_757 = arith.index_cast %swap3A_756 : i32 to index
        %swap3A_758 = arith.index_cast %add3A_710 : i32 to index
        %swap3A_759 = arith.constant 48 : index
        %swap3A_760 = tpu.vector_load %arg9[%swap3A_757, %swap3A_758, %swap3A_759] {strides = array<i32>} : memref<2x100x64xf32, #tpu.memory_space<vmem>>, vector<1x1x16xf32>,
        %swap3A_761 = vector.shape_cast %swap3A_760 : vector<1x1x16xf32> to vector<16xf32>
        %swap3A_762 = vector.shape_cast %get3A_755 : vector<16xf32> to vector<1x1x16xf32>
        tpu.vector_store %arg9[%swap3A_757, %swap3A_758, %swap3A_759], %swap3A_762 {strides = array<i32>} : memref<2x100x64xf32, #tpu.memory_space<vmem>>, vector<1x1x16xf32>,
        %mul3A_763 = arith.constant 4 : i32
        %mul3A_764 = arith.muli %scan3A_596, %mul3A_763 : i32
        %add3A_765 = arith.constant 3 : i32
        %add3A_766 = arith.addi %mul3A_764, %add3A_765 : i32
        %add3A_767 = arith.constant 104 : i32
        %add3A_768 = arith.addi %add3A_767, %add3A_766 : i32
        %get3A_769 = arith.index_cast %add3A_768 : i32 to index
        %get3A_770 = arith.constant 0 : index
        %get3A_771 = tpu.vector_load %arg7[%get3A_769, %get3A_770] {strides = array<i32>} : memref<208x128xf32, #tpu.memory_space<vmem>>, vector<1x16xf32>,
        %get3A_772 = vector.shape_cast %get3A_771 : vector<1x16xf32> to vector<16xf32>
        %swap3A_773 = arith.constant 1 : i32
        %swap3A_774 = arith.index_cast %swap3A_773 : i32 to index
        %swap3A_775 = arith.index_cast %add3A_766 : i32 to index
        %swap3A_776 = arith.constant 0 : index
        %swap3A_777 = tpu.vector_load %arg9[%swap3A_774, %swap3A_775, %swap3A_776] {strides = array<i32>} : memref<2x100x64xf32, #tpu.memory_space<vmem>>, vector<1x1x16xf32>,
        %swap3A_778 = vector.shape_cast %swap3A_777 : vector<1x1x16xf32> to vector<16xf32>
        %swap3A_779 = vector.shape_cast %get3A_772 : vector<16xf32> to vector<1x1x16xf32>
        tpu.vector_store %arg9[%swap3A_774, %swap3A_775, %swap3A_776], %swap3A_779 {strides = array<i32>} : memref<2x100x64xf32, #tpu.memory_space<vmem>>, vector<1x1x16xf32>,
        %add3A_780 = arith.constant 104 : i32
        %add3A_781 = arith.addi %add3A_780, %add3A_766 : i32
        %get3A_782 = arith.index_cast %add3A_781 : i32 to index
        %get3A_783 = arith.constant 16 : index
        %get3A_784 = tpu.vector_load %arg7[%get3A_782, %get3A_783] {strides = array<i32>} : memref<208x128xf32, #tpu.memory_space<vmem>>, vector<1x16xf32>,
        %get3A_785 = vector.shape_cast %get3A_784 : vector<1x16xf32> to vector<16xf32>
        %swap3A_786 = arith.constant 1 : i32
        %swap3A_787 = arith.index_cast %swap3A_786 : i32 to index
        %swap3A_788 = arith.index_cast %add3A_766 : i32 to index
        %swap3A_789 = arith.constant 16 : index
        %swap3A_790 = tpu.vector_load %arg9[%swap3A_787, %swap3A_788, %swap3A_789] {strides = array<i32>} : memref<2x100x64xf32, #tpu.memory_space<vmem>>, vector<1x1x16xf32>,
        %swap3A_791 = vector.shape_cast %swap3A_790 : vector<1x1x16xf32> to vector<16xf32>
        %swap3A_792 = vector.shape_cast %get3A_785 : vector<16xf32> to vector<1x1x16xf32>
        tpu.vector_store %arg9[%swap3A_787, %swap3A_788, %swap3A_789], %swap3A_792 {strides = array<i32>} : memref<2x100x64xf32, #tpu.memory_space<vmem>>, vector<1x1x16xf32>,
        %add3A_793 = arith.constant 104 : i32
        %add3A_794 = arith.addi %add3A_793, %add3A_766 : i32
        %get3A_795 = arith.index_cast %add3A_794 : i32 to index
        %get3A_796 = arith.constant 32 : index
        %get3A_797 = tpu.vector_load %arg7[%get3A_795, %get3A_796] {strides = array<i32>} : memref<208x128xf32, #tpu.memory_space<vmem>>, vector<1x16xf32>,
        %get3A_798 = vector.shape_cast %get3A_797 : vector<1x16xf32> to vector<16xf32>
        %swap3A_799 = arith.constant 1 : i32
        %swap3A_800 = arith.index_cast %swap3A_799 : i32 to index
        %swap3A_801 = arith.index_cast %add3A_766 : i32 to index
        %swap3A_802 = arith.constant 32 : index
        %swap3A_803 = tpu.vector_load %arg9[%swap3A_800, %swap3A_801, %swap3A_802] {strides = array<i32>} : memref<2x100x64xf32, #tpu.memory_space<vmem>>, vector<1x1x16xf32>,
        %swap3A_804 = vector.shape_cast %swap3A_803 : vector<1x1x16xf32> to vector<16xf32>
        %swap3A_805 = vector.shape_cast %get3A_798 : vector<16xf32> to vector<1x1x16xf32>
        tpu.vector_store %arg9[%swap3A_800, %swap3A_801, %swap3A_802], %swap3A_805 {strides = array<i32>} : memref<2x100x64xf32, #tpu.memory_space<vmem>>, vector<1x1x16xf32>,
        %add3A_806 = arith.constant 104 : i32
        %add3A_807 = arith.addi %add3A_806, %add3A_766 : i32
        %get3A_808 = arith.index_cast %add3A_807 : i32 to index
        %get3A_809 = arith.constant 48 : index
        %get3A_810 = tpu.vector_load %arg7[%get3A_808, %get3A_809] {strides = array<i32>} : memref<208x128xf32, #tpu.memory_space<vmem>>, vector<1x16xf32>,
        %get3A_811 = vector.shape_cast %get3A_810 : vector<1x16xf32> to vector<16xf32>
        %swap3A_812 = arith.constant 1 : i32
        %swap3A_813 = arith.index_cast %swap3A_812 : i32 to index
        %swap3A_814 = arith.index_cast %add3A_766 : i32 to index
        %swap3A_815 = arith.constant 48 : index
        %swap3A_816 = tpu.vector_load %arg9[%swap3A_813, %swap3A_814, %swap3A_815] {strides = array<i32>} : memref<2x100x64xf32, #tpu.memory_space<vmem>>, vector<1x1x16xf32>,
        %swap3A_817 = vector.shape_cast %swap3A_816 : vector<1x1x16xf32> to vector<16xf32>
        %swap3A_818 = vector.shape_cast %get3A_811 : vector<16xf32> to vector<1x1x16xf32>
        tpu.vector_store %arg9[%swap3A_813, %swap3A_814, %swap3A_815], %swap3A_818 {strides = array<i32>} : memref<2x100x64xf32, #tpu.memory_space<vmem>>, vector<1x1x16xf32>,
      }
      %scan3A_395 = arith.constant 25 : i32
      %add3A_396 = arith.constant 0 : i32
      %add3A_397 = arith.addi %multiple_of3A_308, %add3A_396 : i32
      %dma_start3A_398 = arith.constant 0 : i32
      %dma_start3A_399 = arith.constant 0 : i32
      %dma_start3A_400 = tpu.memref_slice %arg4[%add3A_397, %dma_start3A_398, %dma_start3A_399] : memref<16384x100x64xf32, #tpu.memory_space<hbm>> -> memref<2x100x64xf32, #tpu.memory_space<hbm>>
      %dma_start3A_401 = arith.constant 0 : i32
      %dma_start3A_402 = arith.constant 0 : i32
      %dma_start3A_403 = tpu.memref_slice %arg4[%add3A_397, %dma_start3A_401, %dma_start3A_402] : memref<16384x100x64xf32, #tpu.memory_space<hbm>> -> memref<2x100x64xf32, #tpu.memory_space<hbm>>
      tpu.enqueue_dma source(%arg9 : memref<2x100x64xf32, #tpu.memory_space<vmem>>) target(%dma_start3A_403 : memref<2x100x64xf32, #tpu.memory_space<hbm>>) target_semaphore(%arg13 : memref<!tpu.dma_semaphore, #tpu.memory_space<semaphore_mem>>)
      %dma_start3A_404 = arith.constant 4 : i32
      %dma_start3A_405 = arith.constant 0 : i32
      %dma_start3A_406 = arith.constant 0 : i32
      %dma_start3A_407 = tpu.memref_slice %arg7[%dma_start3A_405, %dma_start3A_406] : memref<208x128xf32, #tpu.memory_space<vmem>> -> memref<100x128xf32, #tpu.memory_space<vmem>>
      %dma_start3A_408 = arith.constant 0 : i32
      %dma_start3A_409 = tpu.memref_slice %arg6[%dma_start3A_404, %dma_start3A_408] : memref<8x100xi32, #tpu.memory_space<vmem>> -> memref<1x100xi32, #tpu.memory_space<vmem>>
      %dma_start3A_410 = tpu.memref_squeeze %dma_start3A_409 : memref<1x100xi32, #tpu.memory_space<vmem>> -> memref<100xi32, #tpu.memory_space<vmem>>
      %dma_start3A_411 = arith.constant 0 : i32
      %dma_start3A_412 = arith.constant 0 : i32
      %dma_start3A_413 = tpu.memref_slice %arg3[%dma_start3A_411, %dma_start3A_412] : memref<1000000x128xf32, #tpu.memory_space<hbm>> -> memref<1000000x128xf32, #tpu.memory_space<hbm>>
      tpu.enqueue_indirect_dma source(%dma_start3A_413 : memref<1000000x128xf32, #tpu.memory_space<hbm>>) target(%dma_start3A_407 : memref<100x128xf32, #tpu.memory_space<vmem>>) offsets(%dma_start3A_410 : memref<100xi32, #tpu.memory_space<vmem>>) semaphore(%arg11 : memref<!tpu.dma_semaphore, #tpu.memory_space<semaphore_mem>>)
      %dma_start3A_414 = arith.constant 5 : i32
      %dma_start3A_415 = arith.constant 104 : i32
      %dma_start3A_416 = arith.constant 0 : i32
      %dma_start3A_417 = tpu.memref_slice %arg7[%dma_start3A_415, %dma_start3A_416] : memref<208x128xf32, #tpu.memory_space<vmem>> -> memref<100x128xf32, #tpu.memory_space<vmem>>
      %dma_start3A_418 = arith.constant 0 : i32
      %dma_start3A_419 = tpu.memref_slice %arg6[%dma_start3A_414, %dma_start3A_418] : memref<8x100xi32, #tpu.memory_space<vmem>> -> memref<1x100xi32, #tpu.memory_space<vmem>>
      %dma_start3A_420 = tpu.memref_squeeze %dma_start3A_419 : memref<1x100xi32, #tpu.memory_space<vmem>> -> memref<100xi32, #tpu.memory_space<vmem>>
      %dma_start3A_421 = arith.constant 0 : i32
      %dma_start3A_422 = arith.constant 0 : i32
      %dma_start3A_423 = tpu.memref_slice %arg3[%dma_start3A_421, %dma_start3A_422] : memref<1000000x128xf32, #tpu.memory_space<hbm>> -> memref<1000000x128xf32, #tpu.memory_space<hbm>>
      tpu.enqueue_indirect_dma source(%dma_start3A_423 : memref<1000000x128xf32, #tpu.memory_space<hbm>>) target(%dma_start3A_417 : memref<100x128xf32, #tpu.memory_space<vmem>>) offsets(%dma_start3A_420 : memref<100xi32, #tpu.memory_space<vmem>>) semaphore(%arg11 : memref<!tpu.dma_semaphore, #tpu.memory_space<semaphore_mem>>)
      %dma_wait3A_424 = arith.constant 2 : i32
      %dma_wait3A_425 = arith.constant 0 : i32
      %dma_wait3A_426 = arith.constant 0 : i32
      %dma_wait3A_427 = tpu.memref_slice %arg8[%dma_wait3A_425, %dma_wait3A_426] : memref<208x128xf32, #tpu.memory_space<vmem>> -> memref<100x128xf32, #tpu.memory_space<vmem>>
      %dma_wait3A_428 = arith.constant 0 : i32
      %dma_wait3A_429 = tpu.memref_slice %arg6[%dma_wait3A_424, %dma_wait3A_428] : memref<8x100xi32, #tpu.memory_space<vmem>> -> memref<1x100xi32, #tpu.memory_space<vmem>>
      %dma_wait3A_430 = tpu.memref_squeeze %dma_wait3A_429 : memref<1x100xi32, #tpu.memory_space<vmem>> -> memref<100xi32, #tpu.memory_space<vmem>>
      %dma_wait3A_431 = arith.constant 0 : i32
      %dma_wait3A_432 = arith.constant 0 : i32
      %dma_wait3A_433 = tpu.memref_slice %arg3[%dma_wait3A_431, %dma_wait3A_432] : memref<1000000x128xf32, #tpu.memory_space<hbm>> -> memref<1000000x128xf32, #tpu.memory_space<hbm>>
      tpu.wait_indirect_dma semaphore(%arg12 : memref<!tpu.dma_semaphore, #tpu.memory_space<semaphore_mem>>) src(%dma_wait3A_433 : memref<1000000x128xf32, #tpu.memory_space<hbm>>) dst(%dma_wait3A_427 : memref<100x128xf32, #tpu.memory_space<vmem>>)
      %dma_wait3A_434 = arith.constant 3 : i32
      %dma_wait3A_435 = arith.constant 104 : i32
      %dma_wait3A_436 = arith.constant 0 : i32
      %dma_wait3A_437 = tpu.memref_slice %arg8[%dma_wait3A_435, %dma_wait3A_436] : memref<208x128xf32, #tpu.memory_space<vmem>> -> memref<100x128xf32, #tpu.memory_space<vmem>>
      %dma_wait3A_438 = arith.constant 0 : i32
      %dma_wait3A_439 = tpu.memref_slice %arg6[%dma_wait3A_434, %dma_wait3A_438] : memref<8x100xi32, #tpu.memory_space<vmem>> -> memref<1x100xi32, #tpu.memory_space<vmem>>
      %dma_wait3A_440 = tpu.memref_squeeze %dma_wait3A_439 : memref<1x100xi32, #tpu.memory_space<vmem>> -> memref<100xi32, #tpu.memory_space<vmem>>
      %dma_wait3A_441 = arith.constant 0 : i32
      %dma_wait3A_442 = arith.constant 0 : i32
      %dma_wait3A_443 = tpu.memref_slice %arg3[%dma_wait3A_441, %dma_wait3A_442] : memref<1000000x128xf32, #tpu.memory_space<hbm>> -> memref<1000000x128xf32, #tpu.memory_space<hbm>>
      tpu.wait_indirect_dma semaphore(%arg12 : memref<!tpu.dma_semaphore, #tpu.memory_space<semaphore_mem>>) src(%dma_wait3A_443 : memref<1000000x128xf32, #tpu.memory_space<hbm>>) dst(%dma_wait3A_437 : memref<100x128xf32, #tpu.memory_space<vmem>>)
      %scan3A_444 = arith.constant 0 : i32
      %scan3A_445 = arith.constant 0 : i32
      %scan3A_446 = arith.constant 25 : i32
      %scan3A_447 = arith.addi %scan3A_445, %scan3A_446 : i32
      %scan3A_448 = arith.constant 1 : i32
      scf.for %scan3A_596 = %scan3A_445 to %scan3A_447 step %scan3A_448  : i32 {
        %mul3A_597 = arith.constant 4 : i32
        %mul3A_598 = arith.muli %scan3A_596, %mul3A_597 : i32
        %add3A_599 = arith.constant 0 : i32
        %add3A_600 = arith.addi %mul3A_598, %add3A_599 : i32
        %add3A_601 = arith.constant 0 : i32
        %add3A_602 = arith.addi %add3A_601, %add3A_600 : i32
        %get3A = arith.index_cast %add3A_602 : i32 to index
        %get3A_603 = arith.constant 0 : index
        %get3A_604 = tpu.vector_load %arg8[%get3A, %get3A_603] {strides = array<i32>} : memref<208x128xf32, #tpu.memory_space<vmem>>, vector<1x16xf32>,
        %get3A_605 = vector.shape_cast %get3A_604 : vector<1x16xf32> to vector<16xf32>
        %swap3A = arith.constant 0 : i32
        %swap3A_606 = arith.index_cast %swap3A : i32 to index
        %swap3A_607 = arith.index_cast %add3A_600 : i32 to index
        %swap3A_608 = arith.constant 0 : index
        %swap3A_609 = tpu.vector_load %arg10[%swap3A_606, %swap3A_607, %swap3A_608] {strides = array<i32>} : memref<2x100x64xf32, #tpu.memory_space<vmem>>, vector<1x1x16xf32>,
        %swap3A_610 = vector.shape_cast %swap3A_609 : vector<1x1x16xf32> to vector<16xf32>
        %swap3A_611 = vector.shape_cast %get3A_605 : vector<16xf32> to vector<1x1x16xf32>
        tpu.vector_store %arg10[%swap3A_606, %swap3A_607, %swap3A_608], %swap3A_611 {strides = array<i32>} : memref<2x100x64xf32, #tpu.memory_space<vmem>>, vector<1x1x16xf32>,
        %add3A_612 = arith.constant 0 : i32
        %add3A_613 = arith.addi %add3A_612, %add3A_600 : i32
        %get3A_614 = arith.index_cast %add3A_613 : i32 to index
        %get3A_615 = arith.constant 16 : index
        %get3A_616 = tpu.vector_load %arg8[%get3A_614, %get3A_615] {strides = array<i32>} : memref<208x128xf32, #tpu.memory_space<vmem>>, vector<1x16xf32>,
        %get3A_617 = vector.shape_cast %get3A_616 : vector<1x16xf32> to vector<16xf32>
        %swap3A_618 = arith.constant 0 : i32
        %swap3A_619 = arith.index_cast %swap3A_618 : i32 to index
        %swap3A_620 = arith.index_cast %add3A_600 : i32 to index
        %swap3A_621 = arith.constant 16 : index
        %swap3A_622 = tpu.vector_load %arg10[%swap3A_619, %swap3A_620, %swap3A_621] {strides = array<i32>} : memref<2x100x64xf32, #tpu.memory_space<vmem>>, vector<1x1x16xf32>,
        %swap3A_623 = vector.shape_cast %swap3A_622 : vector<1x1x16xf32> to vector<16xf32>
        %swap3A_624 = vector.shape_cast %get3A_617 : vector<16xf32> to vector<1x1x16xf32>
        tpu.vector_store %arg10[%swap3A_619, %swap3A_620, %swap3A_621], %swap3A_624 {strides = array<i32>} : memref<2x100x64xf32, #tpu.memory_space<vmem>>, vector<1x1x16xf32>,
        %add3A_625 = arith.constant 0 : i32
        %add3A_626 = arith.addi %add3A_625, %add3A_600 : i32
        %get3A_627 = arith.index_cast %add3A_626 : i32 to index
        %get3A_628 = arith.constant 32 : index
        %get3A_629 = tpu.vector_load %arg8[%get3A_627, %get3A_628] {strides = array<i32>} : memref<208x128xf32, #tpu.memory_space<vmem>>, vector<1x16xf32>,
        %get3A_630 = vector.shape_cast %get3A_629 : vector<1x16xf32> to vector<16xf32>
        %swap3A_631 = arith.constant 0 : i32
        %swap3A_632 = arith.index_cast %swap3A_631 : i32 to index
        %swap3A_633 = arith.index_cast %add3A_600 : i32 to index
        %swap3A_634 = arith.constant 32 : index
        %swap3A_635 = tpu.vector_load %arg10[%swap3A_632, %swap3A_633, %swap3A_634] {strides = array<i32>} : memref<2x100x64xf32, #tpu.memory_space<vmem>>, vector<1x1x16xf32>,
        %swap3A_636 = vector.shape_cast %swap3A_635 : vector<1x1x16xf32> to vector<16xf32>
        %swap3A_637 = vector.shape_cast %get3A_630 : vector<16xf32> to vector<1x1x16xf32>
        tpu.vector_store %arg10[%swap3A_632, %swap3A_633, %swap3A_634], %swap3A_637 {strides = array<i32>} : memref<2x100x64xf32, #tpu.memory_space<vmem>>, vector<1x1x16xf32>,
        %add3A_638 = arith.constant 0 : i32
        %add3A_639 = arith.addi %add3A_638, %add3A_600 : i32
        %get3A_640 = arith.index_cast %add3A_639 : i32 to index
        %get3A_641 = arith.constant 48 : index
        %get3A_642 = tpu.vector_load %arg8[%get3A_640, %get3A_641] {strides = array<i32>} : memref<208x128xf32, #tpu.memory_space<vmem>>, vector<1x16xf32>,
        %get3A_643 = vector.shape_cast %get3A_642 : vector<1x16xf32> to vector<16xf32>
        %swap3A_644 = arith.constant 0 : i32
        %swap3A_645 = arith.index_cast %swap3A_644 : i32 to index
        %swap3A_646 = arith.index_cast %add3A_600 : i32 to index
        %swap3A_647 = arith.constant 48 : index
        %swap3A_648 = tpu.vector_load %arg10[%swap3A_645, %swap3A_646, %swap3A_647] {strides = array<i32>} : memref<2x100x64xf32, #tpu.memory_space<vmem>>, vector<1x1x16xf32>,
        %swap3A_649 = vector.shape_cast %swap3A_648 : vector<1x1x16xf32> to vector<16xf32>
        %swap3A_650 = vector.shape_cast %get3A_643 : vector<16xf32> to vector<1x1x16xf32>
        tpu.vector_store %arg10[%swap3A_645, %swap3A_646, %swap3A_647], %swap3A_650 {strides = array<i32>} : memref<2x100x64xf32, #tpu.memory_space<vmem>>, vector<1x1x16xf32>,
        %mul3A_651 = arith.constant 4 : i32
        %mul3A_652 = arith.muli %scan3A_596, %mul3A_651 : i32
        %add3A_653 = arith.constant 1 : i32
        %add3A_654 = arith.addi %mul3A_652, %add3A_653 : i32
        %add3A_655 = arith.constant 0 : i32
        %add3A_656 = arith.addi %add3A_655, %add3A_654 : i32
        %get3A_657 = arith.index_cast %add3A_656 : i32 to index
        %get3A_658 = arith.constant 0 : index
        %get3A_659 = tpu.vector_load %arg8[%get3A_657, %get3A_658] {strides = array<i32>} : memref<208x128xf32, #tpu.memory_space<vmem>>, vector<1x16xf32>,
        %get3A_660 = vector.shape_cast %get3A_659 : vector<1x16xf32> to vector<16xf32>
        %swap3A_661 = arith.constant 0 : i32
        %swap3A_662 = arith.index_cast %swap3A_661 : i32 to index
        %swap3A_663 = arith.index_cast %add3A_654 : i32 to index
        %swap3A_664 = arith.constant 0 : index
        %swap3A_665 = tpu.vector_load %arg10[%swap3A_662, %swap3A_663, %swap3A_664] {strides = array<i32>} : memref<2x100x64xf32, #tpu.memory_space<vmem>>, vector<1x1x16xf32>,
        %swap3A_666 = vector.shape_cast %swap3A_665 : vector<1x1x16xf32> to vector<16xf32>
        %swap3A_667 = vector.shape_cast %get3A_660 : vector<16xf32> to vector<1x1x16xf32>
        tpu.vector_store %arg10[%swap3A_662, %swap3A_663, %swap3A_664], %swap3A_667 {strides = array<i32>} : memref<2x100x64xf32, #tpu.memory_space<vmem>>, vector<1x1x16xf32>,
        %add3A_668 = arith.constant 0 : i32
        %add3A_669 = arith.addi %add3A_668, %add3A_654 : i32
        %get3A_670 = arith.index_cast %add3A_669 : i32 to index
        %get3A_671 = arith.constant 16 : index
        %get3A_672 = tpu.vector_load %arg8[%get3A_670, %get3A_671] {strides = array<i32>} : memref<208x128xf32, #tpu.memory_space<vmem>>, vector<1x16xf32>,
        %get3A_673 = vector.shape_cast %get3A_672 : vector<1x16xf32> to vector<16xf32>
        %swap3A_674 = arith.constant 0 : i32
        %swap3A_675 = arith.index_cast %swap3A_674 : i32 to index
        %swap3A_676 = arith.index_cast %add3A_654 : i32 to index
        %swap3A_677 = arith.constant 16 : index
        %swap3A_678 = tpu.vector_load %arg10[%swap3A_675, %swap3A_676, %swap3A_677] {strides = array<i32>} : memref<2x100x64xf32, #tpu.memory_space<vmem>>, vector<1x1x16xf32>,
        %swap3A_679 = vector.shape_cast %swap3A_678 : vector<1x1x16xf32> to vector<16xf32>
        %swap3A_680 = vector.shape_cast %get3A_673 : vector<16xf32> to vector<1x1x16xf32>
        tpu.vector_store %arg10[%swap3A_675, %swap3A_676, %swap3A_677], %swap3A_680 {strides = array<i32>} : memref<2x100x64xf32, #tpu.memory_space<vmem>>, vector<1x1x16xf32>,
        %add3A_681 = arith.constant 0 : i32
        %add3A_682 = arith.addi %add3A_681, %add3A_654 : i32
        %get3A_683 = arith.index_cast %add3A_682 : i32 to index
        %get3A_684 = arith.constant 32 : index
        %get3A_685 = tpu.vector_load %arg8[%get3A_683, %get3A_684] {strides = array<i32>} : memref<208x128xf32, #tpu.memory_space<vmem>>, vector<1x16xf32>,
        %get3A_686 = vector.shape_cast %get3A_685 : vector<1x16xf32> to vector<16xf32>
        %swap3A_687 = arith.constant 0 : i32
        %swap3A_688 = arith.index_cast %swap3A_687 : i32 to index
        %swap3A_689 = arith.index_cast %add3A_654 : i32 to index
        %swap3A_690 = arith.constant 32 : index
        %swap3A_691 = tpu.vector_load %arg10[%swap3A_688, %swap3A_689, %swap3A_690] {strides = array<i32>} : memref<2x100x64xf32, #tpu.memory_space<vmem>>, vector<1x1x16xf32>,
        %swap3A_692 = vector.shape_cast %swap3A_691 : vector<1x1x16xf32> to vector<16xf32>
        %swap3A_693 = vector.shape_cast %get3A_686 : vector<16xf32> to vector<1x1x16xf32>
        tpu.vector_store %arg10[%swap3A_688, %swap3A_689, %swap3A_690], %swap3A_693 {strides = array<i32>} : memref<2x100x64xf32, #tpu.memory_space<vmem>>, vector<1x1x16xf32>,
        %add3A_694 = arith.constant 0 : i32
        %add3A_695 = arith.addi %add3A_694, %add3A_654 : i32
        %get3A_696 = arith.index_cast %add3A_695 : i32 to index
        %get3A_697 = arith.constant 48 : index
        %get3A_698 = tpu.vector_load %arg8[%get3A_696, %get3A_697] {strides = array<i32>} : memref<208x128xf32, #tpu.memory_space<vmem>>, vector<1x16xf32>,
        %get3A_699 = vector.shape_cast %get3A_698 : vector<1x16xf32> to vector<16xf32>
        %swap3A_700 = arith.constant 0 : i32
        %swap3A_701 = arith.index_cast %swap3A_700 : i32 to index
        %swap3A_702 = arith.index_cast %add3A_654 : i32 to index
        %swap3A_703 = arith.constant 48 : index
        %swap3A_704 = tpu.vector_load %arg10[%swap3A_701, %swap3A_702, %swap3A_703] {strides = array<i32>} : memref<2x100x64xf32, #tpu.memory_space<vmem>>, vector<1x1x16xf32>,
        %swap3A_705 = vector.shape_cast %swap3A_704 : vector<1x1x16xf32> to vector<16xf32>
        %swap3A_706 = vector.shape_cast %get3A_699 : vector<16xf32> to vector<1x1x16xf32>
        tpu.vector_store %arg10[%swap3A_701, %swap3A_702, %swap3A_703], %swap3A_706 {strides = array<i32>} : memref<2x100x64xf32, #tpu.memory_space<vmem>>, vector<1x1x16xf32>,
        %mul3A_707 = arith.constant 4 : i32
        %mul3A_708 = arith.muli %scan3A_596, %mul3A_707 : i32
        %add3A_709 = arith.constant 2 : i32
        %add3A_710 = arith.addi %mul3A_708, %add3A_709 : i32
        %add3A_711 = arith.constant 0 : i32
        %add3A_712 = arith.addi %add3A_711, %add3A_710 : i32
        %get3A_713 = arith.index_cast %add3A_712 : i32 to index
        %get3A_714 = arith.constant 0 : index
        %get3A_715 = tpu.vector_load %arg8[%get3A_713, %get3A_714] {strides = array<i32>} : memref<208x128xf32, #tpu.memory_space<vmem>>, vector<1x16xf32>,
        %get3A_716 = vector.shape_cast %get3A_715 : vector<1x16xf32> to vector<16xf32>
        %swap3A_717 = arith.constant 0 : i32
        %swap3A_718 = arith.index_cast %swap3A_717 : i32 to index
        %swap3A_719 = arith.index_cast %add3A_710 : i32 to index
        %swap3A_720 = arith.constant 0 : index
        %swap3A_721 = tpu.vector_load %arg10[%swap3A_718, %swap3A_719, %swap3A_720] {strides = array<i32>} : memref<2x100x64xf32, #tpu.memory_space<vmem>>, vector<1x1x16xf32>,
        %swap3A_722 = vector.shape_cast %swap3A_721 : vector<1x1x16xf32> to vector<16xf32>
        %swap3A_723 = vector.shape_cast %get3A_716 : vector<16xf32> to vector<1x1x16xf32>
        tpu.vector_store %arg10[%swap3A_718, %swap3A_719, %swap3A_720], %swap3A_723 {strides = array<i32>} : memref<2x100x64xf32, #tpu.memory_space<vmem>>, vector<1x1x16xf32>,
        %add3A_724 = arith.constant 0 : i32
        %add3A_725 = arith.addi %add3A_724, %add3A_710 : i32
        %get3A_726 = arith.index_cast %add3A_725 : i32 to index
        %get3A_727 = arith.constant 16 : index
        %get3A_728 = tpu.vector_load %arg8[%get3A_726, %get3A_727] {strides = array<i32>} : memref<208x128xf32, #tpu.memory_space<vmem>>, vector<1x16xf32>,
        %get3A_729 = vector.shape_cast %get3A_728 : vector<1x16xf32> to vector<16xf32>
        %swap3A_730 = arith.constant 0 : i32
        %swap3A_731 = arith.index_cast %swap3A_730 : i32 to index
        %swap3A_732 = arith.index_cast %add3A_710 : i32 to index
        %swap3A_733 = arith.constant 16 : index
        %swap3A_734 = tpu.vector_load %arg10[%swap3A_731, %swap3A_732, %swap3A_733] {strides = array<i32>} : memref<2x100x64xf32, #tpu.memory_space<vmem>>, vector<1x1x16xf32>,
        %swap3A_735 = vector.shape_cast %swap3A_734 : vector<1x1x16xf32> to vector<16xf32>
        %swap3A_736 = vector.shape_cast %get3A_729 : vector<16xf32> to vector<1x1x16xf32>
        tpu.vector_store %arg10[%swap3A_731, %swap3A_732, %swap3A_733], %swap3A_736 {strides = array<i32>} : memref<2x100x64xf32, #tpu.memory_space<vmem>>, vector<1x1x16xf32>,
        %add3A_737 = arith.constant 0 : i32
        %add3A_738 = arith.addi %add3A_737, %add3A_710 : i32
        %get3A_739 = arith.index_cast %add3A_738 : i32 to index
        %get3A_740 = arith.constant 32 : index
        %get3A_741 = tpu.vector_load %arg8[%get3A_739, %get3A_740] {strides = array<i32>} : memref<208x128xf32, #tpu.memory_space<vmem>>, vector<1x16xf32>,
        %get3A_742 = vector.shape_cast %get3A_741 : vector<1x16xf32> to vector<16xf32>
        %swap3A_743 = arith.constant 0 : i32
        %swap3A_744 = arith.index_cast %swap3A_743 : i32 to index
        %swap3A_745 = arith.index_cast %add3A_710 : i32 to index
        %swap3A_746 = arith.constant 32 : index
        %swap3A_747 = tpu.vector_load %arg10[%swap3A_744, %swap3A_745, %swap3A_746] {strides = array<i32>} : memref<2x100x64xf32, #tpu.memory_space<vmem>>, vector<1x1x16xf32>,
        %swap3A_748 = vector.shape_cast %swap3A_747 : vector<1x1x16xf32> to vector<16xf32>
        %swap3A_749 = vector.shape_cast %get3A_742 : vector<16xf32> to vector<1x1x16xf32>
        tpu.vector_store %arg10[%swap3A_744, %swap3A_745, %swap3A_746], %swap3A_749 {strides = array<i32>} : memref<2x100x64xf32, #tpu.memory_space<vmem>>, vector<1x1x16xf32>,
        %add3A_750 = arith.constant 0 : i32
        %add3A_751 = arith.addi %add3A_750, %add3A_710 : i32
        %get3A_752 = arith.index_cast %add3A_751 : i32 to index
        %get3A_753 = arith.constant 48 : index
        %get3A_754 = tpu.vector_load %arg8[%get3A_752, %get3A_753] {strides = array<i32>} : memref<208x128xf32, #tpu.memory_space<vmem>>, vector<1x16xf32>,
        %get3A_755 = vector.shape_cast %get3A_754 : vector<1x16xf32> to vector<16xf32>
        %swap3A_756 = arith.constant 0 : i32
        %swap3A_757 = arith.index_cast %swap3A_756 : i32 to index
        %swap3A_758 = arith.index_cast %add3A_710 : i32 to index
        %swap3A_759 = arith.constant 48 : index
        %swap3A_760 = tpu.vector_load %arg10[%swap3A_757, %swap3A_758, %swap3A_759] {strides = array<i32>} : memref<2x100x64xf32, #tpu.memory_space<vmem>>, vector<1x1x16xf32>,
        %swap3A_761 = vector.shape_cast %swap3A_760 : vector<1x1x16xf32> to vector<16xf32>
        %swap3A_762 = vector.shape_cast %get3A_755 : vector<16xf32> to vector<1x1x16xf32>
        tpu.vector_store %arg10[%swap3A_757, %swap3A_758, %swap3A_759], %swap3A_762 {strides = array<i32>} : memref<2x100x64xf32, #tpu.memory_space<vmem>>, vector<1x1x16xf32>,
        %mul3A_763 = arith.constant 4 : i32
        %mul3A_764 = arith.muli %scan3A_596, %mul3A_763 : i32
        %add3A_765 = arith.constant 3 : i32
        %add3A_766 = arith.addi %mul3A_764, %add3A_765 : i32
        %add3A_767 = arith.constant 0 : i32
        %add3A_768 = arith.addi %add3A_767, %add3A_766 : i32
        %get3A_769 = arith.index_cast %add3A_768 : i32 to index
        %get3A_770 = arith.constant 0 : index
        %get3A_771 = tpu.vector_load %arg8[%get3A_769, %get3A_770] {strides = array<i32>} : memref<208x128xf32, #tpu.memory_space<vmem>>, vector<1x16xf32>,
        %get3A_772 = vector.shape_cast %get3A_771 : vector<1x16xf32> to vector<16xf32>
        %swap3A_773 = arith.constant 0 : i32
        %swap3A_774 = arith.index_cast %swap3A_773 : i32 to index
        %swap3A_775 = arith.index_cast %add3A_766 : i32 to index
        %swap3A_776 = arith.constant 0 : index
        %swap3A_777 = tpu.vector_load %arg10[%swap3A_774, %swap3A_775, %swap3A_776] {strides = array<i32>} : memref<2x100x64xf32, #tpu.memory_space<vmem>>, vector<1x1x16xf32>,
        %swap3A_778 = vector.shape_cast %swap3A_777 : vector<1x1x16xf32> to vector<16xf32>
        %swap3A_779 = vector.shape_cast %get3A_772 : vector<16xf32> to vector<1x1x16xf32>
        tpu.vector_store %arg10[%swap3A_774, %swap3A_775, %swap3A_776], %swap3A_779 {strides = array<i32>} : memref<2x100x64xf32, #tpu.memory_space<vmem>>, vector<1x1x16xf32>,
        %add3A_780 = arith.constant 0 : i32
        %add3A_781 = arith.addi %add3A_780, %add3A_766 : i32
        %get3A_782 = arith.index_cast %add3A_781 : i32 to index
        %get3A_783 = arith.constant 16 : index
        %get3A_784 = tpu.vector_load %arg8[%get3A_782, %get3A_783] {strides = array<i32>} : memref<208x128xf32, #tpu.memory_space<vmem>>, vector<1x16xf32>,
        %get3A_785 = vector.shape_cast %get3A_784 : vector<1x16xf32> to vector<16xf32>
        %swap3A_786 = arith.constant 0 : i32
        %swap3A_787 = arith.index_cast %swap3A_786 : i32 to index
        %swap3A_788 = arith.index_cast %add3A_766 : i32 to index
        %swap3A_789 = arith.constant 16 : index
        %swap3A_790 = tpu.vector_load %arg10[%swap3A_787, %swap3A_788, %swap3A_789] {strides = array<i32>} : memref<2x100x64xf32, #tpu.memory_space<vmem>>, vector<1x1x16xf32>,
        %swap3A_791 = vector.shape_cast %swap3A_790 : vector<1x1x16xf32> to vector<16xf32>
        %swap3A_792 = vector.shape_cast %get3A_785 : vector<16xf32> to vector<1x1x16xf32>
        tpu.vector_store %arg10[%swap3A_787, %swap3A_788, %swap3A_789], %swap3A_792 {strides = array<i32>} : memref<2x100x64xf32, #tpu.memory_space<vmem>>, vector<1x1x16xf32>,
        %add3A_793 = arith.constant 0 : i32
        %add3A_794 = arith.addi %add3A_793, %add3A_766 : i32
        %get3A_795 = arith.index_cast %add3A_794 : i32 to index
        %get3A_796 = arith.constant 32 : index
        %get3A_797 = tpu.vector_load %arg8[%get3A_795, %get3A_796] {strides = array<i32>} : memref<208x128xf32, #tpu.memory_space<vmem>>, vector<1x16xf32>,
        %get3A_798 = vector.shape_cast %get3A_797 : vector<1x16xf32> to vector<16xf32>
        %swap3A_799 = arith.constant 0 : i32
        %swap3A_800 = arith.index_cast %swap3A_799 : i32 to index
        %swap3A_801 = arith.index_cast %add3A_766 : i32 to index
        %swap3A_802 = arith.constant 32 : index
        %swap3A_803 = tpu.vector_load %arg10[%swap3A_800, %swap3A_801, %swap3A_802] {strides = array<i32>} : memref<2x100x64xf32, #tpu.memory_space<vmem>>, vector<1x1x16xf32>,
        %swap3A_804 = vector.shape_cast %swap3A_803 : vector<1x1x16xf32> to vector<16xf32>
        %swap3A_805 = vector.shape_cast %get3A_798 : vector<16xf32> to vector<1x1x16xf32>
        tpu.vector_store %arg10[%swap3A_800, %swap3A_801, %swap3A_802], %swap3A_805 {strides = array<i32>} : memref<2x100x64xf32, #tpu.memory_space<vmem>>, vector<1x1x16xf32>,
        %add3A_806 = arith.constant 0 : i32
        %add3A_807 = arith.addi %add3A_806, %add3A_766 : i32
        %get3A_808 = arith.index_cast %add3A_807 : i32 to index
        %get3A_809 = arith.constant 48 : index
        %get3A_810 = tpu.vector_load %arg8[%get3A_808, %get3A_809] {strides = array<i32>} : memref<208x128xf32, #tpu.memory_space<vmem>>, vector<1x16xf32>,
        %get3A_811 = vector.shape_cast %get3A_810 : vector<1x16xf32> to vector<16xf32>
        %swap3A_812 = arith.constant 0 : i32
        %swap3A_813 = arith.index_cast %swap3A_812 : i32 to index
        %swap3A_814 = arith.index_cast %add3A_766 : i32 to index
        %swap3A_815 = arith.constant 48 : index
        %swap3A_816 = tpu.vector_load %arg10[%swap3A_813, %swap3A_814, %swap3A_815] {strides = array<i32>} : memref<2x100x64xf32, #tpu.memory_space<vmem>>, vector<1x1x16xf32>,
        %swap3A_817 = vector.shape_cast %swap3A_816 : vector<1x1x16xf32> to vector<16xf32>
        %swap3A_818 = vector.shape_cast %get3A_811 : vector<16xf32> to vector<1x1x16xf32>
        tpu.vector_store %arg10[%swap3A_813, %swap3A_814, %swap3A_815], %swap3A_818 {strides = array<i32>} : memref<2x100x64xf32, #tpu.memory_space<vmem>>, vector<1x1x16xf32>,
      }
      %scan3A_449 = arith.constant 25 : i32
      %scan3A_450 = arith.constant 0 : i32
      %scan3A_451 = arith.constant 0 : i32
      %scan3A_452 = arith.constant 25 : i32
      %scan3A_453 = arith.addi %scan3A_451, %scan3A_452 : i32
      %scan3A_454 = arith.constant 1 : i32
      scf.for %scan3A_596 = %scan3A_451 to %scan3A_453 step %scan3A_454  : i32 {
        %mul3A_597 = arith.constant 4 : i32
        %mul3A_598 = arith.muli %scan3A_596, %mul3A_597 : i32
        %add3A_599 = arith.constant 0 : i32
        %add3A_600 = arith.addi %mul3A_598, %add3A_599 : i32
        %add3A_601 = arith.constant 104 : i32
        %add3A_602 = arith.addi %add3A_601, %add3A_600 : i32
        %get3A = arith.index_cast %add3A_602 : i32 to index
        %get3A_603 = arith.constant 0 : index
        %get3A_604 = tpu.vector_load %arg8[%get3A, %get3A_603] {strides = array<i32>} : memref<208x128xf32, #tpu.memory_space<vmem>>, vector<1x16xf32>,
        %get3A_605 = vector.shape_cast %get3A_604 : vector<1x16xf32> to vector<16xf32>
        %swap3A = arith.constant 1 : i32
        %swap3A_606 = arith.index_cast %swap3A : i32 to index
        %swap3A_607 = arith.index_cast %add3A_600 : i32 to index
        %swap3A_608 = arith.constant 0 : index
        %swap3A_609 = tpu.vector_load %arg10[%swap3A_606, %swap3A_607, %swap3A_608] {strides = array<i32>} : memref<2x100x64xf32, #tpu.memory_space<vmem>>, vector<1x1x16xf32>,
        %swap3A_610 = vector.shape_cast %swap3A_609 : vector<1x1x16xf32> to vector<16xf32>
        %swap3A_611 = vector.shape_cast %get3A_605 : vector<16xf32> to vector<1x1x16xf32>
        tpu.vector_store %arg10[%swap3A_606, %swap3A_607, %swap3A_608], %swap3A_611 {strides = array<i32>} : memref<2x100x64xf32, #tpu.memory_space<vmem>>, vector<1x1x16xf32>,
        %add3A_612 = arith.constant 104 : i32
        %add3A_613 = arith.addi %add3A_612, %add3A_600 : i32
        %get3A_614 = arith.index_cast %add3A_613 : i32 to index
        %get3A_615 = arith.constant 16 : index
        %get3A_616 = tpu.vector_load %arg8[%get3A_614, %get3A_615] {strides = array<i32>} : memref<208x128xf32, #tpu.memory_space<vmem>>, vector<1x16xf32>,
        %get3A_617 = vector.shape_cast %get3A_616 : vector<1x16xf32> to vector<16xf32>
        %swap3A_618 = arith.constant 1 : i32
        %swap3A_619 = arith.index_cast %swap3A_618 : i32 to index
        %swap3A_620 = arith.index_cast %add3A_600 : i32 to index
        %swap3A_621 = arith.constant 16 : index
        %swap3A_622 = tpu.vector_load %arg10[%swap3A_619, %swap3A_620, %swap3A_621] {strides = array<i32>} : memref<2x100x64xf32, #tpu.memory_space<vmem>>, vector<1x1x16xf32>,
        %swap3A_623 = vector.shape_cast %swap3A_622 : vector<1x1x16xf32> to vector<16xf32>
        %swap3A_624 = vector.shape_cast %get3A_617 : vector<16xf32> to vector<1x1x16xf32>
        tpu.vector_store %arg10[%swap3A_619, %swap3A_620, %swap3A_621], %swap3A_624 {strides = array<i32>} : memref<2x100x64xf32, #tpu.memory_space<vmem>>, vector<1x1x16xf32>,
        %add3A_625 = arith.constant 104 : i32
        %add3A_626 = arith.addi %add3A_625, %add3A_600 : i32
        %get3A_627 = arith.index_cast %add3A_626 : i32 to index
        %get3A_628 = arith.constant 32 : index
        %get3A_629 = tpu.vector_load %arg8[%get3A_627, %get3A_628] {strides = array<i32>} : memref<208x128xf32, #tpu.memory_space<vmem>>, vector<1x16xf32>,
        %get3A_630 = vector.shape_cast %get3A_629 : vector<1x16xf32> to vector<16xf32>
        %swap3A_631 = arith.constant 1 : i32
        %swap3A_632 = arith.index_cast %swap3A_631 : i32 to index
        %swap3A_633 = arith.index_cast %add3A_600 : i32 to index
        %swap3A_634 = arith.constant 32 : index
        %swap3A_635 = tpu.vector_load %arg10[%swap3A_632, %swap3A_633, %swap3A_634] {strides = array<i32>} : memref<2x100x64xf32, #tpu.memory_space<vmem>>, vector<1x1x16xf32>,
        %swap3A_636 = vector.shape_cast %swap3A_635 : vector<1x1x16xf32> to vector<16xf32>
        %swap3A_637 = vector.shape_cast %get3A_630 : vector<16xf32> to vector<1x1x16xf32>
        tpu.vector_store %arg10[%swap3A_632, %swap3A_633, %swap3A_634], %swap3A_637 {strides = array<i32>} : memref<2x100x64xf32, #tpu.memory_space<vmem>>, vector<1x1x16xf32>,
        %add3A_638 = arith.constant 104 : i32
        %add3A_639 = arith.addi %add3A_638, %add3A_600 : i32
        %get3A_640 = arith.index_cast %add3A_639 : i32 to index
        %get3A_641 = arith.constant 48 : index
        %get3A_642 = tpu.vector_load %arg8[%get3A_640, %get3A_641] {strides = array<i32>} : memref<208x128xf32, #tpu.memory_space<vmem>>, vector<1x16xf32>,
        %get3A_643 = vector.shape_cast %get3A_642 : vector<1x16xf32> to vector<16xf32>
        %swap3A_644 = arith.constant 1 : i32
        %swap3A_645 = arith.index_cast %swap3A_644 : i32 to index
        %swap3A_646 = arith.index_cast %add3A_600 : i32 to index
        %swap3A_647 = arith.constant 48 : index
        %swap3A_648 = tpu.vector_load %arg10[%swap3A_645, %swap3A_646, %swap3A_647] {strides = array<i32>} : memref<2x100x64xf32, #tpu.memory_space<vmem>>, vector<1x1x16xf32>,
        %swap3A_649 = vector.shape_cast %swap3A_648 : vector<1x1x16xf32> to vector<16xf32>
        %swap3A_650 = vector.shape_cast %get3A_643 : vector<16xf32> to vector<1x1x16xf32>
        tpu.vector_store %arg10[%swap3A_645, %swap3A_646, %swap3A_647], %swap3A_650 {strides = array<i32>} : memref<2x100x64xf32, #tpu.memory_space<vmem>>, vector<1x1x16xf32>,
        %mul3A_651 = arith.constant 4 : i32
        %mul3A_652 = arith.muli %scan3A_596, %mul3A_651 : i32
        %add3A_653 = arith.constant 1 : i32
        %add3A_654 = arith.addi %mul3A_652, %add3A_653 : i32
        %add3A_655 = arith.constant 104 : i32
        %add3A_656 = arith.addi %add3A_655, %add3A_654 : i32
        %get3A_657 = arith.index_cast %add3A_656 : i32 to index
        %get3A_658 = arith.constant 0 : index
        %get3A_659 = tpu.vector_load %arg8[%get3A_657, %get3A_658] {strides = array<i32>} : memref<208x128xf32, #tpu.memory_space<vmem>>, vector<1x16xf32>,
        %get3A_660 = vector.shape_cast %get3A_659 : vector<1x16xf32> to vector<16xf32>
        %swap3A_661 = arith.constant 1 : i32
        %swap3A_662 = arith.index_cast %swap3A_661 : i32 to index
        %swap3A_663 = arith.index_cast %add3A_654 : i32 to index
        %swap3A_664 = arith.constant 0 : index
        %swap3A_665 = tpu.vector_load %arg10[%swap3A_662, %swap3A_663, %swap3A_664] {strides = array<i32>} : memref<2x100x64xf32, #tpu.memory_space<vmem>>, vector<1x1x16xf32>,
        %swap3A_666 = vector.shape_cast %swap3A_665 : vector<1x1x16xf32> to vector<16xf32>
        %swap3A_667 = vector.shape_cast %get3A_660 : vector<16xf32> to vector<1x1x16xf32>
        tpu.vector_store %arg10[%swap3A_662, %swap3A_663, %swap3A_664], %swap3A_667 {strides = array<i32>} : memref<2x100x64xf32, #tpu.memory_space<vmem>>, vector<1x1x16xf32>,
        %add3A_668 = arith.constant 104 : i32
        %add3A_669 = arith.addi %add3A_668, %add3A_654 : i32
        %get3A_670 = arith.index_cast %add3A_669 : i32 to index
        %get3A_671 = arith.constant 16 : index
        %get3A_672 = tpu.vector_load %arg8[%get3A_670, %get3A_671] {strides = array<i32>} : memref<208x128xf32, #tpu.memory_space<vmem>>, vector<1x16xf32>,
        %get3A_673 = vector.shape_cast %get3A_672 : vector<1x16xf32> to vector<16xf32>
        %swap3A_674 = arith.constant 1 : i32
        %swap3A_675 = arith.index_cast %swap3A_674 : i32 to index
        %swap3A_676 = arith.index_cast %add3A_654 : i32 to index
        %swap3A_677 = arith.constant 16 : index
        %swap3A_678 = tpu.vector_load %arg10[%swap3A_675, %swap3A_676, %swap3A_677] {strides = array<i32>} : memref<2x100x64xf32, #tpu.memory_space<vmem>>, vector<1x1x16xf32>,
        %swap3A_679 = vector.shape_cast %swap3A_678 : vector<1x1x16xf32> to vector<16xf32>
        %swap3A_680 = vector.shape_cast %get3A_673 : vector<16xf32> to vector<1x1x16xf32>
        tpu.vector_store %arg10[%swap3A_675, %swap3A_676, %swap3A_677], %swap3A_680 {strides = array<i32>} : memref<2x100x64xf32, #tpu.memory_space<vmem>>, vector<1x1x16xf32>,
        %add3A_681 = arith.constant 104 : i32
        %add3A_682 = arith.addi %add3A_681, %add3A_654 : i32
        %get3A_683 = arith.index_cast %add3A_682 : i32 to index
        %get3A_684 = arith.constant 32 : index
        %get3A_685 = tpu.vector_load %arg8[%get3A_683, %get3A_684] {strides = array<i32>} : memref<208x128xf32, #tpu.memory_space<vmem>>, vector<1x16xf32>,
        %get3A_686 = vector.shape_cast %get3A_685 : vector<1x16xf32> to vector<16xf32>
        %swap3A_687 = arith.constant 1 : i32
        %swap3A_688 = arith.index_cast %swap3A_687 : i32 to index
        %swap3A_689 = arith.index_cast %add3A_654 : i32 to index
        %swap3A_690 = arith.constant 32 : index
        %swap3A_691 = tpu.vector_load %arg10[%swap3A_688, %swap3A_689, %swap3A_690] {strides = array<i32>} : memref<2x100x64xf32, #tpu.memory_space<vmem>>, vector<1x1x16xf32>,
        %swap3A_692 = vector.shape_cast %swap3A_691 : vector<1x1x16xf32> to vector<16xf32>
        %swap3A_693 = vector.shape_cast %get3A_686 : vector<16xf32> to vector<1x1x16xf32>
        tpu.vector_store %arg10[%swap3A_688, %swap3A_689, %swap3A_690], %swap3A_693 {strides = array<i32>} : memref<2x100x64xf32, #tpu.memory_space<vmem>>, vector<1x1x16xf32>,
        %add3A_694 = arith.constant 104 : i32
        %add3A_695 = arith.addi %add3A_694, %add3A_654 : i32
        %get3A_696 = arith.index_cast %add3A_695 : i32 to index
        %get3A_697 = arith.constant 48 : index
        %get3A_698 = tpu.vector_load %arg8[%get3A_696, %get3A_697] {strides = array<i32>} : memref<208x128xf32, #tpu.memory_space<vmem>>, vector<1x16xf32>,
        %get3A_699 = vector.shape_cast %get3A_698 : vector<1x16xf32> to vector<16xf32>
        %swap3A_700 = arith.constant 1 : i32
        %swap3A_701 = arith.index_cast %swap3A_700 : i32 to index
        %swap3A_702 = arith.index_cast %add3A_654 : i32 to index
        %swap3A_703 = arith.constant 48 : index
        %swap3A_704 = tpu.vector_load %arg10[%swap3A_701, %swap3A_702, %swap3A_703] {strides = array<i32>} : memref<2x100x64xf32, #tpu.memory_space<vmem>>, vector<1x1x16xf32>,
        %swap3A_705 = vector.shape_cast %swap3A_704 : vector<1x1x16xf32> to vector<16xf32>
        %swap3A_706 = vector.shape_cast %get3A_699 : vector<16xf32> to vector<1x1x16xf32>
        tpu.vector_store %arg10[%swap3A_701, %swap3A_702, %swap3A_703], %swap3A_706 {strides = array<i32>} : memref<2x100x64xf32, #tpu.memory_space<vmem>>, vector<1x1x16xf32>,
        %mul3A_707 = arith.constant 4 : i32
        %mul3A_708 = arith.muli %scan3A_596, %mul3A_707 : i32
        %add3A_709 = arith.constant 2 : i32
        %add3A_710 = arith.addi %mul3A_708, %add3A_709 : i32
        %add3A_711 = arith.constant 104 : i32
        %add3A_712 = arith.addi %add3A_711, %add3A_710 : i32
        %get3A_713 = arith.index_cast %add3A_712 : i32 to index
        %get3A_714 = arith.constant 0 : index
        %get3A_715 = tpu.vector_load %arg8[%get3A_713, %get3A_714] {strides = array<i32>} : memref<208x128xf32, #tpu.memory_space<vmem>>, vector<1x16xf32>,
        %get3A_716 = vector.shape_cast %get3A_715 : vector<1x16xf32> to vector<16xf32>
        %swap3A_717 = arith.constant 1 : i32
        %swap3A_718 = arith.index_cast %swap3A_717 : i32 to index
        %swap3A_719 = arith.index_cast %add3A_710 : i32 to index
        %swap3A_720 = arith.constant 0 : index
        %swap3A_721 = tpu.vector_load %arg10[%swap3A_718, %swap3A_719, %swap3A_720] {strides = array<i32>} : memref<2x100x64xf32, #tpu.memory_space<vmem>>, vector<1x1x16xf32>,
        %swap3A_722 = vector.shape_cast %swap3A_721 : vector<1x1x16xf32> to vector<16xf32>
        %swap3A_723 = vector.shape_cast %get3A_716 : vector<16xf32> to vector<1x1x16xf32>
        tpu.vector_store %arg10[%swap3A_718, %swap3A_719, %swap3A_720], %swap3A_723 {strides = array<i32>} : memref<2x100x64xf32, #tpu.memory_space<vmem>>, vector<1x1x16xf32>,
        %add3A_724 = arith.constant 104 : i32
        %add3A_725 = arith.addi %add3A_724, %add3A_710 : i32
        %get3A_726 = arith.index_cast %add3A_725 : i32 to index
        %get3A_727 = arith.constant 16 : index
        %get3A_728 = tpu.vector_load %arg8[%get3A_726, %get3A_727] {strides = array<i32>} : memref<208x128xf32, #tpu.memory_space<vmem>>, vector<1x16xf32>,
        %get3A_729 = vector.shape_cast %get3A_728 : vector<1x16xf32> to vector<16xf32>
        %swap3A_730 = arith.constant 1 : i32
        %swap3A_731 = arith.index_cast %swap3A_730 : i32 to index
        %swap3A_732 = arith.index_cast %add3A_710 : i32 to index
        %swap3A_733 = arith.constant 16 : index
        %swap3A_734 = tpu.vector_load %arg10[%swap3A_731, %swap3A_732, %swap3A_733] {strides = array<i32>} : memref<2x100x64xf32, #tpu.memory_space<vmem>>, vector<1x1x16xf32>,
        %swap3A_735 = vector.shape_cast %swap3A_734 : vector<1x1x16xf32> to vector<16xf32>
        %swap3A_736 = vector.shape_cast %get3A_729 : vector<16xf32> to vector<1x1x16xf32>
        tpu.vector_store %arg10[%swap3A_731, %swap3A_732, %swap3A_733], %swap3A_736 {strides = array<i32>} : memref<2x100x64xf32, #tpu.memory_space<vmem>>, vector<1x1x16xf32>,
        %add3A_737 = arith.constant 104 : i32
        %add3A_738 = arith.addi %add3A_737, %add3A_710 : i32
        %get3A_739 = arith.index_cast %add3A_738 : i32 to index
        %get3A_740 = arith.constant 32 : index
        %get3A_741 = tpu.vector_load %arg8[%get3A_739, %get3A_740] {strides = array<i32>} : memref<208x128xf32, #tpu.memory_space<vmem>>, vector<1x16xf32>,
        %get3A_742 = vector.shape_cast %get3A_741 : vector<1x16xf32> to vector<16xf32>
        %swap3A_743 = arith.constant 1 : i32
        %swap3A_744 = arith.index_cast %swap3A_743 : i32 to index
        %swap3A_745 = arith.index_cast %add3A_710 : i32 to index
        %swap3A_746 = arith.constant 32 : index
        %swap3A_747 = tpu.vector_load %arg10[%swap3A_744, %swap3A_745, %swap3A_746] {strides = array<i32>} : memref<2x100x64xf32, #tpu.memory_space<vmem>>, vector<1x1x16xf32>,
        %swap3A_748 = vector.shape_cast %swap3A_747 : vector<1x1x16xf32> to vector<16xf32>
        %swap3A_749 = vector.shape_cast %get3A_742 : vector<16xf32> to vector<1x1x16xf32>
        tpu.vector_store %arg10[%swap3A_744, %swap3A_745, %swap3A_746], %swap3A_749 {strides = array<i32>} : memref<2x100x64xf32, #tpu.memory_space<vmem>>, vector<1x1x16xf32>,
        %add3A_750 = arith.constant 104 : i32
        %add3A_751 = arith.addi %add3A_750, %add3A_710 : i32
        %get3A_752 = arith.index_cast %add3A_751 : i32 to index
        %get3A_753 = arith.constant 48 : index
        %get3A_754 = tpu.vector_load %arg8[%get3A_752, %get3A_753] {strides = array<i32>} : memref<208x128xf32, #tpu.memory_space<vmem>>, vector<1x16xf32>,
        %get3A_755 = vector.shape_cast %get3A_754 : vector<1x16xf32> to vector<16xf32>
        %swap3A_756 = arith.constant 1 : i32
        %swap3A_757 = arith.index_cast %swap3A_756 : i32 to index
        %swap3A_758 = arith.index_cast %add3A_710 : i32 to index
        %swap3A_759 = arith.constant 48 : index
        %swap3A_760 = tpu.vector_load %arg10[%swap3A_757, %swap3A_758, %swap3A_759] {strides = array<i32>} : memref<2x100x64xf32, #tpu.memory_space<vmem>>, vector<1x1x16xf32>,
        %swap3A_761 = vector.shape_cast %swap3A_760 : vector<1x1x16xf32> to vector<16xf32>
        %swap3A_762 = vector.shape_cast %get3A_755 : vector<16xf32> to vector<1x1x16xf32>
        tpu.vector_store %arg10[%swap3A_757, %swap3A_758, %swap3A_759], %swap3A_762 {strides = array<i32>} : memref<2x100x64xf32, #tpu.memory_space<vmem>>, vector<1x1x16xf32>,
        %mul3A_763 = arith.constant 4 : i32
        %mul3A_764 = arith.muli %scan3A_596, %mul3A_763 : i32
        %add3A_765 = arith.constant 3 : i32
        %add3A_766 = arith.addi %mul3A_764, %add3A_765 : i32
        %add3A_767 = arith.constant 104 : i32
        %add3A_768 = arith.addi %add3A_767, %add3A_766 : i32
        %get3A_769 = arith.index_cast %add3A_768 : i32 to index
        %get3A_770 = arith.constant 0 : index
        %get3A_771 = tpu.vector_load %arg8[%get3A_769, %get3A_770] {strides = array<i32>} : memref<208x128xf32, #tpu.memory_space<vmem>>, vector<1x16xf32>,
        %get3A_772 = vector.shape_cast %get3A_771 : vector<1x16xf32> to vector<16xf32>
        %swap3A_773 = arith.constant 1 : i32
        %swap3A_774 = arith.index_cast %swap3A_773 : i32 to index
        %swap3A_775 = arith.index_cast %add3A_766 : i32 to index
        %swap3A_776 = arith.constant 0 : index
        %swap3A_777 = tpu.vector_load %arg10[%swap3A_774, %swap3A_775, %swap3A_776] {strides = array<i32>} : memref<2x100x64xf32, #tpu.memory_space<vmem>>, vector<1x1x16xf32>,
        %swap3A_778 = vector.shape_cast %swap3A_777 : vector<1x1x16xf32> to vector<16xf32>
        %swap3A_779 = vector.shape_cast %get3A_772 : vector<16xf32> to vector<1x1x16xf32>
        tpu.vector_store %arg10[%swap3A_774, %swap3A_775, %swap3A_776], %swap3A_779 {strides = array<i32>} : memref<2x100x64xf32, #tpu.memory_space<vmem>>, vector<1x1x16xf32>,
        %add3A_780 = arith.constant 104 : i32
        %add3A_781 = arith.addi %add3A_780, %add3A_766 : i32
        %get3A_782 = arith.index_cast %add3A_781 : i32 to index
        %get3A_783 = arith.constant 16 : index
        %get3A_784 = tpu.vector_load %arg8[%get3A_782, %get3A_783] {strides = array<i32>} : memref<208x128xf32, #tpu.memory_space<vmem>>, vector<1x16xf32>,
        %get3A_785 = vector.shape_cast %get3A_784 : vector<1x16xf32> to vector<16xf32>
        %swap3A_786 = arith.constant 1 : i32
        %swap3A_787 = arith.index_cast %swap3A_786 : i32 to index
        %swap3A_788 = arith.index_cast %add3A_766 : i32 to index
        %swap3A_789 = arith.constant 16 : index
        %swap3A_790 = tpu.vector_load %arg10[%swap3A_787, %swap3A_788, %swap3A_789] {strides = array<i32>} : memref<2x100x64xf32, #tpu.memory_space<vmem>>, vector<1x1x16xf32>,
        %swap3A_791 = vector.shape_cast %swap3A_790 : vector<1x1x16xf32> to vector<16xf32>
        %swap3A_792 = vector.shape_cast %get3A_785 : vector<16xf32> to vector<1x1x16xf32>
        tpu.vector_store %arg10[%swap3A_787, %swap3A_788, %swap3A_789], %swap3A_792 {strides = array<i32>} : memref<2x100x64xf32, #tpu.memory_space<vmem>>, vector<1x1x16xf32>,
        %add3A_793 = arith.constant 104 : i32
        %add3A_794 = arith.addi %add3A_793, %add3A_766 : i32
        %get3A_795 = arith.index_cast %add3A_794 : i32 to index
        %get3A_796 = arith.constant 32 : index
        %get3A_797 = tpu.vector_load %arg8[%get3A_795, %get3A_796] {strides = array<i32>} : memref<208x128xf32, #tpu.memory_space<vmem>>, vector<1x16xf32>,
        %get3A_798 = vector.shape_cast %get3A_797 : vector<1x16xf32> to vector<16xf32>
        %swap3A_799 = arith.constant 1 : i32
        %swap3A_800 = arith.index_cast %swap3A_799 : i32 to index
        %swap3A_801 = arith.index_cast %add3A_766 : i32 to index
        %swap3A_802 = arith.constant 32 : index
        %swap3A_803 = tpu.vector_load %arg10[%swap3A_800, %swap3A_801, %swap3A_802] {strides = array<i32>} : memref<2x100x64xf32, #tpu.memory_space<vmem>>, vector<1x1x16xf32>,
        %swap3A_804 = vector.shape_cast %swap3A_803 : vector<1x1x16xf32> to vector<16xf32>
        %swap3A_805 = vector.shape_cast %get3A_798 : vector<16xf32> to vector<1x1x16xf32>
        tpu.vector_store %arg10[%swap3A_800, %swap3A_801, %swap3A_802], %swap3A_805 {strides = array<i32>} : memref<2x100x64xf32, #tpu.memory_space<vmem>>, vector<1x1x16xf32>,
        %add3A_806 = arith.constant 104 : i32
        %add3A_807 = arith.addi %add3A_806, %add3A_766 : i32
        %get3A_808 = arith.index_cast %add3A_807 : i32 to index
        %get3A_809 = arith.constant 48 : index
        %get3A_810 = tpu.vector_load %arg8[%get3A_808, %get3A_809] {strides = array<i32>} : memref<208x128xf32, #tpu.memory_space<vmem>>, vector<1x16xf32>,
        %get3A_811 = vector.shape_cast %get3A_810 : vector<1x16xf32> to vector<16xf32>
        %swap3A_812 = arith.constant 1 : i32
        %swap3A_813 = arith.index_cast %swap3A_812 : i32 to index
        %swap3A_814 = arith.index_cast %add3A_766 : i32 to index
        %swap3A_815 = arith.constant 48 : index
        %swap3A_816 = tpu.vector_load %arg10[%swap3A_813, %swap3A_814, %swap3A_815] {strides = array<i32>} : memref<2x100x64xf32, #tpu.memory_space<vmem>>, vector<1x1x16xf32>,
        %swap3A_817 = vector.shape_cast %swap3A_816 : vector<1x1x16xf32> to vector<16xf32>
        %swap3A_818 = vector.shape_cast %get3A_811 : vector<16xf32> to vector<1x1x16xf32>
        tpu.vector_store %arg10[%swap3A_813, %swap3A_814, %swap3A_815], %swap3A_818 {strides = array<i32>} : memref<2x100x64xf32, #tpu.memory_space<vmem>>, vector<1x1x16xf32>,
      }
      %scan3A_455 = arith.constant 25 : i32
      %add3A_456 = arith.constant 2 : i32
      %add3A_457 = arith.addi %multiple_of3A_308, %add3A_456 : i32
      %dma_start3A_458 = arith.constant 0 : i32
      %dma_start3A_459 = arith.constant 0 : i32
      %dma_start3A_460 = tpu.memref_slice %arg4[%add3A_457, %dma_start3A_458, %dma_start3A_459] : memref<16384x100x64xf32, #tpu.memory_space<hbm>> -> memref<2x100x64xf32, #tpu.memory_space<hbm>>
      %dma_start3A_461 = arith.constant 0 : i32
      %dma_start3A_462 = arith.constant 0 : i32
      %dma_start3A_463 = tpu.memref_slice %arg4[%add3A_457, %dma_start3A_461, %dma_start3A_462] : memref<16384x100x64xf32, #tpu.memory_space<hbm>> -> memref<2x100x64xf32, #tpu.memory_space<hbm>>
      tpu.enqueue_dma source(%arg10 : memref<2x100x64xf32, #tpu.memory_space<vmem>>) target(%dma_start3A_463 : memref<2x100x64xf32, #tpu.memory_space<hbm>>) target_semaphore(%arg14 : memref<!tpu.dma_semaphore, #tpu.memory_space<semaphore_mem>>)
      %dma_start3A_464 = arith.constant 6 : i32
      %dma_start3A_465 = arith.constant 0 : i32
      %dma_start3A_466 = arith.constant 0 : i32
      %dma_start3A_467 = tpu.memref_slice %arg8[%dma_start3A_465, %dma_start3A_466] : memref<208x128xf32, #tpu.memory_space<vmem>> -> memref<100x128xf32, #tpu.memory_space<vmem>>
      %dma_start3A_468 = arith.constant 0 : i32
      %dma_start3A_469 = tpu.memref_slice %arg6[%dma_start3A_464, %dma_start3A_468] : memref<8x100xi32, #tpu.memory_space<vmem>> -> memref<1x100xi32, #tpu.memory_space<vmem>>
      %dma_start3A_470 = tpu.memref_squeeze %dma_start3A_469 : memref<1x100xi32, #tpu.memory_space<vmem>> -> memref<100xi32, #tpu.memory_space<vmem>>
      %dma_start3A_471 = arith.constant 0 : i32
      %dma_start3A_472 = arith.constant 0 : i32
      %dma_start3A_473 = tpu.memref_slice %arg3[%dma_start3A_471, %dma_start3A_472] : memref<1000000x128xf32, #tpu.memory_space<hbm>> -> memref<1000000x128xf32, #tpu.memory_space<hbm>>
      tpu.enqueue_indirect_dma source(%dma_start3A_473 : memref<1000000x128xf32, #tpu.memory_space<hbm>>) target(%dma_start3A_467 : memref<100x128xf32, #tpu.memory_space<vmem>>) offsets(%dma_start3A_470 : memref<100xi32, #tpu.memory_space<vmem>>) semaphore(%arg12 : memref<!tpu.dma_semaphore, #tpu.memory_space<semaphore_mem>>)
      %dma_start3A_474 = arith.constant 7 : i32
      %dma_start3A_475 = arith.constant 104 : i32
      %dma_start3A_476 = arith.constant 0 : i32
      %dma_start3A_477 = tpu.memref_slice %arg8[%dma_start3A_475, %dma_start3A_476] : memref<208x128xf32, #tpu.memory_space<vmem>> -> memref<100x128xf32, #tpu.memory_space<vmem>>
      %dma_start3A_478 = arith.constant 0 : i32
      %dma_start3A_479 = tpu.memref_slice %arg6[%dma_start3A_474, %dma_start3A_478] : memref<8x100xi32, #tpu.memory_space<vmem>> -> memref<1x100xi32, #tpu.memory_space<vmem>>
      %dma_start3A_480 = tpu.memref_squeeze %dma_start3A_479 : memref<1x100xi32, #tpu.memory_space<vmem>> -> memref<100xi32, #tpu.memory_space<vmem>>
      %dma_start3A_481 = arith.constant 0 : i32
      %dma_start3A_482 = arith.constant 0 : i32
      %dma_start3A_483 = tpu.memref_slice %arg3[%dma_start3A_481, %dma_start3A_482] : memref<1000000x128xf32, #tpu.memory_space<hbm>> -> memref<1000000x128xf32, #tpu.memory_space<hbm>>
      tpu.enqueue_indirect_dma source(%dma_start3A_483 : memref<1000000x128xf32, #tpu.memory_space<hbm>>) target(%dma_start3A_477 : memref<100x128xf32, #tpu.memory_space<vmem>>) offsets(%dma_start3A_480 : memref<100xi32, #tpu.memory_space<vmem>>) semaphore(%arg12 : memref<!tpu.dma_semaphore, #tpu.memory_space<semaphore_mem>>)
      %dma_wait3A_484 = arith.constant 4 : i32
      %dma_wait3A_485 = arith.constant 0 : i32
      %dma_wait3A_486 = arith.constant 0 : i32
      %dma_wait3A_487 = tpu.memref_slice %arg7[%dma_wait3A_485, %dma_wait3A_486] : memref<208x128xf32, #tpu.memory_space<vmem>> -> memref<100x128xf32, #tpu.memory_space<vmem>>
      %dma_wait3A_488 = arith.constant 0 : i32
      %dma_wait3A_489 = tpu.memref_slice %arg6[%dma_wait3A_484, %dma_wait3A_488] : memref<8x100xi32, #tpu.memory_space<vmem>> -> memref<1x100xi32, #tpu.memory_space<vmem>>
      %dma_wait3A_490 = tpu.memref_squeeze %dma_wait3A_489 : memref<1x100xi32, #tpu.memory_space<vmem>> -> memref<100xi32, #tpu.memory_space<vmem>>
      %dma_wait3A_491 = arith.constant 0 : i32
      %dma_wait3A_492 = arith.constant 0 : i32
      %dma_wait3A_493 = tpu.memref_slice %arg3[%dma_wait3A_491, %dma_wait3A_492] : memref<1000000x128xf32, #tpu.memory_space<hbm>> -> memref<1000000x128xf32, #tpu.memory_space<hbm>>
      tpu.wait_indirect_dma semaphore(%arg11 : memref<!tpu.dma_semaphore, #tpu.memory_space<semaphore_mem>>) src(%dma_wait3A_493 : memref<1000000x128xf32, #tpu.memory_space<hbm>>) dst(%dma_wait3A_487 : memref<100x128xf32, #tpu.memory_space<vmem>>)
      %dma_wait3A_494 = arith.constant 5 : i32
      %dma_wait3A_495 = arith.constant 104 : i32
      %dma_wait3A_496 = arith.constant 0 : i32
      %dma_wait3A_497 = tpu.memref_slice %arg7[%dma_wait3A_495, %dma_wait3A_496] : memref<208x128xf32, #tpu.memory_space<vmem>> -> memref<100x128xf32, #tpu.memory_space<vmem>>
      %dma_wait3A_498 = arith.constant 0 : i32
      %dma_wait3A_499 = tpu.memref_slice %arg6[%dma_wait3A_494, %dma_wait3A_498] : memref<8x100xi32, #tpu.memory_space<vmem>> -> memref<1x100xi32, #tpu.memory_space<vmem>>
      %dma_wait3A_500 = tpu.memref_squeeze %dma_wait3A_499 : memref<1x100xi32, #tpu.memory_space<vmem>> -> memref<100xi32, #tpu.memory_space<vmem>>
      %dma_wait3A_501 = arith.constant 0 : i32
      %dma_wait3A_502 = arith.constant 0 : i32
      %dma_wait3A_503 = tpu.memref_slice %arg3[%dma_wait3A_501, %dma_wait3A_502] : memref<1000000x128xf32, #tpu.memory_space<hbm>> -> memref<1000000x128xf32, #tpu.memory_space<hbm>>
      tpu.wait_indirect_dma semaphore(%arg11 : memref<!tpu.dma_semaphore, #tpu.memory_space<semaphore_mem>>) src(%dma_wait3A_503 : memref<1000000x128xf32, #tpu.memory_space<hbm>>) dst(%dma_wait3A_497 : memref<100x128xf32, #tpu.memory_space<vmem>>)
      %add3A_504 = arith.constant 0 : i32
      %add3A_505 = arith.addi %multiple_of3A_308, %add3A_504 : i32
      %dma_wait3A_506 = arith.constant 0 : i32
      %dma_wait3A_507 = arith.constant 0 : i32
      %dma_wait3A_508 = tpu.memref_slice %arg4[%add3A_505, %dma_wait3A_506, %dma_wait3A_507] : memref<16384x100x64xf32, #tpu.memory_space<hbm>> -> memref<2x100x64xf32, #tpu.memory_space<hbm>>
      %dma_wait3A_509 = arith.constant 0 : i32
      %dma_wait3A_510 = arith.constant 0 : i32
      %dma_wait3A_511 = tpu.memref_slice %arg4[%add3A_505, %dma_wait3A_509, %dma_wait3A_510] : memref<16384x100x64xf32, #tpu.memory_space<hbm>> -> memref<2x100x64xf32, #tpu.memory_space<hbm>>
      tpu.wait_dma2 semaphore(%arg13 : memref<!tpu.dma_semaphore, #tpu.memory_space<semaphore_mem>>) src(%arg9 : memref<2x100x64xf32, #tpu.memory_space<vmem>>) dst(%dma_wait3A_511 : memref<2x100x64xf32, #tpu.memory_space<hbm>>)
      %scan3A_512 = arith.constant 0 : i32
      %scan3A_513 = arith.constant 0 : i32
      %scan3A_514 = arith.constant 25 : i32
      %scan3A_515 = arith.addi %scan3A_513, %scan3A_514 : i32
      %scan3A_516 = arith.constant 1 : i32
      scf.for %scan3A_596 = %scan3A_513 to %scan3A_515 step %scan3A_516  : i32 {
        %mul3A_597 = arith.constant 4 : i32
        %mul3A_598 = arith.muli %scan3A_596, %mul3A_597 : i32
        %add3A_599 = arith.constant 0 : i32
        %add3A_600 = arith.addi %mul3A_598, %add3A_599 : i32
        %add3A_601 = arith.constant 0 : i32
        %add3A_602 = arith.addi %add3A_601, %add3A_600 : i32
        %get3A = arith.index_cast %add3A_602 : i32 to index
        %get3A_603 = arith.constant 0 : index
        %get3A_604 = tpu.vector_load %arg7[%get3A, %get3A_603] {strides = array<i32>} : memref<208x128xf32, #tpu.memory_space<vmem>>, vector<1x16xf32>,
        %get3A_605 = vector.shape_cast %get3A_604 : vector<1x16xf32> to vector<16xf32>
        %swap3A = arith.constant 0 : i32
        %swap3A_606 = arith.index_cast %swap3A : i32 to index
        %swap3A_607 = arith.index_cast %add3A_600 : i32 to index
        %swap3A_608 = arith.constant 0 : index
        %swap3A_609 = tpu.vector_load %arg9[%swap3A_606, %swap3A_607, %swap3A_608] {strides = array<i32>} : memref<2x100x64xf32, #tpu.memory_space<vmem>>, vector<1x1x16xf32>,
        %swap3A_610 = vector.shape_cast %swap3A_609 : vector<1x1x16xf32> to vector<16xf32>
        %swap3A_611 = vector.shape_cast %get3A_605 : vector<16xf32> to vector<1x1x16xf32>
        tpu.vector_store %arg9[%swap3A_606, %swap3A_607, %swap3A_608], %swap3A_611 {strides = array<i32>} : memref<2x100x64xf32, #tpu.memory_space<vmem>>, vector<1x1x16xf32>,
        %add3A_612 = arith.constant 0 : i32
        %add3A_613 = arith.addi %add3A_612, %add3A_600 : i32
        %get3A_614 = arith.index_cast %add3A_613 : i32 to index
        %get3A_615 = arith.constant 16 : index
        %get3A_616 = tpu.vector_load %arg7[%get3A_614, %get3A_615] {strides = array<i32>} : memref<208x128xf32, #tpu.memory_space<vmem>>, vector<1x16xf32>,
        %get3A_617 = vector.shape_cast %get3A_616 : vector<1x16xf32> to vector<16xf32>
        %swap3A_618 = arith.constant 0 : i32
        %swap3A_619 = arith.index_cast %swap3A_618 : i32 to index
        %swap3A_620 = arith.index_cast %add3A_600 : i32 to index
        %swap3A_621 = arith.constant 16 : index
        %swap3A_622 = tpu.vector_load %arg9[%swap3A_619, %swap3A_620, %swap3A_621] {strides = array<i32>} : memref<2x100x64xf32, #tpu.memory_space<vmem>>, vector<1x1x16xf32>,
        %swap3A_623 = vector.shape_cast %swap3A_622 : vector<1x1x16xf32> to vector<16xf32>
        %swap3A_624 = vector.shape_cast %get3A_617 : vector<16xf32> to vector<1x1x16xf32>
        tpu.vector_store %arg9[%swap3A_619, %swap3A_620, %swap3A_621], %swap3A_624 {strides = array<i32>} : memref<2x100x64xf32, #tpu.memory_space<vmem>>, vector<1x1x16xf32>,
        %add3A_625 = arith.constant 0 : i32
        %add3A_626 = arith.addi %add3A_625, %add3A_600 : i32
        %get3A_627 = arith.index_cast %add3A_626 : i32 to index
        %get3A_628 = arith.constant 32 : index
        %get3A_629 = tpu.vector_load %arg7[%get3A_627, %get3A_628] {strides = array<i32>} : memref<208x128xf32, #tpu.memory_space<vmem>>, vector<1x16xf32>,
        %get3A_630 = vector.shape_cast %get3A_629 : vector<1x16xf32> to vector<16xf32>
        %swap3A_631 = arith.constant 0 : i32
        %swap3A_632 = arith.index_cast %swap3A_631 : i32 to index
        %swap3A_633 = arith.index_cast %add3A_600 : i32 to index
        %swap3A_634 = arith.constant 32 : index
        %swap3A_635 = tpu.vector_load %arg9[%swap3A_632, %swap3A_633, %swap3A_634] {strides = array<i32>} : memref<2x100x64xf32, #tpu.memory_space<vmem>>, vector<1x1x16xf32>,
        %swap3A_636 = vector.shape_cast %swap3A_635 : vector<1x1x16xf32> to vector<16xf32>
        %swap3A_637 = vector.shape_cast %get3A_630 : vector<16xf32> to vector<1x1x16xf32>
        tpu.vector_store %arg9[%swap3A_632, %swap3A_633, %swap3A_634], %swap3A_637 {strides = array<i32>} : memref<2x100x64xf32, #tpu.memory_space<vmem>>, vector<1x1x16xf32>,
        %add3A_638 = arith.constant 0 : i32
        %add3A_639 = arith.addi %add3A_638, %add3A_600 : i32
        %get3A_640 = arith.index_cast %add3A_639 : i32 to index
        %get3A_641 = arith.constant 48 : index
        %get3A_642 = tpu.vector_load %arg7[%get3A_640, %get3A_641] {strides = array<i32>} : memref<208x128xf32, #tpu.memory_space<vmem>>, vector<1x16xf32>,
        %get3A_643 = vector.shape_cast %get3A_642 : vector<1x16xf32> to vector<16xf32>
        %swap3A_644 = arith.constant 0 : i32
        %swap3A_645 = arith.index_cast %swap3A_644 : i32 to index
        %swap3A_646 = arith.index_cast %add3A_600 : i32 to index
        %swap3A_647 = arith.constant 48 : index
        %swap3A_648 = tpu.vector_load %arg9[%swap3A_645, %swap3A_646, %swap3A_647] {strides = array<i32>} : memref<2x100x64xf32, #tpu.memory_space<vmem>>, vector<1x1x16xf32>,
        %swap3A_649 = vector.shape_cast %swap3A_648 : vector<1x1x16xf32> to vector<16xf32>
        %swap3A_650 = vector.shape_cast %get3A_643 : vector<16xf32> to vector<1x1x16xf32>
        tpu.vector_store %arg9[%swap3A_645, %swap3A_646, %swap3A_647], %swap3A_650 {strides = array<i32>} : memref<2x100x64xf32, #tpu.memory_space<vmem>>, vector<1x1x16xf32>,
        %mul3A_651 = arith.constant 4 : i32
        %mul3A_652 = arith.muli %scan3A_596, %mul3A_651 : i32
        %add3A_653 = arith.constant 1 : i32
        %add3A_654 = arith.addi %mul3A_652, %add3A_653 : i32
        %add3A_655 = arith.constant 0 : i32
        %add3A_656 = arith.addi %add3A_655, %add3A_654 : i32
        %get3A_657 = arith.index_cast %add3A_656 : i32 to index
        %get3A_658 = arith.constant 0 : index
        %get3A_659 = tpu.vector_load %arg7[%get3A_657, %get3A_658] {strides = array<i32>} : memref<208x128xf32, #tpu.memory_space<vmem>>, vector<1x16xf32>,
        %get3A_660 = vector.shape_cast %get3A_659 : vector<1x16xf32> to vector<16xf32>
        %swap3A_661 = arith.constant 0 : i32
        %swap3A_662 = arith.index_cast %swap3A_661 : i32 to index
        %swap3A_663 = arith.index_cast %add3A_654 : i32 to index
        %swap3A_664 = arith.constant 0 : index
        %swap3A_665 = tpu.vector_load %arg9[%swap3A_662, %swap3A_663, %swap3A_664] {strides = array<i32>} : memref<2x100x64xf32, #tpu.memory_space<vmem>>, vector<1x1x16xf32>,
        %swap3A_666 = vector.shape_cast %swap3A_665 : vector<1x1x16xf32> to vector<16xf32>
        %swap3A_667 = vector.shape_cast %get3A_660 : vector<16xf32> to vector<1x1x16xf32>
        tpu.vector_store %arg9[%swap3A_662, %swap3A_663, %swap3A_664], %swap3A_667 {strides = array<i32>} : memref<2x100x64xf32, #tpu.memory_space<vmem>>, vector<1x1x16xf32>,
        %add3A_668 = arith.constant 0 : i32
        %add3A_669 = arith.addi %add3A_668, %add3A_654 : i32
        %get3A_670 = arith.index_cast %add3A_669 : i32 to index
        %get3A_671 = arith.constant 16 : index
        %get3A_672 = tpu.vector_load %arg7[%get3A_670, %get3A_671] {strides = array<i32>} : memref<208x128xf32, #tpu.memory_space<vmem>>, vector<1x16xf32>,
        %get3A_673 = vector.shape_cast %get3A_672 : vector<1x16xf32> to vector<16xf32>
        %swap3A_674 = arith.constant 0 : i32
        %swap3A_675 = arith.index_cast %swap3A_674 : i32 to index
        %swap3A_676 = arith.index_cast %add3A_654 : i32 to index
        %swap3A_677 = arith.constant 16 : index
        %swap3A_678 = tpu.vector_load %arg9[%swap3A_675, %swap3A_676, %swap3A_677] {strides = array<i32>} : memref<2x100x64xf32, #tpu.memory_space<vmem>>, vector<1x1x16xf32>,
        %swap3A_679 = vector.shape_cast %swap3A_678 : vector<1x1x16xf32> to vector<16xf32>
        %swap3A_680 = vector.shape_cast %get3A_673 : vector<16xf32> to vector<1x1x16xf32>
        tpu.vector_store %arg9[%swap3A_675, %swap3A_676, %swap3A_677], %swap3A_680 {strides = array<i32>} : memref<2x100x64xf32, #tpu.memory_space<vmem>>, vector<1x1x16xf32>,
        %add3A_681 = arith.constant 0 : i32
        %add3A_682 = arith.addi %add3A_681, %add3A_654 : i32
        %get3A_683 = arith.index_cast %add3A_682 : i32 to index
        %get3A_684 = arith.constant 32 : index
        %get3A_685 = tpu.vector_load %arg7[%get3A_683, %get3A_684] {strides = array<i32>} : memref<208x128xf32, #tpu.memory_space<vmem>>, vector<1x16xf32>,
        %get3A_686 = vector.shape_cast %get3A_685 : vector<1x16xf32> to vector<16xf32>
        %swap3A_687 = arith.constant 0 : i32
        %swap3A_688 = arith.index_cast %swap3A_687 : i32 to index
        %swap3A_689 = arith.index_cast %add3A_654 : i32 to index
        %swap3A_690 = arith.constant 32 : index
        %swap3A_691 = tpu.vector_load %arg9[%swap3A_688, %swap3A_689, %swap3A_690] {strides = array<i32>} : memref<2x100x64xf32, #tpu.memory_space<vmem>>, vector<1x1x16xf32>,
        %swap3A_692 = vector.shape_cast %swap3A_691 : vector<1x1x16xf32> to vector<16xf32>
        %swap3A_693 = vector.shape_cast %get3A_686 : vector<16xf32> to vector<1x1x16xf32>
        tpu.vector_store %arg9[%swap3A_688, %swap3A_689, %swap3A_690], %swap3A_693 {strides = array<i32>} : memref<2x100x64xf32, #tpu.memory_space<vmem>>, vector<1x1x16xf32>,
        %add3A_694 = arith.constant 0 : i32
        %add3A_695 = arith.addi %add3A_694, %add3A_654 : i32
        %get3A_696 = arith.index_cast %add3A_695 : i32 to index
        %get3A_697 = arith.constant 48 : index
        %get3A_698 = tpu.vector_load %arg7[%get3A_696, %get3A_697] {strides = array<i32>} : memref<208x128xf32, #tpu.memory_space<vmem>>, vector<1x16xf32>,
        %get3A_699 = vector.shape_cast %get3A_698 : vector<1x16xf32> to vector<16xf32>
        %swap3A_700 = arith.constant 0 : i32
        %swap3A_701 = arith.index_cast %swap3A_700 : i32 to index
        %swap3A_702 = arith.index_cast %add3A_654 : i32 to index
        %swap3A_703 = arith.constant 48 : index
        %swap3A_704 = tpu.vector_load %arg9[%swap3A_701, %swap3A_702, %swap3A_703] {strides = array<i32>} : memref<2x100x64xf32, #tpu.memory_space<vmem>>, vector<1x1x16xf32>,
        %swap3A_705 = vector.shape_cast %swap3A_704 : vector<1x1x16xf32> to vector<16xf32>
        %swap3A_706 = vector.shape_cast %get3A_699 : vector<16xf32> to vector<1x1x16xf32>
        tpu.vector_store %arg9[%swap3A_701, %swap3A_702, %swap3A_703], %swap3A_706 {strides = array<i32>} : memref<2x100x64xf32, #tpu.memory_space<vmem>>, vector<1x1x16xf32>,
        %mul3A_707 = arith.constant 4 : i32
        %mul3A_708 = arith.muli %scan3A_596, %mul3A_707 : i32
        %add3A_709 = arith.constant 2 : i32
        %add3A_710 = arith.addi %mul3A_708, %add3A_709 : i32
        %add3A_711 = arith.constant 0 : i32
        %add3A_712 = arith.addi %add3A_711, %add3A_710 : i32
        %get3A_713 = arith.index_cast %add3A_712 : i32 to index
        %get3A_714 = arith.constant 0 : index
        %get3A_715 = tpu.vector_load %arg7[%get3A_713, %get3A_714] {strides = array<i32>} : memref<208x128xf32, #tpu.memory_space<vmem>>, vector<1x16xf32>,
        %get3A_716 = vector.shape_cast %get3A_715 : vector<1x16xf32> to vector<16xf32>
        %swap3A_717 = arith.constant 0 : i32
        %swap3A_718 = arith.index_cast %swap3A_717 : i32 to index
        %swap3A_719 = arith.index_cast %add3A_710 : i32 to index
        %swap3A_720 = arith.constant 0 : index
        %swap3A_721 = tpu.vector_load %arg9[%swap3A_718, %swap3A_719, %swap3A_720] {strides = array<i32>} : memref<2x100x64xf32, #tpu.memory_space<vmem>>, vector<1x1x16xf32>,
        %swap3A_722 = vector.shape_cast %swap3A_721 : vector<1x1x16xf32> to vector<16xf32>
        %swap3A_723 = vector.shape_cast %get3A_716 : vector<16xf32> to vector<1x1x16xf32>
        tpu.vector_store %arg9[%swap3A_718, %swap3A_719, %swap3A_720], %swap3A_723 {strides = array<i32>} : memref<2x100x64xf32, #tpu.memory_space<vmem>>, vector<1x1x16xf32>,
        %add3A_724 = arith.constant 0 : i32
        %add3A_725 = arith.addi %add3A_724, %add3A_710 : i32
        %get3A_726 = arith.index_cast %add3A_725 : i32 to index
        %get3A_727 = arith.constant 16 : index
        %get3A_728 = tpu.vector_load %arg7[%get3A_726, %get3A_727] {strides = array<i32>} : memref<208x128xf32, #tpu.memory_space<vmem>>, vector<1x16xf32>,
        %get3A_729 = vector.shape_cast %get3A_728 : vector<1x16xf32> to vector<16xf32>
        %swap3A_730 = arith.constant 0 : i32
        %swap3A_731 = arith.index_cast %swap3A_730 : i32 to index
        %swap3A_732 = arith.index_cast %add3A_710 : i32 to index
        %swap3A_733 = arith.constant 16 : index
        %swap3A_734 = tpu.vector_load %arg9[%swap3A_731, %swap3A_732, %swap3A_733] {strides = array<i32>} : memref<2x100x64xf32, #tpu.memory_space<vmem>>, vector<1x1x16xf32>,
        %swap3A_735 = vector.shape_cast %swap3A_734 : vector<1x1x16xf32> to vector<16xf32>
        %swap3A_736 = vector.shape_cast %get3A_729 : vector<16xf32> to vector<1x1x16xf32>
        tpu.vector_store %arg9[%swap3A_731, %swap3A_732, %swap3A_733], %swap3A_736 {strides = array<i32>} : memref<2x100x64xf32, #tpu.memory_space<vmem>>, vector<1x1x16xf32>,
        %add3A_737 = arith.constant 0 : i32
        %add3A_738 = arith.addi %add3A_737, %add3A_710 : i32
        %get3A_739 = arith.index_cast %add3A_738 : i32 to index
        %get3A_740 = arith.constant 32 : index
        %get3A_741 = tpu.vector_load %arg7[%get3A_739, %get3A_740] {strides = array<i32>} : memref<208x128xf32, #tpu.memory_space<vmem>>, vector<1x16xf32>,
        %get3A_742 = vector.shape_cast %get3A_741 : vector<1x16xf32> to vector<16xf32>
        %swap3A_743 = arith.constant 0 : i32
        %swap3A_744 = arith.index_cast %swap3A_743 : i32 to index
        %swap3A_745 = arith.index_cast %add3A_710 : i32 to index
        %swap3A_746 = arith.constant 32 : index
        %swap3A_747 = tpu.vector_load %arg9[%swap3A_744, %swap3A_745, %swap3A_746] {strides = array<i32>} : memref<2x100x64xf32, #tpu.memory_space<vmem>>, vector<1x1x16xf32>,
        %swap3A_748 = vector.shape_cast %swap3A_747 : vector<1x1x16xf32> to vector<16xf32>
        %swap3A_749 = vector.shape_cast %get3A_742 : vector<16xf32> to vector<1x1x16xf32>
        tpu.vector_store %arg9[%swap3A_744, %swap3A_745, %swap3A_746], %swap3A_749 {strides = array<i32>} : memref<2x100x64xf32, #tpu.memory_space<vmem>>, vector<1x1x16xf32>,
        %add3A_750 = arith.constant 0 : i32
        %add3A_751 = arith.addi %add3A_750, %add3A_710 : i32
        %get3A_752 = arith.index_cast %add3A_751 : i32 to index
        %get3A_753 = arith.constant 48 : index
        %get3A_754 = tpu.vector_load %arg7[%get3A_752, %get3A_753] {strides = array<i32>} : memref<208x128xf32, #tpu.memory_space<vmem>>, vector<1x16xf32>,
        %get3A_755 = vector.shape_cast %get3A_754 : vector<1x16xf32> to vector<16xf32>
        %swap3A_756 = arith.constant 0 : i32
        %swap3A_757 = arith.index_cast %swap3A_756 : i32 to index
        %swap3A_758 = arith.index_cast %add3A_710 : i32 to index
        %swap3A_759 = arith.constant 48 : index
        %swap3A_760 = tpu.vector_load %arg9[%swap3A_757, %swap3A_758, %swap3A_759] {strides = array<i32>} : memref<2x100x64xf32, #tpu.memory_space<vmem>>, vector<1x1x16xf32>,
        %swap3A_761 = vector.shape_cast %swap3A_760 : vector<1x1x16xf32> to vector<16xf32>
        %swap3A_762 = vector.shape_cast %get3A_755 : vector<16xf32> to vector<1x1x16xf32>
        tpu.vector_store %arg9[%swap3A_757, %swap3A_758, %swap3A_759], %swap3A_762 {strides = array<i32>} : memref<2x100x64xf32, #tpu.memory_space<vmem>>, vector<1x1x16xf32>,
        %mul3A_763 = arith.constant 4 : i32
        %mul3A_764 = arith.muli %scan3A_596, %mul3A_763 : i32
        %add3A_765 = arith.constant 3 : i32
        %add3A_766 = arith.addi %mul3A_764, %add3A_765 : i32
        %add3A_767 = arith.constant 0 : i32
        %add3A_768 = arith.addi %add3A_767, %add3A_766 : i32
        %get3A_769 = arith.index_cast %add3A_768 : i32 to index
        %get3A_770 = arith.constant 0 : index
        %get3A_771 = tpu.vector_load %arg7[%get3A_769, %get3A_770] {strides = array<i32>} : memref<208x128xf32, #tpu.memory_space<vmem>>, vector<1x16xf32>,
        %get3A_772 = vector.shape_cast %get3A_771 : vector<1x16xf32> to vector<16xf32>
        %swap3A_773 = arith.constant 0 : i32
        %swap3A_774 = arith.index_cast %swap3A_773 : i32 to index
        %swap3A_775 = arith.index_cast %add3A_766 : i32 to index
        %swap3A_776 = arith.constant 0 : index
        %swap3A_777 = tpu.vector_load %arg9[%swap3A_774, %swap3A_775, %swap3A_776] {strides = array<i32>} : memref<2x100x64xf32, #tpu.memory_space<vmem>>, vector<1x1x16xf32>,
        %swap3A_778 = vector.shape_cast %swap3A_777 : vector<1x1x16xf32> to vector<16xf32>
        %swap3A_779 = vector.shape_cast %get3A_772 : vector<16xf32> to vector<1x1x16xf32>
        tpu.vector_store %arg9[%swap3A_774, %swap3A_775, %swap3A_776], %swap3A_779 {strides = array<i32>} : memref<2x100x64xf32, #tpu.memory_space<vmem>>, vector<1x1x16xf32>,
        %add3A_780 = arith.constant 0 : i32
        %add3A_781 = arith.addi %add3A_780, %add3A_766 : i32
        %get3A_782 = arith.index_cast %add3A_781 : i32 to index
        %get3A_783 = arith.constant 16 : index
        %get3A_784 = tpu.vector_load %arg7[%get3A_782, %get3A_783] {strides = array<i32>} : memref<208x128xf32, #tpu.memory_space<vmem>>, vector<1x16xf32>,
        %get3A_785 = vector.shape_cast %get3A_784 : vector<1x16xf32> to vector<16xf32>
        %swap3A_786 = arith.constant 0 : i32
        %swap3A_787 = arith.index_cast %swap3A_786 : i32 to index
        %swap3A_788 = arith.index_cast %add3A_766 : i32 to index
        %swap3A_789 = arith.constant 16 : index
        %swap3A_790 = tpu.vector_load %arg9[%swap3A_787, %swap3A_788, %swap3A_789] {strides = array<i32>} : memref<2x100x64xf32, #tpu.memory_space<vmem>>, vector<1x1x16xf32>,
        %swap3A_791 = vector.shape_cast %swap3A_790 : vector<1x1x16xf32> to vector<16xf32>
        %swap3A_792 = vector.shape_cast %get3A_785 : vector<16xf32> to vector<1x1x16xf32>
        tpu.vector_store %arg9[%swap3A_787, %swap3A_788, %swap3A_789], %swap3A_792 {strides = array<i32>} : memref<2x100x64xf32, #tpu.memory_space<vmem>>, vector<1x1x16xf32>,
        %add3A_793 = arith.constant 0 : i32
        %add3A_794 = arith.addi %add3A_793, %add3A_766 : i32
        %get3A_795 = arith.index_cast %add3A_794 : i32 to index
        %get3A_796 = arith.constant 32 : index
        %get3A_797 = tpu.vector_load %arg7[%get3A_795, %get3A_796] {strides = array<i32>} : memref<208x128xf32, #tpu.memory_space<vmem>>, vector<1x16xf32>,
        %get3A_798 = vector.shape_cast %get3A_797 : vector<1x16xf32> to vector<16xf32>
        %swap3A_799 = arith.constant 0 : i32
        %swap3A_800 = arith.index_cast %swap3A_799 : i32 to index
        %swap3A_801 = arith.index_cast %add3A_766 : i32 to index
        %swap3A_802 = arith.constant 32 : index
        %swap3A_803 = tpu.vector_load %arg9[%swap3A_800, %swap3A_801, %swap3A_802] {strides = array<i32>} : memref<2x100x64xf32, #tpu.memory_space<vmem>>, vector<1x1x16xf32>,
        %swap3A_804 = vector.shape_cast %swap3A_803 : vector<1x1x16xf32> to vector<16xf32>
        %swap3A_805 = vector.shape_cast %get3A_798 : vector<16xf32> to vector<1x1x16xf32>
        tpu.vector_store %arg9[%swap3A_800, %swap3A_801, %swap3A_802], %swap3A_805 {strides = array<i32>} : memref<2x100x64xf32, #tpu.memory_space<vmem>>, vector<1x1x16xf32>,
        %add3A_806 = arith.constant 0 : i32
        %add3A_807 = arith.addi %add3A_806, %add3A_766 : i32
        %get3A_808 = arith.index_cast %add3A_807 : i32 to index
        %get3A_809 = arith.constant 48 : index
        %get3A_810 = tpu.vector_load %arg7[%get3A_808, %get3A_809] {strides = array<i32>} : memref<208x128xf32, #tpu.memory_space<vmem>>, vector<1x16xf32>,
        %get3A_811 = vector.shape_cast %get3A_810 : vector<1x16xf32> to vector<16xf32>
        %swap3A_812 = arith.constant 0 : i32
        %swap3A_813 = arith.index_cast %swap3A_812 : i32 to index
        %swap3A_814 = arith.index_cast %add3A_766 : i32 to index
        %swap3A_815 = arith.constant 48 : index
        %swap3A_816 = tpu.vector_load %arg9[%swap3A_813, %swap3A_814, %swap3A_815] {strides = array<i32>} : memref<2x100x64xf32, #tpu.memory_space<vmem>>, vector<1x1x16xf32>,
        %swap3A_817 = vector.shape_cast %swap3A_816 : vector<1x1x16xf32> to vector<16xf32>
        %swap3A_818 = vector.shape_cast %get3A_811 : vector<16xf32> to vector<1x1x16xf32>
        tpu.vector_store %arg9[%swap3A_813, %swap3A_814, %swap3A_815], %swap3A_818 {strides = array<i32>} : memref<2x100x64xf32, #tpu.memory_space<vmem>>, vector<1x1x16xf32>,
      }
      %scan3A_517 = arith.constant 25 : i32
      %scan3A_518 = arith.constant 0 : i32
      %scan3A_519 = arith.constant 0 : i32
      %scan3A_520 = arith.constant 25 : i32
      %scan3A_521 = arith.addi %scan3A_519, %scan3A_520 : i32
      %scan3A_522 = arith.constant 1 : i32
      scf.for %scan3A_596 = %scan3A_519 to %scan3A_521 step %scan3A_522  : i32 {
        %mul3A_597 = arith.constant 4 : i32
        %mul3A_598 = arith.muli %scan3A_596, %mul3A_597 : i32
        %add3A_599 = arith.constant 0 : i32
        %add3A_600 = arith.addi %mul3A_598, %add3A_599 : i32
        %add3A_601 = arith.constant 104 : i32
        %add3A_602 = arith.addi %add3A_601, %add3A_600 : i32
        %get3A = arith.index_cast %add3A_602 : i32 to index
        %get3A_603 = arith.constant 0 : index
        %get3A_604 = tpu.vector_load %arg7[%get3A, %get3A_603] {strides = array<i32>} : memref<208x128xf32, #tpu.memory_space<vmem>>, vector<1x16xf32>,
        %get3A_605 = vector.shape_cast %get3A_604 : vector<1x16xf32> to vector<16xf32>
        %swap3A = arith.constant 1 : i32
        %swap3A_606 = arith.index_cast %swap3A : i32 to index
        %swap3A_607 = arith.index_cast %add3A_600 : i32 to index
        %swap3A_608 = arith.constant 0 : index
        %swap3A_609 = tpu.vector_load %arg9[%swap3A_606, %swap3A_607, %swap3A_608] {strides = array<i32>} : memref<2x100x64xf32, #tpu.memory_space<vmem>>, vector<1x1x16xf32>,
        %swap3A_610 = vector.shape_cast %swap3A_609 : vector<1x1x16xf32> to vector<16xf32>
        %swap3A_611 = vector.shape_cast %get3A_605 : vector<16xf32> to vector<1x1x16xf32>
        tpu.vector_store %arg9[%swap3A_606, %swap3A_607, %swap3A_608], %swap3A_611 {strides = array<i32>} : memref<2x100x64xf32, #tpu.memory_space<vmem>>, vector<1x1x16xf32>,
        %add3A_612 = arith.constant 104 : i32
        %add3A_613 = arith.addi %add3A_612, %add3A_600 : i32
        %get3A_614 = arith.index_cast %add3A_613 : i32 to index
        %get3A_615 = arith.constant 16 : index
        %get3A_616 = tpu.vector_load %arg7[%get3A_614, %get3A_615] {strides = array<i32>} : memref<208x128xf32, #tpu.memory_space<vmem>>, vector<1x16xf32>,
        %get3A_617 = vector.shape_cast %get3A_616 : vector<1x16xf32> to vector<16xf32>
        %swap3A_618 = arith.constant 1 : i32
        %swap3A_619 = arith.index_cast %swap3A_618 : i32 to index
        %swap3A_620 = arith.index_cast %add3A_600 : i32 to index
        %swap3A_621 = arith.constant 16 : index
        %swap3A_622 = tpu.vector_load %arg9[%swap3A_619, %swap3A_620, %swap3A_621] {strides = array<i32>} : memref<2x100x64xf32, #tpu.memory_space<vmem>>, vector<1x1x16xf32>,
        %swap3A_623 = vector.shape_cast %swap3A_622 : vector<1x1x16xf32> to vector<16xf32>
        %swap3A_624 = vector.shape_cast %get3A_617 : vector<16xf32> to vector<1x1x16xf32>
        tpu.vector_store %arg9[%swap3A_619, %swap3A_620, %swap3A_621], %swap3A_624 {strides = array<i32>} : memref<2x100x64xf32, #tpu.memory_space<vmem>>, vector<1x1x16xf32>,
        %add3A_625 = arith.constant 104 : i32
        %add3A_626 = arith.addi %add3A_625, %add3A_600 : i32
        %get3A_627 = arith.index_cast %add3A_626 : i32 to index
        %get3A_628 = arith.constant 32 : index
        %get3A_629 = tpu.vector_load %arg7[%get3A_627, %get3A_628] {strides = array<i32>} : memref<208x128xf32, #tpu.memory_space<vmem>>, vector<1x16xf32>,
        %get3A_630 = vector.shape_cast %get3A_629 : vector<1x16xf32> to vector<16xf32>
        %swap3A_631 = arith.constant 1 : i32
        %swap3A_632 = arith.index_cast %swap3A_631 : i32 to index
        %swap3A_633 = arith.index_cast %add3A_600 : i32 to index
        %swap3A_634 = arith.constant 32 : index
        %swap3A_635 = tpu.vector_load %arg9[%swap3A_632, %swap3A_633, %swap3A_634] {strides = array<i32>} : memref<2x100x64xf32, #tpu.memory_space<vmem>>, vector<1x1x16xf32>,
        %swap3A_636 = vector.shape_cast %swap3A_635 : vector<1x1x16xf32> to vector<16xf32>
        %swap3A_637 = vector.shape_cast %get3A_630 : vector<16xf32> to vector<1x1x16xf32>
        tpu.vector_store %arg9[%swap3A_632, %swap3A_633, %swap3A_634], %swap3A_637 {strides = array<i32>} : memref<2x100x64xf32, #tpu.memory_space<vmem>>, vector<1x1x16xf32>,
        %add3A_638 = arith.constant 104 : i32
        %add3A_639 = arith.addi %add3A_638, %add3A_600 : i32
        %get3A_640 = arith.index_cast %add3A_639 : i32 to index
        %get3A_641 = arith.constant 48 : index
        %get3A_642 = tpu.vector_load %arg7[%get3A_640, %get3A_641] {strides = array<i32>} : memref<208x128xf32, #tpu.memory_space<vmem>>, vector<1x16xf32>,
        %get3A_643 = vector.shape_cast %get3A_642 : vector<1x16xf32> to vector<16xf32>
        %swap3A_644 = arith.constant 1 : i32
        %swap3A_645 = arith.index_cast %swap3A_644 : i32 to index
        %swap3A_646 = arith.index_cast %add3A_600 : i32 to index
        %swap3A_647 = arith.constant 48 : index
        %swap3A_648 = tpu.vector_load %arg9[%swap3A_645, %swap3A_646, %swap3A_647] {strides = array<i32>} : memref<2x100x64xf32, #tpu.memory_space<vmem>>, vector<1x1x16xf32>,
        %swap3A_649 = vector.shape_cast %swap3A_648 : vector<1x1x16xf32> to vector<16xf32>
        %swap3A_650 = vector.shape_cast %get3A_643 : vector<16xf32> to vector<1x1x16xf32>
        tpu.vector_store %arg9[%swap3A_645, %swap3A_646, %swap3A_647], %swap3A_650 {strides = array<i32>} : memref<2x100x64xf32, #tpu.memory_space<vmem>>, vector<1x1x16xf32>,
        %mul3A_651 = arith.constant 4 : i32
        %mul3A_652 = arith.muli %scan3A_596, %mul3A_651 : i32
        %add3A_653 = arith.constant 1 : i32
        %add3A_654 = arith.addi %mul3A_652, %add3A_653 : i32
        %add3A_655 = arith.constant 104 : i32
        %add3A_656 = arith.addi %add3A_655, %add3A_654 : i32
        %get3A_657 = arith.index_cast %add3A_656 : i32 to index
        %get3A_658 = arith.constant 0 : index
        %get3A_659 = tpu.vector_load %arg7[%get3A_657, %get3A_658] {strides = array<i32>} : memref<208x128xf32, #tpu.memory_space<vmem>>, vector<1x16xf32>,
        %get3A_660 = vector.shape_cast %get3A_659 : vector<1x16xf32> to vector<16xf32>
        %swap3A_661 = arith.constant 1 : i32
        %swap3A_662 = arith.index_cast %swap3A_661 : i32 to index
        %swap3A_663 = arith.index_cast %add3A_654 : i32 to index
        %swap3A_664 = arith.constant 0 : index
        %swap3A_665 = tpu.vector_load %arg9[%swap3A_662, %swap3A_663, %swap3A_664] {strides = array<i32>} : memref<2x100x64xf32, #tpu.memory_space<vmem>>, vector<1x1x16xf32>,
        %swap3A_666 = vector.shape_cast %swap3A_665 : vector<1x1x16xf32> to vector<16xf32>
        %swap3A_667 = vector.shape_cast %get3A_660 : vector<16xf32> to vector<1x1x16xf32>
        tpu.vector_store %arg9[%swap3A_662, %swap3A_663, %swap3A_664], %swap3A_667 {strides = array<i32>} : memref<2x100x64xf32, #tpu.memory_space<vmem>>, vector<1x1x16xf32>,
        %add3A_668 = arith.constant 104 : i32
        %add3A_669 = arith.addi %add3A_668, %add3A_654 : i32
        %get3A_670 = arith.index_cast %add3A_669 : i32 to index
        %get3A_671 = arith.constant 16 : index
        %get3A_672 = tpu.vector_load %arg7[%get3A_670, %get3A_671] {strides = array<i32>} : memref<208x128xf32, #tpu.memory_space<vmem>>, vector<1x16xf32>,
        %get3A_673 = vector.shape_cast %get3A_672 : vector<1x16xf32> to vector<16xf32>
        %swap3A_674 = arith.constant 1 : i32
        %swap3A_675 = arith.index_cast %swap3A_674 : i32 to index
        %swap3A_676 = arith.index_cast %add3A_654 : i32 to index
        %swap3A_677 = arith.constant 16 : index
        %swap3A_678 = tpu.vector_load %arg9[%swap3A_675, %swap3A_676, %swap3A_677] {strides = array<i32>} : memref<2x100x64xf32, #tpu.memory_space<vmem>>, vector<1x1x16xf32>,
        %swap3A_679 = vector.shape_cast %swap3A_678 : vector<1x1x16xf32> to vector<16xf32>
        %swap3A_680 = vector.shape_cast %get3A_673 : vector<16xf32> to vector<1x1x16xf32>
        tpu.vector_store %arg9[%swap3A_675, %swap3A_676, %swap3A_677], %swap3A_680 {strides = array<i32>} : memref<2x100x64xf32, #tpu.memory_space<vmem>>, vector<1x1x16xf32>,
        %add3A_681 = arith.constant 104 : i32
        %add3A_682 = arith.addi %add3A_681, %add3A_654 : i32
        %get3A_683 = arith.index_cast %add3A_682 : i32 to index
        %get3A_684 = arith.constant 32 : index
        %get3A_685 = tpu.vector_load %arg7[%get3A_683, %get3A_684] {strides = array<i32>} : memref<208x128xf32, #tpu.memory_space<vmem>>, vector<1x16xf32>,
        %get3A_686 = vector.shape_cast %get3A_685 : vector<1x16xf32> to vector<16xf32>
        %swap3A_687 = arith.constant 1 : i32
        %swap3A_688 = arith.index_cast %swap3A_687 : i32 to index
        %swap3A_689 = arith.index_cast %add3A_654 : i32 to index
        %swap3A_690 = arith.constant 32 : index
        %swap3A_691 = tpu.vector_load %arg9[%swap3A_688, %swap3A_689, %swap3A_690] {strides = array<i32>} : memref<2x100x64xf32, #tpu.memory_space<vmem>>, vector<1x1x16xf32>,
        %swap3A_692 = vector.shape_cast %swap3A_691 : vector<1x1x16xf32> to vector<16xf32>
        %swap3A_693 = vector.shape_cast %get3A_686 : vector<16xf32> to vector<1x1x16xf32>
        tpu.vector_store %arg9[%swap3A_688, %swap3A_689, %swap3A_690], %swap3A_693 {strides = array<i32>} : memref<2x100x64xf32, #tpu.memory_space<vmem>>, vector<1x1x16xf32>,
        %add3A_694 = arith.constant 104 : i32
        %add3A_695 = arith.addi %add3A_694, %add3A_654 : i32
        %get3A_696 = arith.index_cast %add3A_695 : i32 to index
        %get3A_697 = arith.constant 48 : index
        %get3A_698 = tpu.vector_load %arg7[%get3A_696, %get3A_697] {strides = array<i32>} : memref<208x128xf32, #tpu.memory_space<vmem>>, vector<1x16xf32>,
        %get3A_699 = vector.shape_cast %get3A_698 : vector<1x16xf32> to vector<16xf32>
        %swap3A_700 = arith.constant 1 : i32
        %swap3A_701 = arith.index_cast %swap3A_700 : i32 to index
        %swap3A_702 = arith.index_cast %add3A_654 : i32 to index
        %swap3A_703 = arith.constant 48 : index
        %swap3A_704 = tpu.vector_load %arg9[%swap3A_701, %swap3A_702, %swap3A_703] {strides = array<i32>} : memref<2x100x64xf32, #tpu.memory_space<vmem>>, vector<1x1x16xf32>,
        %swap3A_705 = vector.shape_cast %swap3A_704 : vector<1x1x16xf32> to vector<16xf32>
        %swap3A_706 = vector.shape_cast %get3A_699 : vector<16xf32> to vector<1x1x16xf32>
        tpu.vector_store %arg9[%swap3A_701, %swap3A_702, %swap3A_703], %swap3A_706 {strides = array<i32>} : memref<2x100x64xf32, #tpu.memory_space<vmem>>, vector<1x1x16xf32>,
        %mul3A_707 = arith.constant 4 : i32
        %mul3A_708 = arith.muli %scan3A_596, %mul3A_707 : i32
        %add3A_709 = arith.constant 2 : i32
        %add3A_710 = arith.addi %mul3A_708, %add3A_709 : i32
        %add3A_711 = arith.constant 104 : i32
        %add3A_712 = arith.addi %add3A_711, %add3A_710 : i32
        %get3A_713 = arith.index_cast %add3A_712 : i32 to index
        %get3A_714 = arith.constant 0 : index
        %get3A_715 = tpu.vector_load %arg7[%get3A_713, %get3A_714] {strides = array<i32>} : memref<208x128xf32, #tpu.memory_space<vmem>>, vector<1x16xf32>,
        %get3A_716 = vector.shape_cast %get3A_715 : vector<1x16xf32> to vector<16xf32>
        %swap3A_717 = arith.constant 1 : i32
        %swap3A_718 = arith.index_cast %swap3A_717 : i32 to index
        %swap3A_719 = arith.index_cast %add3A_710 : i32 to index
        %swap3A_720 = arith.constant 0 : index
        %swap3A_721 = tpu.vector_load %arg9[%swap3A_718, %swap3A_719, %swap3A_720] {strides = array<i32>} : memref<2x100x64xf32, #tpu.memory_space<vmem>>, vector<1x1x16xf32>,
        %swap3A_722 = vector.shape_cast %swap3A_721 : vector<1x1x16xf32> to vector<16xf32>
        %swap3A_723 = vector.shape_cast %get3A_716 : vector<16xf32> to vector<1x1x16xf32>
        tpu.vector_store %arg9[%swap3A_718, %swap3A_719, %swap3A_720], %swap3A_723 {strides = array<i32>} : memref<2x100x64xf32, #tpu.memory_space<vmem>>, vector<1x1x16xf32>,
        %add3A_724 = arith.constant 104 : i32
        %add3A_725 = arith.addi %add3A_724, %add3A_710 : i32
        %get3A_726 = arith.index_cast %add3A_725 : i32 to index
        %get3A_727 = arith.constant 16 : index
        %get3A_728 = tpu.vector_load %arg7[%get3A_726, %get3A_727] {strides = array<i32>} : memref<208x128xf32, #tpu.memory_space<vmem>>, vector<1x16xf32>,
        %get3A_729 = vector.shape_cast %get3A_728 : vector<1x16xf32> to vector<16xf32>
        %swap3A_730 = arith.constant 1 : i32
        %swap3A_731 = arith.index_cast %swap3A_730 : i32 to index
        %swap3A_732 = arith.index_cast %add3A_710 : i32 to index
        %swap3A_733 = arith.constant 16 : index
        %swap3A_734 = tpu.vector_load %arg9[%swap3A_731, %swap3A_732, %swap3A_733] {strides = array<i32>} : memref<2x100x64xf32, #tpu.memory_space<vmem>>, vector<1x1x16xf32>,
        %swap3A_735 = vector.shape_cast %swap3A_734 : vector<1x1x16xf32> to vector<16xf32>
        %swap3A_736 = vector.shape_cast %get3A_729 : vector<16xf32> to vector<1x1x16xf32>
        tpu.vector_store %arg9[%swap3A_731, %swap3A_732, %swap3A_733], %swap3A_736 {strides = array<i32>} : memref<2x100x64xf32, #tpu.memory_space<vmem>>, vector<1x1x16xf32>,
        %add3A_737 = arith.constant 104 : i32
        %add3A_738 = arith.addi %add3A_737, %add3A_710 : i32
        %get3A_739 = arith.index_cast %add3A_738 : i32 to index
        %get3A_740 = arith.constant 32 : index
        %get3A_741 = tpu.vector_load %arg7[%get3A_739, %get3A_740] {strides = array<i32>} : memref<208x128xf32, #tpu.memory_space<vmem>>, vector<1x16xf32>,
        %get3A_742 = vector.shape_cast %get3A_741 : vector<1x16xf32> to vector<16xf32>
        %swap3A_743 = arith.constant 1 : i32
        %swap3A_744 = arith.index_cast %swap3A_743 : i32 to index
        %swap3A_745 = arith.index_cast %add3A_710 : i32 to index
        %swap3A_746 = arith.constant 32 : index
        %swap3A_747 = tpu.vector_load %arg9[%swap3A_744, %swap3A_745, %swap3A_746] {strides = array<i32>} : memref<2x100x64xf32, #tpu.memory_space<vmem>>, vector<1x1x16xf32>,
        %swap3A_748 = vector.shape_cast %swap3A_747 : vector<1x1x16xf32> to vector<16xf32>
        %swap3A_749 = vector.shape_cast %get3A_742 : vector<16xf32> to vector<1x1x16xf32>
        tpu.vector_store %arg9[%swap3A_744, %swap3A_745, %swap3A_746], %swap3A_749 {strides = array<i32>} : memref<2x100x64xf32, #tpu.memory_space<vmem>>, vector<1x1x16xf32>,
        %add3A_750 = arith.constant 104 : i32
        %add3A_751 = arith.addi %add3A_750, %add3A_710 : i32
        %get3A_752 = arith.index_cast %add3A_751 : i32 to index
        %get3A_753 = arith.constant 48 : index
        %get3A_754 = tpu.vector_load %arg7[%get3A_752, %get3A_753] {strides = array<i32>} : memref<208x128xf32, #tpu.memory_space<vmem>>, vector<1x16xf32>,
        %get3A_755 = vector.shape_cast %get3A_754 : vector<1x16xf32> to vector<16xf32>
        %swap3A_756 = arith.constant 1 : i32
        %swap3A_757 = arith.index_cast %swap3A_756 : i32 to index
        %swap3A_758 = arith.index_cast %add3A_710 : i32 to index
        %swap3A_759 = arith.constant 48 : index
        %swap3A_760 = tpu.vector_load %arg9[%swap3A_757, %swap3A_758, %swap3A_759] {strides = array<i32>} : memref<2x100x64xf32, #tpu.memory_space<vmem>>, vector<1x1x16xf32>,
        %swap3A_761 = vector.shape_cast %swap3A_760 : vector<1x1x16xf32> to vector<16xf32>
        %swap3A_762 = vector.shape_cast %get3A_755 : vector<16xf32> to vector<1x1x16xf32>
        tpu.vector_store %arg9[%swap3A_757, %swap3A_758, %swap3A_759], %swap3A_762 {strides = array<i32>} : memref<2x100x64xf32, #tpu.memory_space<vmem>>, vector<1x1x16xf32>,
        %mul3A_763 = arith.constant 4 : i32
        %mul3A_764 = arith.muli %scan3A_596, %mul3A_763 : i32
        %add3A_765 = arith.constant 3 : i32
        %add3A_766 = arith.addi %mul3A_764, %add3A_765 : i32
        %add3A_767 = arith.constant 104 : i32
        %add3A_768 = arith.addi %add3A_767, %add3A_766 : i32
        %get3A_769 = arith.index_cast %add3A_768 : i32 to index
        %get3A_770 = arith.constant 0 : index
        %get3A_771 = tpu.vector_load %arg7[%get3A_769, %get3A_770] {strides = array<i32>} : memref<208x128xf32, #tpu.memory_space<vmem>>, vector<1x16xf32>,
        %get3A_772 = vector.shape_cast %get3A_771 : vector<1x16xf32> to vector<16xf32>
        %swap3A_773 = arith.constant 1 : i32
        %swap3A_774 = arith.index_cast %swap3A_773 : i32 to index
        %swap3A_775 = arith.index_cast %add3A_766 : i32 to index
        %swap3A_776 = arith.constant 0 : index
        %swap3A_777 = tpu.vector_load %arg9[%swap3A_774, %swap3A_775, %swap3A_776] {strides = array<i32>} : memref<2x100x64xf32, #tpu.memory_space<vmem>>, vector<1x1x16xf32>,
        %swap3A_778 = vector.shape_cast %swap3A_777 : vector<1x1x16xf32> to vector<16xf32>
        %swap3A_779 = vector.shape_cast %get3A_772 : vector<16xf32> to vector<1x1x16xf32>
        tpu.vector_store %arg9[%swap3A_774, %swap3A_775, %swap3A_776], %swap3A_779 {strides = array<i32>} : memref<2x100x64xf32, #tpu.memory_space<vmem>>, vector<1x1x16xf32>,
        %add3A_780 = arith.constant 104 : i32
        %add3A_781 = arith.addi %add3A_780, %add3A_766 : i32
        %get3A_782 = arith.index_cast %add3A_781 : i32 to index
        %get3A_783 = arith.constant 16 : index
        %get3A_784 = tpu.vector_load %arg7[%get3A_782, %get3A_783] {strides = array<i32>} : memref<208x128xf32, #tpu.memory_space<vmem>>, vector<1x16xf32>,
        %get3A_785 = vector.shape_cast %get3A_784 : vector<1x16xf32> to vector<16xf32>
        %swap3A_786 = arith.constant 1 : i32
        %swap3A_787 = arith.index_cast %swap3A_786 : i32 to index
        %swap3A_788 = arith.index_cast %add3A_766 : i32 to index
        %swap3A_789 = arith.constant 16 : index
        %swap3A_790 = tpu.vector_load %arg9[%swap3A_787, %swap3A_788, %swap3A_789] {strides = array<i32>} : memref<2x100x64xf32, #tpu.memory_space<vmem>>, vector<1x1x16xf32>,
        %swap3A_791 = vector.shape_cast %swap3A_790 : vector<1x1x16xf32> to vector<16xf32>
        %swap3A_792 = vector.shape_cast %get3A_785 : vector<16xf32> to vector<1x1x16xf32>
        tpu.vector_store %arg9[%swap3A_787, %swap3A_788, %swap3A_789], %swap3A_792 {strides = array<i32>} : memref<2x100x64xf32, #tpu.memory_space<vmem>>, vector<1x1x16xf32>,
        %add3A_793 = arith.constant 104 : i32
        %add3A_794 = arith.addi %add3A_793, %add3A_766 : i32
        %get3A_795 = arith.index_cast %add3A_794 : i32 to index
        %get3A_796 = arith.constant 32 : index
        %get3A_797 = tpu.vector_load %arg7[%get3A_795, %get3A_796] {strides = array<i32>} : memref<208x128xf32, #tpu.memory_space<vmem>>, vector<1x16xf32>,
        %get3A_798 = vector.shape_cast %get3A_797 : vector<1x16xf32> to vector<16xf32>
        %swap3A_799 = arith.constant 1 : i32
        %swap3A_800 = arith.index_cast %swap3A_799 : i32 to index
        %swap3A_801 = arith.index_cast %add3A_766 : i32 to index
        %swap3A_802 = arith.constant 32 : index
        %swap3A_803 = tpu.vector_load %arg9[%swap3A_800, %swap3A_801, %swap3A_802] {strides = array<i32>} : memref<2x100x64xf32, #tpu.memory_space<vmem>>, vector<1x1x16xf32>,
        %swap3A_804 = vector.shape_cast %swap3A_803 : vector<1x1x16xf32> to vector<16xf32>
        %swap3A_805 = vector.shape_cast %get3A_798 : vector<16xf32> to vector<1x1x16xf32>
        tpu.vector_store %arg9[%swap3A_800, %swap3A_801, %swap3A_802], %swap3A_805 {strides = array<i32>} : memref<2x100x64xf32, #tpu.memory_space<vmem>>, vector<1x1x16xf32>,
        %add3A_806 = arith.constant 104 : i32
        %add3A_807 = arith.addi %add3A_806, %add3A_766 : i32
        %get3A_808 = arith.index_cast %add3A_807 : i32 to index
        %get3A_809 = arith.constant 48 : index
        %get3A_810 = tpu.vector_load %arg7[%get3A_808, %get3A_809] {strides = array<i32>} : memref<208x128xf32, #tpu.memory_space<vmem>>, vector<1x16xf32>,
        %get3A_811 = vector.shape_cast %get3A_810 : vector<1x16xf32> to vector<16xf32>
        %swap3A_812 = arith.constant 1 : i32
        %swap3A_813 = arith.index_cast %swap3A_812 : i32 to index
        %swap3A_814 = arith.index_cast %add3A_766 : i32 to index
        %swap3A_815 = arith.constant 48 : index
        %swap3A_816 = tpu.vector_load %arg9[%swap3A_813, %swap3A_814, %swap3A_815] {strides = array<i32>} : memref<2x100x64xf32, #tpu.memory_space<vmem>>, vector<1x1x16xf32>,
        %swap3A_817 = vector.shape_cast %swap3A_816 : vector<1x1x16xf32> to vector<16xf32>
        %swap3A_818 = vector.shape_cast %get3A_811 : vector<16xf32> to vector<1x1x16xf32>
        tpu.vector_store %arg9[%swap3A_813, %swap3A_814, %swap3A_815], %swap3A_818 {strides = array<i32>} : memref<2x100x64xf32, #tpu.memory_space<vmem>>, vector<1x1x16xf32>,
      }
      %scan3A_523 = arith.constant 25 : i32
      %add3A_524 = arith.constant 4 : i32
      %add3A_525 = arith.addi %multiple_of3A_308, %add3A_524 : i32
      %dma_start3A_526 = arith.constant 0 : i32
      %dma_start3A_527 = arith.constant 0 : i32
      %dma_start3A_528 = tpu.memref_slice %arg4[%add3A_525, %dma_start3A_526, %dma_start3A_527] : memref<16384x100x64xf32, #tpu.memory_space<hbm>> -> memref<2x100x64xf32, #tpu.memory_space<hbm>>
      %dma_start3A_529 = arith.constant 0 : i32
      %dma_start3A_530 = arith.constant 0 : i32
      %dma_start3A_531 = tpu.memref_slice %arg4[%add3A_525, %dma_start3A_529, %dma_start3A_530] : memref<16384x100x64xf32, #tpu.memory_space<hbm>> -> memref<2x100x64xf32, #tpu.memory_space<hbm>>
      tpu.enqueue_dma source(%arg9 : memref<2x100x64xf32, #tpu.memory_space<vmem>>) target(%dma_start3A_531 : memref<2x100x64xf32, #tpu.memory_space<hbm>>) target_semaphore(%arg13 : memref<!tpu.dma_semaphore, #tpu.memory_space<semaphore_mem>>)
      %dma_wait3A_532 = arith.constant 6 : i32
      %dma_wait3A_533 = arith.constant 0 : i32
      %dma_wait3A_534 = arith.constant 0 : i32
      %dma_wait3A_535 = tpu.memref_slice %arg8[%dma_wait3A_533, %dma_wait3A_534] : memref<208x128xf32, #tpu.memory_space<vmem>> -> memref<100x128xf32, #tpu.memory_space<vmem>>
      %dma_wait3A_536 = arith.constant 0 : i32
      %dma_wait3A_537 = tpu.memref_slice %arg6[%dma_wait3A_532, %dma_wait3A_536] : memref<8x100xi32, #tpu.memory_space<vmem>> -> memref<1x100xi32, #tpu.memory_space<vmem>>
      %dma_wait3A_538 = tpu.memref_squeeze %dma_wait3A_537 : memref<1x100xi32, #tpu.memory_space<vmem>> -> memref<100xi32, #tpu.memory_space<vmem>>
      %dma_wait3A_539 = arith.constant 0 : i32
      %dma_wait3A_540 = arith.constant 0 : i32
      %dma_wait3A_541 = tpu.memref_slice %arg3[%dma_wait3A_539, %dma_wait3A_540] : memref<1000000x128xf32, #tpu.memory_space<hbm>> -> memref<1000000x128xf32, #tpu.memory_space<hbm>>
      tpu.wait_indirect_dma semaphore(%arg12 : memref<!tpu.dma_semaphore, #tpu.memory_space<semaphore_mem>>) src(%dma_wait3A_541 : memref<1000000x128xf32, #tpu.memory_space<hbm>>) dst(%dma_wait3A_535 : memref<100x128xf32, #tpu.memory_space<vmem>>)
      %dma_wait3A_542 = arith.constant 7 : i32
      %dma_wait3A_543 = arith.constant 104 : i32
      %dma_wait3A_544 = arith.constant 0 : i32
      %dma_wait3A_545 = tpu.memref_slice %arg8[%dma_wait3A_543, %dma_wait3A_544] : memref<208x128xf32, #tpu.memory_space<vmem>> -> memref<100x128xf32, #tpu.memory_space<vmem>>
      %dma_wait3A_546 = arith.constant 0 : i32
      %dma_wait3A_547 = tpu.memref_slice %arg6[%dma_wait3A_542, %dma_wait3A_546] : memref<8x100xi32, #tpu.memory_space<vmem>> -> memref<1x100xi32, #tpu.memory_space<vmem>>
      %dma_wait3A_548 = tpu.memref_squeeze %dma_wait3A_547 : memref<1x100xi32, #tpu.memory_space<vmem>> -> memref<100xi32, #tpu.memory_space<vmem>>
      %dma_wait3A_549 = arith.constant 0 : i32
      %dma_wait3A_550 = arith.constant 0 : i32
      %dma_wait3A_551 = tpu.memref_slice %arg3[%dma_wait3A_549, %dma_wait3A_550] : memref<1000000x128xf32, #tpu.memory_space<hbm>> -> memref<1000000x128xf32, #tpu.memory_space<hbm>>
      tpu.wait_indirect_dma semaphore(%arg12 : memref<!tpu.dma_semaphore, #tpu.memory_space<semaphore_mem>>) src(%dma_wait3A_551 : memref<1000000x128xf32, #tpu.memory_space<hbm>>) dst(%dma_wait3A_545 : memref<100x128xf32, #tpu.memory_space<vmem>>)
      %add3A_552 = arith.constant 2 : i32
      %add3A_553 = arith.addi %multiple_of3A_308, %add3A_552 : i32
      %dma_wait3A_554 = arith.constant 0 : i32
      %dma_wait3A_555 = arith.constant 0 : i32
      %dma_wait3A_556 = tpu.memref_slice %arg4[%add3A_553, %dma_wait3A_554, %dma_wait3A_555] : memref<16384x100x64xf32, #tpu.memory_space<hbm>> -> memref<2x100x64xf32, #tpu.memory_space<hbm>>
      %dma_wait3A_557 = arith.constant 0 : i32
      %dma_wait3A_558 = arith.constant 0 : i32
      %dma_wait3A_559 = tpu.memref_slice %arg4[%add3A_553, %dma_wait3A_557, %dma_wait3A_558] : memref<16384x100x64xf32, #tpu.memory_space<hbm>> -> memref<2x100x64xf32, #tpu.memory_space<hbm>>
      tpu.wait_dma2 semaphore(%arg14 : memref<!tpu.dma_semaphore, #tpu.memory_space<semaphore_mem>>) src(%arg10 : memref<2x100x64xf32, #tpu.memory_space<vmem>>) dst(%dma_wait3A_559 : memref<2x100x64xf32, #tpu.memory_space<hbm>>)
      %scan3A_560 = arith.constant 0 : i32
      %scan3A_561 = arith.constant 0 : i32
      %scan3A_562 = arith.constant 25 : i32
      %scan3A_563 = arith.addi %scan3A_561, %scan3A_562 : i32
      %scan3A_564 = arith.constant 1 : i32
      scf.for %scan3A_596 = %scan3A_561 to %scan3A_563 step %scan3A_564  : i32 {
        %mul3A_597 = arith.constant 4 : i32
        %mul3A_598 = arith.muli %scan3A_596, %mul3A_597 : i32
        %add3A_599 = arith.constant 0 : i32
        %add3A_600 = arith.addi %mul3A_598, %add3A_599 : i32
        %add3A_601 = arith.constant 0 : i32
        %add3A_602 = arith.addi %add3A_601, %add3A_600 : i32
        %get3A = arith.index_cast %add3A_602 : i32 to index
        %get3A_603 = arith.constant 0 : index
        %get3A_604 = tpu.vector_load %arg8[%get3A, %get3A_603] {strides = array<i32>} : memref<208x128xf32, #tpu.memory_space<vmem>>, vector<1x16xf32>,
        %get3A_605 = vector.shape_cast %get3A_604 : vector<1x16xf32> to vector<16xf32>
        %swap3A = arith.constant 0 : i32
        %swap3A_606 = arith.index_cast %swap3A : i32 to index
        %swap3A_607 = arith.index_cast %add3A_600 : i32 to index
        %swap3A_608 = arith.constant 0 : index
        %swap3A_609 = tpu.vector_load %arg10[%swap3A_606, %swap3A_607, %swap3A_608] {strides = array<i32>} : memref<2x100x64xf32, #tpu.memory_space<vmem>>, vector<1x1x16xf32>,
        %swap3A_610 = vector.shape_cast %swap3A_609 : vector<1x1x16xf32> to vector<16xf32>
        %swap3A_611 = vector.shape_cast %get3A_605 : vector<16xf32> to vector<1x1x16xf32>
        tpu.vector_store %arg10[%swap3A_606, %swap3A_607, %swap3A_608], %swap3A_611 {strides = array<i32>} : memref<2x100x64xf32, #tpu.memory_space<vmem>>, vector<1x1x16xf32>,
        %add3A_612 = arith.constant 0 : i32
        %add3A_613 = arith.addi %add3A_612, %add3A_600 : i32
        %get3A_614 = arith.index_cast %add3A_613 : i32 to index
        %get3A_615 = arith.constant 16 : index
        %get3A_616 = tpu.vector_load %arg8[%get3A_614, %get3A_615] {strides = array<i32>} : memref<208x128xf32, #tpu.memory_space<vmem>>, vector<1x16xf32>,
        %get3A_617 = vector.shape_cast %get3A_616 : vector<1x16xf32> to vector<16xf32>
        %swap3A_618 = arith.constant 0 : i32
        %swap3A_619 = arith.index_cast %swap3A_618 : i32 to index
        %swap3A_620 = arith.index_cast %add3A_600 : i32 to index
        %swap3A_621 = arith.constant 16 : index
        %swap3A_622 = tpu.vector_load %arg10[%swap3A_619, %swap3A_620, %swap3A_621] {strides = array<i32>} : memref<2x100x64xf32, #tpu.memory_space<vmem>>, vector<1x1x16xf32>,
        %swap3A_623 = vector.shape_cast %swap3A_622 : vector<1x1x16xf32> to vector<16xf32>
        %swap3A_624 = vector.shape_cast %get3A_617 : vector<16xf32> to vector<1x1x16xf32>
        tpu.vector_store %arg10[%swap3A_619, %swap3A_620, %swap3A_621], %swap3A_624 {strides = array<i32>} : memref<2x100x64xf32, #tpu.memory_space<vmem>>, vector<1x1x16xf32>,
        %add3A_625 = arith.constant 0 : i32
        %add3A_626 = arith.addi %add3A_625, %add3A_600 : i32
        %get3A_627 = arith.index_cast %add3A_626 : i32 to index
        %get3A_628 = arith.constant 32 : index
        %get3A_629 = tpu.vector_load %arg8[%get3A_627, %get3A_628] {strides = array<i32>} : memref<208x128xf32, #tpu.memory_space<vmem>>, vector<1x16xf32>,
        %get3A_630 = vector.shape_cast %get3A_629 : vector<1x16xf32> to vector<16xf32>
        %swap3A_631 = arith.constant 0 : i32
        %swap3A_632 = arith.index_cast %swap3A_631 : i32 to index
        %swap3A_633 = arith.index_cast %add3A_600 : i32 to index
        %swap3A_634 = arith.constant 32 : index
        %swap3A_635 = tpu.vector_load %arg10[%swap3A_632, %swap3A_633, %swap3A_634] {strides = array<i32>} : memref<2x100x64xf32, #tpu.memory_space<vmem>>, vector<1x1x16xf32>,
        %swap3A_636 = vector.shape_cast %swap3A_635 : vector<1x1x16xf32> to vector<16xf32>
        %swap3A_637 = vector.shape_cast %get3A_630 : vector<16xf32> to vector<1x1x16xf32>
        tpu.vector_store %arg10[%swap3A_632, %swap3A_633, %swap3A_634], %swap3A_637 {strides = array<i32>} : memref<2x100x64xf32, #tpu.memory_space<vmem>>, vector<1x1x16xf32>,
        %add3A_638 = arith.constant 0 : i32
        %add3A_639 = arith.addi %add3A_638, %add3A_600 : i32
        %get3A_640 = arith.index_cast %add3A_639 : i32 to index
        %get3A_641 = arith.constant 48 : index
        %get3A_642 = tpu.vector_load %arg8[%get3A_640, %get3A_641] {strides = array<i32>} : memref<208x128xf32, #tpu.memory_space<vmem>>, vector<1x16xf32>,
        %get3A_643 = vector.shape_cast %get3A_642 : vector<1x16xf32> to vector<16xf32>
        %swap3A_644 = arith.constant 0 : i32
        %swap3A_645 = arith.index_cast %swap3A_644 : i32 to index
        %swap3A_646 = arith.index_cast %add3A_600 : i32 to index
        %swap3A_647 = arith.constant 48 : index
        %swap3A_648 = tpu.vector_load %arg10[%swap3A_645, %swap3A_646, %swap3A_647] {strides = array<i32>} : memref<2x100x64xf32, #tpu.memory_space<vmem>>, vector<1x1x16xf32>,
        %swap3A_649 = vector.shape_cast %swap3A_648 : vector<1x1x16xf32> to vector<16xf32>
        %swap3A_650 = vector.shape_cast %get3A_643 : vector<16xf32> to vector<1x1x16xf32>
        tpu.vector_store %arg10[%swap3A_645, %swap3A_646, %swap3A_647], %swap3A_650 {strides = array<i32>} : memref<2x100x64xf32, #tpu.memory_space<vmem>>, vector<1x1x16xf32>,
        %mul3A_651 = arith.constant 4 : i32
        %mul3A_652 = arith.muli %scan3A_596, %mul3A_651 : i32
        %add3A_653 = arith.constant 1 : i32
        %add3A_654 = arith.addi %mul3A_652, %add3A_653 : i32
        %add3A_655 = arith.constant 0 : i32
        %add3A_656 = arith.addi %add3A_655, %add3A_654 : i32
        %get3A_657 = arith.index_cast %add3A_656 : i32 to index
        %get3A_658 = arith.constant 0 : index
        %get3A_659 = tpu.vector_load %arg8[%get3A_657, %get3A_658] {strides = array<i32>} : memref<208x128xf32, #tpu.memory_space<vmem>>, vector<1x16xf32>,
        %get3A_660 = vector.shape_cast %get3A_659 : vector<1x16xf32> to vector<16xf32>
        %swap3A_661 = arith.constant 0 : i32
        %swap3A_662 = arith.index_cast %swap3A_661 : i32 to index
        %swap3A_663 = arith.index_cast %add3A_654 : i32 to index
        %swap3A_664 = arith.constant 0 : index
        %swap3A_665 = tpu.vector_load %arg10[%swap3A_662, %swap3A_663, %swap3A_664] {strides = array<i32>} : memref<2x100x64xf32, #tpu.memory_space<vmem>>, vector<1x1x16xf32>,
        %swap3A_666 = vector.shape_cast %swap3A_665 : vector<1x1x16xf32> to vector<16xf32>
        %swap3A_667 = vector.shape_cast %get3A_660 : vector<16xf32> to vector<1x1x16xf32>
        tpu.vector_store %arg10[%swap3A_662, %swap3A_663, %swap3A_664], %swap3A_667 {strides = array<i32>} : memref<2x100x64xf32, #tpu.memory_space<vmem>>, vector<1x1x16xf32>,
        %add3A_668 = arith.constant 0 : i32
        %add3A_669 = arith.addi %add3A_668, %add3A_654 : i32
        %get3A_670 = arith.index_cast %add3A_669 : i32 to index
        %get3A_671 = arith.constant 16 : index
        %get3A_672 = tpu.vector_load %arg8[%get3A_670, %get3A_671] {strides = array<i32>} : memref<208x128xf32, #tpu.memory_space<vmem>>, vector<1x16xf32>,
        %get3A_673 = vector.shape_cast %get3A_672 : vector<1x16xf32> to vector<16xf32>
        %swap3A_674 = arith.constant 0 : i32
        %swap3A_675 = arith.index_cast %swap3A_674 : i32 to index
        %swap3A_676 = arith.index_cast %add3A_654 : i32 to index
        %swap3A_677 = arith.constant 16 : index
        %swap3A_678 = tpu.vector_load %arg10[%swap3A_675, %swap3A_676, %swap3A_677] {strides = array<i32>} : memref<2x100x64xf32, #tpu.memory_space<vmem>>, vector<1x1x16xf32>,
        %swap3A_679 = vector.shape_cast %swap3A_678 : vector<1x1x16xf32> to vector<16xf32>
        %swap3A_680 = vector.shape_cast %get3A_673 : vector<16xf32> to vector<1x1x16xf32>
        tpu.vector_store %arg10[%swap3A_675, %swap3A_676, %swap3A_677], %swap3A_680 {strides = array<i32>} : memref<2x100x64xf32, #tpu.memory_space<vmem>>, vector<1x1x16xf32>,
        %add3A_681 = arith.constant 0 : i32
        %add3A_682 = arith.addi %add3A_681, %add3A_654 : i32
        %get3A_683 = arith.index_cast %add3A_682 : i32 to index
        %get3A_684 = arith.constant 32 : index
        %get3A_685 = tpu.vector_load %arg8[%get3A_683, %get3A_684] {strides = array<i32>} : memref<208x128xf32, #tpu.memory_space<vmem>>, vector<1x16xf32>,
        %get3A_686 = vector.shape_cast %get3A_685 : vector<1x16xf32> to vector<16xf32>
        %swap3A_687 = arith.constant 0 : i32
        %swap3A_688 = arith.index_cast %swap3A_687 : i32 to index
        %swap3A_689 = arith.index_cast %add3A_654 : i32 to index
        %swap3A_690 = arith.constant 32 : index
        %swap3A_691 = tpu.vector_load %arg10[%swap3A_688, %swap3A_689, %swap3A_690] {strides = array<i32>} : memref<2x100x64xf32, #tpu.memory_space<vmem>>, vector<1x1x16xf32>,
        %swap3A_692 = vector.shape_cast %swap3A_691 : vector<1x1x16xf32> to vector<16xf32>
        %swap3A_693 = vector.shape_cast %get3A_686 : vector<16xf32> to vector<1x1x16xf32>
        tpu.vector_store %arg10[%swap3A_688, %swap3A_689, %swap3A_690], %swap3A_693 {strides = array<i32>} : memref<2x100x64xf32, #tpu.memory_space<vmem>>, vector<1x1x16xf32>,
        %add3A_694 = arith.constant 0 : i32
        %add3A_695 = arith.addi %add3A_694, %add3A_654 : i32
        %get3A_696 = arith.index_cast %add3A_695 : i32 to index
        %get3A_697 = arith.constant 48 : index
        %get3A_698 = tpu.vector_load %arg8[%get3A_696, %get3A_697] {strides = array<i32>} : memref<208x128xf32, #tpu.memory_space<vmem>>, vector<1x16xf32>,
        %get3A_699 = vector.shape_cast %get3A_698 : vector<1x16xf32> to vector<16xf32>
        %swap3A_700 = arith.constant 0 : i32
        %swap3A_701 = arith.index_cast %swap3A_700 : i32 to index
        %swap3A_702 = arith.index_cast %add3A_654 : i32 to index
        %swap3A_703 = arith.constant 48 : index
        %swap3A_704 = tpu.vector_load %arg10[%swap3A_701, %swap3A_702, %swap3A_703] {strides = array<i32>} : memref<2x100x64xf32, #tpu.memory_space<vmem>>, vector<1x1x16xf32>,
        %swap3A_705 = vector.shape_cast %swap3A_704 : vector<1x1x16xf32> to vector<16xf32>
        %swap3A_706 = vector.shape_cast %get3A_699 : vector<16xf32> to vector<1x1x16xf32>
        tpu.vector_store %arg10[%swap3A_701, %swap3A_702, %swap3A_703], %swap3A_706 {strides = array<i32>} : memref<2x100x64xf32, #tpu.memory_space<vmem>>, vector<1x1x16xf32>,
        %mul3A_707 = arith.constant 4 : i32
        %mul3A_708 = arith.muli %scan3A_596, %mul3A_707 : i32
        %add3A_709 = arith.constant 2 : i32
        %add3A_710 = arith.addi %mul3A_708, %add3A_709 : i32
        %add3A_711 = arith.constant 0 : i32
        %add3A_712 = arith.addi %add3A_711, %add3A_710 : i32
        %get3A_713 = arith.index_cast %add3A_712 : i32 to index
        %get3A_714 = arith.constant 0 : index
        %get3A_715 = tpu.vector_load %arg8[%get3A_713, %get3A_714] {strides = array<i32>} : memref<208x128xf32, #tpu.memory_space<vmem>>, vector<1x16xf32>,
        %get3A_716 = vector.shape_cast %get3A_715 : vector<1x16xf32> to vector<16xf32>
        %swap3A_717 = arith.constant 0 : i32
        %swap3A_718 = arith.index_cast %swap3A_717 : i32 to index
        %swap3A_719 = arith.index_cast %add3A_710 : i32 to index
        %swap3A_720 = arith.constant 0 : index
        %swap3A_721 = tpu.vector_load %arg10[%swap3A_718, %swap3A_719, %swap3A_720] {strides = array<i32>} : memref<2x100x64xf32, #tpu.memory_space<vmem>>, vector<1x1x16xf32>,
        %swap3A_722 = vector.shape_cast %swap3A_721 : vector<1x1x16xf32> to vector<16xf32>
        %swap3A_723 = vector.shape_cast %get3A_716 : vector<16xf32> to vector<1x1x16xf32>
        tpu.vector_store %arg10[%swap3A_718, %swap3A_719, %swap3A_720], %swap3A_723 {strides = array<i32>} : memref<2x100x64xf32, #tpu.memory_space<vmem>>, vector<1x1x16xf32>,
        %add3A_724 = arith.constant 0 : i32
        %add3A_725 = arith.addi %add3A_724, %add3A_710 : i32
        %get3A_726 = arith.index_cast %add3A_725 : i32 to index
        %get3A_727 = arith.constant 16 : index
        %get3A_728 = tpu.vector_load %arg8[%get3A_726, %get3A_727] {strides = array<i32>} : memref<208x128xf32, #tpu.memory_space<vmem>>, vector<1x16xf32>,
        %get3A_729 = vector.shape_cast %get3A_728 : vector<1x16xf32> to vector<16xf32>
        %swap3A_730 = arith.constant 0 : i32
        %swap3A_731 = arith.index_cast %swap3A_730 : i32 to index
        %swap3A_732 = arith.index_cast %add3A_710 : i32 to index
        %swap3A_733 = arith.constant 16 : index
        %swap3A_734 = tpu.vector_load %arg10[%swap3A_731, %swap3A_732, %swap3A_733] {strides = array<i32>} : memref<2x100x64xf32, #tpu.memory_space<vmem>>, vector<1x1x16xf32>,
        %swap3A_735 = vector.shape_cast %swap3A_734 : vector<1x1x16xf32> to vector<16xf32>
        %swap3A_736 = vector.shape_cast %get3A_729 : vector<16xf32> to vector<1x1x16xf32>
        tpu.vector_store %arg10[%swap3A_731, %swap3A_732, %swap3A_733], %swap3A_736 {strides = array<i32>} : memref<2x100x64xf32, #tpu.memory_space<vmem>>, vector<1x1x16xf32>,
        %add3A_737 = arith.constant 0 : i32
        %add3A_738 = arith.addi %add3A_737, %add3A_710 : i32
        %get3A_739 = arith.index_cast %add3A_738 : i32 to index
        %get3A_740 = arith.constant 32 : index
        %get3A_741 = tpu.vector_load %arg8[%get3A_739, %get3A_740] {strides = array<i32>} : memref<208x128xf32, #tpu.memory_space<vmem>>, vector<1x16xf32>,
        %get3A_742 = vector.shape_cast %get3A_741 : vector<1x16xf32> to vector<16xf32>
        %swap3A_743 = arith.constant 0 : i32
        %swap3A_744 = arith.index_cast %swap3A_743 : i32 to index
        %swap3A_745 = arith.index_cast %add3A_710 : i32 to index
        %swap3A_746 = arith.constant 32 : index
        %swap3A_747 = tpu.vector_load %arg10[%swap3A_744, %swap3A_745, %swap3A_746] {strides = array<i32>} : memref<2x100x64xf32, #tpu.memory_space<vmem>>, vector<1x1x16xf32>,
        %swap3A_748 = vector.shape_cast %swap3A_747 : vector<1x1x16xf32> to vector<16xf32>
        %swap3A_749 = vector.shape_cast %get3A_742 : vector<16xf32> to vector<1x1x16xf32>
        tpu.vector_store %arg10[%swap3A_744, %swap3A_745, %swap3A_746], %swap3A_749 {strides = array<i32>} : memref<2x100x64xf32, #tpu.memory_space<vmem>>, vector<1x1x16xf32>,
        %add3A_750 = arith.constant 0 : i32
        %add3A_751 = arith.addi %add3A_750, %add3A_710 : i32
        %get3A_752 = arith.index_cast %add3A_751 : i32 to index
        %get3A_753 = arith.constant 48 : index
        %get3A_754 = tpu.vector_load %arg8[%get3A_752, %get3A_753] {strides = array<i32>} : memref<208x128xf32, #tpu.memory_space<vmem>>, vector<1x16xf32>,
        %get3A_755 = vector.shape_cast %get3A_754 : vector<1x16xf32> to vector<16xf32>
        %swap3A_756 = arith.constant 0 : i32
        %swap3A_757 = arith.index_cast %swap3A_756 : i32 to index
        %swap3A_758 = arith.index_cast %add3A_710 : i32 to index
        %swap3A_759 = arith.constant 48 : index
        %swap3A_760 = tpu.vector_load %arg10[%swap3A_757, %swap3A_758, %swap3A_759] {strides = array<i32>} : memref<2x100x64xf32, #tpu.memory_space<vmem>>, vector<1x1x16xf32>,
        %swap3A_761 = vector.shape_cast %swap3A_760 : vector<1x1x16xf32> to vector<16xf32>
        %swap3A_762 = vector.shape_cast %get3A_755 : vector<16xf32> to vector<1x1x16xf32>
        tpu.vector_store %arg10[%swap3A_757, %swap3A_758, %swap3A_759], %swap3A_762 {strides = array<i32>} : memref<2x100x64xf32, #tpu.memory_space<vmem>>, vector<1x1x16xf32>,
        %mul3A_763 = arith.constant 4 : i32
        %mul3A_764 = arith.muli %scan3A_596, %mul3A_763 : i32
        %add3A_765 = arith.constant 3 : i32
        %add3A_766 = arith.addi %mul3A_764, %add3A_765 : i32
        %add3A_767 = arith.constant 0 : i32
        %add3A_768 = arith.addi %add3A_767, %add3A_766 : i32
        %get3A_769 = arith.index_cast %add3A_768 : i32 to index
        %get3A_770 = arith.constant 0 : index
        %get3A_771 = tpu.vector_load %arg8[%get3A_769, %get3A_770] {strides = array<i32>} : memref<208x128xf32, #tpu.memory_space<vmem>>, vector<1x16xf32>,
        %get3A_772 = vector.shape_cast %get3A_771 : vector<1x16xf32> to vector<16xf32>
        %swap3A_773 = arith.constant 0 : i32
        %swap3A_774 = arith.index_cast %swap3A_773 : i32 to index
        %swap3A_775 = arith.index_cast %add3A_766 : i32 to index
        %swap3A_776 = arith.constant 0 : index
        %swap3A_777 = tpu.vector_load %arg10[%swap3A_774, %swap3A_775, %swap3A_776] {strides = array<i32>} : memref<2x100x64xf32, #tpu.memory_space<vmem>>, vector<1x1x16xf32>,
        %swap3A_778 = vector.shape_cast %swap3A_777 : vector<1x1x16xf32> to vector<16xf32>
        %swap3A_779 = vector.shape_cast %get3A_772 : vector<16xf32> to vector<1x1x16xf32>
        tpu.vector_store %arg10[%swap3A_774, %swap3A_775, %swap3A_776], %swap3A_779 {strides = array<i32>} : memref<2x100x64xf32, #tpu.memory_space<vmem>>, vector<1x1x16xf32>,
        %add3A_780 = arith.constant 0 : i32
        %add3A_781 = arith.addi %add3A_780, %add3A_766 : i32
        %get3A_782 = arith.index_cast %add3A_781 : i32 to index
        %get3A_783 = arith.constant 16 : index
        %get3A_784 = tpu.vector_load %arg8[%get3A_782, %get3A_783] {strides = array<i32>} : memref<208x128xf32, #tpu.memory_space<vmem>>, vector<1x16xf32>,
        %get3A_785 = vector.shape_cast %get3A_784 : vector<1x16xf32> to vector<16xf32>
        %swap3A_786 = arith.constant 0 : i32
        %swap3A_787 = arith.index_cast %swap3A_786 : i32 to index
        %swap3A_788 = arith.index_cast %add3A_766 : i32 to index
        %swap3A_789 = arith.constant 16 : index
        %swap3A_790 = tpu.vector_load %arg10[%swap3A_787, %swap3A_788, %swap3A_789] {strides = array<i32>} : memref<2x100x64xf32, #tpu.memory_space<vmem>>, vector<1x1x16xf32>,
        %swap3A_791 = vector.shape_cast %swap3A_790 : vector<1x1x16xf32> to vector<16xf32>
        %swap3A_792 = vector.shape_cast %get3A_785 : vector<16xf32> to vector<1x1x16xf32>
        tpu.vector_store %arg10[%swap3A_787, %swap3A_788, %swap3A_789], %swap3A_792 {strides = array<i32>} : memref<2x100x64xf32, #tpu.memory_space<vmem>>, vector<1x1x16xf32>,
        %add3A_793 = arith.constant 0 : i32
        %add3A_794 = arith.addi %add3A_793, %add3A_766 : i32
        %get3A_795 = arith.index_cast %add3A_794 : i32 to index
        %get3A_796 = arith.constant 32 : index
        %get3A_797 = tpu.vector_load %arg8[%get3A_795, %get3A_796] {strides = array<i32>} : memref<208x128xf32, #tpu.memory_space<vmem>>, vector<1x16xf32>,
        %get3A_798 = vector.shape_cast %get3A_797 : vector<1x16xf32> to vector<16xf32>
        %swap3A_799 = arith.constant 0 : i32
        %swap3A_800 = arith.index_cast %swap3A_799 : i32 to index
        %swap3A_801 = arith.index_cast %add3A_766 : i32 to index
        %swap3A_802 = arith.constant 32 : index
        %swap3A_803 = tpu.vector_load %arg10[%swap3A_800, %swap3A_801, %swap3A_802] {strides = array<i32>} : memref<2x100x64xf32, #tpu.memory_space<vmem>>, vector<1x1x16xf32>,
        %swap3A_804 = vector.shape_cast %swap3A_803 : vector<1x1x16xf32> to vector<16xf32>
        %swap3A_805 = vector.shape_cast %get3A_798 : vector<16xf32> to vector<1x1x16xf32>
        tpu.vector_store %arg10[%swap3A_800, %swap3A_801, %swap3A_802], %swap3A_805 {strides = array<i32>} : memref<2x100x64xf32, #tpu.memory_space<vmem>>, vector<1x1x16xf32>,
        %add3A_806 = arith.constant 0 : i32
        %add3A_807 = arith.addi %add3A_806, %add3A_766 : i32
        %get3A_808 = arith.index_cast %add3A_807 : i32 to index
        %get3A_809 = arith.constant 48 : index
        %get3A_810 = tpu.vector_load %arg8[%get3A_808, %get3A_809] {strides = array<i32>} : memref<208x128xf32, #tpu.memory_space<vmem>>, vector<1x16xf32>,
        %get3A_811 = vector.shape_cast %get3A_810 : vector<1x16xf32> to vector<16xf32>
        %swap3A_812 = arith.constant 0 : i32
        %swap3A_813 = arith.index_cast %swap3A_812 : i32 to index
        %swap3A_814 = arith.index_cast %add3A_766 : i32 to index
        %swap3A_815 = arith.constant 48 : index
        %swap3A_816 = tpu.vector_load %arg10[%swap3A_813, %swap3A_814, %swap3A_815] {strides = array<i32>} : memref<2x100x64xf32, #tpu.memory_space<vmem>>, vector<1x1x16xf32>,
        %swap3A_817 = vector.shape_cast %swap3A_816 : vector<1x1x16xf32> to vector<16xf32>
        %swap3A_818 = vector.shape_cast %get3A_811 : vector<16xf32> to vector<1x1x16xf32>
        tpu.vector_store %arg10[%swap3A_813, %swap3A_814, %swap3A_815], %swap3A_818 {strides = array<i32>} : memref<2x100x64xf32, #tpu.memory_space<vmem>>, vector<1x1x16xf32>,
      }
      %scan3A_565 = arith.constant 25 : i32
      %scan3A_566 = arith.constant 0 : i32
      %scan3A_567 = arith.constant 0 : i32
      %scan3A_568 = arith.constant 25 : i32
      %scan3A_569 = arith.addi %scan3A_567, %scan3A_568 : i32
      %scan3A_570 = arith.constant 1 : i32
      scf.for %scan3A_596 = %scan3A_567 to %scan3A_569 step %scan3A_570  : i32 {
        %mul3A_597 = arith.constant 4 : i32
        %mul3A_598 = arith.muli %scan3A_596, %mul3A_597 : i32
        %add3A_599 = arith.constant 0 : i32
        %add3A_600 = arith.addi %mul3A_598, %add3A_599 : i32
        %add3A_601 = arith.constant 104 : i32
        %add3A_602 = arith.addi %add3A_601, %add3A_600 : i32
        %get3A = arith.index_cast %add3A_602 : i32 to index
        %get3A_603 = arith.constant 0 : index
        %get3A_604 = tpu.vector_load %arg8[%get3A, %get3A_603] {strides = array<i32>} : memref<208x128xf32, #tpu.memory_space<vmem>>, vector<1x16xf32>,
        %get3A_605 = vector.shape_cast %get3A_604 : vector<1x16xf32> to vector<16xf32>
        %swap3A = arith.constant 1 : i32
        %swap3A_606 = arith.index_cast %swap3A : i32 to index
        %swap3A_607 = arith.index_cast %add3A_600 : i32 to index
        %swap3A_608 = arith.constant 0 : index
        %swap3A_609 = tpu.vector_load %arg10[%swap3A_606, %swap3A_607, %swap3A_608] {strides = array<i32>} : memref<2x100x64xf32, #tpu.memory_space<vmem>>, vector<1x1x16xf32>,
        %swap3A_610 = vector.shape_cast %swap3A_609 : vector<1x1x16xf32> to vector<16xf32>
        %swap3A_611 = vector.shape_cast %get3A_605 : vector<16xf32> to vector<1x1x16xf32>
        tpu.vector_store %arg10[%swap3A_606, %swap3A_607, %swap3A_608], %swap3A_611 {strides = array<i32>} : memref<2x100x64xf32, #tpu.memory_space<vmem>>, vector<1x1x16xf32>,
        %add3A_612 = arith.constant 104 : i32
        %add3A_613 = arith.addi %add3A_612, %add3A_600 : i32
        %get3A_614 = arith.index_cast %add3A_613 : i32 to index
        %get3A_615 = arith.constant 16 : index
        %get3A_616 = tpu.vector_load %arg8[%get3A_614, %get3A_615] {strides = array<i32>} : memref<208x128xf32, #tpu.memory_space<vmem>>, vector<1x16xf32>,
        %get3A_617 = vector.shape_cast %get3A_616 : vector<1x16xf32> to vector<16xf32>
        %swap3A_618 = arith.constant 1 : i32
        %swap3A_619 = arith.index_cast %swap3A_618 : i32 to index
        %swap3A_620 = arith.index_cast %add3A_600 : i32 to index
        %swap3A_621 = arith.constant 16 : index
        %swap3A_622 = tpu.vector_load %arg10[%swap3A_619, %swap3A_620, %swap3A_621] {strides = array<i32>} : memref<2x100x64xf32, #tpu.memory_space<vmem>>, vector<1x1x16xf32>,
        %swap3A_623 = vector.shape_cast %swap3A_622 : vector<1x1x16xf32> to vector<16xf32>
        %swap3A_624 = vector.shape_cast %get3A_617 : vector<16xf32> to vector<1x1x16xf32>
        tpu.vector_store %arg10[%swap3A_619, %swap3A_620, %swap3A_621], %swap3A_624 {strides = array<i32>} : memref<2x100x64xf32, #tpu.memory_space<vmem>>, vector<1x1x16xf32>,
        %add3A_625 = arith.constant 104 : i32
        %add3A_626 = arith.addi %add3A_625, %add3A_600 : i32
        %get3A_627 = arith.index_cast %add3A_626 : i32 to index
        %get3A_628 = arith.constant 32 : index
        %get3A_629 = tpu.vector_load %arg8[%get3A_627, %get3A_628] {strides = array<i32>} : memref<208x128xf32, #tpu.memory_space<vmem>>, vector<1x16xf32>,
        %get3A_630 = vector.shape_cast %get3A_629 : vector<1x16xf32> to vector<16xf32>
        %swap3A_631 = arith.constant 1 : i32
        %swap3A_632 = arith.index_cast %swap3A_631 : i32 to index
        %swap3A_633 = arith.index_cast %add3A_600 : i32 to index
        %swap3A_634 = arith.constant 32 : index
        %swap3A_635 = tpu.vector_load %arg10[%swap3A_632, %swap3A_633, %swap3A_634] {strides = array<i32>} : memref<2x100x64xf32, #tpu.memory_space<vmem>>, vector<1x1x16xf32>,
        %swap3A_636 = vector.shape_cast %swap3A_635 : vector<1x1x16xf32> to vector<16xf32>
        %swap3A_637 = vector.shape_cast %get3A_630 : vector<16xf32> to vector<1x1x16xf32>
        tpu.vector_store %arg10[%swap3A_632, %swap3A_633, %swap3A_634], %swap3A_637 {strides = array<i32>} : memref<2x100x64xf32, #tpu.memory_space<vmem>>, vector<1x1x16xf32>,
        %add3A_638 = arith.constant 104 : i32
        %add3A_639 = arith.addi %add3A_638, %add3A_600 : i32
        %get3A_640 = arith.index_cast %add3A_639 : i32 to index
        %get3A_641 = arith.constant 48 : index
        %get3A_642 = tpu.vector_load %arg8[%get3A_640, %get3A_641] {strides = array<i32>} : memref<208x128xf32, #tpu.memory_space<vmem>>, vector<1x16xf32>,
        %get3A_643 = vector.shape_cast %get3A_642 : vector<1x16xf32> to vector<16xf32>
        %swap3A_644 = arith.constant 1 : i32
        %swap3A_645 = arith.index_cast %swap3A_644 : i32 to index
        %swap3A_646 = arith.index_cast %add3A_600 : i32 to index
        %swap3A_647 = arith.constant 48 : index
        %swap3A_648 = tpu.vector_load %arg10[%swap3A_645, %swap3A_646, %swap3A_647] {strides = array<i32>} : memref<2x100x64xf32, #tpu.memory_space<vmem>>, vector<1x1x16xf32>,
        %swap3A_649 = vector.shape_cast %swap3A_648 : vector<1x1x16xf32> to vector<16xf32>
        %swap3A_650 = vector.shape_cast %get3A_643 : vector<16xf32> to vector<1x1x16xf32>
        tpu.vector_store %arg10[%swap3A_645, %swap3A_646, %swap3A_647], %swap3A_650 {strides = array<i32>} : memref<2x100x64xf32, #tpu.memory_space<vmem>>, vector<1x1x16xf32>,
        %mul3A_651 = arith.constant 4 : i32
        %mul3A_652 = arith.muli %scan3A_596, %mul3A_651 : i32
        %add3A_653 = arith.constant 1 : i32
        %add3A_654 = arith.addi %mul3A_652, %add3A_653 : i32
        %add3A_655 = arith.constant 104 : i32
        %add3A_656 = arith.addi %add3A_655, %add3A_654 : i32
        %get3A_657 = arith.index_cast %add3A_656 : i32 to index
        %get3A_658 = arith.constant 0 : index
        %get3A_659 = tpu.vector_load %arg8[%get3A_657, %get3A_658] {strides = array<i32>} : memref<208x128xf32, #tpu.memory_space<vmem>>, vector<1x16xf32>,
        %get3A_660 = vector.shape_cast %get3A_659 : vector<1x16xf32> to vector<16xf32>
        %swap3A_661 = arith.constant 1 : i32
        %swap3A_662 = arith.index_cast %swap3A_661 : i32 to index
        %swap3A_663 = arith.index_cast %add3A_654 : i32 to index
        %swap3A_664 = arith.constant 0 : index
        %swap3A_665 = tpu.vector_load %arg10[%swap3A_662, %swap3A_663, %swap3A_664] {strides = array<i32>} : memref<2x100x64xf32, #tpu.memory_space<vmem>>, vector<1x1x16xf32>,
        %swap3A_666 = vector.shape_cast %swap3A_665 : vector<1x1x16xf32> to vector<16xf32>
        %swap3A_667 = vector.shape_cast %get3A_660 : vector<16xf32> to vector<1x1x16xf32>
        tpu.vector_store %arg10[%swap3A_662, %swap3A_663, %swap3A_664], %swap3A_667 {strides = array<i32>} : memref<2x100x64xf32, #tpu.memory_space<vmem>>, vector<1x1x16xf32>,
        %add3A_668 = arith.constant 104 : i32
        %add3A_669 = arith.addi %add3A_668, %add3A_654 : i32
        %get3A_670 = arith.index_cast %add3A_669 : i32 to index
        %get3A_671 = arith.constant 16 : index
        %get3A_672 = tpu.vector_load %arg8[%get3A_670, %get3A_671] {strides = array<i32>} : memref<208x128xf32, #tpu.memory_space<vmem>>, vector<1x16xf32>,
        %get3A_673 = vector.shape_cast %get3A_672 : vector<1x16xf32> to vector<16xf32>
        %swap3A_674 = arith.constant 1 : i32
        %swap3A_675 = arith.index_cast %swap3A_674 : i32 to index
        %swap3A_676 = arith.index_cast %add3A_654 : i32 to index
        %swap3A_677 = arith.constant 16 : index
        %swap3A_678 = tpu.vector_load %arg10[%swap3A_675, %swap3A_676, %swap3A_677] {strides = array<i32>} : memref<2x100x64xf32, #tpu.memory_space<vmem>>, vector<1x1x16xf32>,
        %swap3A_679 = vector.shape_cast %swap3A_678 : vector<1x1x16xf32> to vector<16xf32>
        %swap3A_680 = vector.shape_cast %get3A_673 : vector<16xf32> to vector<1x1x16xf32>
        tpu.vector_store %arg10[%swap3A_675, %swap3A_676, %swap3A_677], %swap3A_680 {strides = array<i32>} : memref<2x100x64xf32, #tpu.memory_space<vmem>>, vector<1x1x16xf32>,
        %add3A_681 = arith.constant 104 : i32
        %add3A_682 = arith.addi %add3A_681, %add3A_654 : i32
        %get3A_683 = arith.index_cast %add3A_682 : i32 to index
        %get3A_684 = arith.constant 32 : index
        %get3A_685 = tpu.vector_load %arg8[%get3A_683, %get3A_684] {strides = array<i32>} : memref<208x128xf32, #tpu.memory_space<vmem>>, vector<1x16xf32>,
        %get3A_686 = vector.shape_cast %get3A_685 : vector<1x16xf32> to vector<16xf32>
        %swap3A_687 = arith.constant 1 : i32
        %swap3A_688 = arith.index_cast %swap3A_687 : i32 to index
        %swap3A_689 = arith.index_cast %add3A_654 : i32 to index
        %swap3A_690 = arith.constant 32 : index
        %swap3A_691 = tpu.vector_load %arg10[%swap3A_688, %swap3A_689, %swap3A_690] {strides = array<i32>} : memref<2x100x64xf32, #tpu.memory_space<vmem>>, vector<1x1x16xf32>,
        %swap3A_692 = vector.shape_cast %swap3A_691 : vector<1x1x16xf32> to vector<16xf32>
        %swap3A_693 = vector.shape_cast %get3A_686 : vector<16xf32> to vector<1x1x16xf32>
        tpu.vector_store %arg10[%swap3A_688, %swap3A_689, %swap3A_690], %swap3A_693 {strides = array<i32>} : memref<2x100x64xf32, #tpu.memory_space<vmem>>, vector<1x1x16xf32>,
        %add3A_694 = arith.constant 104 : i32
        %add3A_695 = arith.addi %add3A_694, %add3A_654 : i32
        %get3A_696 = arith.index_cast %add3A_695 : i32 to index
        %get3A_697 = arith.constant 48 : index
        %get3A_698 = tpu.vector_load %arg8[%get3A_696, %get3A_697] {strides = array<i32>} : memref<208x128xf32, #tpu.memory_space<vmem>>, vector<1x16xf32>,
        %get3A_699 = vector.shape_cast %get3A_698 : vector<1x16xf32> to vector<16xf32>
        %swap3A_700 = arith.constant 1 : i32
        %swap3A_701 = arith.index_cast %swap3A_700 : i32 to index
        %swap3A_702 = arith.index_cast %add3A_654 : i32 to index
        %swap3A_703 = arith.constant 48 : index
        %swap3A_704 = tpu.vector_load %arg10[%swap3A_701, %swap3A_702, %swap3A_703] {strides = array<i32>} : memref<2x100x64xf32, #tpu.memory_space<vmem>>, vector<1x1x16xf32>,
        %swap3A_705 = vector.shape_cast %swap3A_704 : vector<1x1x16xf32> to vector<16xf32>
        %swap3A_706 = vector.shape_cast %get3A_699 : vector<16xf32> to vector<1x1x16xf32>
        tpu.vector_store %arg10[%swap3A_701, %swap3A_702, %swap3A_703], %swap3A_706 {strides = array<i32>} : memref<2x100x64xf32, #tpu.memory_space<vmem>>, vector<1x1x16xf32>,
        %mul3A_707 = arith.constant 4 : i32
        %mul3A_708 = arith.muli %scan3A_596, %mul3A_707 : i32
        %add3A_709 = arith.constant 2 : i32
        %add3A_710 = arith.addi %mul3A_708, %add3A_709 : i32
        %add3A_711 = arith.constant 104 : i32
        %add3A_712 = arith.addi %add3A_711, %add3A_710 : i32
        %get3A_713 = arith.index_cast %add3A_712 : i32 to index
        %get3A_714 = arith.constant 0 : index
        %get3A_715 = tpu.vector_load %arg8[%get3A_713, %get3A_714] {strides = array<i32>} : memref<208x128xf32, #tpu.memory_space<vmem>>, vector<1x16xf32>,
        %get3A_716 = vector.shape_cast %get3A_715 : vector<1x16xf32> to vector<16xf32>
        %swap3A_717 = arith.constant 1 : i32
        %swap3A_718 = arith.index_cast %swap3A_717 : i32 to index
        %swap3A_719 = arith.index_cast %add3A_710 : i32 to index
        %swap3A_720 = arith.constant 0 : index
        %swap3A_721 = tpu.vector_load %arg10[%swap3A_718, %swap3A_719, %swap3A_720] {strides = array<i32>} : memref<2x100x64xf32, #tpu.memory_space<vmem>>, vector<1x1x16xf32>,
        %swap3A_722 = vector.shape_cast %swap3A_721 : vector<1x1x16xf32> to vector<16xf32>
        %swap3A_723 = vector.shape_cast %get3A_716 : vector<16xf32> to vector<1x1x16xf32>
        tpu.vector_store %arg10[%swap3A_718, %swap3A_719, %swap3A_720], %swap3A_723 {strides = array<i32>} : memref<2x100x64xf32, #tpu.memory_space<vmem>>, vector<1x1x16xf32>,
        %add3A_724 = arith.constant 104 : i32
        %add3A_725 = arith.addi %add3A_724, %add3A_710 : i32
        %get3A_726 = arith.index_cast %add3A_725 : i32 to index
        %get3A_727 = arith.constant 16 : index
        %get3A_728 = tpu.vector_load %arg8[%get3A_726, %get3A_727] {strides = array<i32>} : memref<208x128xf32, #tpu.memory_space<vmem>>, vector<1x16xf32>,
        %get3A_729 = vector.shape_cast %get3A_728 : vector<1x16xf32> to vector<16xf32>
        %swap3A_730 = arith.constant 1 : i32
        %swap3A_731 = arith.index_cast %swap3A_730 : i32 to index
        %swap3A_732 = arith.index_cast %add3A_710 : i32 to index
        %swap3A_733 = arith.constant 16 : index
        %swap3A_734 = tpu.vector_load %arg10[%swap3A_731, %swap3A_732, %swap3A_733] {strides = array<i32>} : memref<2x100x64xf32, #tpu.memory_space<vmem>>, vector<1x1x16xf32>,
        %swap3A_735 = vector.shape_cast %swap3A_734 : vector<1x1x16xf32> to vector<16xf32>
        %swap3A_736 = vector.shape_cast %get3A_729 : vector<16xf32> to vector<1x1x16xf32>
        tpu.vector_store %arg10[%swap3A_731, %swap3A_732, %swap3A_733], %swap3A_736 {strides = array<i32>} : memref<2x100x64xf32, #tpu.memory_space<vmem>>, vector<1x1x16xf32>,
        %add3A_737 = arith.constant 104 : i32
        %add3A_738 = arith.addi %add3A_737, %add3A_710 : i32
        %get3A_739 = arith.index_cast %add3A_738 : i32 to index
        %get3A_740 = arith.constant 32 : index
        %get3A_741 = tpu.vector_load %arg8[%get3A_739, %get3A_740] {strides = array<i32>} : memref<208x128xf32, #tpu.memory_space<vmem>>, vector<1x16xf32>,
        %get3A_742 = vector.shape_cast %get3A_741 : vector<1x16xf32> to vector<16xf32>
        %swap3A_743 = arith.constant 1 : i32
        %swap3A_744 = arith.index_cast %swap3A_743 : i32 to index
        %swap3A_745 = arith.index_cast %add3A_710 : i32 to index
        %swap3A_746 = arith.constant 32 : index
        %swap3A_747 = tpu.vector_load %arg10[%swap3A_744, %swap3A_745, %swap3A_746] {strides = array<i32>} : memref<2x100x64xf32, #tpu.memory_space<vmem>>, vector<1x1x16xf32>,
        %swap3A_748 = vector.shape_cast %swap3A_747 : vector<1x1x16xf32> to vector<16xf32>
        %swap3A_749 = vector.shape_cast %get3A_742 : vector<16xf32> to vector<1x1x16xf32>
        tpu.vector_store %arg10[%swap3A_744, %swap3A_745, %swap3A_746], %swap3A_749 {strides = array<i32>} : memref<2x100x64xf32, #tpu.memory_space<vmem>>, vector<1x1x16xf32>,
        %add3A_750 = arith.constant 104 : i32
        %add3A_751 = arith.addi %add3A_750, %add3A_710 : i32
        %get3A_752 = arith.index_cast %add3A_751 : i32 to index
        %get3A_753 = arith.constant 48 : index
        %get3A_754 = tpu.vector_load %arg8[%get3A_752, %get3A_753] {strides = array<i32>} : memref<208x128xf32, #tpu.memory_space<vmem>>, vector<1x16xf32>,
        %get3A_755 = vector.shape_cast %get3A_754 : vector<1x16xf32> to vector<16xf32>
        %swap3A_756 = arith.constant 1 : i32
        %swap3A_757 = arith.index_cast %swap3A_756 : i32 to index
        %swap3A_758 = arith.index_cast %add3A_710 : i32 to index
        %swap3A_759 = arith.constant 48 : index
        %swap3A_760 = tpu.vector_load %arg10[%swap3A_757, %swap3A_758, %swap3A_759] {strides = array<i32>} : memref<2x100x64xf32, #tpu.memory_space<vmem>>, vector<1x1x16xf32>,
        %swap3A_761 = vector.shape_cast %swap3A_760 : vector<1x1x16xf32> to vector<16xf32>
        %swap3A_762 = vector.shape_cast %get3A_755 : vector<16xf32> to vector<1x1x16xf32>
        tpu.vector_store %arg10[%swap3A_757, %swap3A_758, %swap3A_759], %swap3A_762 {strides = array<i32>} : memref<2x100x64xf32, #tpu.memory_space<vmem>>, vector<1x1x16xf32>,
        %mul3A_763 = arith.constant 4 : i32
        %mul3A_764 = arith.muli %scan3A_596, %mul3A_763 : i32
        %add3A_765 = arith.constant 3 : i32
        %add3A_766 = arith.addi %mul3A_764, %add3A_765 : i32
        %add3A_767 = arith.constant 104 : i32
        %add3A_768 = arith.addi %add3A_767, %add3A_766 : i32
        %get3A_769 = arith.index_cast %add3A_768 : i32 to index
        %get3A_770 = arith.constant 0 : index
        %get3A_771 = tpu.vector_load %arg8[%get3A_769, %get3A_770] {strides = array<i32>} : memref<208x128xf32, #tpu.memory_space<vmem>>, vector<1x16xf32>,
        %get3A_772 = vector.shape_cast %get3A_771 : vector<1x16xf32> to vector<16xf32>
        %swap3A_773 = arith.constant 1 : i32
        %swap3A_774 = arith.index_cast %swap3A_773 : i32 to index
        %swap3A_775 = arith.index_cast %add3A_766 : i32 to index
        %swap3A_776 = arith.constant 0 : index
        %swap3A_777 = tpu.vector_load %arg10[%swap3A_774, %swap3A_775, %swap3A_776] {strides = array<i32>} : memref<2x100x64xf32, #tpu.memory_space<vmem>>, vector<1x1x16xf32>,
        %swap3A_778 = vector.shape_cast %swap3A_777 : vector<1x1x16xf32> to vector<16xf32>
        %swap3A_779 = vector.shape_cast %get3A_772 : vector<16xf32> to vector<1x1x16xf32>
        tpu.vector_store %arg10[%swap3A_774, %swap3A_775, %swap3A_776], %swap3A_779 {strides = array<i32>} : memref<2x100x64xf32, #tpu.memory_space<vmem>>, vector<1x1x16xf32>,
        %add3A_780 = arith.constant 104 : i32
        %add3A_781 = arith.addi %add3A_780, %add3A_766 : i32
        %get3A_782 = arith.index_cast %add3A_781 : i32 to index
        %get3A_783 = arith.constant 16 : index
        %get3A_784 = tpu.vector_load %arg8[%get3A_782, %get3A_783] {strides = array<i32>} : memref<208x128xf32, #tpu.memory_space<vmem>>, vector<1x16xf32>,
        %get3A_785 = vector.shape_cast %get3A_784 : vector<1x16xf32> to vector<16xf32>
        %swap3A_786 = arith.constant 1 : i32
        %swap3A_787 = arith.index_cast %swap3A_786 : i32 to index
        %swap3A_788 = arith.index_cast %add3A_766 : i32 to index
        %swap3A_789 = arith.constant 16 : index
        %swap3A_790 = tpu.vector_load %arg10[%swap3A_787, %swap3A_788, %swap3A_789] {strides = array<i32>} : memref<2x100x64xf32, #tpu.memory_space<vmem>>, vector<1x1x16xf32>,
        %swap3A_791 = vector.shape_cast %swap3A_790 : vector<1x1x16xf32> to vector<16xf32>
        %swap3A_792 = vector.shape_cast %get3A_785 : vector<16xf32> to vector<1x1x16xf32>
        tpu.vector_store %arg10[%swap3A_787, %swap3A_788, %swap3A_789], %swap3A_792 {strides = array<i32>} : memref<2x100x64xf32, #tpu.memory_space<vmem>>, vector<1x1x16xf32>,
        %add3A_793 = arith.constant 104 : i32
        %add3A_794 = arith.addi %add3A_793, %add3A_766 : i32
        %get3A_795 = arith.index_cast %add3A_794 : i32 to index
        %get3A_796 = arith.constant 32 : index
        %get3A_797 = tpu.vector_load %arg8[%get3A_795, %get3A_796] {strides = array<i32>} : memref<208x128xf32, #tpu.memory_space<vmem>>, vector<1x16xf32>,
        %get3A_798 = vector.shape_cast %get3A_797 : vector<1x16xf32> to vector<16xf32>
        %swap3A_799 = arith.constant 1 : i32
        %swap3A_800 = arith.index_cast %swap3A_799 : i32 to index
        %swap3A_801 = arith.index_cast %add3A_766 : i32 to index
        %swap3A_802 = arith.constant 32 : index
        %swap3A_803 = tpu.vector_load %arg10[%swap3A_800, %swap3A_801, %swap3A_802] {strides = array<i32>} : memref<2x100x64xf32, #tpu.memory_space<vmem>>, vector<1x1x16xf32>,
        %swap3A_804 = vector.shape_cast %swap3A_803 : vector<1x1x16xf32> to vector<16xf32>
        %swap3A_805 = vector.shape_cast %get3A_798 : vector<16xf32> to vector<1x1x16xf32>
        tpu.vector_store %arg10[%swap3A_800, %swap3A_801, %swap3A_802], %swap3A_805 {strides = array<i32>} : memref<2x100x64xf32, #tpu.memory_space<vmem>>, vector<1x1x16xf32>,
        %add3A_806 = arith.constant 104 : i32
        %add3A_807 = arith.addi %add3A_806, %add3A_766 : i32
        %get3A_808 = arith.index_cast %add3A_807 : i32 to index
        %get3A_809 = arith.constant 48 : index
        %get3A_810 = tpu.vector_load %arg8[%get3A_808, %get3A_809] {strides = array<i32>} : memref<208x128xf32, #tpu.memory_space<vmem>>, vector<1x16xf32>,
        %get3A_811 = vector.shape_cast %get3A_810 : vector<1x16xf32> to vector<16xf32>
        %swap3A_812 = arith.constant 1 : i32
        %swap3A_813 = arith.index_cast %swap3A_812 : i32 to index
        %swap3A_814 = arith.index_cast %add3A_766 : i32 to index
        %swap3A_815 = arith.constant 48 : index
        %swap3A_816 = tpu.vector_load %arg10[%swap3A_813, %swap3A_814, %swap3A_815] {strides = array<i32>} : memref<2x100x64xf32, #tpu.memory_space<vmem>>, vector<1x1x16xf32>,
        %swap3A_817 = vector.shape_cast %swap3A_816 : vector<1x1x16xf32> to vector<16xf32>
        %swap3A_818 = vector.shape_cast %get3A_811 : vector<16xf32> to vector<1x1x16xf32>
        tpu.vector_store %arg10[%swap3A_813, %swap3A_814, %swap3A_815], %swap3A_818 {strides = array<i32>} : memref<2x100x64xf32, #tpu.memory_space<vmem>>, vector<1x1x16xf32>,
      }
      %scan3A_571 = arith.constant 25 : i32
      %add3A_572 = arith.constant 6 : i32
      %add3A_573 = arith.addi %multiple_of3A_308, %add3A_572 : i32
      %dma_start3A_574 = arith.constant 0 : i32
      %dma_start3A_575 = arith.constant 0 : i32
      %dma_start3A_576 = tpu.memref_slice %arg4[%add3A_573, %dma_start3A_574, %dma_start3A_575] : memref<16384x100x64xf32, #tpu.memory_space<hbm>> -> memref<2x100x64xf32, #tpu.memory_space<hbm>>
      %dma_start3A_577 = arith.constant 0 : i32
      %dma_start3A_578 = arith.constant 0 : i32
      %dma_start3A_579 = tpu.memref_slice %arg4[%add3A_573, %dma_start3A_577, %dma_start3A_578] : memref<16384x100x64xf32, #tpu.memory_space<hbm>> -> memref<2x100x64xf32, #tpu.memory_space<hbm>>
      tpu.enqueue_dma source(%arg10 : memref<2x100x64xf32, #tpu.memory_space<vmem>>) target(%dma_start3A_579 : memref<2x100x64xf32, #tpu.memory_space<hbm>>) target_semaphore(%arg14 : memref<!tpu.dma_semaphore, #tpu.memory_space<semaphore_mem>>)
      %add3A_580 = arith.constant 4 : i32
      %add3A_581 = arith.addi %multiple_of3A_308, %add3A_580 : i32
      %dma_wait3A_582 = arith.constant 0 : i32
      %dma_wait3A_583 = arith.constant 0 : i32
      %dma_wait3A_584 = tpu.memref_slice %arg4[%add3A_581, %dma_wait3A_582, %dma_wait3A_583] : memref<16384x100x64xf32, #tpu.memory_space<hbm>> -> memref<2x100x64xf32, #tpu.memory_space<hbm>>
      %dma_wait3A_585 = arith.constant 0 : i32
      %dma_wait3A_586 = arith.constant 0 : i32
      %dma_wait3A_587 = tpu.memref_slice %arg4[%add3A_581, %dma_wait3A_585, %dma_wait3A_586] : memref<16384x100x64xf32, #tpu.memory_space<hbm>> -> memref<2x100x64xf32, #tpu.memory_space<hbm>>
      tpu.wait_dma2 semaphore(%arg13 : memref<!tpu.dma_semaphore, #tpu.memory_space<semaphore_mem>>) src(%arg9 : memref<2x100x64xf32, #tpu.memory_space<vmem>>) dst(%dma_wait3A_587 : memref<2x100x64xf32, #tpu.memory_space<hbm>>)
      %add3A_588 = arith.constant 6 : i32
      %add3A_589 = arith.addi %multiple_of3A_308, %add3A_588 : i32
      %dma_wait3A_590 = arith.constant 0 : i32
      %dma_wait3A_591 = arith.constant 0 : i32
      %dma_wait3A_592 = tpu.memref_slice %arg4[%add3A_589, %dma_wait3A_590, %dma_wait3A_591] : memref<16384x100x64xf32, #tpu.memory_space<hbm>> -> memref<2x100x64xf32, #tpu.memory_space<hbm>>
      %dma_wait3A_593 = arith.constant 0 : i32
      %dma_wait3A_594 = arith.constant 0 : i32
      %dma_wait3A_595 = tpu.memref_slice %arg4[%add3A_589, %dma_wait3A_593, %dma_wait3A_594] : memref<16384x100x64xf32, #tpu.memory_space<hbm>> -> memref<2x100x64xf32, #tpu.memory_space<hbm>>
      tpu.wait_dma2 semaphore(%arg14 : memref<!tpu.dma_semaphore, #tpu.memory_space<semaphore_mem>>) src(%arg10 : memref<2x100x64xf32, #tpu.memory_space<vmem>>) dst(%dma_wait3A_595 : memref<2x100x64xf32, #tpu.memory_space<hbm>>)
    }
    %scan3A_12 = arith.constant 32 : i32
    return
  }
}

</mosaic_0001>

<sc_bundles>
// kernel: kernel.3.cloned.1.call-start
scs
__scs_entry_jumppad:
0x0: {  	(pc) =	sbr.rel $0x88, $3  }
0x1: {  	(tag) =	ssettag $0x0;
	lr =	simm.s32 $0x1  }
0x2: {  	[smem:$0x3F9F] =	sst lr;
	_ =	strace $0xD0000000  }
0x3: {  	_ = 	snop  }
0x4: {  	_ = 	snop  }
0x5: {  	_ = 	snop  }
0x6: {  	_ = 	snop  }
0x7: {  	_ = 	snop  }
__scs_overlays_trampoline_lowered:
0x8: {  	[smem:$0x3FAE] =	sst s0  }
0x9: {  	[smem:$0x3FAF] =	sst s1  }
0xa: {  	[smem:$0x3FB0] =	sst s2  }
0xb: {  	[smem:$0x3FB1] =	sst s3  }
0xc: {  	[smem:$0x3FB2] =	sst s4  }
0xd: {  	[smem:$0x3FB3] =	sst s5  }
0xe: {  	[smem:$0x3FB4] =	sst s6  }
0xf: {  	[smem:$0x3FB5] =	sst s7  }
0x10: {  	[smem:$0x3FB6] =	sst s8  }
0x11: {  	[smem:$0x3FB7] =	sst s9;
	s0 =	simm.s32 @!p0 $0x0  }
0x12: {  	s1 =	sld [smem:$0x3F9D];
	s0 =	simm.s32 @p0 $0x1  }
0x13: {  	[smem:$0x3FB8] =	sst s0;
	s0 =	simm.s32 @!p1 $0x0  }
0x14: {  	s2 =	sld [smem:$0x3F9C];
	s0 =	simm.s32 @p1 $0x1  }
0x15: {  	[smem:$0x3FB9] =	sst s0;
	s0 =	simm.s32 @!p2 $0x0  }
0x16: {  	s3 =	sld [smem:$0x3FDB];
	s0 =	simm.s32 @p2 $0x1  }
0x17: {  	s4 =	simm.s32 $0x1BF5;
	[smem:$0x3FBB] =	sst s0  }
0x18: {  	s0 =	sld [smem:$0x3F9E];
	_ =	swait.ge [sflag:s4], $0x0  }
0x19: {  	s7 =	sld [smem:$0x3F9F]  }
0x1a: {  	s8 =	sadd.s32 $0xFFFFE003, lr  }
0x1b: {  	s9 =	sadd.s32 $0xFFFFFEF7, lr;
	s5 =	simm.s32 $0xFFFFFFFF;
	p2 =	slt.u32 s8, $0xFFFFF086  }
0x1c: {  	p1 =	slt.u32 s9, $0xF7A;
	s5 =	simm.s32 @!p2 $0x0  }
0x1d: {  	s5 =	simm.s32 @p1 $0x1;
	p0 =	seq.s32 s7, s2  }
0x1e: {  	s7 =	smul.u32 @!p0 $0xF7A, s2;
	p2 =	seq.s32 @!p0 s5, $0x0  }
0x1f: {  	s9 =	smul.u32 $0xF7A, s1;
	s8 =	simm.s32 @!p0 $0x1BF5;
	p2 =	por !p2, p0  }
0x20: {  	[sflag:s8] =	ssyncset.s32 @!p0 $0xFFFFF086;
	s6 =	sadd.s32 @!p0 s3, s7;
	s7 =	simm.s32 @!p0 $0x108  }
0x21: {  	s3 =	sadd.s32 s3, s9;
	s6 =	sadd.s32 @!p0 $0x88, s6;
	s7 =	simm.s32 @p2 $0x1082  }
0x22: {  	[simem:s7], [sflag:s8] =	dma.local @!p0 [hbm:s6], $0xF7A  }
0x23: {  	s9 =	sor.u32 $0xD0000000, s2;
	s6 =	simm.s32 $0x108;
	_ =	swait.ge @!p0 [sflag:s8], $0x0  }
0x24: {  	s3 =	sadd.s32 $0x88, s3;
	s6 =	simm.s32 @!p1 $0x1082;
	[sflag:s4] =	ssyncset.s32 $0xFFFFF086  }
0x25: {  	[simem:s6], [sflag:s4] =	dma.local [hbm:s3], $0xF7A  }
0x26: {  	[smem:$0x3F9F] =	sst s1;
	(tag) =	ssettag s2;
	_ =	strace s9  }
0x27: {  	s1 =	sld [smem:$0x3FAF]  }
0x28: {  	s2 =	sld [smem:$0x3FB0]  }
0x29: {  	s4 =	sld [smem:$0x3FB2]  }
0x2a: {  	p0 =	seq.s32 s5, $0x0;
	s5 =	sld [smem:$0x3FB3]  }
0x2b: {  	s6 =	sld [smem:$0x3FB4]  }
0x2c: {  	s7 =	sld [smem:$0x3FB5]  }
0x2d: {  	s3 =	simm.s32 $0x108;
	s8 =	sld [smem:$0x3FB6]  }
0x2e: {  	s3 =	simm.s32 @!p0 $0x1082;
	s9 =	sld [smem:$0x3FB7]  }
0x2f: {  	lr =	sadd.s32 s0, s3;
	s0 =	sld [smem:$0x3FAE]  }
0x30: {  	s3 =	sld [smem:$0x3FB1]  }
0x31: {  	[smem:$0x3FBA] =	sst s10  }
0x32: {  	s10 =	sld [smem:$0x3FB8];
	_ =	sdelay $0x3  }
0x33: {  	p0 =	seq.s32 s10, $0x1;
	s10 =	sld [smem:$0x3FBA];
	_ =	sdelay $0x3  }
0x34: {  	[smem:$0x3FBA] =	sst s10  }
0x35: {  	s10 =	sld [smem:$0x3FB9];
	_ =	sdelay $0x3  }
0x36: {  	p1 =	seq.s32 s10, $0x1;
	s10 =	sld [smem:$0x3FBA];
	_ =	sdelay $0x3  }
0x37: {  	[smem:$0x3FBA] =	sst s10  }
0x38: {  	s10 =	sld [smem:$0x3FBB]  }
0x39: {  	_ = 	snop;
	(pc) =	sbr.ind lr, $3  }
0x3a: {  	_ = 	snop  }
0x3b: {  	_ = 	snop  }
0x3c: {  	p2 =	seq.s32 s10, $0x1;
	s10 =	sld [smem:$0x3FBA]  }
0x3d: {  	_ =	shalt  }
0x3e: {  	_ =	shalt  }
0x3f: {  	_ =	shalt  }
0x40: {  	_ =	shalt  }
0x41: {  	_ =	shalt  }
0x42: {  	_ =	shalt  }
0x43: {  	_ =	shalt  }
0x44: {  	_ =	shalt  }
0x45: {  	_ =	shalt  }
0x46: {  	_ =	shalt  }
0x47: {  	_ =	shalt  }
0x48: {  	_ =	shalt  }
0x49: {  	_ =	shalt  }
0x4a: {  	_ =	shalt  }
0x4b: {  	_ =	shalt  }
0x4c: {  	_ =	shalt  }
0x4d: {  	_ =	shalt  }
0x4e: {  	_ =	shalt  }
0x4f: {  	_ =	shalt  }
0x50: {  	_ =	shalt  }
0x51: {  	_ =	shalt  }
0x52: {  	_ =	shalt  }
0x53: {  	_ =	shalt  }
0x54: {  	_ =	shalt  }
0x55: {  	_ =	shalt  }
0x56: {  	_ =	shalt  }
0x57: {  	_ =	shalt  }
0x58: {  	_ =	shalt  }
0x59: {  	_ =	shalt  }
0x5a: {  	_ =	shalt  }
0x5b: {  	_ =	shalt  }
0x5c: {  	_ =	shalt  }
0x5d: {  	_ =	shalt  }
0x5e: {  	_ =	shalt  }
0x5f: {  	_ =	shalt  }
0x60: {  	_ =	shalt  }
0x61: {  	_ =	shalt  }
0x62: {  	_ =	shalt  }
0x63: {  	_ =	shalt  }
0x64: {  	_ =	shalt  }
0x65: {  	_ =	shalt  }
0x66: {  	_ =	shalt  }
0x67: {  	_ =	shalt  }
0x68: {  	_ =	shalt  }
0x69: {  	_ =	shalt  }
0x6a: {  	_ =	shalt  }
0x6b: {  	_ =	shalt  }
0x6c: {  	_ =	shalt  }
0x6d: {  	_ =	shalt  }
0x6e: {  	_ =	shalt  }
0x6f: {  	_ =	shalt  }
0x70: {  	_ =	shalt  }
0x71: {  	_ =	shalt  }
0x72: {  	_ =	shalt  }
0x73: {  	_ =	shalt  }
0x74: {  	_ =	shalt  }
0x75: {  	_ =	shalt  }
0x76: {  	_ =	shalt  }
0x77: {  	_ =	shalt  }
0x78: {  	_ =	shalt  }
0x79: {  	_ =	shalt  }
0x7a: {  	_ =	shalt  }
0x7b: {  	_ =	shalt  }
0x7c: {  	_ =	shalt  }
0x7d: {  	_ =	shalt  }
0x7e: {  	_ =	shalt  }
0x7f: {  	_ =	shalt  }
0x80: {  	_ =	shalt  }
0x81: {  	_ =	shalt  }
0x82: {  	_ =	shalt  }
0x83: {  	_ =	shalt  }
0x84: {  	_ =	shalt  }
0x85: {  	_ =	shalt  }
0x86: {  	_ =	shalt  }
0x87: {  	_ =	shalt  }
.Lfunc_end0:
.L_simem_size_0:
called_computation_lowered:
.L_overlay_start_0:
0x88: {  	s2 =	sld [smem:$0x3FD9]  }
0x89: {  	s3 =	sld [smem:$0x3FFE];
	_ =	sdelay $0x1  }
0x8a: {  	s1 =	srdreg.scid  }
0x8b: {  	s0 =	sand.u32 $0x1, s1  }
0x8c: {  	s17 =	sshll.u32 s0, $0xA;
	s2 =	sadd.s32 s3, s2  }
0x8d: {  	s2 =	sadd.s32 s2, s17  }
0x8e: {  	[smem:$0x3FC6] =	sst s2  }
0x8f: {  	_ = 	snop  }
0x90: {  	s2 =	sld [smem:$0x3FD0];
	(tm) =	ssettm $0x1  }
0x91: {  	s18 =	sld [smem:$0x3FFB];
	_ =	sdelay $0x3  }
0x92: {  	_ =	strace s18  }
0x93: {  	s3 =	sld [smem:$0x3FFC];
	_ =	sdelay $0x3  }
0x94: {  	_ =	strace s3  }
0x95: {  	s3 =	sld [smem:$0x3FFD];
	_ =	sdelay $0x3  }
0x96: {  	_ =	strace s3  }
0x97: {  	_ =	strace $0x8FFFFFFF  }
0x98: {  	s19 =	sld [smem:$0x3FDB];
	_ =	sdelay $0x1  }
0x99: {  	s4 =	simm.s32 $_scs_section_size  }
0x9a: {  	s5 =	simm.s32 $_size__tile_overlayer_lowered;
	s6 =	simm.s32 $_tile_overlayer_lowered  }
0x9b: {  	s22 =	simm.s32 $0x1BFF;
	s21 =	sshll.u32 s6, $0x1;
	s3 =	sadd.s32 s4, s19  }
0x9c: {  	s7 =	simm.s32 $0x0;
	s20 =	sshll.u32 s5, $0x1;
	s5 =	sadd.s32 s21, s3  }
0x9d: {  	[timem:s7], [sflag:s22] =	dma.local [hbm:s5], s20  }
0x9e: {  	_ =	swait.ge [sflag:s22], s20  }
0x9f: {  	s4 =	ssub.s32 $0x0, s20;
	[sflag:s22] =	ssyncset.done $0x0  }
0xa0: {  	[sflag:s22] =	ssyncadd.s32 s4;
	_ =	sdelay $0x1  }
0xa1: {  	s23 =	simm.s32 $0x1B8B  }
0xa2: {  	_ =	swait.ge [sflag:s23], $0x1  }
0xa3: {  	[sflag:s23] =	ssyncset.done $0x0  }
0xa4: {  	s25 =	simm.s32 $0x1B8E;
	s24 =	sld [smem:$0x3FFE];
	[sflag:s23] =	ssyncadd.s32 $0xFFFFFFFF  }
0xa5: {  	s26 =	simm.s32 $execute0_lowered;
	[smem:$0x3FD2] =	sst s25  }
0xa6: {  	s5 =	sshll.u32 s26, $0x1;
	_ =	strace $0x80000046;
	[dreg:$0x1] =	wrdreg $0xFFFFFFFF  }
0xa7: {  	s28 =	simm.s32 $_size_execute0_lowered;
	s3 =	sadd.s32 s3, s5;
	[dreg:$0x0] =	wrdreg $0x0  }
0xa8: {  	s5 =	sshll.u32 s28, $0x1;
	[dreg:$0x2] =	wrdreg s3  }
0xa9: {  	[dreg:$0x3] =	wrdreg s5  }
0xaa: {  	[dreg:$0x4] =	wrdreg $0xC0  }
0xab: {  	_ =	task [dreg:s7], $0x5FFFF  }
0xac: {  	[dreg:$0x1] =	wrdreg $0xFFFFFFFF  }
0xad: {  	[dreg:$0x0] =	wrdreg $0x60  }
0xae: {  	[dreg:$0x2] =	wrdreg s2  }
0xaf: {  	[dreg:$0x3] =	wrdreg s24  }
0xb0: {  	[dreg:$0x4] =	wrdreg $0x9  }
0xb1: {  	_ =	task.clear_ibuf [dreg:s7], $0x5FFFF;
	_ =	strace $0x90000046  }
0xb2: {  	s29 =	simm.s32 $0x9;
	_ =	strace $0x80000048  }
0xb3: {  	_ =	swait.ge [sflag:s29], $0x1  }
0xb4: {  	[sflag:s29] =	ssyncadd.s32 $0xFFFFFFFF  }
0xb5: {  	_ =	strace $0x90000048  }
0xb6: {  	_ =	sfence  }
0xb7: {  	s30 =	sld [smem:$0x0];
	_ =	sdelay $0x2  }
0xb8: {  	s31 =	sshll.u32 s1, $0xD;
	s1 =	sshrl.u32 s1, $0x2  }
0xb9: {  	s3 =	sand.u32 $0x4000, s31;
	s1 =	sadd.s32 s1, s30  }
0xba: {  	s0 =	sor.u32 s3, s0;
	s1 =	sshll.u32 s1, $0x11  }
0xbb: {  	s0 =	sor.u32 s1, s0  }
0xbc: {  	s0 =	sadd.s32 $0x8F2B, s0  }
0xbd: {  	[sflag:s0] =	ssyncadd.remote.s32 $0x1  }
0xbe: {  	_ =	sfence.sel $0xFFFF  }
0xbf: {  	[dreg:$0x0] =	wrdreg $0xFFFFFFFF;
	(pc) =	sbr.abs _section_cstart, $3  }
0xc0: {  	[dreg:$0x1] =	wrdreg $0xFFFFFFFF  }
0xc1: {  	_ =	task.clear_ibuf [dreg:s7], $0x2FFFF;
	_ =	strace $0x9FFFFFFF  }
0xc2: {  	(tm) =	ssettm $0x7FFFFFFF  }
0xc3: {  	_ =	shalt  }
tec
execute0_lowered:
.L_overlay_start_1:
0x0: {  	(tag) =	ssettag $0x1  }
0x1: {  	s1 =	rddreg [dreg:$0x0]  }
0x2: {  	s0 =	rddreg [dreg:$0x1];
	s2 =	simm.s32 $0x0;
	s3 =	srdreg.scid  }
0x3: {  	s5 =	stileid.u32;
	s11 =	simm.s32 $0x5;
	s12 =	simm.s32 $0x64  }
0x4: {  	s13 =	simm.s32 $0x800;
	s15 =	simm.s32 $0x3C00;
	s16 =	simm.s32 $0x400  }
0x5: {  	s18 =	simm.s32 $0x7000;
	s20 =	simm.s32 $0xA400;
	s21 =	simm.s32 $0x1  }
0x6: {  	s22 =	simm.s32 $0xD800;
	s23 =	simm.s32 $0x10C00;
	s26 =	simm.s32 $0x2  }
0x7: {  	s28 =	simm.s32 $0x14000;
	s29 =	simm.s32 $0x17400;
	s25 =	simm.s32 $0x780  }
0x8: {  	s10 =	simm.s32 $0x0;
	[smem:$0x7FF] =	sst s2;
	s3 =	sand.u32 $0x1, s3  }
0x9: {  	s6 =	sshll.u32 s5, $0xA;
	s7 =	ssub.s32 $0x2, s3;
	s3 =	sshll.u32 s3, $0x9  }
0xa: {  	s4 =	sadd.s32 $0xF42800, s0;
	s5 =	sadd.s32 $0x1E84C00, s0;
	s6 =	sor.u32 s3, s6  }
0xb: {  	_ =	strace $0x80000047;
	s31 =	sshrl.u32 s7, $0x1;
	s3 =	sshll.u32 s6, $0x4  }
0xc: {  	s0 =	ssub.s32 s7, s31;
	s7 =	sshrl.u32 s6, $0x3;
	s3 =	sadd.s32 s1, s3  }
0xd: {  	s9 =	sor.u32 $0x2, s7;
	s0 =	smax.u32 s0, $0x1;
	[dreg:$0x3] =	wrdreg s3  }
0xe: {  	[dreg:$0x4] =	wrdreg s0;
	s0 =	simm.s32 $0x3;
	s3 =	simm.s32 $0x4  }
.LBB2_1:
0xf: {  	[dreg:$0x5] =	wrdreg s10  }
0x10: {  	s8 =	rddreg [dreg:$0x3];
	s30 =	simm.s32 $0x0  }
0x11: {  	[tilespmem:s2], [sflag:$0x5] =	stream.linear.gather [hbm4b:s8+s2], $0x400, $0x38;
	[tilespmem:$0x1A800] =	vst v63  }
.LBB2_2:
0x12: {  	_ =	swait.ge [sflag:s11], $0x400  }
0x13: {  	[sflag:s11] =	ssyncset.done $0x0  }
0x14: {  	s8 =	simm.s32 $0x0;
	s31 =	sshllo.u32 s30, $0x1;
	[sflag:s11] =	ssyncadd.s32 $0xFFFFFC00  }
0x15: {  	[tilespmem:s13], [sflag:$0x1] =	stream.indirect.gather [hbm4b:s4+s12], $0x80, s8, s12, $0xb8;
	[tilespmem:$0x1A800] =	vst v63  }
0x16: {  	s10 =	simm.s32 $0x80;
	s17 =	sadd.s32 s7, s31  }
0x17: {  	[tilespmem:s15], [sflag:$0x1] =	stream.indirect.gather [hbm4b:s4+s12], $0x80, s10, s12, $0xb8;
	[tilespmem:$0x1A800] =	vst v63  }
0x18: {  	s10 =	sshll.u32 s17, $0x7  }
0x19: {  	s10 =	sadd.s32 s1, s10  }
0x1a: {  	[tilespmem:s16], [sflag:$0x5] =	stream.linear.gather [hbm4b:s10+s8], $0x400, $0x38;
	[tilespmem:$0x1A800] =	vst v63  }
0x1b: {  	s19 =	simm.s32 $0x100  }
0x1c: {  	[tilespmem:s18], [sflag:$0x2] =	stream.indirect.gather [hbm4b:s4+s12], $0x80, s19, s12, $0xb8;
	[tilespmem:$0x1A800] =	vst v63  }
0x1d: {  	s24 =	simm.s32 $0x180  }
0x1e: {  	[tilespmem:s20], [sflag:$0x2] =	stream.indirect.gather [hbm4b:s4+s12], $0x80, s24, s12, $0xb8;
	[tilespmem:$0x1A800] =	vst v63  }
0x1f: {  	_ =	swait.ge [sflag:s21], $0x3200  }
0x20: {  	[sflag:s21] =	ssyncset.done $0x0  }
0x21: {  	[sflag:s21] =	ssyncadd.s32 $0xFFFFCE00  }
0x22: {  	_ =	swait.ge [sflag:s21], $0x3200  }
0x23: {  	[sflag:s21] =	ssyncset.done $0x0  }
0x24: {  	s10 =	simm.s32 $0x0;
	[sflag:s21] =	ssyncadd.s32 $0xFFFFCE00  }
0x25: {  	v0 =	vld [tilespmem:s10+$0x9B0]  }
0x26: {  	v1 =	vld [tilespmem:s10+$0x800]  }
0x27: {  	v2 =	vld [tilespmem:s10+$0x810]  }
0x28: {  	v3 =	vld [tilespmem:s10+$0x820]  }
0x29: {  	v4 =	vld [tilespmem:s10+$0x830]  }
0x2a: {  	v5 =	vld [tilespmem:s10+$0x880];
	[tilespmem:s10+$0xD9B0] =	vst v0  }
0x2b: {  	[tilespmem:s10+$0xD800] =	vst v1;
	v0 =	vld [tilespmem:s10+$0x890]  }
0x2c: {  	[tilespmem:s10+$0xD810] =	vst v2;
	v1 =	vld [tilespmem:s10+$0x8A0]  }
0x2d: {  	[tilespmem:s10+$0xD820] =	vst v3;
	v2 =	vld [tilespmem:s10+$0x8B0]  }
0x2e: {  	[tilespmem:s10+$0xD830] =	vst v4;
	v3 =	vld [tilespmem:s10+$0x900]  }
0x2f: {  	[tilespmem:s10+$0xD880] =	vst v5;
	v4 =	vld [tilespmem:s10+$0x910]  }
0x30: {  	[tilespmem:s10+$0xD890] =	vst v0;
	v0 =	vld [tilespmem:s10+$0x920]  }
0x31: {  	[tilespmem:s10+$0xD8A0] =	vst v1;
	v1 =	vld [tilespmem:s10+$0x930]  }
0x32: {  	[tilespmem:s10+$0xD8B0] =	vst v2;
	v2 =	vld [tilespmem:s10+$0x980]  }
0x33: {  	s14 =	simm.s32 $0x0;
	[tilespmem:s10+$0xD900] =	vst v3;
	v3 =	vld [tilespmem:s10+$0x990]  }
0x34: {  	s17 =	simm.s32 $0x200;
	s8 =	sshll.u32 s30, $0x1;
	s19 =	simm.s32 $0x1000;
	[tilespmem:s10+$0xD910] =	vst v4;
	v4 =	vld [tilespmem:s10+$0x9A0]  }
.LBB2_3:
0x35: {  	p0 =	sne.s32 s19, $0xC000;
	v5 =	vld [tilespmem:s17+$0x9B0];
	[tilespmem:s14+$0xD920] =	vst v0  }
0x36: {  	v0 =	vld [tilespmem:s17+$0x800];
	[tilespmem:s14+$0xD930] =	vst v1  }
0x37: {  	v1 =	vld [tilespmem:s17+$0x810];
	[tilespmem:s14+$0xD980] =	vst v2  }
0x38: {  	v2 =	vld [tilespmem:s17+$0x820];
	[tilespmem:s14+$0xD990] =	vst v3  }
0x39: {  	v3 =	vld [tilespmem:s17+$0x830];
	[tilespmem:s14+$0xD9A0] =	vst v4;
	s14 =	smov.u32 s17  }
0x3a: {  	v4 =	vld [tilespmem:s14+$0x880];
	[tilespmem:s14+$0xD9B0] =	vst v5  }
0x3b: {  	[tilespmem:s14+$0xD800] =	vst v0;
	v0 =	vld [tilespmem:s14+$0x890]  }
0x3c: {  	[tilespmem:s14+$0xD810] =	vst v1;
	v1 =	vld [tilespmem:s14+$0x8A0]  }
0x3d: {  	[tilespmem:s14+$0xD820] =	vst v2;
	v2 =	vld [tilespmem:s14+$0x8B0]  }
0x3e: {  	[tilespmem:s14+$0xD830] =	vst v3;
	v3 =	vld [tilespmem:s14+$0x900]  }
0x3f: {  	[tilespmem:s14+$0xD880] =	vst v4;
	v4 =	vld [tilespmem:s14+$0x910]  }
.Ltmp0:
0x40: {  	[tilespmem:s14+$0xD890] =	vst v0;
	v0 =	vld [tilespmem:s14+$0x920];
	(pc) =	sbr.rel @p0 .LBB2_3-.Ltmp0, $4  }
0x41: {  	[tilespmem:s14+$0xD8A0] =	vst v1;
	v1 =	vld [tilespmem:s14+$0x930]  }
0x42: {  	[tilespmem:s14+$0xD8B0] =	vst v2;
	v2 =	vld [tilespmem:s14+$0x980]  }
0x43: {  	[tilespmem:s14+$0xD900] =	vst v3;
	v3 =	vld [tilespmem:s14+$0x990]  }
0x44: {  	s17 =	sshra.s32 s19, $0x2;
	s19 =	sadd.s32 $0x800, s19;
	[tilespmem:s14+$0xD910] =	vst v4;
	v4 =	vld [tilespmem:s14+$0x9A0]  }
0x45: {  	v5 =	vld [tilespmem:s17+$0x9B0];
	[tilespmem:s14+$0xD920] =	vst v0  }
0x46: {  	v0 =	vld [tilespmem:s17+$0x800];
	[tilespmem:s14+$0xD930] =	vst v1  }
0x47: {  	v1 =	vld [tilespmem:s17+$0x810];
	[tilespmem:s14+$0xD980] =	vst v2  }
0x48: {  	v2 =	vld [tilespmem:s17+$0x820];
	[tilespmem:s14+$0xD990] =	vst v3  }
0x49: {  	v3 =	vld [tilespmem:s17+$0x830];
	[tilespmem:s14+$0xD9A0] =	vst v4  }
0x4a: {  	v4 =	vld [tilespmem:s17+$0x880];
	[tilespmem:s17+$0xD9B0] =	vst v5  }
0x4b: {  	[tilespmem:s17+$0xD800] =	vst v0;
	v0 =	vld [tilespmem:s17+$0x890]  }
0x4c: {  	[tilespmem:s17+$0xD810] =	vst v1;
	v1 =	vld [tilespmem:s17+$0x8A0]  }
0x4d: {  	[tilespmem:s17+$0xD820] =	vst v2;
	v2 =	vld [tilespmem:s17+$0x8B0]  }
0x4e: {  	[tilespmem:s17+$0xD830] =	vst v3;
	v3 =	vld [tilespmem:s17+$0x900]  }
0x4f: {  	[tilespmem:s17+$0xD880] =	vst v4;
	v4 =	vld [tilespmem:s17+$0x910]  }
0x50: {  	[tilespmem:s17+$0xD890] =	vst v0;
	v0 =	vld [tilespmem:s17+$0x920]  }
0x51: {  	[tilespmem:s17+$0xD8A0] =	vst v1;
	v1 =	vld [tilespmem:s17+$0x930]  }
0x52: {  	[tilespmem:s17+$0xD8B0] =	vst v2;
	v2 =	vld [tilespmem:s17+$0x980]  }
0x53: {  	[tilespmem:s17+$0xD900] =	vst v3;
	v3 =	vld [tilespmem:s17+$0x990]  }
0x54: {  	[tilespmem:s17+$0xD910] =	vst v4;
	v4 =	vld [tilespmem:s17+$0x9A0]  }
0x55: {  	[tilespmem:s17+$0xD920] =	vst v0  }
0x56: {  	[tilespmem:s17+$0xD930] =	vst v1  }
0x57: {  	[tilespmem:s17+$0xD980] =	vst v2  }
0x58: {  	[tilespmem:s17+$0xD990] =	vst v3  }
0x59: {  	[tilespmem:s17+$0xD9A0] =	vst v4  }
0x5a: {  	v0 =	vld [tilespmem:s10+$0x3DB0]  }
0x5b: {  	v1 =	vld [tilespmem:s10+$0x3C00]  }
0x5c: {  	v2 =	vld [tilespmem:s10+$0x3C10]  }
0x5d: {  	v3 =	vld [tilespmem:s10+$0x3C20]  }
0x5e: {  	v4 =	vld [tilespmem:s10+$0x3C30]  }
0x5f: {  	v5 =	vld [tilespmem:s10+$0x3C80];
	[tilespmem:s10+$0x10DB0] =	vst v0  }
0x60: {  	[tilespmem:s10+$0x10C00] =	vst v1;
	v0 =	vld [tilespmem:s10+$0x3C90]  }
0x61: {  	[tilespmem:s10+$0x10C10] =	vst v2;
	v1 =	vld [tilespmem:s10+$0x3CA0]  }
0x62: {  	[tilespmem:s10+$0x10C20] =	vst v3;
	v2 =	vld [tilespmem:s10+$0x3CB0]  }
0x63: {  	[tilespmem:s10+$0x10C30] =	vst v4;
	v3 =	vld [tilespmem:s10+$0x3D00]  }
0x64: {  	[tilespmem:s10+$0x10C80] =	vst v5;
	v4 =	vld [tilespmem:s10+$0x3D10]  }
0x65: {  	[tilespmem:s10+$0x10C90] =	vst v0;
	v0 =	vld [tilespmem:s10+$0x3D20]  }
0x66: {  	[tilespmem:s10+$0x10CA0] =	vst v1;
	v1 =	vld [tilespmem:s10+$0x3D30]  }
0x67: {  	[tilespmem:s10+$0x10CB0] =	vst v2;
	v2 =	vld [tilespmem:s10+$0x3D80]  }
0x68: {  	[tilespmem:s10+$0x10D00] =	vst v3;
	v3 =	vld [tilespmem:s10+$0x3D90]  }
0x69: {  	s14 =	simm.s32 $0x200;
	s17 =	simm.s32 $0x1000;
	[tilespmem:s10+$0x10D10] =	vst v4;
	v4 =	vld [tilespmem:s10+$0x3DA0]  }
.LBB2_5:
0x6a: {  	p0 =	sne.s32 s17, $0xC000;
	v5 =	vld [tilespmem:s14+$0x3DB0];
	[tilespmem:s10+$0x10D20] =	vst v0  }
0x6b: {  	v0 =	vld [tilespmem:s14+$0x3C00];
	[tilespmem:s10+$0x10D30] =	vst v1  }
0x6c: {  	v1 =	vld [tilespmem:s14+$0x3C10];
	[tilespmem:s10+$0x10D80] =	vst v2  }
0x6d: {  	v2 =	vld [tilespmem:s14+$0x3C20];
	[tilespmem:s10+$0x10D90] =	vst v3  }
0x6e: {  	v3 =	vld [tilespmem:s14+$0x3C30];
	[tilespmem:s10+$0x10DA0] =	vst v4;
	s10 =	smov.u32 s14  }
0x6f: {  	v4 =	vld [tilespmem:s10+$0x3C80];
	[tilespmem:s10+$0x10DB0] =	vst v5  }
0x70: {  	[tilespmem:s10+$0x10C00] =	vst v0;
	v0 =	vld [tilespmem:s10+$0x3C90]  }
0x71: {  	[tilespmem:s10+$0x10C10] =	vst v1;
	v1 =	vld [tilespmem:s10+$0x3CA0]  }
0x72: {  	[tilespmem:s10+$0x10C20] =	vst v2;
	v2 =	vld [tilespmem:s10+$0x3CB0]  }
0x73: {  	[tilespmem:s10+$0x10C30] =	vst v3;
	v3 =	vld [tilespmem:s10+$0x3D00]  }
0x74: {  	[tilespmem:s10+$0x10C80] =	vst v4;
	v4 =	vld [tilespmem:s10+$0x3D10]  }
.Ltmp1:
0x75: {  	[tilespmem:s10+$0x10C90] =	vst v0;
	v0 =	vld [tilespmem:s10+$0x3D20];
	(pc) =	sbr.rel @p0 .LBB2_5-.Ltmp1, $4  }
0x76: {  	[tilespmem:s10+$0x10CA0] =	vst v1;
	v1 =	vld [tilespmem:s10+$0x3D30]  }
0x77: {  	[tilespmem:s10+$0x10CB0] =	vst v2;
	v2 =	vld [tilespmem:s10+$0x3D80]  }
0x78: {  	[tilespmem:s10+$0x10D00] =	vst v3;
	v3 =	vld [tilespmem:s10+$0x3D90]  }
0x79: {  	s14 =	sshra.s32 s17, $0x2;
	s17 =	sadd.s32 $0x800, s17;
	[tilespmem:s10+$0x10D10] =	vst v4;
	v4 =	vld [tilespmem:s10+$0x3DA0]  }
0x7a: {  	v5 =	vld [tilespmem:s14+$0x3DB0];
	[tilespmem:s10+$0x10D20] =	vst v0  }
0x7b: {  	v0 =	vld [tilespmem:s14+$0x3C00];
	[tilespmem:s10+$0x10D30] =	vst v1  }
0x7c: {  	v1 =	vld [tilespmem:s14+$0x3C10];
	[tilespmem:s10+$0x10D80] =	vst v2  }
0x7d: {  	v2 =	vld [tilespmem:s14+$0x3C20];
	[tilespmem:s10+$0x10D90] =	vst v3  }
0x7e: {  	v3 =	vld [tilespmem:s14+$0x3C30];
	[tilespmem:s10+$0x10DA0] =	vst v4  }
0x7f: {  	v4 =	vld [tilespmem:s14+$0x3C80];
	[tilespmem:s14+$0x10DB0] =	vst v5  }
0x80: {  	[tilespmem:s14+$0x10C00] =	vst v0;
	v0 =	vld [tilespmem:s14+$0x3C90]  }
0x81: {  	[tilespmem:s14+$0x10C10] =	vst v1;
	v1 =	vld [tilespmem:s14+$0x3CA0]  }
0x82: {  	[tilespmem:s14+$0x10C20] =	vst v2;
	v2 =	vld [tilespmem:s14+$0x3CB0]  }
0x83: {  	[tilespmem:s14+$0x10C30] =	vst v3;
	v3 =	vld [tilespmem:s14+$0x3D00]  }
0x84: {  	[tilespmem:s14+$0x10C80] =	vst v4;
	v4 =	vld [tilespmem:s14+$0x3D10]  }
0x85: {  	[tilespmem:s14+$0x10C90] =	vst v0;
	v0 =	vld [tilespmem:s14+$0x3D20]  }
0x86: {  	[tilespmem:s14+$0x10CA0] =	vst v1;
	v1 =	vld [tilespmem:s14+$0x3D30]  }
0x87: {  	[tilespmem:s14+$0x10CB0] =	vst v2;
	v2 =	vld [tilespmem:s14+$0x3D80]  }
0x88: {  	[tilespmem:s14+$0x10D00] =	vst v3;
	v3 =	vld [tilespmem:s14+$0x3D90]  }
0x89: {  	[tilespmem:s14+$0x10D10] =	vst v4;
	v4 =	vld [tilespmem:s14+$0x3DA0]  }
0x8a: {  	s17 =	sshll.u32 s30, $0x4;
	[tilespmem:s14+$0x10D20] =	vst v0  }
0x8b: {  	s10 =	sadd.s32 s6, s17;
	[tilespmem:s14+$0x10D30] =	vst v1  }
0x8c: {  	s17 =	smul.u32 $0x680, s10;
	[tilespmem:s14+$0x10D80] =	vst v2  }
0x8d: {  	[tilespmem:s14+$0x10D90] =	vst v3  }
0x8e: {  	s24 =	simm.s32 $0x0;
	s19 =	sadd.s32 s5, s17;
	[tilespmem:s14+$0x10DA0] =	vst v4  }
0x8f: {  	[hbm4b:s19+s24] =	stream.linear.scatter [tilespmem:s22], [sflag:$0x3], $0x3200, $0x38;
	[tilespmem:$0x1A800] =	vst v63  }
0x90: {  	s14 =	sadd.s32 $0x680, s19  }
0x91: {  	[hbm4b:s14+s24] =	stream.linear.scatter [tilespmem:s23], [sflag:$0x3], $0x3200, $0x38;
	[tilespmem:$0x1A800] =	vst v63  }
0x92: {  	s19 =	simm.s32 $0x200  }
0x93: {  	[tilespmem:s13], [sflag:$0x1] =	stream.indirect.gather [hbm4b:s4+s12], $0x80, s19, s12, $0xb8;
	[tilespmem:$0x1A800] =	vst v63  }
0x94: {  	s24 =	simm.s32 $0x280  }
0x95: {  	[tilespmem:s15], [sflag:$0x1] =	stream.indirect.gather [hbm4b:s4+s12], $0x80, s24, s12, $0xb8;
	[tilespmem:$0x1A800] =	vst v63  }
0x96: {  	_ =	swait.ge [sflag:s26], $0x3200  }
0x97: {  	[sflag:s26] =	ssyncset.done $0x0  }
0x98: {  	[sflag:s26] =	ssyncadd.s32 $0xFFFFCE00  }
0x99: {  	_ =	swait.ge [sflag:s26], $0x3200  }
0x9a: {  	[sflag:s26] =	ssyncset.done $0x0  }
0x9b: {  	s14 =	simm.s32 $0x0;
	[sflag:s26] =	ssyncadd.s32 $0xFFFFCE00  }
0x9c: {  	v0 =	vld [tilespmem:s14+$0x71B0]  }
0x9d: {  	v1 =	vld [tilespmem:s14+$0x7000]  }
0x9e: {  	v2 =	vld [tilespmem:s14+$0x7010]  }
0x9f: {  	v3 =	vld [tilespmem:s14+$0x7020]  }
0xa0: {  	v4 =	vld [tilespmem:s14+$0x7030]  }
0xa1: {  	v5 =	vld [tilespmem:s14+$0x7080];
	[tilespmem:s14+$0x141B0] =	vst v0  }
0xa2: {  	[tilespmem:s14+$0x14000] =	vst v1;
	v0 =	vld [tilespmem:s14+$0x7090]  }
0xa3: {  	[tilespmem:s14+$0x14010] =	vst v2;
	v1 =	vld [tilespmem:s14+$0x70A0]  }
0xa4: {  	[tilespmem:s14+$0x14020] =	vst v3;
	v2 =	vld [tilespmem:s14+$0x70B0]  }
0xa5: {  	[tilespmem:s14+$0x14030] =	vst v4;
	v3 =	vld [tilespmem:s14+$0x7100]  }
0xa6: {  	[tilespmem:s14+$0x14080] =	vst v5;
	v4 =	vld [tilespmem:s14+$0x7110]  }
0xa7: {  	[tilespmem:s14+$0x14090] =	vst v0;
	v0 =	vld [tilespmem:s14+$0x7120]  }
0xa8: {  	[tilespmem:s14+$0x140A0] =	vst v1;
	v1 =	vld [tilespmem:s14+$0x7130]  }
0xa9: {  	[tilespmem:s14+$0x140B0] =	vst v2;
	v2 =	vld [tilespmem:s14+$0x7180]  }
0xaa: {  	[tilespmem:s14+$0x14100] =	vst v3;
	v3 =	vld [tilespmem:s14+$0x7190]  }
0xab: {  	s17 =	simm.s32 $0x0;
	s19 =	simm.s32 $0x200;
	s24 =	simm.s32 $0x1000;
	[tilespmem:s14+$0x14110] =	vst v4;
	v4 =	vld [tilespmem:s14+$0x71A0]  }
.LBB2_7:
0xac: {  	p0 =	sne.s32 s24, $0xC000;
	v5 =	vld [tilespmem:s19+$0x71B0];
	[tilespmem:s17+$0x14120] =	vst v0  }
0xad: {  	v0 =	vld [tilespmem:s19+$0x7000];
	[tilespmem:s17+$0x14130] =	vst v1  }
0xae: {  	v1 =	vld [tilespmem:s19+$0x7010];
	[tilespmem:s17+$0x14180] =	vst v2  }
0xaf: {  	v2 =	vld [tilespmem:s19+$0x7020];
	[tilespmem:s17+$0x14190] =	vst v3  }
0xb0: {  	v3 =	vld [tilespmem:s19+$0x7030];
	[tilespmem:s17+$0x141A0] =	vst v4;
	s17 =	smov.u32 s19  }
0xb1: {  	v4 =	vld [tilespmem:s17+$0x7080];
	[tilespmem:s17+$0x141B0] =	vst v5  }
0xb2: {  	[tilespmem:s17+$0x14000] =	vst v0;
	v0 =	vld [tilespmem:s17+$0x7090]  }
0xb3: {  	[tilespmem:s17+$0x14010] =	vst v1;
	v1 =	vld [tilespmem:s17+$0x70A0]  }
0xb4: {  	[tilespmem:s17+$0x14020] =	vst v2;
	v2 =	vld [tilespmem:s17+$0x70B0]  }
0xb5: {  	[tilespmem:s17+$0x14030] =	vst v3;
	v3 =	vld [tilespmem:s17+$0x7100]  }
0xb6: {  	[tilespmem:s17+$0x14080] =	vst v4;
	v4 =	vld [tilespmem:s17+$0x7110]  }
.Ltmp2:
0xb7: {  	[tilespmem:s17+$0x14090] =	vst v0;
	v0 =	vld [tilespmem:s17+$0x7120];
	(pc) =	sbr.rel @p0 .LBB2_7-.Ltmp2, $4  }
0xb8: {  	[tilespmem:s17+$0x140A0] =	vst v1;
	v1 =	vld [tilespmem:s17+$0x7130]  }
0xb9: {  	[tilespmem:s17+$0x140B0] =	vst v2;
	v2 =	vld [tilespmem:s17+$0x7180]  }
0xba: {  	[tilespmem:s17+$0x14100] =	vst v3;
	v3 =	vld [tilespmem:s17+$0x7190]  }
0xbb: {  	s19 =	sshra.s32 s24, $0x2;
	s24 =	sadd.s32 $0x800, s24;
	[tilespmem:s17+$0x14110] =	vst v4;
	v4 =	vld [tilespmem:s17+$0x71A0]  }
0xbc: {  	v5 =	vld [tilespmem:s19+$0x71B0];
	[tilespmem:s17+$0x14120] =	vst v0  }
0xbd: {  	v0 =	vld [tilespmem:s19+$0x7000];
	[tilespmem:s17+$0x14130] =	vst v1  }
0xbe: {  	v1 =	vld [tilespmem:s19+$0x7010];
	[tilespmem:s17+$0x14180] =	vst v2  }
0xbf: {  	v2 =	vld [tilespmem:s19+$0x7020];
	[tilespmem:s17+$0x14190] =	vst v3  }
0xc0: {  	v3 =	vld [tilespmem:s19+$0x7030];
	[tilespmem:s17+$0x141A0] =	vst v4  }
0xc1: {  	v4 =	vld [tilespmem:s19+$0x7080];
	[tilespmem:s19+$0x141B0] =	vst v5  }
0xc2: {  	[tilespmem:s19+$0x14000] =	vst v0;
	v0 =	vld [tilespmem:s19+$0x7090]  }
0xc3: {  	[tilespmem:s19+$0x14010] =	vst v1;
	v1 =	vld [tilespmem:s19+$0x70A0]  }
0xc4: {  	[tilespmem:s19+$0x14020] =	vst v2;
	v2 =	vld [tilespmem:s19+$0x70B0]  }
0xc5: {  	[tilespmem:s19+$0x14030] =	vst v3;
	v3 =	vld [tilespmem:s19+$0x7100]  }
0xc6: {  	[tilespmem:s19+$0x14080] =	vst v4;
	v4 =	vld [tilespmem:s19+$0x7110]  }
0xc7: {  	[tilespmem:s19+$0x14090] =	vst v0;
	v0 =	vld [tilespmem:s19+$0x7120]  }
0xc8: {  	[tilespmem:s19+$0x140A0] =	vst v1;
	v1 =	vld [tilespmem:s19+$0x7130]  }
0xc9: {  	[tilespmem:s19+$0x140B0] =	vst v2;
	v2 =	vld [tilespmem:s19+$0x7180]  }
0xca: {  	[tilespmem:s19+$0x14100] =	vst v3;
	v3 =	vld [tilespmem:s19+$0x7190]  }
0xcb: {  	[tilespmem:s19+$0x14110] =	vst v4;
	v4 =	vld [tilespmem:s19+$0x71A0]  }
0xcc: {  	[tilespmem:s19+$0x14120] =	vst v0  }
0xcd: {  	[tilespmem:s19+$0x14130] =	vst v1  }
0xce: {  	[tilespmem:s19+$0x14180] =	vst v2  }
0xcf: {  	[tilespmem:s19+$0x14190] =	vst v3  }
0xd0: {  	[tilespmem:s19+$0x141A0] =	vst v4  }
0xd1: {  	v0 =	vld [tilespmem:s14+$0xA5B0]  }
0xd2: {  	v1 =	vld [tilespmem:s14+$0xA400]  }
0xd3: {  	v2 =	vld [tilespmem:s14+$0xA410]  }
0xd4: {  	v3 =	vld [tilespmem:s14+$0xA420]  }
0xd5: {  	v4 =	vld [tilespmem:s14+$0xA430]  }
0xd6: {  	v5 =	vld [tilespmem:s14+$0xA480];
	[tilespmem:s14+$0x175B0] =	vst v0  }
0xd7: {  	[tilespmem:s14+$0x17400] =	vst v1;
	v0 =	vld [tilespmem:s14+$0xA490]  }
0xd8: {  	[tilespmem:s14+$0x17410] =	vst v2;
	v1 =	vld [tilespmem:s14+$0xA4A0]  }
0xd9: {  	[tilespmem:s14+$0x17420] =	vst v3;
	v2 =	vld [tilespmem:s14+$0xA4B0]  }
0xda: {  	[tilespmem:s14+$0x17430] =	vst v4;
	v3 =	vld [tilespmem:s14+$0xA500]  }
0xdb: {  	[tilespmem:s14+$0x17480] =	vst v5;
	v4 =	vld [tilespmem:s14+$0xA510]  }
0xdc: {  	[tilespmem:s14+$0x17490] =	vst v0;
	v0 =	vld [tilespmem:s14+$0xA520]  }
0xdd: {  	[tilespmem:s14+$0x174A0] =	vst v1;
	v1 =	vld [tilespmem:s14+$0xA530]  }
0xde: {  	[tilespmem:s14+$0x174B0] =	vst v2;
	v2 =	vld [tilespmem:s14+$0xA580]  }
0xdf: {  	[tilespmem:s14+$0x17500] =	vst v3;
	v3 =	vld [tilespmem:s14+$0xA590]  }
0xe0: {  	s17 =	simm.s32 $0x200;
	s19 =	simm.s32 $0x1000;
	[tilespmem:s14+$0x17510] =	vst v4;
	v4 =	vld [tilespmem:s14+$0xA5A0]  }
.LBB2_9:
0xe1: {  	p0 =	sne.s32 s19, $0xC000;
	v5 =	vld [tilespmem:s17+$0xA5B0];
	[tilespmem:s14+$0x17520] =	vst v0  }
0xe2: {  	v0 =	vld [tilespmem:s17+$0xA400];
	[tilespmem:s14+$0x17530] =	vst v1  }
0xe3: {  	v1 =	vld [tilespmem:s17+$0xA410];
	[tilespmem:s14+$0x17580] =	vst v2  }
0xe4: {  	v2 =	vld [tilespmem:s17+$0xA420];
	[tilespmem:s14+$0x17590] =	vst v3  }
0xe5: {  	v3 =	vld [tilespmem:s17+$0xA430];
	[tilespmem:s14+$0x175A0] =	vst v4;
	s14 =	smov.u32 s17  }
0xe6: {  	v4 =	vld [tilespmem:s14+$0xA480];
	[tilespmem:s14+$0x175B0] =	vst v5  }
0xe7: {  	[tilespmem:s14+$0x17400] =	vst v0;
	v0 =	vld [tilespmem:s14+$0xA490]  }
0xe8: {  	[tilespmem:s14+$0x17410] =	vst v1;
	v1 =	vld [tilespmem:s14+$0xA4A0]  }
0xe9: {  	[tilespmem:s14+$0x17420] =	vst v2;
	v2 =	vld [tilespmem:s14+$0xA4B0]  }
0xea: {  	[tilespmem:s14+$0x17430] =	vst v3;
	v3 =	vld [tilespmem:s14+$0xA500]  }
0xeb: {  	[tilespmem:s14+$0x17480] =	vst v4;
	v4 =	vld [tilespmem:s14+$0xA510]  }
.Ltmp3:
0xec: {  	[tilespmem:s14+$0x17490] =	vst v0;
	v0 =	vld [tilespmem:s14+$0xA520];
	(pc) =	sbr.rel @p0 .LBB2_9-.Ltmp3, $4  }
0xed: {  	[tilespmem:s14+$0x174A0] =	vst v1;
	v1 =	vld [tilespmem:s14+$0xA530]  }
0xee: {  	[tilespmem:s14+$0x174B0] =	vst v2;
	v2 =	vld [tilespmem:s14+$0xA580]  }
0xef: {  	[tilespmem:s14+$0x17500] =	vst v3;
	v3 =	vld [tilespmem:s14+$0xA590]  }
0xf0: {  	s17 =	sshra.s32 s19, $0x2;
	s19 =	sadd.s32 $0x800, s19;
	[tilespmem:s14+$0x17510] =	vst v4;
	v4 =	vld [tilespmem:s14+$0xA5A0]  }
0xf1: {  	v5 =	vld [tilespmem:s17+$0xA5B0];
	[tilespmem:s14+$0x17520] =	vst v0  }
0xf2: {  	v0 =	vld [tilespmem:s17+$0xA400];
	[tilespmem:s14+$0x17530] =	vst v1  }
0xf3: {  	v1 =	vld [tilespmem:s17+$0xA410];
	[tilespmem:s14+$0x17580] =	vst v2  }
0xf4: {  	v2 =	vld [tilespmem:s17+$0xA420];
	[tilespmem:s14+$0x17590] =	vst v3  }
0xf5: {  	v3 =	vld [tilespmem:s17+$0xA430];
	[tilespmem:s14+$0x175A0] =	vst v4  }
0xf6: {  	v4 =	vld [tilespmem:s17+$0xA480];
	[tilespmem:s17+$0x175B0] =	vst v5  }
0xf7: {  	[tilespmem:s17+$0x17400] =	vst v0;
	v0 =	vld [tilespmem:s17+$0xA490]  }
0xf8: {  	[tilespmem:s17+$0x17410] =	vst v1;
	v1 =	vld [tilespmem:s17+$0xA4A0]  }
0xf9: {  	[tilespmem:s17+$0x17420] =	vst v2;
	v2 =	vld [tilespmem:s17+$0xA4B0]  }
0xfa: {  	[tilespmem:s17+$0x17430] =	vst v3;
	v3 =	vld [tilespmem:s17+$0xA500]  }
0xfb: {  	[tilespmem:s17+$0x17480] =	vst v4;
	v4 =	vld [tilespmem:s17+$0xA510]  }
0xfc: {  	[tilespmem:s17+$0x17490] =	vst v0;
	v0 =	vld [tilespmem:s17+$0xA520]  }
0xfd: {  	[tilespmem:s17+$0x174A0] =	vst v1;
	v1 =	vld [tilespmem:s17+$0xA530]  }
0xfe: {  	[tilespmem:s17+$0x174B0] =	vst v2;
	v2 =	vld [tilespmem:s17+$0xA580]  }
0xff: {  	[tilespmem:s17+$0x17500] =	vst v3;
	v3 =	vld [tilespmem:s17+$0xA590]  }
0x100: {  	[tilespmem:s17+$0x17510] =	vst v4;
	v4 =	vld [tilespmem:s17+$0xA5A0]  }
0x101: {  	s10 =	smul.u32 $0x3400, s10;
	[tilespmem:s17+$0x17520] =	vst v0  }
0x102: {  	[tilespmem:s17+$0x17530] =	vst v1  }
0x103: {  	s10 =	sshrl.u32 s10, $0x3;
	[tilespmem:s17+$0x17580] =	vst v2  }
0x104: {  	s10 =	sadd.s32 s5, s10;
	[tilespmem:s17+$0x17590] =	vst v3  }
0x105: {  	s19 =	simm.s32 $0x0;
	[tilespmem:s17+$0x175A0] =	vst v4;
	s17 =	sadd.s32 $0xD00, s10  }
0x106: {  	[hbm4b:s17+s19] =	stream.linear.scatter [tilespmem:s28], [sflag:$0x4], $0x3200, $0x38;
	[tilespmem:$0x1A800] =	vst v63  }
0x107: {  	s24 =	sadd.s32 $0x1380, s10  }
0x108: {  	[hbm4b:s24+s19] =	stream.linear.scatter [tilespmem:s29], [sflag:$0x4], $0x3200, $0x38;
	[tilespmem:$0x1A800] =	vst v63  }
0x109: {  	s19 =	simm.s32 $0x300  }
0x10a: {  	[tilespmem:s18], [sflag:$0x2] =	stream.indirect.gather [hbm4b:s4+s12], $0x80, s19, s12, $0xb8;
	[tilespmem:$0x1A800] =	vst v63  }
0x10b: {  	s24 =	simm.s32 $0x380  }
0x10c: {  	[tilespmem:s20], [sflag:$0x2] =	stream.indirect.gather [hbm4b:s4+s12], $0x80, s24, s12, $0xb8;
	[tilespmem:$0x1A800] =	vst v63  }
0x10d: {  	_ =	swait.ge [sflag:s21], $0x3200  }
0x10e: {  	[sflag:s21] =	ssyncset.done $0x0  }
0x10f: {  	[sflag:s21] =	ssyncadd.s32 $0xFFFFCE00  }
0x110: {  	_ =	swait.ge [sflag:s21], $0x3200  }
0x111: {  	[sflag:s21] =	ssyncset.done $0x0  }
0x112: {  	[sflag:s21] =	ssyncadd.s32 $0xFFFFCE00  }
0x113: {  	_ =	swait.ge [sflag:s0], $0x6400  }
0x114: {  	[sflag:s0] =	ssyncset.done $0x0  }
0x115: {  	s14 =	simm.s32 $0x0;
	[sflag:s0] =	ssyncadd.s32 $0xFFFF9C00  }
0x116: {  	v0 =	vld [tilespmem:s14+$0x9B0]  }
0x117: {  	v1 =	vld [tilespmem:s14+$0x800]  }
0x118: {  	v2 =	vld [tilespmem:s14+$0x810]  }
0x119: {  	v3 =	vld [tilespmem:s14+$0x820]  }
0x11a: {  	v4 =	vld [tilespmem:s14+$0x830]  }
0x11b: {  	v5 =	vld [tilespmem:s14+$0x880];
	[tilespmem:s14+$0xD9B0] =	vst v0  }
0x11c: {  	[tilespmem:s14+$0xD800] =	vst v1;
	v0 =	vld [tilespmem:s14+$0x890]  }
0x11d: {  	[tilespmem:s14+$0xD810] =	vst v2;
	v1 =	vld [tilespmem:s14+$0x8A0]  }
0x11e: {  	[tilespmem:s14+$0xD820] =	vst v3;
	v2 =	vld [tilespmem:s14+$0x8B0]  }
0x11f: {  	[tilespmem:s14+$0xD830] =	vst v4;
	v3 =	vld [tilespmem:s14+$0x900]  }
0x120: {  	[tilespmem:s14+$0xD880] =	vst v5;
	v4 =	vld [tilespmem:s14+$0x910]  }
0x121: {  	[tilespmem:s14+$0xD890] =	vst v0;
	v0 =	vld [tilespmem:s14+$0x920]  }
0x122: {  	[tilespmem:s14+$0xD8A0] =	vst v1;
	v1 =	vld [tilespmem:s14+$0x930]  }
0x123: {  	[tilespmem:s14+$0xD8B0] =	vst v2;
	v2 =	vld [tilespmem:s14+$0x980]  }
0x124: {  	[tilespmem:s14+$0xD900] =	vst v3;
	v3 =	vld [tilespmem:s14+$0x990]  }
0x125: {  	s17 =	simm.s32 $0x0;
	s19 =	simm.s32 $0x200;
	s24 =	simm.s32 $0x1000;
	[tilespmem:s14+$0xD910] =	vst v4;
	v4 =	vld [tilespmem:s14+$0x9A0]  }
.LBB2_11:
0x126: {  	p0 =	sne.s32 s24, $0xC000;
	v5 =	vld [tilespmem:s19+$0x9B0];
	[tilespmem:s17+$0xD920] =	vst v0  }
0x127: {  	v0 =	vld [tilespmem:s19+$0x800];
	[tilespmem:s17+$0xD930] =	vst v1  }
0x128: {  	v1 =	vld [tilespmem:s19+$0x810];
	[tilespmem:s17+$0xD980] =	vst v2  }
0x129: {  	v2 =	vld [tilespmem:s19+$0x820];
	[tilespmem:s17+$0xD990] =	vst v3  }
0x12a: {  	v3 =	vld [tilespmem:s19+$0x830];
	[tilespmem:s17+$0xD9A0] =	vst v4;
	s17 =	smov.u32 s19  }
0x12b: {  	v4 =	vld [tilespmem:s17+$0x880];
	[tilespmem:s17+$0xD9B0] =	vst v5  }
0x12c: {  	[tilespmem:s17+$0xD800] =	vst v0;
	v0 =	vld [tilespmem:s17+$0x890]  }
0x12d: {  	[tilespmem:s17+$0xD810] =	vst v1;
	v1 =	vld [tilespmem:s17+$0x8A0]  }
0x12e: {  	[tilespmem:s17+$0xD820] =	vst v2;
	v2 =	vld [tilespmem:s17+$0x8B0]  }
0x12f: {  	[tilespmem:s17+$0xD830] =	vst v3;
	v3 =	vld [tilespmem:s17+$0x900]  }
0x130: {  	[tilespmem:s17+$0xD880] =	vst v4;
	v4 =	vld [tilespmem:s17+$0x910]  }
.Ltmp4:
0x131: {  	[tilespmem:s17+$0xD890] =	vst v0;
	v0 =	vld [tilespmem:s17+$0x920];
	(pc) =	sbr.rel @p0 .LBB2_11-.Ltmp4, $4  }
0x132: {  	[tilespmem:s17+$0xD8A0] =	vst v1;
	v1 =	vld [tilespmem:s17+$0x930]  }
0x133: {  	[tilespmem:s17+$0xD8B0] =	vst v2;
	v2 =	vld [tilespmem:s17+$0x980]  }
0x134: {  	[tilespmem:s17+$0xD900] =	vst v3;
	v3 =	vld [tilespmem:s17+$0x990]  }
0x135: {  	s19 =	sshra.s32 s24, $0x2;
	s24 =	sadd.s32 $0x800, s24;
	[tilespmem:s17+$0xD910] =	vst v4;
	v4 =	vld [tilespmem:s17+$0x9A0]  }
0x136: {  	v5 =	vld [tilespmem:s19+$0x9B0];
	[tilespmem:s17+$0xD920] =	vst v0  }
0x137: {  	v0 =	vld [tilespmem:s19+$0x800];
	[tilespmem:s17+$0xD930] =	vst v1  }
0x138: {  	v1 =	vld [tilespmem:s19+$0x810];
	[tilespmem:s17+$0xD980] =	vst v2  }
0x139: {  	v2 =	vld [tilespmem:s19+$0x820];
	[tilespmem:s17+$0xD990] =	vst v3  }
0x13a: {  	v3 =	vld [tilespmem:s19+$0x830];
	[tilespmem:s17+$0xD9A0] =	vst v4  }
0x13b: {  	v4 =	vld [tilespmem:s19+$0x880];
	[tilespmem:s19+$0xD9B0] =	vst v5  }
0x13c: {  	[tilespmem:s19+$0xD800] =	vst v0;
	v0 =	vld [tilespmem:s19+$0x890]  }
0x13d: {  	[tilespmem:s19+$0xD810] =	vst v1;
	v1 =	vld [tilespmem:s19+$0x8A0]  }
0x13e: {  	[tilespmem:s19+$0xD820] =	vst v2;
	v2 =	vld [tilespmem:s19+$0x8B0]  }
0x13f: {  	[tilespmem:s19+$0xD830] =	vst v3;
	v3 =	vld [tilespmem:s19+$0x900]  }
0x140: {  	[tilespmem:s19+$0xD880] =	vst v4;
	v4 =	vld [tilespmem:s19+$0x910]  }
0x141: {  	[tilespmem:s19+$0xD890] =	vst v0;
	v0 =	vld [tilespmem:s19+$0x920]  }
0x142: {  	[tilespmem:s19+$0xD8A0] =	vst v1;
	v1 =	vld [tilespmem:s19+$0x930]  }
0x143: {  	[tilespmem:s19+$0xD8B0] =	vst v2;
	v2 =	vld [tilespmem:s19+$0x980]  }
0x144: {  	[tilespmem:s19+$0xD900] =	vst v3;
	v3 =	vld [tilespmem:s19+$0x990]  }
0x145: {  	[tilespmem:s19+$0xD910] =	vst v4;
	v4 =	vld [tilespmem:s19+$0x9A0]  }
0x146: {  	[tilespmem:s19+$0xD920] =	vst v0  }
0x147: {  	[tilespmem:s19+$0xD930] =	vst v1  }
0x148: {  	[tilespmem:s19+$0xD980] =	vst v2  }
0x149: {  	[tilespmem:s19+$0xD990] =	vst v3  }
0x14a: {  	[tilespmem:s19+$0xD9A0] =	vst v4  }
0x14b: {  	v0 =	vld [tilespmem:s14+$0x3DB0]  }
0x14c: {  	v1 =	vld [tilespmem:s14+$0x3C00]  }
0x14d: {  	v2 =	vld [tilespmem:s14+$0x3C10]  }
0x14e: {  	v3 =	vld [tilespmem:s14+$0x3C20]  }
0x14f: {  	v4 =	vld [tilespmem:s14+$0x3C30]  }
0x150: {  	v5 =	vld [tilespmem:s14+$0x3C80];
	[tilespmem:s14+$0x10DB0] =	vst v0  }
0x151: {  	[tilespmem:s14+$0x10C00] =	vst v1;
	v0 =	vld [tilespmem:s14+$0x3C90]  }
0x152: {  	[tilespmem:s14+$0x10C10] =	vst v2;
	v1 =	vld [tilespmem:s14+$0x3CA0]  }
0x153: {  	[tilespmem:s14+$0x10C20] =	vst v3;
	v2 =	vld [tilespmem:s14+$0x3CB0]  }
0x154: {  	[tilespmem:s14+$0x10C30] =	vst v4;
	v3 =	vld [tilespmem:s14+$0x3D00]  }
0x155: {  	[tilespmem:s14+$0x10C80] =	vst v5;
	v4 =	vld [tilespmem:s14+$0x3D10]  }
0x156: {  	[tilespmem:s14+$0x10C90] =	vst v0;
	v0 =	vld [tilespmem:s14+$0x3D20]  }
0x157: {  	[tilespmem:s14+$0x10CA0] =	vst v1;
	v1 =	vld [tilespmem:s14+$0x3D30]  }
0x158: {  	[tilespmem:s14+$0x10CB0] =	vst v2;
	v2 =	vld [tilespmem:s14+$0x3D80]  }
0x159: {  	[tilespmem:s14+$0x10D00] =	vst v3;
	v3 =	vld [tilespmem:s14+$0x3D90]  }
0x15a: {  	s17 =	simm.s32 $0x200;
	s19 =	simm.s32 $0x1000;
	[tilespmem:s14+$0x10D10] =	vst v4;
	v4 =	vld [tilespmem:s14+$0x3DA0]  }
.LBB2_13:
0x15b: {  	p0 =	sne.s32 s19, $0xC000;
	v5 =	vld [tilespmem:s17+$0x3DB0];
	[tilespmem:s14+$0x10D20] =	vst v0  }
0x15c: {  	v0 =	vld [tilespmem:s17+$0x3C00];
	[tilespmem:s14+$0x10D30] =	vst v1  }
0x15d: {  	v1 =	vld [tilespmem:s17+$0x3C10];
	[tilespmem:s14+$0x10D80] =	vst v2  }
0x15e: {  	v2 =	vld [tilespmem:s17+$0x3C20];
	[tilespmem:s14+$0x10D90] =	vst v3  }
0x15f: {  	v3 =	vld [tilespmem:s17+$0x3C30];
	[tilespmem:s14+$0x10DA0] =	vst v4;
	s14 =	smov.u32 s17  }
0x160: {  	v4 =	vld [tilespmem:s14+$0x3C80];
	[tilespmem:s14+$0x10DB0] =	vst v5  }
0x161: {  	[tilespmem:s14+$0x10C00] =	vst v0;
	v0 =	vld [tilespmem:s14+$0x3C90]  }
0x162: {  	[tilespmem:s14+$0x10C10] =	vst v1;
	v1 =	vld [tilespmem:s14+$0x3CA0]  }
0x163: {  	[tilespmem:s14+$0x10C20] =	vst v2;
	v2 =	vld [tilespmem:s14+$0x3CB0]  }
0x164: {  	[tilespmem:s14+$0x10C30] =	vst v3;
	v3 =	vld [tilespmem:s14+$0x3D00]  }
0x165: {  	[tilespmem:s14+$0x10C80] =	vst v4;
	v4 =	vld [tilespmem:s14+$0x3D10]  }
.Ltmp5:
0x166: {  	[tilespmem:s14+$0x10C90] =	vst v0;
	v0 =	vld [tilespmem:s14+$0x3D20];
	(pc) =	sbr.rel @p0 .LBB2_13-.Ltmp5, $4  }
0x167: {  	[tilespmem:s14+$0x10CA0] =	vst v1;
	v1 =	vld [tilespmem:s14+$0x3D30]  }
0x168: {  	[tilespmem:s14+$0x10CB0] =	vst v2;
	v2 =	vld [tilespmem:s14+$0x3D80]  }
0x169: {  	[tilespmem:s14+$0x10D00] =	vst v3;
	v3 =	vld [tilespmem:s14+$0x3D90]  }
0x16a: {  	s17 =	sshra.s32 s19, $0x2;
	s19 =	sadd.s32 $0x800, s19;
	[tilespmem:s14+$0x10D10] =	vst v4;
	v4 =	vld [tilespmem:s14+$0x3DA0]  }
0x16b: {  	v5 =	vld [tilespmem:s17+$0x3DB0];
	[tilespmem:s14+$0x10D20] =	vst v0  }
0x16c: {  	v0 =	vld [tilespmem:s17+$0x3C00];
	[tilespmem:s14+$0x10D30] =	vst v1  }
0x16d: {  	v1 =	vld [tilespmem:s17+$0x3C10];
	[tilespmem:s14+$0x10D80] =	vst v2  }
0x16e: {  	v2 =	vld [tilespmem:s17+$0x3C20];
	[tilespmem:s14+$0x10D90] =	vst v3  }
0x16f: {  	v3 =	vld [tilespmem:s17+$0x3C30];
	[tilespmem:s14+$0x10DA0] =	vst v4  }
0x170: {  	v4 =	vld [tilespmem:s17+$0x3C80];
	[tilespmem:s17+$0x10DB0] =	vst v5  }
0x171: {  	[tilespmem:s17+$0x10C00] =	vst v0;
	v0 =	vld [tilespmem:s17+$0x3C90]  }
0x172: {  	[tilespmem:s17+$0x10C10] =	vst v1;
	v1 =	vld [tilespmem:s17+$0x3CA0]  }
0x173: {  	[tilespmem:s17+$0x10C20] =	vst v2;
	v2 =	vld [tilespmem:s17+$0x3CB0]  }
0x174: {  	[tilespmem:s17+$0x10C30] =	vst v3;
	v3 =	vld [tilespmem:s17+$0x3D00]  }
0x175: {  	[tilespmem:s17+$0x10C80] =	vst v4;
	v4 =	vld [tilespmem:s17+$0x3D10]  }
0x176: {  	[tilespmem:s17+$0x10C90] =	vst v0;
	v0 =	vld [tilespmem:s17+$0x3D20]  }
0x177: {  	[tilespmem:s17+$0x10CA0] =	vst v1;
	v1 =	vld [tilespmem:s17+$0x3D30]  }
0x178: {  	[tilespmem:s17+$0x10CB0] =	vst v2;
	v2 =	vld [tilespmem:s17+$0x3D80]  }
0x179: {  	[tilespmem:s17+$0x10D00] =	vst v3;
	v3 =	vld [tilespmem:s17+$0x3D90]  }
0x17a: {  	[tilespmem:s17+$0x10D10] =	vst v4;
	v4 =	vld [tilespmem:s17+$0x3DA0]  }
0x17b: {  	[tilespmem:s17+$0x10D20] =	vst v0  }
0x17c: {  	[tilespmem:s17+$0x10D30] =	vst v1  }
0x17d: {  	[tilespmem:s17+$0x10D80] =	vst v2  }
0x17e: {  	[tilespmem:s17+$0x10D90] =	vst v3  }
0x17f: {  	s19 =	simm.s32 $0x0;
	[tilespmem:s17+$0x10DA0] =	vst v4;
	s17 =	sadd.s32 $0x1A00, s10  }
0x180: {  	[hbm4b:s17+s19] =	stream.linear.scatter [tilespmem:s22], [sflag:$0x3], $0x3200, $0x38;
	[tilespmem:$0x1A800] =	vst v63  }
0x181: {  	s24 =	sadd.s32 $0x2080, s10  }
0x182: {  	[hbm4b:s24+s19] =	stream.linear.scatter [tilespmem:s23], [sflag:$0x3], $0x3200, $0x38;
	[tilespmem:$0x1A800] =	vst v63  }
0x183: {  	_ =	swait.ge [sflag:s26], $0x3200  }
0x184: {  	[sflag:s26] =	ssyncset.done $0x0  }
0x185: {  	[sflag:s26] =	ssyncadd.s32 $0xFFFFCE00  }
0x186: {  	_ =	swait.ge [sflag:s26], $0x3200  }
0x187: {  	[sflag:s26] =	ssyncset.done $0x0  }
0x188: {  	[sflag:s26] =	ssyncadd.s32 $0xFFFFCE00  }
0x189: {  	_ =	swait.ge [sflag:s3], $0x6400  }
0x18a: {  	[sflag:s3] =	ssyncset.done $0x0  }
0x18b: {  	s14 =	simm.s32 $0x0;
	[sflag:s3] =	ssyncadd.s32 $0xFFFF9C00  }
0x18c: {  	v0 =	vld [tilespmem:s14+$0x71B0]  }
0x18d: {  	v1 =	vld [tilespmem:s14+$0x7000]  }
0x18e: {  	v2 =	vld [tilespmem:s14+$0x7010]  }
0x18f: {  	v3 =	vld [tilespmem:s14+$0x7020]  }
0x190: {  	v4 =	vld [tilespmem:s14+$0x7030]  }
0x191: {  	v5 =	vld [tilespmem:s14+$0x7080];
	[tilespmem:s14+$0x141B0] =	vst v0  }
0x192: {  	[tilespmem:s14+$0x14000] =	vst v1;
	v0 =	vld [tilespmem:s14+$0x7090]  }
0x193: {  	[tilespmem:s14+$0x14010] =	vst v2;
	v1 =	vld [tilespmem:s14+$0x70A0]  }
0x194: {  	[tilespmem:s14+$0x14020] =	vst v3;
	v2 =	vld [tilespmem:s14+$0x70B0]  }
0x195: {  	[tilespmem:s14+$0x14030] =	vst v4;
	v3 =	vld [tilespmem:s14+$0x7100]  }
0x196: {  	[tilespmem:s14+$0x14080] =	vst v5;
	v4 =	vld [tilespmem:s14+$0x7110]  }
0x197: {  	[tilespmem:s14+$0x14090] =	vst v0;
	v0 =	vld [tilespmem:s14+$0x7120]  }
0x198: {  	[tilespmem:s14+$0x140A0] =	vst v1;
	v1 =	vld [tilespmem:s14+$0x7130]  }
0x199: {  	[tilespmem:s14+$0x140B0] =	vst v2;
	v2 =	vld [tilespmem:s14+$0x7180]  }
0x19a: {  	[tilespmem:s14+$0x14100] =	vst v3;
	v3 =	vld [tilespmem:s14+$0x7190]  }
0x19b: {  	s17 =	simm.s32 $0x0;
	s19 =	simm.s32 $0x200;
	s24 =	simm.s32 $0x1000;
	[tilespmem:s14+$0x14110] =	vst v4;
	v4 =	vld [tilespmem:s14+$0x71A0]  }
.LBB2_15:
0x19c: {  	p0 =	sne.s32 s24, $0xC000;
	v5 =	vld [tilespmem:s19+$0x71B0];
	[tilespmem:s17+$0x14120] =	vst v0  }
0x19d: {  	v0 =	vld [tilespmem:s19+$0x7000];
	[tilespmem:s17+$0x14130] =	vst v1  }
0x19e: {  	v1 =	vld [tilespmem:s19+$0x7010];
	[tilespmem:s17+$0x14180] =	vst v2  }
0x19f: {  	v2 =	vld [tilespmem:s19+$0x7020];
	[tilespmem:s17+$0x14190] =	vst v3  }
0x1a0: {  	v3 =	vld [tilespmem:s19+$0x7030];
	[tilespmem:s17+$0x141A0] =	vst v4;
	s17 =	smov.u32 s19  }
0x1a1: {  	v4 =	vld [tilespmem:s17+$0x7080];
	[tilespmem:s17+$0x141B0] =	vst v5  }
0x1a2: {  	[tilespmem:s17+$0x14000] =	vst v0;
	v0 =	vld [tilespmem:s17+$0x7090]  }
0x1a3: {  	[tilespmem:s17+$0x14010] =	vst v1;
	v1 =	vld [tilespmem:s17+$0x70A0]  }
0x1a4: {  	[tilespmem:s17+$0x14020] =	vst v2;
	v2 =	vld [tilespmem:s17+$0x70B0]  }
0x1a5: {  	[tilespmem:s17+$0x14030] =	vst v3;
	v3 =	vld [tilespmem:s17+$0x7100]  }
0x1a6: {  	[tilespmem:s17+$0x14080] =	vst v4;
	v4 =	vld [tilespmem:s17+$0x7110]  }
.Ltmp6:
0x1a7: {  	[tilespmem:s17+$0x14090] =	vst v0;
	v0 =	vld [tilespmem:s17+$0x7120];
	(pc) =	sbr.rel @p0 .LBB2_15-.Ltmp6, $4  }
0x1a8: {  	[tilespmem:s17+$0x140A0] =	vst v1;
	v1 =	vld [tilespmem:s17+$0x7130]  }
0x1a9: {  	[tilespmem:s17+$0x140B0] =	vst v2;
	v2 =	vld [tilespmem:s17+$0x7180]  }
0x1aa: {  	[tilespmem:s17+$0x14100] =	vst v3;
	v3 =	vld [tilespmem:s17+$0x7190]  }
0x1ab: {  	s19 =	sshra.s32 s24, $0x2;
	s24 =	sadd.s32 $0x800, s24;
	[tilespmem:s17+$0x14110] =	vst v4;
	v4 =	vld [tilespmem:s17+$0x71A0]  }
0x1ac: {  	v5 =	vld [tilespmem:s19+$0x71B0];
	[tilespmem:s17+$0x14120] =	vst v0  }
0x1ad: {  	v0 =	vld [tilespmem:s19+$0x7000];
	[tilespmem:s17+$0x14130] =	vst v1  }
0x1ae: {  	v1 =	vld [tilespmem:s19+$0x7010];
	[tilespmem:s17+$0x14180] =	vst v2  }
0x1af: {  	v2 =	vld [tilespmem:s19+$0x7020];
	[tilespmem:s17+$0x14190] =	vst v3  }
0x1b0: {  	v3 =	vld [tilespmem:s19+$0x7030];
	[tilespmem:s17+$0x141A0] =	vst v4  }
0x1b1: {  	v4 =	vld [tilespmem:s19+$0x7080];
	[tilespmem:s19+$0x141B0] =	vst v5  }
0x1b2: {  	[tilespmem:s19+$0x14000] =	vst v0;
	v0 =	vld [tilespmem:s19+$0x7090]  }
0x1b3: {  	[tilespmem:s19+$0x14010] =	vst v1;
	v1 =	vld [tilespmem:s19+$0x70A0]  }
0x1b4: {  	[tilespmem:s19+$0x14020] =	vst v2;
	v2 =	vld [tilespmem:s19+$0x70B0]  }
0x1b5: {  	[tilespmem:s19+$0x14030] =	vst v3;
	v3 =	vld [tilespmem:s19+$0x7100]  }
0x1b6: {  	[tilespmem:s19+$0x14080] =	vst v4;
	v4 =	vld [tilespmem:s19+$0x7110]  }
0x1b7: {  	[tilespmem:s19+$0x14090] =	vst v0;
	v0 =	vld [tilespmem:s19+$0x7120]  }
0x1b8: {  	[tilespmem:s19+$0x140A0] =	vst v1;
	v1 =	vld [tilespmem:s19+$0x7130]  }
0x1b9: {  	[tilespmem:s19+$0x140B0] =	vst v2;
	v2 =	vld [tilespmem:s19+$0x7180]  }
0x1ba: {  	[tilespmem:s19+$0x14100] =	vst v3;
	v3 =	vld [tilespmem:s19+$0x7190]  }
0x1bb: {  	[tilespmem:s19+$0x14110] =	vst v4;
	v4 =	vld [tilespmem:s19+$0x71A0]  }
0x1bc: {  	[tilespmem:s19+$0x14120] =	vst v0  }
0x1bd: {  	[tilespmem:s19+$0x14130] =	vst v1  }
0x1be: {  	[tilespmem:s19+$0x14180] =	vst v2  }
0x1bf: {  	[tilespmem:s19+$0x14190] =	vst v3  }
0x1c0: {  	[tilespmem:s19+$0x141A0] =	vst v4  }
0x1c1: {  	v0 =	vld [tilespmem:s14+$0xA5B0]  }
0x1c2: {  	v1 =	vld [tilespmem:s14+$0xA400]  }
0x1c3: {  	v2 =	vld [tilespmem:s14+$0xA410]  }
0x1c4: {  	v3 =	vld [tilespmem:s14+$0xA420]  }
0x1c5: {  	v4 =	vld [tilespmem:s14+$0xA430]  }
0x1c6: {  	v5 =	vld [tilespmem:s14+$0xA480];
	[tilespmem:s14+$0x175B0] =	vst v0  }
0x1c7: {  	[tilespmem:s14+$0x17400] =	vst v1;
	v0 =	vld [tilespmem:s14+$0xA490]  }
0x1c8: {  	[tilespmem:s14+$0x17410] =	vst v2;
	v1 =	vld [tilespmem:s14+$0xA4A0]  }
0x1c9: {  	[tilespmem:s14+$0x17420] =	vst v3;
	v2 =	vld [tilespmem:s14+$0xA4B0]  }
0x1ca: {  	[tilespmem:s14+$0x17430] =	vst v4;
	v3 =	vld [tilespmem:s14+$0xA500]  }
0x1cb: {  	[tilespmem:s14+$0x17480] =	vst v5;
	v4 =	vld [tilespmem:s14+$0xA510]  }
0x1cc: {  	[tilespmem:s14+$0x17490] =	vst v0;
	v0 =	vld [tilespmem:s14+$0xA520]  }
0x1cd: {  	[tilespmem:s14+$0x174A0] =	vst v1;
	v1 =	vld [tilespmem:s14+$0xA530]  }
0x1ce: {  	[tilespmem:s14+$0x174B0] =	vst v2;
	v2 =	vld [tilespmem:s14+$0xA580]  }
0x1cf: {  	[tilespmem:s14+$0x17500] =	vst v3;
	v3 =	vld [tilespmem:s14+$0xA590]  }
0x1d0: {  	s17 =	simm.s32 $0x200;
	s19 =	simm.s32 $0x1000;
	[tilespmem:s14+$0x17510] =	vst v4;
	v4 =	vld [tilespmem:s14+$0xA5A0]  }
.LBB2_17:
0x1d1: {  	p0 =	sne.s32 s19, $0xC000;
	v5 =	vld [tilespmem:s17+$0xA5B0];
	[tilespmem:s14+$0x17520] =	vst v0  }
0x1d2: {  	v0 =	vld [tilespmem:s17+$0xA400];
	[tilespmem:s14+$0x17530] =	vst v1  }
0x1d3: {  	v1 =	vld [tilespmem:s17+$0xA410];
	[tilespmem:s14+$0x17580] =	vst v2  }
0x1d4: {  	v2 =	vld [tilespmem:s17+$0xA420];
	[tilespmem:s14+$0x17590] =	vst v3  }
0x1d5: {  	v3 =	vld [tilespmem:s17+$0xA430];
	[tilespmem:s14+$0x175A0] =	vst v4;
	s14 =	smov.u32 s17  }
0x1d6: {  	v4 =	vld [tilespmem:s14+$0xA480];
	[tilespmem:s14+$0x175B0] =	vst v5  }
0x1d7: {  	[tilespmem:s14+$0x17400] =	vst v0;
	v0 =	vld [tilespmem:s14+$0xA490]  }
0x1d8: {  	[tilespmem:s14+$0x17410] =	vst v1;
	v1 =	vld [tilespmem:s14+$0xA4A0]  }
0x1d9: {  	[tilespmem:s14+$0x17420] =	vst v2;
	v2 =	vld [tilespmem:s14+$0xA4B0]  }
0x1da: {  	[tilespmem:s14+$0x17430] =	vst v3;
	v3 =	vld [tilespmem:s14+$0xA500]  }
0x1db: {  	[tilespmem:s14+$0x17480] =	vst v4;
	v4 =	vld [tilespmem:s14+$0xA510]  }
.Ltmp7:
0x1dc: {  	[tilespmem:s14+$0x17490] =	vst v0;
	v0 =	vld [tilespmem:s14+$0xA520];
	(pc) =	sbr.rel @p0 .LBB2_17-.Ltmp7, $4  }
0x1dd: {  	[tilespmem:s14+$0x174A0] =	vst v1;
	v1 =	vld [tilespmem:s14+$0xA530]  }
0x1de: {  	[tilespmem:s14+$0x174B0] =	vst v2;
	v2 =	vld [tilespmem:s14+$0xA580]  }
0x1df: {  	[tilespmem:s14+$0x17500] =	vst v3;
	v3 =	vld [tilespmem:s14+$0xA590]  }
0x1e0: {  	s17 =	sshra.s32 s19, $0x2;
	s19 =	sadd.s32 $0x800, s19;
	[tilespmem:s14+$0x17510] =	vst v4;
	v4 =	vld [tilespmem:s14+$0xA5A0]  }
0x1e1: {  	v5 =	vld [tilespmem:s17+$0xA5B0];
	[tilespmem:s14+$0x17520] =	vst v0  }
0x1e2: {  	v0 =	vld [tilespmem:s17+$0xA400];
	[tilespmem:s14+$0x17530] =	vst v1  }
0x1e3: {  	v1 =	vld [tilespmem:s17+$0xA410];
	[tilespmem:s14+$0x17580] =	vst v2  }
0x1e4: {  	v2 =	vld [tilespmem:s17+$0xA420];
	[tilespmem:s14+$0x17590] =	vst v3  }
0x1e5: {  	v3 =	vld [tilespmem:s17+$0xA430];
	[tilespmem:s14+$0x175A0] =	vst v4  }
0x1e6: {  	v4 =	vld [tilespmem:s17+$0xA480];
	[tilespmem:s17+$0x175B0] =	vst v5  }
0x1e7: {  	[tilespmem:s17+$0x17400] =	vst v0;
	v0 =	vld [tilespmem:s17+$0xA490]  }
0x1e8: {  	[tilespmem:s17+$0x17410] =	vst v1;
	v1 =	vld [tilespmem:s17+$0xA4A0]  }
0x1e9: {  	[tilespmem:s17+$0x17420] =	vst v2;
	v2 =	vld [tilespmem:s17+$0xA4B0]  }
0x1ea: {  	[tilespmem:s17+$0x17430] =	vst v3;
	v3 =	vld [tilespmem:s17+$0xA500]  }
0x1eb: {  	[tilespmem:s17+$0x17480] =	vst v4;
	v4 =	vld [tilespmem:s17+$0xA510]  }
0x1ec: {  	[tilespmem:s17+$0x17490] =	vst v0;
	v0 =	vld [tilespmem:s17+$0xA520]  }
0x1ed: {  	[tilespmem:s17+$0x174A0] =	vst v1;
	v1 =	vld [tilespmem:s17+$0xA530]  }
0x1ee: {  	[tilespmem:s17+$0x174B0] =	vst v2;
	v2 =	vld [tilespmem:s17+$0xA580]  }
0x1ef: {  	[tilespmem:s17+$0x17500] =	vst v3;
	v3 =	vld [tilespmem:s17+$0xA590]  }
0x1f0: {  	[tilespmem:s17+$0x17510] =	vst v4;
	v4 =	vld [tilespmem:s17+$0xA5A0]  }
0x1f1: {  	[tilespmem:s17+$0x17520] =	vst v0  }
0x1f2: {  	[tilespmem:s17+$0x17530] =	vst v1  }
0x1f3: {  	[tilespmem:s17+$0x17580] =	vst v2  }
0x1f4: {  	[tilespmem:s17+$0x17590] =	vst v3  }
0x1f5: {  	s24 =	sadd.s32 $0x2700, s10;
	[tilespmem:s17+$0x175A0] =	vst v4  }
0x1f6: {  	[hbm4b:s24+s2] =	stream.linear.scatter [tilespmem:s28], [sflag:$0x4], $0x3200, $0x38;
	[tilespmem:$0x1A800] =	vst v63  }
0x1f7: {  	s14 =	sadd.s32 $0x2D80, s10  }
0x1f8: {  	[hbm4b:s14+s2] =	stream.linear.scatter [tilespmem:s29], [sflag:$0x4], $0x3200, $0x38;
	[tilespmem:$0x1A800] =	vst v63  }
0x1f9: {  	_ =	swait.ge [sflag:s0], $0x6400  }
0x1fa: {  	[sflag:s0] =	ssyncset.done $0x0  }
0x1fb: {  	[sflag:s0] =	ssyncadd.s32 $0xFFFF9C00  }
0x1fc: {  	_ =	swait.ge [sflag:s3], $0x6400  }
0x1fd: {  	[sflag:s3] =	ssyncset.done $0x0  }
0x1fe: {  	[sflag:s3] =	ssyncadd.s32 $0xFFFF9C00  }
0x1ff: {  	_ =	swait.ge [sflag:s11], $0x400  }
0x200: {  	p0 =	seq.s32 s30, $0x1F;
	[sflag:s11] =	ssyncset.done $0x0  }
0x201: {  	s8 =	sadd.s32 @!p0 s8, s9;
	[sflag:s11] =	ssyncadd.s32 $0xFFFFFC00  }
0x202: {  	[tilespmem:s13], [sflag:$0x1] =	stream.indirect.gather [hbm4b:s4+s12], $0x80, s16, s12, $0xb8;
	[tilespmem:$0x1A800] =	vst v63  }
0x203: {  	s8 =	sshll.u32 @!p0 s8, $0x7;
	s17 =	simm.s32 $0x480  }
0x204: {  	[tilespmem:s15], [sflag:$0x1] =	stream.indirect.gather [hbm4b:s4+s12], $0x80, s17, s12, $0xb8;
	[tilespmem:$0x1A800] =	vst v63  }
0x205: {  	s8 =	sadd.s32 @!p0 s1, s8;
	s10 =	simm.s32 @!p0 $0x0  }
0x206: {  	[tilespmem:s10], [sflag:$0x5] =	stream.linear.gather @!p0 [hbm4b:s8+s10], $0x400, $0x38;
	[tilespmem:$0x1A800] =	vst v63  }
0x207: {  	s19 =	simm.s32 $0x500  }
0x208: {  	[tilespmem:s18], [sflag:$0x2] =	stream.indirect.gather [hbm4b:s4+s12], $0x80, s19, s12, $0xb8;
	[tilespmem:$0x1A800] =	vst v63  }
0x209: {  	s24 =	simm.s32 $0x580  }
0x20a: {  	[tilespmem:s20], [sflag:$0x2] =	stream.indirect.gather [hbm4b:s4+s12], $0x80, s24, s12, $0xb8;
	[tilespmem:$0x1A800] =	vst v63  }
0x20b: {  	_ =	swait.ge [sflag:s21], $0x3200  }
0x20c: {  	[sflag:s21] =	ssyncset.done $0x0  }
0x20d: {  	[sflag:s21] =	ssyncadd.s32 $0xFFFFCE00  }
0x20e: {  	_ =	swait.ge [sflag:s21], $0x3200  }
0x20f: {  	[sflag:s21] =	ssyncset.done $0x0  }
0x210: {  	s10 =	simm.s32 $0x0;
	[sflag:s21] =	ssyncadd.s32 $0xFFFFCE00  }
0x211: {  	v0 =	vld [tilespmem:s10+$0x9B0]  }
0x212: {  	v1 =	vld [tilespmem:s10+$0x800]  }
0x213: {  	v2 =	vld [tilespmem:s10+$0x810]  }
0x214: {  	v3 =	vld [tilespmem:s10+$0x820]  }
0x215: {  	v4 =	vld [tilespmem:s10+$0x830]  }
0x216: {  	v5 =	vld [tilespmem:s10+$0x880];
	[tilespmem:s10+$0xD9B0] =	vst v0  }
0x217: {  	[tilespmem:s10+$0xD800] =	vst v1;
	v0 =	vld [tilespmem:s10+$0x890]  }
0x218: {  	[tilespmem:s10+$0xD810] =	vst v2;
	v1 =	vld [tilespmem:s10+$0x8A0]  }
0x219: {  	[tilespmem:s10+$0xD820] =	vst v3;
	v2 =	vld [tilespmem:s10+$0x8B0]  }
0x21a: {  	[tilespmem:s10+$0xD830] =	vst v4;
	v3 =	vld [tilespmem:s10+$0x900]  }
0x21b: {  	[tilespmem:s10+$0xD880] =	vst v5;
	v4 =	vld [tilespmem:s10+$0x910]  }
0x21c: {  	[tilespmem:s10+$0xD890] =	vst v0;
	v0 =	vld [tilespmem:s10+$0x920]  }
0x21d: {  	[tilespmem:s10+$0xD8A0] =	vst v1;
	v1 =	vld [tilespmem:s10+$0x930]  }
0x21e: {  	[tilespmem:s10+$0xD8B0] =	vst v2;
	v2 =	vld [tilespmem:s10+$0x980]  }
0x21f: {  	s31 =	sshll.u32 s31, $0x3;
	s14 =	simm.s32 $0x0;
	[tilespmem:s10+$0xD900] =	vst v3;
	v3 =	vld [tilespmem:s10+$0x990]  }
0x220: {  	s17 =	simm.s32 $0x200;
	s8 =	sadd.s32 s6, s31;
	s19 =	simm.s32 $0x1000;
	[tilespmem:s10+$0xD910] =	vst v4;
	v4 =	vld [tilespmem:s10+$0x9A0]  }
.LBB2_19:
0x221: {  	p0 =	sne.s32 s19, $0xC000;
	v5 =	vld [tilespmem:s17+$0x9B0];
	[tilespmem:s14+$0xD920] =	vst v0  }
0x222: {  	v0 =	vld [tilespmem:s17+$0x800];
	[tilespmem:s14+$0xD930] =	vst v1  }
0x223: {  	v1 =	vld [tilespmem:s17+$0x810];
	[tilespmem:s14+$0xD980] =	vst v2  }
0x224: {  	v2 =	vld [tilespmem:s17+$0x820];
	[tilespmem:s14+$0xD990] =	vst v3  }
0x225: {  	v3 =	vld [tilespmem:s17+$0x830];
	[tilespmem:s14+$0xD9A0] =	vst v4;
	s14 =	smov.u32 s17  }
0x226: {  	v4 =	vld [tilespmem:s14+$0x880];
	[tilespmem:s14+$0xD9B0] =	vst v5  }
0x227: {  	[tilespmem:s14+$0xD800] =	vst v0;
	v0 =	vld [tilespmem:s14+$0x890]  }
0x228: {  	[tilespmem:s14+$0xD810] =	vst v1;
	v1 =	vld [tilespmem:s14+$0x8A0]  }
0x229: {  	[tilespmem:s14+$0xD820] =	vst v2;
	v2 =	vld [tilespmem:s14+$0x8B0]  }
0x22a: {  	[tilespmem:s14+$0xD830] =	vst v3;
	v3 =	vld [tilespmem:s14+$0x900]  }
0x22b: {  	[tilespmem:s14+$0xD880] =	vst v4;
	v4 =	vld [tilespmem:s14+$0x910]  }
.Ltmp8:
0x22c: {  	[tilespmem:s14+$0xD890] =	vst v0;
	v0 =	vld [tilespmem:s14+$0x920];
	(pc) =	sbr.rel @p0 .LBB2_19-.Ltmp8, $4  }
0x22d: {  	[tilespmem:s14+$0xD8A0] =	vst v1;
	v1 =	vld [tilespmem:s14+$0x930]  }
0x22e: {  	[tilespmem:s14+$0xD8B0] =	vst v2;
	v2 =	vld [tilespmem:s14+$0x980]  }
0x22f: {  	[tilespmem:s14+$0xD900] =	vst v3;
	v3 =	vld [tilespmem:s14+$0x990]  }
0x230: {  	s17 =	sshra.s32 s19, $0x2;
	s19 =	sadd.s32 $0x800, s19;
	[tilespmem:s14+$0xD910] =	vst v4;
	v4 =	vld [tilespmem:s14+$0x9A0]  }
0x231: {  	v5 =	vld [tilespmem:s17+$0x9B0];
	[tilespmem:s14+$0xD920] =	vst v0  }
0x232: {  	v0 =	vld [tilespmem:s17+$0x800];
	[tilespmem:s14+$0xD930] =	vst v1  }
0x233: {  	v1 =	vld [tilespmem:s17+$0x810];
	[tilespmem:s14+$0xD980] =	vst v2  }
0x234: {  	v2 =	vld [tilespmem:s17+$0x820];
	[tilespmem:s14+$0xD990] =	vst v3  }
0x235: {  	v3 =	vld [tilespmem:s17+$0x830];
	[tilespmem:s14+$0xD9A0] =	vst v4  }
0x236: {  	v4 =	vld [tilespmem:s17+$0x880];
	[tilespmem:s17+$0xD9B0] =	vst v5  }
0x237: {  	[tilespmem:s17+$0xD800] =	vst v0;
	v0 =	vld [tilespmem:s17+$0x890]  }
0x238: {  	[tilespmem:s17+$0xD810] =	vst v1;
	v1 =	vld [tilespmem:s17+$0x8A0]  }
0x239: {  	[tilespmem:s17+$0xD820] =	vst v2;
	v2 =	vld [tilespmem:s17+$0x8B0]  }
0x23a: {  	[tilespmem:s17+$0xD830] =	vst v3;
	v3 =	vld [tilespmem:s17+$0x900]  }
0x23b: {  	[tilespmem:s17+$0xD880] =	vst v4;
	v4 =	vld [tilespmem:s17+$0x910]  }
0x23c: {  	[tilespmem:s17+$0xD890] =	vst v0;
	v0 =	vld [tilespmem:s17+$0x920]  }
0x23d: {  	[tilespmem:s17+$0xD8A0] =	vst v1;
	v1 =	vld [tilespmem:s17+$0x930]  }
0x23e: {  	[tilespmem:s17+$0xD8B0] =	vst v2;
	v2 =	vld [tilespmem:s17+$0x980]  }
0x23f: {  	[tilespmem:s17+$0xD900] =	vst v3;
	v3 =	vld [tilespmem:s17+$0x990]  }
0x240: {  	[tilespmem:s17+$0xD910] =	vst v4;
	v4 =	vld [tilespmem:s17+$0x9A0]  }
0x241: {  	[tilespmem:s17+$0xD920] =	vst v0  }
0x242: {  	[tilespmem:s17+$0xD930] =	vst v1  }
0x243: {  	[tilespmem:s17+$0xD980] =	vst v2  }
0x244: {  	[tilespmem:s17+$0xD990] =	vst v3  }
0x245: {  	[tilespmem:s17+$0xD9A0] =	vst v4  }
0x246: {  	v0 =	vld [tilespmem:s10+$0x3DB0]  }
0x247: {  	v1 =	vld [tilespmem:s10+$0x3C00]  }
0x248: {  	v2 =	vld [tilespmem:s10+$0x3C10]  }
0x249: {  	v3 =	vld [tilespmem:s10+$0x3C20]  }
0x24a: {  	v4 =	vld [tilespmem:s10+$0x3C30]  }
0x24b: {  	v5 =	vld [tilespmem:s10+$0x3C80];
	[tilespmem:s10+$0x10DB0] =	vst v0  }
0x24c: {  	[tilespmem:s10+$0x10C00] =	vst v1;
	v0 =	vld [tilespmem:s10+$0x3C90]  }
0x24d: {  	[tilespmem:s10+$0x10C10] =	vst v2;
	v1 =	vld [tilespmem:s10+$0x3CA0]  }
0x24e: {  	[tilespmem:s10+$0x10C20] =	vst v3;
	v2 =	vld [tilespmem:s10+$0x3CB0]  }
0x24f: {  	[tilespmem:s10+$0x10C30] =	vst v4;
	v3 =	vld [tilespmem:s10+$0x3D00]  }
0x250: {  	[tilespmem:s10+$0x10C80] =	vst v5;
	v4 =	vld [tilespmem:s10+$0x3D10]  }
0x251: {  	[tilespmem:s10+$0x10C90] =	vst v0;
	v0 =	vld [tilespmem:s10+$0x3D20]  }
0x252: {  	[tilespmem:s10+$0x10CA0] =	vst v1;
	v1 =	vld [tilespmem:s10+$0x3D30]  }
0x253: {  	[tilespmem:s10+$0x10CB0] =	vst v2;
	v2 =	vld [tilespmem:s10+$0x3D80]  }
0x254: {  	[tilespmem:s10+$0x10D00] =	vst v3;
	v3 =	vld [tilespmem:s10+$0x3D90]  }
0x255: {  	s14 =	simm.s32 $0x200;
	s17 =	simm.s32 $0x1000;
	[tilespmem:s10+$0x10D10] =	vst v4;
	v4 =	vld [tilespmem:s10+$0x3DA0]  }
.LBB2_21:
0x256: {  	p0 =	sne.s32 s17, $0xC000;
	v5 =	vld [tilespmem:s14+$0x3DB0];
	[tilespmem:s10+$0x10D20] =	vst v0  }
0x257: {  	v0 =	vld [tilespmem:s14+$0x3C00];
	[tilespmem:s10+$0x10D30] =	vst v1  }
0x258: {  	v1 =	vld [tilespmem:s14+$0x3C10];
	[tilespmem:s10+$0x10D80] =	vst v2  }
0x259: {  	v2 =	vld [tilespmem:s14+$0x3C20];
	[tilespmem:s10+$0x10D90] =	vst v3  }
0x25a: {  	v3 =	vld [tilespmem:s14+$0x3C30];
	[tilespmem:s10+$0x10DA0] =	vst v4;
	s10 =	smov.u32 s14  }
0x25b: {  	v4 =	vld [tilespmem:s10+$0x3C80];
	[tilespmem:s10+$0x10DB0] =	vst v5  }
0x25c: {  	[tilespmem:s10+$0x10C00] =	vst v0;
	v0 =	vld [tilespmem:s10+$0x3C90]  }
0x25d: {  	[tilespmem:s10+$0x10C10] =	vst v1;
	v1 =	vld [tilespmem:s10+$0x3CA0]  }
0x25e: {  	[tilespmem:s10+$0x10C20] =	vst v2;
	v2 =	vld [tilespmem:s10+$0x3CB0]  }
0x25f: {  	[tilespmem:s10+$0x10C30] =	vst v3;
	v3 =	vld [tilespmem:s10+$0x3D00]  }
0x260: {  	[tilespmem:s10+$0x10C80] =	vst v4;
	v4 =	vld [tilespmem:s10+$0x3D10]  }
.Ltmp9:
0x261: {  	[tilespmem:s10+$0x10C90] =	vst v0;
	v0 =	vld [tilespmem:s10+$0x3D20];
	(pc) =	sbr.rel @p0 .LBB2_21-.Ltmp9, $4  }
0x262: {  	[tilespmem:s10+$0x10CA0] =	vst v1;
	v1 =	vld [tilespmem:s10+$0x3D30]  }
0x263: {  	[tilespmem:s10+$0x10CB0] =	vst v2;
	v2 =	vld [tilespmem:s10+$0x3D80]  }
0x264: {  	[tilespmem:s10+$0x10D00] =	vst v3;
	v3 =	vld [tilespmem:s10+$0x3D90]  }
0x265: {  	s14 =	sshra.s32 s17, $0x2;
	s17 =	sadd.s32 $0x800, s17;
	[tilespmem:s10+$0x10D10] =	vst v4;
	v4 =	vld [tilespmem:s10+$0x3DA0]  }
0x266: {  	v5 =	vld [tilespmem:s14+$0x3DB0];
	[tilespmem:s10+$0x10D20] =	vst v0  }
0x267: {  	v0 =	vld [tilespmem:s14+$0x3C00];
	[tilespmem:s10+$0x10D30] =	vst v1  }
0x268: {  	v1 =	vld [tilespmem:s14+$0x3C10];
	[tilespmem:s10+$0x10D80] =	vst v2  }
0x269: {  	v2 =	vld [tilespmem:s14+$0x3C20];
	[tilespmem:s10+$0x10D90] =	vst v3  }
0x26a: {  	v3 =	vld [tilespmem:s14+$0x3C30];
	[tilespmem:s10+$0x10DA0] =	vst v4  }
0x26b: {  	v4 =	vld [tilespmem:s14+$0x3C80];
	[tilespmem:s14+$0x10DB0] =	vst v5  }
0x26c: {  	[tilespmem:s14+$0x10C00] =	vst v0;
	v0 =	vld [tilespmem:s14+$0x3C90]  }
0x26d: {  	[tilespmem:s14+$0x10C10] =	vst v1;
	v1 =	vld [tilespmem:s14+$0x3CA0]  }
0x26e: {  	[tilespmem:s14+$0x10C20] =	vst v2;
	v2 =	vld [tilespmem:s14+$0x3CB0]  }
0x26f: {  	[tilespmem:s14+$0x10C30] =	vst v3;
	v3 =	vld [tilespmem:s14+$0x3D00]  }
0x270: {  	[tilespmem:s14+$0x10C80] =	vst v4;
	v4 =	vld [tilespmem:s14+$0x3D10]  }
0x271: {  	[tilespmem:s14+$0x10C90] =	vst v0;
	v0 =	vld [tilespmem:s14+$0x3D20]  }
0x272: {  	[tilespmem:s14+$0x10CA0] =	vst v1;
	v1 =	vld [tilespmem:s14+$0x3D30]  }
0x273: {  	[tilespmem:s14+$0x10CB0] =	vst v2;
	v2 =	vld [tilespmem:s14+$0x3D80]  }
0x274: {  	[tilespmem:s14+$0x10D00] =	vst v3;
	v3 =	vld [tilespmem:s14+$0x3D90]  }
0x275: {  	[tilespmem:s14+$0x10D10] =	vst v4;
	v4 =	vld [tilespmem:s14+$0x3DA0]  }
0x276: {  	[tilespmem:s14+$0x10D20] =	vst v0  }
0x277: {  	[tilespmem:s14+$0x10D30] =	vst v1  }
0x278: {  	s17 =	smul.u32 $0x680, s8;
	[tilespmem:s14+$0x10D80] =	vst v2  }
0x279: {  	[tilespmem:s14+$0x10D90] =	vst v3  }
0x27a: {  	s19 =	simm.s32 $0x0;
	s10 =	sadd.s32 s5, s17;
	[tilespmem:s14+$0x10DA0] =	vst v4  }
0x27b: {  	[hbm4b:s10+s19] =	stream.linear.scatter [tilespmem:s22], [sflag:$0x3], $0x3200, $0x38;
	[tilespmem:$0x1A800] =	vst v63  }
0x27c: {  	s10 =	sadd.s32 $0x680, s10  }
0x27d: {  	[hbm4b:s10+s19] =	stream.linear.scatter [tilespmem:s23], [sflag:$0x3], $0x3200, $0x38;
	[tilespmem:$0x1A800] =	vst v63  }
0x27e: {  	s24 =	simm.s32 $0x600  }
0x27f: {  	[tilespmem:s13], [sflag:$0x1] =	stream.indirect.gather [hbm4b:s4+s12], $0x80, s24, s12, $0xb8;
	[tilespmem:$0x1A800] =	vst v63  }
0x280: {  	s31 =	simm.s32 $0x680  }
0x281: {  	[tilespmem:s15], [sflag:$0x1] =	stream.indirect.gather [hbm4b:s4+s12], $0x80, s31, s12, $0xb8;
	[tilespmem:$0x1A800] =	vst v63  }
0x282: {  	_ =	swait.ge [sflag:s26], $0x3200  }
0x283: {  	[sflag:s26] =	ssyncset.done $0x0  }
0x284: {  	[sflag:s26] =	ssyncadd.s32 $0xFFFFCE00  }
0x285: {  	_ =	swait.ge [sflag:s26], $0x3200  }
0x286: {  	[sflag:s26] =	ssyncset.done $0x0  }
0x287: {  	s10 =	simm.s32 $0x0;
	[sflag:s26] =	ssyncadd.s32 $0xFFFFCE00  }
0x288: {  	v0 =	vld [tilespmem:s10+$0x71B0]  }
0x289: {  	v1 =	vld [tilespmem:s10+$0x7000]  }
0x28a: {  	v2 =	vld [tilespmem:s10+$0x7010]  }
0x28b: {  	v3 =	vld [tilespmem:s10+$0x7020]  }
0x28c: {  	v4 =	vld [tilespmem:s10+$0x7030]  }
0x28d: {  	v5 =	vld [tilespmem:s10+$0x7080];
	[tilespmem:s10+$0x141B0] =	vst v0  }
0x28e: {  	[tilespmem:s10+$0x14000] =	vst v1;
	v0 =	vld [tilespmem:s10+$0x7090]  }
0x28f: {  	[tilespmem:s10+$0x14010] =	vst v2;
	v1 =	vld [tilespmem:s10+$0x70A0]  }
0x290: {  	[tilespmem:s10+$0x14020] =	vst v3;
	v2 =	vld [tilespmem:s10+$0x70B0]  }
0x291: {  	[tilespmem:s10+$0x14030] =	vst v4;
	v3 =	vld [tilespmem:s10+$0x7100]  }
0x292: {  	[tilespmem:s10+$0x14080] =	vst v5;
	v4 =	vld [tilespmem:s10+$0x7110]  }
0x293: {  	[tilespmem:s10+$0x14090] =	vst v0;
	v0 =	vld [tilespmem:s10+$0x7120]  }
0x294: {  	[tilespmem:s10+$0x140A0] =	vst v1;
	v1 =	vld [tilespmem:s10+$0x7130]  }
0x295: {  	[tilespmem:s10+$0x140B0] =	vst v2;
	v2 =	vld [tilespmem:s10+$0x7180]  }
0x296: {  	[tilespmem:s10+$0x14100] =	vst v3;
	v3 =	vld [tilespmem:s10+$0x7190]  }
0x297: {  	s17 =	simm.s32 $0x200;
	s14 =	simm.s32 $0x0;
	s19 =	simm.s32 $0x1000;
	[tilespmem:s10+$0x14110] =	vst v4;
	v4 =	vld [tilespmem:s10+$0x71A0]  }
.LBB2_23:
0x298: {  	p0 =	sne.s32 s19, $0xC000;
	v5 =	vld [tilespmem:s17+$0x71B0];
	[tilespmem:s14+$0x14120] =	vst v0  }
0x299: {  	v0 =	vld [tilespmem:s17+$0x7000];
	[tilespmem:s14+$0x14130] =	vst v1  }
0x29a: {  	v1 =	vld [tilespmem:s17+$0x7010];
	[tilespmem:s14+$0x14180] =	vst v2  }
0x29b: {  	v2 =	vld [tilespmem:s17+$0x7020];
	[tilespmem:s14+$0x14190] =	vst v3  }
0x29c: {  	v3 =	vld [tilespmem:s17+$0x7030];
	[tilespmem:s14+$0x141A0] =	vst v4;
	s14 =	smov.u32 s17  }
0x29d: {  	v4 =	vld [tilespmem:s14+$0x7080];
	[tilespmem:s14+$0x141B0] =	vst v5  }
0x29e: {  	[tilespmem:s14+$0x14000] =	vst v0;
	v0 =	vld [tilespmem:s14+$0x7090]  }
0x29f: {  	[tilespmem:s14+$0x14010] =	vst v1;
	v1 =	vld [tilespmem:s14+$0x70A0]  }
0x2a0: {  	[tilespmem:s14+$0x14020] =	vst v2;
	v2 =	vld [tilespmem:s14+$0x70B0]  }
0x2a1: {  	[tilespmem:s14+$0x14030] =	vst v3;
	v3 =	vld [tilespmem:s14+$0x7100]  }
0x2a2: {  	[tilespmem:s14+$0x14080] =	vst v4;
	v4 =	vld [tilespmem:s14+$0x7110]  }
.Ltmp10:
0x2a3: {  	[tilespmem:s14+$0x14090] =	vst v0;
	v0 =	vld [tilespmem:s14+$0x7120];
	(pc) =	sbr.rel @p0 .LBB2_23-.Ltmp10, $4  }
0x2a4: {  	[tilespmem:s14+$0x140A0] =	vst v1;
	v1 =	vld [tilespmem:s14+$0x7130]  }
0x2a5: {  	[tilespmem:s14+$0x140B0] =	vst v2;
	v2 =	vld [tilespmem:s14+$0x7180]  }
0x2a6: {  	[tilespmem:s14+$0x14100] =	vst v3;
	v3 =	vld [tilespmem:s14+$0x7190]  }
0x2a7: {  	s17 =	sshra.s32 s19, $0x2;
	s19 =	sadd.s32 $0x800, s19;
	[tilespmem:s14+$0x14110] =	vst v4;
	v4 =	vld [tilespmem:s14+$0x71A0]  }
0x2a8: {  	v5 =	vld [tilespmem:s17+$0x71B0];
	[tilespmem:s14+$0x14120] =	vst v0  }
0x2a9: {  	v0 =	vld [tilespmem:s17+$0x7000];
	[tilespmem:s14+$0x14130] =	vst v1  }
0x2aa: {  	v1 =	vld [tilespmem:s17+$0x7010];
	[tilespmem:s14+$0x14180] =	vst v2  }
0x2ab: {  	v2 =	vld [tilespmem:s17+$0x7020];
	[tilespmem:s14+$0x14190] =	vst v3  }
0x2ac: {  	v3 =	vld [tilespmem:s17+$0x7030];
	[tilespmem:s14+$0x141A0] =	vst v4  }
0x2ad: {  	v4 =	vld [tilespmem:s17+$0x7080];
	[tilespmem:s17+$0x141B0] =	vst v5  }
0x2ae: {  	[tilespmem:s17+$0x14000] =	vst v0;
	v0 =	vld [tilespmem:s17+$0x7090]  }
0x2af: {  	[tilespmem:s17+$0x14010] =	vst v1;
	v1 =	vld [tilespmem:s17+$0x70A0]  }
0x2b0: {  	[tilespmem:s17+$0x14020] =	vst v2;
	v2 =	vld [tilespmem:s17+$0x70B0]  }
0x2b1: {  	[tilespmem:s17+$0x14030] =	vst v3;
	v3 =	vld [tilespmem:s17+$0x7100]  }
0x2b2: {  	[tilespmem:s17+$0x14080] =	vst v4;
	v4 =	vld [tilespmem:s17+$0x7110]  }
0x2b3: {  	[tilespmem:s17+$0x14090] =	vst v0;
	v0 =	vld [tilespmem:s17+$0x7120]  }
0x2b4: {  	[tilespmem:s17+$0x140A0] =	vst v1;
	v1 =	vld [tilespmem:s17+$0x7130]  }
0x2b5: {  	[tilespmem:s17+$0x140B0] =	vst v2;
	v2 =	vld [tilespmem:s17+$0x7180]  }
0x2b6: {  	[tilespmem:s17+$0x14100] =	vst v3;
	v3 =	vld [tilespmem:s17+$0x7190]  }
0x2b7: {  	[tilespmem:s17+$0x14110] =	vst v4;
	v4 =	vld [tilespmem:s17+$0x71A0]  }
0x2b8: {  	[tilespmem:s17+$0x14120] =	vst v0  }
0x2b9: {  	[tilespmem:s17+$0x14130] =	vst v1  }
0x2ba: {  	[tilespmem:s17+$0x14180] =	vst v2  }
0x2bb: {  	[tilespmem:s17+$0x14190] =	vst v3  }
0x2bc: {  	[tilespmem:s17+$0x141A0] =	vst v4  }
0x2bd: {  	v0 =	vld [tilespmem:s10+$0xA5B0]  }
0x2be: {  	v1 =	vld [tilespmem:s10+$0xA400]  }
0x2bf: {  	v2 =	vld [tilespmem:s10+$0xA410]  }
0x2c0: {  	v3 =	vld [tilespmem:s10+$0xA420]  }
0x2c1: {  	v4 =	vld [tilespmem:s10+$0xA430]  }
0x2c2: {  	v5 =	vld [tilespmem:s10+$0xA480];
	[tilespmem:s10+$0x175B0] =	vst v0  }
0x2c3: {  	[tilespmem:s10+$0x17400] =	vst v1;
	v0 =	vld [tilespmem:s10+$0xA490]  }
0x2c4: {  	[tilespmem:s10+$0x17410] =	vst v2;
	v1 =	vld [tilespmem:s10+$0xA4A0]  }
0x2c5: {  	[tilespmem:s10+$0x17420] =	vst v3;
	v2 =	vld [tilespmem:s10+$0xA4B0]  }
0x2c6: {  	[tilespmem:s10+$0x17430] =	vst v4;
	v3 =	vld [tilespmem:s10+$0xA500]  }
0x2c7: {  	[tilespmem:s10+$0x17480] =	vst v5;
	v4 =	vld [tilespmem:s10+$0xA510]  }
0x2c8: {  	[tilespmem:s10+$0x17490] =	vst v0;
	v0 =	vld [tilespmem:s10+$0xA520]  }
0x2c9: {  	[tilespmem:s10+$0x174A0] =	vst v1;
	v1 =	vld [tilespmem:s10+$0xA530]  }
0x2ca: {  	[tilespmem:s10+$0x174B0] =	vst v2;
	v2 =	vld [tilespmem:s10+$0xA580]  }
0x2cb: {  	[tilespmem:s10+$0x17500] =	vst v3;
	v3 =	vld [tilespmem:s10+$0xA590]  }
0x2cc: {  	s14 =	simm.s32 $0x200;
	s17 =	simm.s32 $0x1000;
	[tilespmem:s10+$0x17510] =	vst v4;
	v4 =	vld [tilespmem:s10+$0xA5A0]  }
.LBB2_25:
0x2cd: {  	p0 =	sne.s32 s17, $0xC000;
	v5 =	vld [tilespmem:s14+$0xA5B0];
	[tilespmem:s10+$0x17520] =	vst v0  }
0x2ce: {  	v0 =	vld [tilespmem:s14+$0xA400];
	[tilespmem:s10+$0x17530] =	vst v1  }
0x2cf: {  	v1 =	vld [tilespmem:s14+$0xA410];
	[tilespmem:s10+$0x17580] =	vst v2  }
0x2d0: {  	v2 =	vld [tilespmem:s14+$0xA420];
	[tilespmem:s10+$0x17590] =	vst v3  }
0x2d1: {  	v3 =	vld [tilespmem:s14+$0xA430];
	[tilespmem:s10+$0x175A0] =	vst v4;
	s10 =	smov.u32 s14  }
0x2d2: {  	v4 =	vld [tilespmem:s10+$0xA480];
	[tilespmem:s10+$0x175B0] =	vst v5  }
0x2d3: {  	[tilespmem:s10+$0x17400] =	vst v0;
	v0 =	vld [tilespmem:s10+$0xA490]  }
0x2d4: {  	[tilespmem:s10+$0x17410] =	vst v1;
	v1 =	vld [tilespmem:s10+$0xA4A0]  }
0x2d5: {  	[tilespmem:s10+$0x17420] =	vst v2;
	v2 =	vld [tilespmem:s10+$0xA4B0]  }
0x2d6: {  	[tilespmem:s10+$0x17430] =	vst v3;
	v3 =	vld [tilespmem:s10+$0xA500]  }
0x2d7: {  	[tilespmem:s10+$0x17480] =	vst v4;
	v4 =	vld [tilespmem:s10+$0xA510]  }
.Ltmp11:
0x2d8: {  	[tilespmem:s10+$0x17490] =	vst v0;
	v0 =	vld [tilespmem:s10+$0xA520];
	(pc) =	sbr.rel @p0 .LBB2_25-.Ltmp11, $4  }
0x2d9: {  	[tilespmem:s10+$0x174A0] =	vst v1;
	v1 =	vld [tilespmem:s10+$0xA530]  }
0x2da: {  	[tilespmem:s10+$0x174B0] =	vst v2;
	v2 =	vld [tilespmem:s10+$0xA580]  }
0x2db: {  	[tilespmem:s10+$0x17500] =	vst v3;
	v3 =	vld [tilespmem:s10+$0xA590]  }
0x2dc: {  	s14 =	sshra.s32 s17, $0x2;
	s17 =	sadd.s32 $0x800, s17;
	[tilespmem:s10+$0x17510] =	vst v4;
	v4 =	vld [tilespmem:s10+$0xA5A0]  }
0x2dd: {  	v5 =	vld [tilespmem:s14+$0xA5B0];
	[tilespmem:s10+$0x17520] =	vst v0  }
0x2de: {  	v0 =	vld [tilespmem:s14+$0xA400];
	[tilespmem:s10+$0x17530] =	vst v1  }
0x2df: {  	v1 =	vld [tilespmem:s14+$0xA410];
	[tilespmem:s10+$0x17580] =	vst v2  }
0x2e0: {  	v2 =	vld [tilespmem:s14+$0xA420];
	[tilespmem:s10+$0x17590] =	vst v3  }
0x2e1: {  	v3 =	vld [tilespmem:s14+$0xA430];
	[tilespmem:s10+$0x175A0] =	vst v4  }
0x2e2: {  	v4 =	vld [tilespmem:s14+$0xA480];
	[tilespmem:s14+$0x175B0] =	vst v5  }
0x2e3: {  	[tilespmem:s14+$0x17400] =	vst v0;
	v0 =	vld [tilespmem:s14+$0xA490]  }
0x2e4: {  	[tilespmem:s14+$0x17410] =	vst v1;
	v1 =	vld [tilespmem:s14+$0xA4A0]  }
0x2e5: {  	[tilespmem:s14+$0x17420] =	vst v2;
	v2 =	vld [tilespmem:s14+$0xA4B0]  }
0x2e6: {  	[tilespmem:s14+$0x17430] =	vst v3;
	v3 =	vld [tilespmem:s14+$0xA500]  }
0x2e7: {  	[tilespmem:s14+$0x17480] =	vst v4;
	v4 =	vld [tilespmem:s14+$0xA510]  }
0x2e8: {  	[tilespmem:s14+$0x17490] =	vst v0;
	v0 =	vld [tilespmem:s14+$0xA520]  }
0x2e9: {  	[tilespmem:s14+$0x174A0] =	vst v1;
	v1 =	vld [tilespmem:s14+$0xA530]  }
0x2ea: {  	[tilespmem:s14+$0x174B0] =	vst v2;
	v2 =	vld [tilespmem:s14+$0xA580]  }
0x2eb: {  	[tilespmem:s14+$0x17500] =	vst v3;
	v3 =	vld [tilespmem:s14+$0xA590]  }
0x2ec: {  	[tilespmem:s14+$0x17510] =	vst v4;
	v4 =	vld [tilespmem:s14+$0xA5A0]  }
0x2ed: {  	s8 =	smul.u32 $0x3400, s8;
	[tilespmem:s14+$0x17520] =	vst v0  }
0x2ee: {  	[tilespmem:s14+$0x17530] =	vst v1  }
0x2ef: {  	s8 =	sshrl.u32 s8, $0x3;
	[tilespmem:s14+$0x17580] =	vst v2  }
0x2f0: {  	s8 =	sadd.s32 s5, s8;
	[tilespmem:s14+$0x17590] =	vst v3  }
0x2f1: {  	s19 =	simm.s32 $0x0;
	s17 =	sadd.s32 $0xD00, s8;
	[tilespmem:s14+$0x175A0] =	vst v4  }
0x2f2: {  	[hbm4b:s17+s19] =	stream.linear.scatter [tilespmem:s28], [sflag:$0x4], $0x3200, $0x38;
	[tilespmem:$0x1A800] =	vst v63  }
0x2f3: {  	s24 =	sadd.s32 $0x1380, s8  }
0x2f4: {  	[hbm4b:s24+s19] =	stream.linear.scatter [tilespmem:s29], [sflag:$0x4], $0x3200, $0x38;
	[tilespmem:$0x1A800] =	vst v63  }
0x2f5: {  	s31 =	simm.s32 $0x700  }
0x2f6: {  	[tilespmem:s18], [sflag:$0x2] =	stream.indirect.gather [hbm4b:s4+s12], $0x80, s31, s12, $0xb8;
	[tilespmem:$0x1A800] =	vst v63  }
0x2f7: {  	_ = 	snop  }
0x2f8: {  	[tilespmem:s20], [sflag:$0x2] =	stream.indirect.gather [hbm4b:s4+s12], $0x80, s25, s12, $0xb8;
	[tilespmem:$0x1A800] =	vst v63  }
0x2f9: {  	_ =	swait.ge [sflag:s21], $0x3200  }
0x2fa: {  	[sflag:s21] =	ssyncset.done $0x0  }
0x2fb: {  	[sflag:s21] =	ssyncadd.s32 $0xFFFFCE00  }
0x2fc: {  	_ =	swait.ge [sflag:s21], $0x3200  }
0x2fd: {  	[sflag:s21] =	ssyncset.done $0x0  }
0x2fe: {  	[sflag:s21] =	ssyncadd.s32 $0xFFFFCE00  }
0x2ff: {  	_ =	swait.ge [sflag:s0], $0x6400  }
0x300: {  	[sflag:s0] =	ssyncset.done $0x0  }
0x301: {  	s10 =	simm.s32 $0x0;
	[sflag:s0] =	ssyncadd.s32 $0xFFFF9C00  }
0x302: {  	v0 =	vld [tilespmem:s10+$0x9B0]  }
0x303: {  	v1 =	vld [tilespmem:s10+$0x800]  }
0x304: {  	v2 =	vld [tilespmem:s10+$0x810]  }
0x305: {  	v3 =	vld [tilespmem:s10+$0x820]  }
0x306: {  	v4 =	vld [tilespmem:s10+$0x830]  }
0x307: {  	v5 =	vld [tilespmem:s10+$0x880];
	[tilespmem:s10+$0xD9B0] =	vst v0  }
0x308: {  	[tilespmem:s10+$0xD800] =	vst v1;
	v0 =	vld [tilespmem:s10+$0x890]  }
0x309: {  	[tilespmem:s10+$0xD810] =	vst v2;
	v1 =	vld [tilespmem:s10+$0x8A0]  }
0x30a: {  	[tilespmem:s10+$0xD820] =	vst v3;
	v2 =	vld [tilespmem:s10+$0x8B0]  }
0x30b: {  	[tilespmem:s10+$0xD830] =	vst v4;
	v3 =	vld [tilespmem:s10+$0x900]  }
0x30c: {  	[tilespmem:s10+$0xD880] =	vst v5;
	v4 =	vld [tilespmem:s10+$0x910]  }
0x30d: {  	[tilespmem:s10+$0xD890] =	vst v0;
	v0 =	vld [tilespmem:s10+$0x920]  }
0x30e: {  	[tilespmem:s10+$0xD8A0] =	vst v1;
	v1 =	vld [tilespmem:s10+$0x930]  }
0x30f: {  	[tilespmem:s10+$0xD8B0] =	vst v2;
	v2 =	vld [tilespmem:s10+$0x980]  }
0x310: {  	[tilespmem:s10+$0xD900] =	vst v3;
	v3 =	vld [tilespmem:s10+$0x990]  }
0x311: {  	s14 =	simm.s32 $0x0;
	s17 =	simm.s32 $0x200;
	s19 =	simm.s32 $0x1000;
	[tilespmem:s10+$0xD910] =	vst v4;
	v4 =	vld [tilespmem:s10+$0x9A0]  }
.LBB2_27:
0x312: {  	p0 =	sne.s32 s19, $0xC000;
	v5 =	vld [tilespmem:s17+$0x9B0];
	[tilespmem:s14+$0xD920] =	vst v0  }
0x313: {  	v0 =	vld [tilespmem:s17+$0x800];
	[tilespmem:s14+$0xD930] =	vst v1  }
0x314: {  	v1 =	vld [tilespmem:s17+$0x810];
	[tilespmem:s14+$0xD980] =	vst v2  }
0x315: {  	v2 =	vld [tilespmem:s17+$0x820];
	[tilespmem:s14+$0xD990] =	vst v3  }
0x316: {  	v3 =	vld [tilespmem:s17+$0x830];
	[tilespmem:s14+$0xD9A0] =	vst v4;
	s14 =	smov.u32 s17  }
0x317: {  	v4 =	vld [tilespmem:s14+$0x880];
	[tilespmem:s14+$0xD9B0] =	vst v5  }
0x318: {  	[tilespmem:s14+$0xD800] =	vst v0;
	v0 =	vld [tilespmem:s14+$0x890]  }
0x319: {  	[tilespmem:s14+$0xD810] =	vst v1;
	v1 =	vld [tilespmem:s14+$0x8A0]  }
0x31a: {  	[tilespmem:s14+$0xD820] =	vst v2;
	v2 =	vld [tilespmem:s14+$0x8B0]  }
0x31b: {  	[tilespmem:s14+$0xD830] =	vst v3;
	v3 =	vld [tilespmem:s14+$0x900]  }
0x31c: {  	[tilespmem:s14+$0xD880] =	vst v4;
	v4 =	vld [tilespmem:s14+$0x910]  }
.Ltmp12:
0x31d: {  	[tilespmem:s14+$0xD890] =	vst v0;
	v0 =	vld [tilespmem:s14+$0x920];
	(pc) =	sbr.rel @p0 .LBB2_27-.Ltmp12, $4  }
0x31e: {  	[tilespmem:s14+$0xD8A0] =	vst v1;
	v1 =	vld [tilespmem:s14+$0x930]  }
0x31f: {  	[tilespmem:s14+$0xD8B0] =	vst v2;
	v2 =	vld [tilespmem:s14+$0x980]  }
0x320: {  	[tilespmem:s14+$0xD900] =	vst v3;
	v3 =	vld [tilespmem:s14+$0x990]  }
0x321: {  	s17 =	sshra.s32 s19, $0x2;
	s19 =	sadd.s32 $0x800, s19;
	[tilespmem:s14+$0xD910] =	vst v4;
	v4 =	vld [tilespmem:s14+$0x9A0]  }
0x322: {  	v5 =	vld [tilespmem:s17+$0x9B0];
	[tilespmem:s14+$0xD920] =	vst v0  }
0x323: {  	v0 =	vld [tilespmem:s17+$0x800];
	[tilespmem:s14+$0xD930] =	vst v1  }
0x324: {  	v1 =	vld [tilespmem:s17+$0x810];
	[tilespmem:s14+$0xD980] =	vst v2  }
0x325: {  	v2 =	vld [tilespmem:s17+$0x820];
	[tilespmem:s14+$0xD990] =	vst v3  }
0x326: {  	v3 =	vld [tilespmem:s17+$0x830];
	[tilespmem:s14+$0xD9A0] =	vst v4  }
0x327: {  	v4 =	vld [tilespmem:s17+$0x880];
	[tilespmem:s17+$0xD9B0] =	vst v5  }
0x328: {  	[tilespmem:s17+$0xD800] =	vst v0;
	v0 =	vld [tilespmem:s17+$0x890]  }
0x329: {  	[tilespmem:s17+$0xD810] =	vst v1;
	v1 =	vld [tilespmem:s17+$0x8A0]  }
0x32a: {  	[tilespmem:s17+$0xD820] =	vst v2;
	v2 =	vld [tilespmem:s17+$0x8B0]  }
0x32b: {  	[tilespmem:s17+$0xD830] =	vst v3;
	v3 =	vld [tilespmem:s17+$0x900]  }
0x32c: {  	[tilespmem:s17+$0xD880] =	vst v4;
	v4 =	vld [tilespmem:s17+$0x910]  }
0x32d: {  	[tilespmem:s17+$0xD890] =	vst v0;
	v0 =	vld [tilespmem:s17+$0x920]  }
0x32e: {  	[tilespmem:s17+$0xD8A0] =	vst v1;
	v1 =	vld [tilespmem:s17+$0x930]  }
0x32f: {  	[tilespmem:s17+$0xD8B0] =	vst v2;
	v2 =	vld [tilespmem:s17+$0x980]  }
0x330: {  	[tilespmem:s17+$0xD900] =	vst v3;
	v3 =	vld [tilespmem:s17+$0x990]  }
0x331: {  	[tilespmem:s17+$0xD910] =	vst v4;
	v4 =	vld [tilespmem:s17+$0x9A0]  }
0x332: {  	[tilespmem:s17+$0xD920] =	vst v0  }
0x333: {  	[tilespmem:s17+$0xD930] =	vst v1  }
0x334: {  	[tilespmem:s17+$0xD980] =	vst v2  }
0x335: {  	[tilespmem:s17+$0xD990] =	vst v3  }
0x336: {  	[tilespmem:s17+$0xD9A0] =	vst v4  }
0x337: {  	v0 =	vld [tilespmem:s10+$0x3DB0]  }
0x338: {  	v1 =	vld [tilespmem:s10+$0x3C00]  }
0x339: {  	v2 =	vld [tilespmem:s10+$0x3C10]  }
0x33a: {  	v3 =	vld [tilespmem:s10+$0x3C20]  }
0x33b: {  	v4 =	vld [tilespmem:s10+$0x3C30]  }
0x33c: {  	v5 =	vld [tilespmem:s10+$0x3C80];
	[tilespmem:s10+$0x10DB0] =	vst v0  }
0x33d: {  	[tilespmem:s10+$0x10C00] =	vst v1;
	v0 =	vld [tilespmem:s10+$0x3C90]  }
0x33e: {  	[tilespmem:s10+$0x10C10] =	vst v2;
	v1 =	vld [tilespmem:s10+$0x3CA0]  }
0x33f: {  	[tilespmem:s10+$0x10C20] =	vst v3;
	v2 =	vld [tilespmem:s10+$0x3CB0]  }
0x340: {  	[tilespmem:s10+$0x10C30] =	vst v4;
	v3 =	vld [tilespmem:s10+$0x3D00]  }
0x341: {  	[tilespmem:s10+$0x10C80] =	vst v5;
	v4 =	vld [tilespmem:s10+$0x3D10]  }
0x342: {  	[tilespmem:s10+$0x10C90] =	vst v0;
	v0 =	vld [tilespmem:s10+$0x3D20]  }
0x343: {  	[tilespmem:s10+$0x10CA0] =	vst v1;
	v1 =	vld [tilespmem:s10+$0x3D30]  }
0x344: {  	[tilespmem:s10+$0x10CB0] =	vst v2;
	v2 =	vld [tilespmem:s10+$0x3D80]  }
0x345: {  	[tilespmem:s10+$0x10D00] =	vst v3;
	v3 =	vld [tilespmem:s10+$0x3D90]  }
0x346: {  	s14 =	simm.s32 $0x200;
	s17 =	simm.s32 $0x1000;
	[tilespmem:s10+$0x10D10] =	vst v4;
	v4 =	vld [tilespmem:s10+$0x3DA0]  }
.LBB2_29:
0x347: {  	p0 =	sne.s32 s17, $0xC000;
	v5 =	vld [tilespmem:s14+$0x3DB0];
	[tilespmem:s10+$0x10D20] =	vst v0  }
0x348: {  	v0 =	vld [tilespmem:s14+$0x3C00];
	[tilespmem:s10+$0x10D30] =	vst v1  }
0x349: {  	v1 =	vld [tilespmem:s14+$0x3C10];
	[tilespmem:s10+$0x10D80] =	vst v2  }
0x34a: {  	v2 =	vld [tilespmem:s14+$0x3C20];
	[tilespmem:s10+$0x10D90] =	vst v3  }
0x34b: {  	v3 =	vld [tilespmem:s14+$0x3C30];
	[tilespmem:s10+$0x10DA0] =	vst v4;
	s10 =	smov.u32 s14  }
0x34c: {  	v4 =	vld [tilespmem:s10+$0x3C80];
	[tilespmem:s10+$0x10DB0] =	vst v5  }
0x34d: {  	[tilespmem:s10+$0x10C00] =	vst v0;
	v0 =	vld [tilespmem:s10+$0x3C90]  }
0x34e: {  	[tilespmem:s10+$0x10C10] =	vst v1;
	v1 =	vld [tilespmem:s10+$0x3CA0]  }
0x34f: {  	[tilespmem:s10+$0x10C20] =	vst v2;
	v2 =	vld [tilespmem:s10+$0x3CB0]  }
0x350: {  	[tilespmem:s10+$0x10C30] =	vst v3;
	v3 =	vld [tilespmem:s10+$0x3D00]  }
0x351: {  	[tilespmem:s10+$0x10C80] =	vst v4;
	v4 =	vld [tilespmem:s10+$0x3D10]  }
.Ltmp13:
0x352: {  	[tilespmem:s10+$0x10C90] =	vst v0;
	v0 =	vld [tilespmem:s10+$0x3D20];
	(pc) =	sbr.rel @p0 .LBB2_29-.Ltmp13, $4  }
0x353: {  	[tilespmem:s10+$0x10CA0] =	vst v1;
	v1 =	vld [tilespmem:s10+$0x3D30]  }
0x354: {  	[tilespmem:s10+$0x10CB0] =	vst v2;
	v2 =	vld [tilespmem:s10+$0x3D80]  }
0x355: {  	[tilespmem:s10+$0x10D00] =	vst v3;
	v3 =	vld [tilespmem:s10+$0x3D90]  }
0x356: {  	s14 =	sshra.s32 s17, $0x2;
	s17 =	sadd.s32 $0x800, s17;
	[tilespmem:s10+$0x10D10] =	vst v4;
	v4 =	vld [tilespmem:s10+$0x3DA0]  }
0x357: {  	v5 =	vld [tilespmem:s14+$0x3DB0];
	[tilespmem:s10+$0x10D20] =	vst v0  }
0x358: {  	v0 =	vld [tilespmem:s14+$0x3C00];
	[tilespmem:s10+$0x10D30] =	vst v1  }
0x359: {  	v1 =	vld [tilespmem:s14+$0x3C10];
	[tilespmem:s10+$0x10D80] =	vst v2  }
0x35a: {  	v2 =	vld [tilespmem:s14+$0x3C20];
	[tilespmem:s10+$0x10D90] =	vst v3  }
0x35b: {  	v3 =	vld [tilespmem:s14+$0x3C30];
	[tilespmem:s10+$0x10DA0] =	vst v4  }
0x35c: {  	v4 =	vld [tilespmem:s14+$0x3C80];
	[tilespmem:s14+$0x10DB0] =	vst v5  }
0x35d: {  	[tilespmem:s14+$0x10C00] =	vst v0;
	v0 =	vld [tilespmem:s14+$0x3C90]  }
0x35e: {  	[tilespmem:s14+$0x10C10] =	vst v1;
	v1 =	vld [tilespmem:s14+$0x3CA0]  }
0x35f: {  	[tilespmem:s14+$0x10C20] =	vst v2;
	v2 =	vld [tilespmem:s14+$0x3CB0]  }
0x360: {  	[tilespmem:s14+$0x10C30] =	vst v3;
	v3 =	vld [tilespmem:s14+$0x3D00]  }
0x361: {  	[tilespmem:s14+$0x10C80] =	vst v4;
	v4 =	vld [tilespmem:s14+$0x3D10]  }
0x362: {  	[tilespmem:s14+$0x10C90] =	vst v0;
	v0 =	vld [tilespmem:s14+$0x3D20]  }
0x363: {  	[tilespmem:s14+$0x10CA0] =	vst v1;
	v1 =	vld [tilespmem:s14+$0x3D30]  }
0x364: {  	[tilespmem:s14+$0x10CB0] =	vst v2;
	v2 =	vld [tilespmem:s14+$0x3D80]  }
0x365: {  	[tilespmem:s14+$0x10D00] =	vst v3;
	v3 =	vld [tilespmem:s14+$0x3D90]  }
0x366: {  	[tilespmem:s14+$0x10D10] =	vst v4;
	v4 =	vld [tilespmem:s14+$0x3DA0]  }
0x367: {  	[tilespmem:s14+$0x10D20] =	vst v0  }
0x368: {  	[tilespmem:s14+$0x10D30] =	vst v1  }
0x369: {  	[tilespmem:s14+$0x10D80] =	vst v2  }
0x36a: {  	[tilespmem:s14+$0x10D90] =	vst v3  }
0x36b: {  	s19 =	sadd.s32 $0x1A00, s8;
	s24 =	simm.s32 $0x0;
	[tilespmem:s14+$0x10DA0] =	vst v4  }
0x36c: {  	[hbm4b:s19+s24] =	stream.linear.scatter [tilespmem:s22], [sflag:$0x3], $0x3200, $0x38;
	[tilespmem:$0x1A800] =	vst v63  }
0x36d: {  	s31 =	sadd.s32 $0x2080, s8  }
0x36e: {  	[hbm4b:s31+s24] =	stream.linear.scatter [tilespmem:s23], [sflag:$0x3], $0x3200, $0x38;
	[tilespmem:$0x1A800] =	vst v63  }
0x36f: {  	_ =	swait.ge [sflag:s26], $0x3200  }
0x370: {  	[sflag:s26] =	ssyncset.done $0x0  }
0x371: {  	[sflag:s26] =	ssyncadd.s32 $0xFFFFCE00  }
0x372: {  	_ =	swait.ge [sflag:s26], $0x3200  }
0x373: {  	[sflag:s26] =	ssyncset.done $0x0  }
0x374: {  	[sflag:s26] =	ssyncadd.s32 $0xFFFFCE00  }
0x375: {  	_ =	swait.ge [sflag:s3], $0x6400  }
0x376: {  	[sflag:s3] =	ssyncset.done $0x0  }
0x377: {  	s10 =	simm.s32 $0x0;
	[sflag:s3] =	ssyncadd.s32 $0xFFFF9C00  }
0x378: {  	v0 =	vld [tilespmem:s10+$0x71B0]  }
0x379: {  	v1 =	vld [tilespmem:s10+$0x7000]  }
0x37a: {  	v2 =	vld [tilespmem:s10+$0x7010]  }
0x37b: {  	v3 =	vld [tilespmem:s10+$0x7020]  }
0x37c: {  	v4 =	vld [tilespmem:s10+$0x7030]  }
0x37d: {  	v5 =	vld [tilespmem:s10+$0x7080];
	[tilespmem:s10+$0x141B0] =	vst v0  }
0x37e: {  	[tilespmem:s10+$0x14000] =	vst v1;
	v0 =	vld [tilespmem:s10+$0x7090]  }
0x37f: {  	[tilespmem:s10+$0x14010] =	vst v2;
	v1 =	vld [tilespmem:s10+$0x70A0]  }
0x380: {  	[tilespmem:s10+$0x14020] =	vst v3;
	v2 =	vld [tilespmem:s10+$0x70B0]  }
0x381: {  	[tilespmem:s10+$0x14030] =	vst v4;
	v3 =	vld [tilespmem:s10+$0x7100]  }
0x382: {  	[tilespmem:s10+$0x14080] =	vst v5;
	v4 =	vld [tilespmem:s10+$0x7110]  }
0x383: {  	[tilespmem:s10+$0x14090] =	vst v0;
	v0 =	vld [tilespmem:s10+$0x7120]  }
0x384: {  	[tilespmem:s10+$0x140A0] =	vst v1;
	v1 =	vld [tilespmem:s10+$0x7130]  }
0x385: {  	[tilespmem:s10+$0x140B0] =	vst v2;
	v2 =	vld [tilespmem:s10+$0x7180]  }
0x386: {  	[tilespmem:s10+$0x14100] =	vst v3;
	v3 =	vld [tilespmem:s10+$0x7190]  }
0x387: {  	s17 =	simm.s32 $0x200;
	s14 =	simm.s32 $0x0;
	s19 =	simm.s32 $0x1000;
	[tilespmem:s10+$0x14110] =	vst v4;
	v4 =	vld [tilespmem:s10+$0x71A0]  }
.LBB2_31:
0x388: {  	p0 =	sne.s32 s19, $0xC000;
	v5 =	vld [tilespmem:s17+$0x71B0];
	[tilespmem:s14+$0x14120] =	vst v0  }
0x389: {  	v0 =	vld [tilespmem:s17+$0x7000];
	[tilespmem:s14+$0x14130] =	vst v1  }
0x38a: {  	v1 =	vld [tilespmem:s17+$0x7010];
	[tilespmem:s14+$0x14180] =	vst v2  }
0x38b: {  	v2 =	vld [tilespmem:s17+$0x7020];
	[tilespmem:s14+$0x14190] =	vst v3  }
0x38c: {  	v3 =	vld [tilespmem:s17+$0x7030];
	[tilespmem:s14+$0x141A0] =	vst v4;
	s14 =	smov.u32 s17  }
0x38d: {  	v4 =	vld [tilespmem:s14+$0x7080];
	[tilespmem:s14+$0x141B0] =	vst v5  }
0x38e: {  	[tilespmem:s14+$0x14000] =	vst v0;
	v0 =	vld [tilespmem:s14+$0x7090]  }
0x38f: {  	[tilespmem:s14+$0x14010] =	vst v1;
	v1 =	vld [tilespmem:s14+$0x70A0]  }
0x390: {  	[tilespmem:s14+$0x14020] =	vst v2;
	v2 =	vld [tilespmem:s14+$0x70B0]  }
0x391: {  	[tilespmem:s14+$0x14030] =	vst v3;
	v3 =	vld [tilespmem:s14+$0x7100]  }
0x392: {  	[tilespmem:s14+$0x14080] =	vst v4;
	v4 =	vld [tilespmem:s14+$0x7110]  }
.Ltmp14:
0x393: {  	[tilespmem:s14+$0x14090] =	vst v0;
	v0 =	vld [tilespmem:s14+$0x7120];
	(pc) =	sbr.rel @p0 .LBB2_31-.Ltmp14, $4  }
0x394: {  	[tilespmem:s14+$0x140A0] =	vst v1;
	v1 =	vld [tilespmem:s14+$0x7130]  }
0x395: {  	[tilespmem:s14+$0x140B0] =	vst v2;
	v2 =	vld [tilespmem:s14+$0x7180]  }
0x396: {  	[tilespmem:s14+$0x14100] =	vst v3;
	v3 =	vld [tilespmem:s14+$0x7190]  }
0x397: {  	s17 =	sshra.s32 s19, $0x2;
	s19 =	sadd.s32 $0x800, s19;
	[tilespmem:s14+$0x14110] =	vst v4;
	v4 =	vld [tilespmem:s14+$0x71A0]  }
0x398: {  	v5 =	vld [tilespmem:s17+$0x71B0];
	[tilespmem:s14+$0x14120] =	vst v0  }
0x399: {  	v0 =	vld [tilespmem:s17+$0x7000];
	[tilespmem:s14+$0x14130] =	vst v1  }
0x39a: {  	v1 =	vld [tilespmem:s17+$0x7010];
	[tilespmem:s14+$0x14180] =	vst v2  }
0x39b: {  	v2 =	vld [tilespmem:s17+$0x7020];
	[tilespmem:s14+$0x14190] =	vst v3  }
0x39c: {  	v3 =	vld [tilespmem:s17+$0x7030];
	[tilespmem:s14+$0x141A0] =	vst v4  }
0x39d: {  	v4 =	vld [tilespmem:s17+$0x7080];
	[tilespmem:s17+$0x141B0] =	vst v5  }
0x39e: {  	[tilespmem:s17+$0x14000] =	vst v0;
	v0 =	vld [tilespmem:s17+$0x7090]  }
0x39f: {  	[tilespmem:s17+$0x14010] =	vst v1;
	v1 =	vld [tilespmem:s17+$0x70A0]  }
0x3a0: {  	[tilespmem:s17+$0x14020] =	vst v2;
	v2 =	vld [tilespmem:s17+$0x70B0]  }
0x3a1: {  	[tilespmem:s17+$0x14030] =	vst v3;
	v3 =	vld [tilespmem:s17+$0x7100]  }
0x3a2: {  	[tilespmem:s17+$0x14080] =	vst v4;
	v4 =	vld [tilespmem:s17+$0x7110]  }
0x3a3: {  	[tilespmem:s17+$0x14090] =	vst v0;
	v0 =	vld [tilespmem:s17+$0x7120]  }
0x3a4: {  	[tilespmem:s17+$0x140A0] =	vst v1;
	v1 =	vld [tilespmem:s17+$0x7130]  }
0x3a5: {  	[tilespmem:s17+$0x140B0] =	vst v2;
	v2 =	vld [tilespmem:s17+$0x7180]  }
0x3a6: {  	[tilespmem:s17+$0x14100] =	vst v3;
	v3 =	vld [tilespmem:s17+$0x7190]  }
0x3a7: {  	[tilespmem:s17+$0x14110] =	vst v4;
	v4 =	vld [tilespmem:s17+$0x71A0]  }
0x3a8: {  	[tilespmem:s17+$0x14120] =	vst v0  }
0x3a9: {  	[tilespmem:s17+$0x14130] =	vst v1  }
0x3aa: {  	[tilespmem:s17+$0x14180] =	vst v2  }
0x3ab: {  	[tilespmem:s17+$0x14190] =	vst v3  }
0x3ac: {  	[tilespmem:s17+$0x141A0] =	vst v4  }
0x3ad: {  	v0 =	vld [tilespmem:s10+$0xA5B0]  }
0x3ae: {  	v1 =	vld [tilespmem:s10+$0xA400]  }
0x3af: {  	v2 =	vld [tilespmem:s10+$0xA410]  }
0x3b0: {  	v3 =	vld [tilespmem:s10+$0xA420]  }
0x3b1: {  	v4 =	vld [tilespmem:s10+$0xA430]  }
0x3b2: {  	v5 =	vld [tilespmem:s10+$0xA480];
	[tilespmem:s10+$0x175B0] =	vst v0  }
0x3b3: {  	[tilespmem:s10+$0x17400] =	vst v1;
	v0 =	vld [tilespmem:s10+$0xA490]  }
0x3b4: {  	[tilespmem:s10+$0x17410] =	vst v2;
	v1 =	vld [tilespmem:s10+$0xA4A0]  }
0x3b5: {  	[tilespmem:s10+$0x17420] =	vst v3;
	v2 =	vld [tilespmem:s10+$0xA4B0]  }
0x3b6: {  	[tilespmem:s10+$0x17430] =	vst v4;
	v3 =	vld [tilespmem:s10+$0xA500]  }
0x3b7: {  	[tilespmem:s10+$0x17480] =	vst v5;
	v4 =	vld [tilespmem:s10+$0xA510]  }
0x3b8: {  	[tilespmem:s10+$0x17490] =	vst v0;
	v0 =	vld [tilespmem:s10+$0xA520]  }
0x3b9: {  	[tilespmem:s10+$0x174A0] =	vst v1;
	v1 =	vld [tilespmem:s10+$0xA530]  }
0x3ba: {  	[tilespmem:s10+$0x174B0] =	vst v2;
	v2 =	vld [tilespmem:s10+$0xA580]  }
0x3bb: {  	[tilespmem:s10+$0x17500] =	vst v3;
	v3 =	vld [tilespmem:s10+$0xA590]  }
0x3bc: {  	s14 =	simm.s32 $0x200;
	s17 =	simm.s32 $0x1000;
	[tilespmem:s10+$0x17510] =	vst v4;
	v4 =	vld [tilespmem:s10+$0xA5A0]  }
.LBB2_33:
0x3bd: {  	p0 =	sne.s32 s17, $0xC000;
	v5 =	vld [tilespmem:s14+$0xA5B0];
	[tilespmem:s10+$0x17520] =	vst v0  }
0x3be: {  	v0 =	vld [tilespmem:s14+$0xA400];
	[tilespmem:s10+$0x17530] =	vst v1  }
0x3bf: {  	v1 =	vld [tilespmem:s14+$0xA410];
	[tilespmem:s10+$0x17580] =	vst v2  }
0x3c0: {  	v2 =	vld [tilespmem:s14+$0xA420];
	[tilespmem:s10+$0x17590] =	vst v3  }
0x3c1: {  	v3 =	vld [tilespmem:s14+$0xA430];
	[tilespmem:s10+$0x175A0] =	vst v4;
	s10 =	smov.u32 s14  }
0x3c2: {  	v4 =	vld [tilespmem:s10+$0xA480];
	[tilespmem:s10+$0x175B0] =	vst v5  }
0x3c3: {  	[tilespmem:s10+$0x17400] =	vst v0;
	v0 =	vld [tilespmem:s10+$0xA490]  }
0x3c4: {  	[tilespmem:s10+$0x17410] =	vst v1;
	v1 =	vld [tilespmem:s10+$0xA4A0]  }
0x3c5: {  	[tilespmem:s10+$0x17420] =	vst v2;
	v2 =	vld [tilespmem:s10+$0xA4B0]  }
0x3c6: {  	[tilespmem:s10+$0x17430] =	vst v3;
	v3 =	vld [tilespmem:s10+$0xA500]  }
0x3c7: {  	[tilespmem:s10+$0x17480] =	vst v4;
	v4 =	vld [tilespmem:s10+$0xA510]  }
.Ltmp15:
0x3c8: {  	[tilespmem:s10+$0x17490] =	vst v0;
	v0 =	vld [tilespmem:s10+$0xA520];
	(pc) =	sbr.rel @p0 .LBB2_33-.Ltmp15, $4  }
0x3c9: {  	[tilespmem:s10+$0x174A0] =	vst v1;
	v1 =	vld [tilespmem:s10+$0xA530]  }
0x3ca: {  	[tilespmem:s10+$0x174B0] =	vst v2;
	v2 =	vld [tilespmem:s10+$0xA580]  }
0x3cb: {  	[tilespmem:s10+$0x17500] =	vst v3;
	v3 =	vld [tilespmem:s10+$0xA590]  }
0x3cc: {  	s14 =	sshra.s32 s17, $0x2;
	s17 =	sadd.s32 $0x800, s17;
	[tilespmem:s10+$0x17510] =	vst v4;
	v4 =	vld [tilespmem:s10+$0xA5A0]  }
0x3cd: {  	v5 =	vld [tilespmem:s14+$0xA5B0];
	[tilespmem:s10+$0x17520] =	vst v0  }
0x3ce: {  	v0 =	vld [tilespmem:s14+$0xA400];
	[tilespmem:s10+$0x17530] =	vst v1  }
0x3cf: {  	v1 =	vld [tilespmem:s14+$0xA410];
	[tilespmem:s10+$0x17580] =	vst v2  }
0x3d0: {  	v2 =	vld [tilespmem:s14+$0xA420];
	[tilespmem:s10+$0x17590] =	vst v3  }
0x3d1: {  	v3 =	vld [tilespmem:s14+$0xA430];
	[tilespmem:s10+$0x175A0] =	vst v4  }
0x3d2: {  	v4 =	vld [tilespmem:s14+$0xA480];
	[tilespmem:s14+$0x175B0] =	vst v5  }
0x3d3: {  	v54 =	vld [tilespmem:s14+$0xA490];
	[tilespmem:s14+$0x17400] =	vst v0  }
0x3d4: {  	v55 =	vld [tilespmem:s14+$0xA4A0];
	[tilespmem:s14+$0x17410] =	vst v1  }
0x3d5: {  	v56 =	vld [tilespmem:s14+$0xA4B0];
	[tilespmem:s14+$0x17420] =	vst v2  }
0x3d6: {  	v57 =	vld [tilespmem:s14+$0xA500];
	[tilespmem:s14+$0x17430] =	vst v3  }
0x3d7: {  	v58 =	vld [tilespmem:s14+$0xA510];
	[tilespmem:s14+$0x17480] =	vst v4  }
0x3d8: {  	v59 =	vld [tilespmem:s14+$0xA520];
	[tilespmem:s14+$0x17490] =	vst v54  }
0x3d9: {  	v60 =	vld [tilespmem:s14+$0xA530];
	[tilespmem:s14+$0x174A0] =	vst v55  }
0x3da: {  	v61 =	vld [tilespmem:s14+$0xA580];
	[tilespmem:s14+$0x174B0] =	vst v56  }
0x3db: {  	v62 =	vld [tilespmem:s14+$0xA590];
	[tilespmem:s14+$0x17500] =	vst v57  }
0x3dc: {  	v63 =	vld [tilespmem:s14+$0xA5A0];
	[tilespmem:s14+$0x17510] =	vst v58  }
0x3dd: {  	[tilespmem:s14+$0x17520] =	vst v59  }
0x3de: {  	[tilespmem:s14+$0x17530] =	vst v60  }
0x3df: {  	[tilespmem:s14+$0x17580] =	vst v61  }
0x3e0: {  	[tilespmem:s14+$0x17590] =	vst v62  }
0x3e1: {  	s24 =	sadd.s32 $0x2700, s8;
	[tilespmem:s14+$0x175A0] =	vst v63  }
0x3e2: {  	[hbm4b:s24+s2] =	stream.linear.scatter [tilespmem:s28], [sflag:$0x4], $0x3200, $0x38;
	[tilespmem:$0x1A800] =	vst v63  }
0x3e3: {  	s31 =	sadd.s32 $0x2D80, s8;
	s30 =	sadd.s32 $0x1, s30  }
0x3e4: {  	[hbm4b:s31+s2] =	stream.linear.scatter [tilespmem:s29], [sflag:$0x4], $0x3200, $0x38;
	[tilespmem:$0x1A800] =	vst v63  }
0x3e5: {  	p0 =	sne.s32 s30, $0x20;
	_ =	swait.ge [sflag:s0], $0x6400  }
.Ltmp16:
0x3e6: {  	[sflag:s0] =	ssyncset.done $0x0;
	(pc) =	sbr.rel @p0 .LBB2_2-.Ltmp16, $4  }
0x3e7: {  	[sflag:s0] =	ssyncadd.s32 $0xFFFF9C00  }
0x3e8: {  	_ =	swait.ge [sflag:s3], $0x6400  }
0x3e9: {  	[sflag:s3] =	ssyncset.done $0x0  }
0x3ea: {  	[sflag:s3] =	ssyncadd.s32 $0xFFFF9C00  }
0x3eb: {  	s10 =	rddreg [dreg:$0x5]  }
0x3ec: {  	s8 =	rddreg [dreg:$0x4];
	s10 =	sadd.s32 $0x1, s10  }
0x3ed: {  	p0 =	sne.s32 s10, s8  }
.Ltmp17:
0x3ee: {  	_ = 	snop;
	(pc) =	sbr.rel @p0 .LBB2_1-.Ltmp17, $1  }
0x3ef: {  	_ =	sdelay $0x3  }
0x3f0: {  	_ =	sfence.sel $0x180000  }
0x3f1: {  	[bflag:$0x0] =	sbarrier.arrive $0xFFFF  }
0x3f2: {  	_ =	strace $0x90000047  }
0x3f3: {  	s0 =	stileid.u32;
	[bflag:$0x2] =	sbarrier.arrive $0xFFFF  }
0x3f4: {  	p0 =	sne.s32 s0, $0x0;
	s0 =	rddreg [dreg:$0x2]  }
0x3f5: {  	s0 =	sadd.s32 @!p0 $0x100000, s0  }
0x3f6: {  	[sflag:s0] =	ssyncadd.tile.s32 @!p0 $0x1;
	_ =	shalt  }
.Lfunc_end2:
_tile_overlayer_lowered:
.L_overlay_start_2:
0x3f7: {  	(tag) =	ssettag $0x2  }
0x3f8: {  	s0 =	rddreg [dreg:$0x0];
	s2 =	stileid.u32  }
0x3f9: {  	s1 =	rddreg [dreg:$0x1];
	p0 =	sne.s32 s2, $0x0  }
0x3fa: {  	s3 =	rddreg [dreg:$0x2];
	[bflag:$0x3] =	sbarrier.arrive $0xFFFF;
	s2 =	simm.s32 @!p0 $0x1C06  }
0x3fb: {  	[timem:s3], [sflag:s2] =	dma.local @!p0 [hbm:s0], s1  }
0x3fc: {  	s0 =	simm.s32 @!p0 $0x6  }
0x3fd: {  	_ =	swait.ge @!p0 [sflag:s0], s1  }
0x3fe: {  	s1 =	ssub.s32 @!p0 $0x0, s1;
	[sflag:s0] =	ssyncset.done @!p0 $0x0  }
0x3ff: {  	[sflag:s0] =	ssyncadd.s32 @!p0 s1  }
0x400: {  	[bflag:$0x3] =	sbarrier.arrive $0xFFFF  }
0x401: {  	_ =	shalt  }

</sc_bundles>
